<compile_context>
chip_gen: v7x
topology: tpu7x:2x2x1
jax: 0.10.2.dev20260603
libtpu: 0.0.44.dev20260713+nightly
codegen_flags: <defaults>
</compile_context>

<pallas_src>
import functools

import jax
import jax.numpy as jnp
from jax import lax
from jax.experimental import pallas as pl
from jax.experimental.pallas import tpu as pltpu
from jax.experimental.pallas import tpu_sc as plsc

N = 10000
D = 128
H = 128
C = 40
CP = 128
E = 320000

NC = 2
NS = 16
NW = NC * NS
EPW = E // NW
K = 128
EPWP = 10240
PAD = EPWP - EPW
NCHUNK = EPWP // K
NP = 10240
RPW = NP // NS
ND = 16384

_mesh = functools.partial(
    plsc.VectorSubcoreMesh,
    core_axis_name="c", subcore_axis_name="s", num_cores=NC, num_subcores=NS,
)


def _zero_rows(zbuf, nrows, width):
    zeros = jnp.zeros((16,), jnp.float32)

    def body(i, carry):
        for j in range(width // 16):
            zbuf[i, pl.ds(j * 16, 16)] = zeros
        return carry

    lax.fori_loop(0, nrows, body, 0)


def _make_prop(F):

    @functools.partial(
        pl.kernel,
        out_type=jax.ShapeDtypeStruct((NC, NP, F), jnp.float32),
        mesh=_mesh(),
        scratch_types=[
            pltpu.VMEM((2, K), jnp.int32),
            pltpu.VMEM((2, K), jnp.int32),
            pltpu.VMEM((2, K), jnp.int32),
            pltpu.VMEM((2, K), jnp.int32),
            pltpu.VMEM((K, F), jnp.float32),
            pltpu.VMEM((K, F), jnp.float32),
            pltpu.VMEM_SHARED((NP, F), jnp.float32),
            pltpu.SemaphoreType.DMA,
            pltpu.SemaphoreType.DMA,
            pltpu.SemaphoreType.DMA,
            pltpu.SemaphoreType.DMA,
            pltpu.SemaphoreType.DMA,
            pltpu.SemaphoreType.DMA,
        ],
    )
    def prop(y_hbm, idx_hbm, out_hbm, ix0, ix1, ix2, ix3, gb0, gb1,
             acc_sh, si0, si1, si2, si3, sg0, sg1):
        c = lax.axis_index("c")
        s = lax.axis_index("s")
        wid = c * NS + s
        r0 = wid * NCHUNK

        ixs = [(ix0, si0), (ix1, si1), (ix2, si2), (ix3, si3)]
        gbs = [(gb0, sg0), (gb1, sg1)]

        def istart(i, slot):
            ix, sem = ixs[slot]
            pltpu.make_async_copy(idx_hbm.at[r0 + i], ix, sem).start()

        def iwait(i, slot):
            ix, sem = ixs[slot]
            pltpu.make_async_copy(idx_hbm.at[r0 + i], ix, sem).wait()

        def gstart(islot, gslot):
            ix, _ = ixs[islot]
            gb, gsem = gbs[gslot]
            pltpu.make_async_copy(y_hbm.at[ix.at[0]], gb, gsem).start()

        def gwait(islot, gslot):
            ix, _ = ixs[islot]
            gb, gsem = gbs[gslot]
            pltpu.make_async_copy(y_hbm.at[ix.at[0]], gb, gsem).wait()

        for j in range(4):
            istart(j, j)

        _zero_rows(gb0, K, F)
        row0 = s * RPW

        def zcopy(j, carry):
            pltpu.sync_copy(gb0, acc_sh.at[pl.ds(row0 + j * K, K)])
            return carry

        lax.fori_loop(0, RPW // K, zcopy, 0)
        iwait(0, 0)
        gstart(0, 0)
        plsc.subcore_barrier()

        def chunk(i, slot, fetch_g, fetch_i):
            ix, _ = ixs[slot]
            gwait(slot, slot % 2)
            if fetch_g:
                iwait(i + 1, (slot + 1) % 4)
                gstart((slot + 1) % 4, (slot + 1) % 2)
            pltpu.sync_copy(gbs[slot % 2][0], acc_sh.at[ix.at[1]], add=True)
            if fetch_i:
                istart(i + 4, slot)

        def quad(g, carry):
            i = g * 4
            chunk(i, 0, True, True)
            chunk(i + 1, 1, True, True)
            chunk(i + 2, 2, True, True)
            chunk(i + 3, 3, True, True)
            return carry

        lax.fori_loop(0, NCHUNK // 4 - 1, quad, 0)
        chunk(NCHUNK - 4, 0, True, False)
        chunk(NCHUNK - 3, 1, True, False)
        chunk(NCHUNK - 2, 2, True, False)
        chunk(NCHUNK - 1, 3, False, False)
        plsc.subcore_barrier()

        pltpu.sync_copy(acc_sh.at[pl.ds(row0, RPW)],
                        out_hbm.at[c, pl.ds(row0, RPW)])

    return prop


def _make_deg():

    @functools.partial(
        pl.kernel,
        out_type=jax.ShapeDtypeStruct((NC * ND,), jnp.float32),
        mesh=_mesh(),
        scratch_types=[
            pltpu.VMEM((NCHUNK, K), jnp.int32),
            pltpu.VMEM((K,), jnp.float32),
            pltpu.VMEM((ND // NS,), jnp.float32),
            pltpu.VMEM_SHARED((ND,), jnp.float32),
            pltpu.SemaphoreType.DMA,
        ],
    )
    def deg(dst_hbm, out_hbm, dst_v, ones_v, zero_v, acc_sh, semi):
        c = lax.axis_index("c")
        s = lax.axis_index("s")
        wid = c * NS + s
        r0 = wid * NCHUNK

        cpi = pltpu.make_async_copy(dst_hbm.at[pl.ds(r0, NCHUNK)], dst_v, semi)
        cpi.start()

        zeros = jnp.zeros((16,), jnp.float32)
        ones = jnp.ones((16,), jnp.float32)

        def zbody(i, carry):
            zero_v[pl.ds(i * 16, 16)] = zeros
            return carry

        lax.fori_loop(0, (ND // NS) // 16, zbody, 0)
        for j in range(K // 16):
            ones_v[pl.ds(j * 16, 16)] = ones

        seg = ND // NS
        pltpu.sync_copy(zero_v, acc_sh.at[pl.ds(s * seg, seg)])
        cpi.wait()
        plsc.subcore_barrier()

        def chunk(i, carry):
            pltpu.sync_copy(ones_v, acc_sh.at[dst_v.at[i]], add=True)
            return carry

        lax.fori_loop(0, NCHUNK, chunk, 0)
        plsc.subcore_barrier()

        pltpu.sync_copy(acc_sh.at[pl.ds(s * seg, seg)],
                        out_hbm.at[pl.ds(c * ND + s * seg, seg)])

    return deg


_prop_h = _make_prop(H)
_prop_c = _make_prop(CP)
_deg = _make_deg()

BN = 2000


def _tc_call(body, out_shapes, in_specs, out_specs):
    return pl.pallas_call(
        body,
        grid=(N // BN,),
        out_shape=out_shapes,
        in_specs=in_specs,
        out_specs=out_specs,
    )


def _rows_spec(width):
    return pl.BlockSpec((BN, width), lambda i: (i, 0))


def _acc_spec(width):
    return pl.BlockSpec((NC, BN, width), lambda i: (0, i, 0))


def _full_spec(a, b):
    return pl.BlockSpec((a, b), lambda i: (0, 0))


def _prologue_body(degp_ref, x_ref, w_ref, dinv_ref, y_ref):
    deg = degp_ref[:, 0:1] + degp_ref[:, 1:2] + 1.0
    dinv = lax.rsqrt(deg)
    dinv_ref[...] = dinv
    y_ref[...] = dinv * jnp.dot(x_ref[...], w_ref[...],
                                preferred_element_type=jnp.float32)


def _mid_body(acc_ref, y_ref, dinv_ref, b_ref, w_ref, h_ref, ynext_ref):
    dinv = dinv_ref[...]
    h = jnp.maximum(dinv * (acc_ref[0] + acc_ref[1] + y_ref[...]) + b_ref[...],
                    0.0)
    h_ref[...] = h
    ynext_ref[...] = dinv * jnp.dot(h, w_ref[...],
                                    preferred_element_type=jnp.float32)


def _proj_body(acc_ref, y_ref, dinv_ref, b_ref, x_ref, h1_ref, wo_ref,
               y3_ref):
    dinv = dinv_ref[...]
    h2 = jnp.maximum(dinv * (acc_ref[0] + acc_ref[1] + y_ref[...]) + b_ref[...],
                     0.0)
    z = jnp.dot(x_ref[...], wo_ref[0:D, :], preferred_element_type=jnp.float32)
    z += jnp.dot(h1_ref[...], wo_ref[D:D + H, :],
                 preferred_element_type=jnp.float32)
    z += jnp.dot(h2, wo_ref[D + H:, :], preferred_element_type=jnp.float32)
    y3_ref[...] = dinv * z


def _final_body(acc_ref, y_ref, dinv_ref, b_ref, out_ref):
    out_ref[...] = jnp.maximum(
        dinv_ref[...] * (acc_ref[0] + acc_ref[1] + y_ref[...]) + b_ref[...],
        0.0)


def _pad_idx(a, fill):
    a2 = a.reshape(NW, EPW)
    pad = jnp.full((NW, PAD), fill, jnp.int32)
    return jnp.concatenate([a2, pad], axis=1).reshape(NW, NCHUNK, K)


def kernel(x, edge_index, W1, b1, W2, b2, Wo, bo):
    srcp = _pad_idx(edge_index[0], 0)
    dstp = _pad_idx(edge_index[1], N)
    comb = jnp.stack([srcp, dstp], axis=2).reshape(NW * NCHUNK, 2, K)
    dstp = dstp.reshape(NW * NCHUNK, K)

    degp = _deg(dstp)
    degp2 = degp.reshape(NC, ND)[:, :N].T

    f32 = jnp.float32
    dinv, y1 = _tc_call(
        _prologue_body,
        (jax.ShapeDtypeStruct((N, 1), f32), jax.ShapeDtypeStruct((N, H), f32)),
        [_rows_spec(2), _rows_spec(D), _full_spec(D, H)],
        (_rows_spec(1), _rows_spec(H)),
    )(degp2, x, W1)

    acc1 = _prop_h(y1, comb)
    h1, y2 = _tc_call(
        _mid_body,
        (jax.ShapeDtypeStruct((N, H), f32), jax.ShapeDtypeStruct((N, H), f32)),
        [_acc_spec(H), _rows_spec(H), _rows_spec(1), _full_spec(1, H),
         _full_spec(H, H)],
        (_rows_spec(H), _rows_spec(H)),
    )(acc1, y1, dinv, b1.reshape(1, H), W2)

    acc2 = _prop_h(y2, comb)
    wo_pad = jnp.pad(Wo, ((0, 0), (0, CP - C)))
    bo_pad = jnp.pad(bo, (0, CP - C)).reshape(1, CP)
    y3 = _tc_call(
        _proj_body,
        jax.ShapeDtypeStruct((N, CP), f32),
        [_acc_spec(H), _rows_spec(H), _rows_spec(1), _full_spec(1, H),
         _rows_spec(D), _rows_spec(H), _full_spec(D + 2 * H, CP)],
        _rows_spec(CP),
    )(acc2, y2, dinv, b2.reshape(1, H), x, h1, wo_pad)

    acc3 = _prop_c(y3, comb)
    out = _tc_call(
        _final_body,
        jax.ShapeDtypeStruct((N, CP), f32),
        [_acc_spec(CP), _rows_spec(CP), _rows_spec(1), _full_spec(1, CP)],
        _rows_spec(CP),
    )(acc3, y3, dinv, bo_pad)

    return out[:, :C]

# --- scband reference (transcript-rebuilt; emitter-appended) ---
"""Pipeline reference for scband-gnn-nodes-18373870092962 (READ-ONLY COPY).

The authoritative reference and input builder live on the scoring server;
editing this copy changes nothing except your own understanding.
"""

import jax, jax.numpy as jnp
import numpy as np

N = 10000
D = 128
H = 128
C = 40
E = 320000


def setup_inputs(seed: int = 0) -> dict:
    key = jax.random.key(seed)
    ks = jax.random.split(key, 8)
    x = jax.random.normal(ks[0], (N, D), dtype=jnp.float32)
    edge_index = jax.random.randint(ks[1], (2, E), 0, N, dtype=jnp.int32)
    W1 = jax.random.normal(ks[2], (D, H), dtype=jnp.float32) * 0.05
    b1 = jnp.zeros((H,), dtype=jnp.float32)
    W2 = jax.random.normal(ks[3], (H, H), dtype=jnp.float32) * 0.05
    b2 = jnp.zeros((H,), dtype=jnp.float32)
    Wo = jax.random.normal(ks[4], (D + 2 * H, C), dtype=jnp.float32) * 0.05
    bo = jnp.zeros((C,), dtype=jnp.float32)
    return {"x": x, "edge_index": edge_index, "W1": W1, "b1": b1, "W2": W2, "b2": b2, "Wo": Wo, "bo": bo}


def gcn_conv(x, edge_index, W, b):
    # PyG GCNConv: add self-loops, symmetric normalization D^-1/2 (A+I) D^-1/2 X W + b
    src = edge_index[0]
    dst = edge_index[1]
    loop = jnp.arange(N, dtype=edge_index.dtype)
    src = jnp.concatenate([src, loop])
    dst = jnp.concatenate([dst, loop])
    deg = jnp.zeros((N,), dtype=x.dtype).at[dst].add(1.0)
    dinv = jnp.where(deg > 0, deg ** -0.5, 0.0)
    xw = x @ W
    norm = (dinv[src] * dinv[dst])[:, None]
    msgs = jnp.take(xw, src, axis=0) * norm
    out = jnp.zeros((N, W.shape[1]), dtype=x.dtype).at[dst].add(msgs)
    return out + b


def reference(x, edge_index, W1, b1, W2, b2, Wo, bo):
    l = [x]
    h = jax.nn.relu(gcn_conv(x, edge_index, W1, b1))
    l.append(h)
    h = jax.nn.relu(gcn_conv(h, edge_index, W2, b2))
    l.append(h)
    hcat = jnp.concatenate(l, axis=1)
    out = jax.nn.relu(gcn_conv(hcat, edge_index, Wo, bo))
    return out

if __name__ == "__main__":
    import jax
    _d = setup_inputs()
    print(jax.jit(kernel)(*tuple(_d.values())))

</pallas_src>

<mosaic_0001>
#map = affine_map<(d0, d1) -> (0, 0)>
#map1 = affine_map<(d0, d1) -> (0, 0, 0)>
module attributes {stable_mosaic.version = 14 : i64} {
  func.func @prop(%arg0: i32, %arg1: i32, %arg2: memref<10000x128xf32, #tpu.memory_space<hbm>>, %arg3: memref<2560x2x128xi32, #tpu.memory_space<hbm>>, %arg4: memref<2x10240x128xf32, #tpu.memory_space<hbm>>, %arg5: memref<2x128xi32, #tpu.memory_space<vmem>>, %arg6: memref<2x128xi32, #tpu.memory_space<vmem>>, %arg7: memref<2x128xi32, #tpu.memory_space<vmem>>, %arg8: memref<2x128xi32, #tpu.memory_space<vmem>>, %arg9: memref<128x128xf32, #tpu.memory_space<vmem>>, %arg10: memref<128x128xf32, #tpu.memory_space<vmem>>, %arg11: memref<10240x128xf32, #tpu.memory_space<vmem_shared>>, %arg12: memref<!tpu.dma_semaphore, #tpu.memory_space<semaphore_mem>>, %arg13: memref<!tpu.dma_semaphore, #tpu.memory_space<semaphore_mem>>, %arg14: memref<!tpu.dma_semaphore, #tpu.memory_space<semaphore_mem>>, %arg15: memref<!tpu.dma_semaphore, #tpu.memory_space<semaphore_mem>>, %arg16: memref<!tpu.dma_semaphore, #tpu.memory_space<semaphore_mem>>, %arg17: memref<!tpu.dma_semaphore, #tpu.memory_space<semaphore_mem>>) attributes {dimension_semantics = [#tpu.dimension_semantics<core_parallel>, #tpu.dimension_semantics<subcore_parallel>], iteration_bounds = array<i64: 2, 16>, scalar_prefetch = 0 : i64, scratch_operands = 13 : i64, tpu.core_type = #tpu.core_type<sc_vector_subcore>, window_params = [{transform_indices = #map}, {transform_indices = #map1}, {transform_indices = #map1}]} {
    %mul3A = arith.constant 16 : i32
    %mul3A_0 = arith.muli %arg0, %mul3A : i32
    %add3A = arith.addi %mul3A_0, %arg1 : i32
    %mul3A_1 = arith.constant 80 : i32
    %mul3A_2 = arith.muli %add3A, %mul3A_1 : i32
    %add3A_3 = arith.constant 0 : i32
    %add3A_4 = arith.addi %mul3A_2, %add3A_3 : i32
    %dma_start3A = arith.constant 0 : i32
    %dma_start3A_5 = arith.constant 0 : i32
    %dma_start3A_6 = tpu.memref_slice %arg3[%add3A_4, %dma_start3A, %dma_start3A_5] : memref<2560x2x128xi32, #tpu.memory_space<hbm>> -> memref<1x2x128xi32, #tpu.memory_space<hbm>>
    %dma_start3A_7 = tpu.memref_squeeze %dma_start3A_6 : memref<1x2x128xi32, #tpu.memory_space<hbm>> -> memref<2x128xi32, #tpu.memory_space<hbm>>
    %dma_start3A_8 = arith.constant 0 : i32
    %dma_start3A_9 = arith.constant 0 : i32
    %dma_start3A_10 = tpu.memref_slice %arg3[%add3A_4, %dma_start3A_8, %dma_start3A_9] : memref<2560x2x128xi32, #tpu.memory_space<hbm>> -> memref<1x2x128xi32, #tpu.memory_space<hbm>>
    %dma_start3A_11 = tpu.memref_squeeze %dma_start3A_10 : memref<1x2x128xi32, #tpu.memory_space<hbm>> -> memref<2x128xi32, #tpu.memory_space<hbm>>
    tpu.enqueue_dma source(%dma_start3A_11 : memref<2x128xi32, #tpu.memory_space<hbm>>) target(%arg5 : memref<2x128xi32, #tpu.memory_space<vmem>>) target_semaphore(%arg12 : memref<!tpu.dma_semaphore, #tpu.memory_space<semaphore_mem>>)
    %add3A_12 = arith.constant 1 : i32
    %add3A_13 = arith.addi %mul3A_2, %add3A_12 : i32
    %dma_start3A_14 = arith.constant 0 : i32
    %dma_start3A_15 = arith.constant 0 : i32
    %dma_start3A_16 = tpu.memref_slice %arg3[%add3A_13, %dma_start3A_14, %dma_start3A_15] : memref<2560x2x128xi32, #tpu.memory_space<hbm>> -> memref<1x2x128xi32, #tpu.memory_space<hbm>>
    %dma_start3A_17 = tpu.memref_squeeze %dma_start3A_16 : memref<1x2x128xi32, #tpu.memory_space<hbm>> -> memref<2x128xi32, #tpu.memory_space<hbm>>
    %dma_start3A_18 = arith.constant 0 : i32
    %dma_start3A_19 = arith.constant 0 : i32
    %dma_start3A_20 = tpu.memref_slice %arg3[%add3A_13, %dma_start3A_18, %dma_start3A_19] : memref<2560x2x128xi32, #tpu.memory_space<hbm>> -> memref<1x2x128xi32, #tpu.memory_space<hbm>>
    %dma_start3A_21 = tpu.memref_squeeze %dma_start3A_20 : memref<1x2x128xi32, #tpu.memory_space<hbm>> -> memref<2x128xi32, #tpu.memory_space<hbm>>
    tpu.enqueue_dma source(%dma_start3A_21 : memref<2x128xi32, #tpu.memory_space<hbm>>) target(%arg6 : memref<2x128xi32, #tpu.memory_space<vmem>>) target_semaphore(%arg13 : memref<!tpu.dma_semaphore, #tpu.memory_space<semaphore_mem>>)
    %add3A_22 = arith.constant 2 : i32
    %add3A_23 = arith.addi %mul3A_2, %add3A_22 : i32
    %dma_start3A_24 = arith.constant 0 : i32
    %dma_start3A_25 = arith.constant 0 : i32
    %dma_start3A_26 = tpu.memref_slice %arg3[%add3A_23, %dma_start3A_24, %dma_start3A_25] : memref<2560x2x128xi32, #tpu.memory_space<hbm>> -> memref<1x2x128xi32, #tpu.memory_space<hbm>>
    %dma_start3A_27 = tpu.memref_squeeze %dma_start3A_26 : memref<1x2x128xi32, #tpu.memory_space<hbm>> -> memref<2x128xi32, #tpu.memory_space<hbm>>
    %dma_start3A_28 = arith.constant 0 : i32
    %dma_start3A_29 = arith.constant 0 : i32
    %dma_start3A_30 = tpu.memref_slice %arg3[%add3A_23, %dma_start3A_28, %dma_start3A_29] : memref<2560x2x128xi32, #tpu.memory_space<hbm>> -> memref<1x2x128xi32, #tpu.memory_space<hbm>>
    %dma_start3A_31 = tpu.memref_squeeze %dma_start3A_30 : memref<1x2x128xi32, #tpu.memory_space<hbm>> -> memref<2x128xi32, #tpu.memory_space<hbm>>
    tpu.enqueue_dma source(%dma_start3A_31 : memref<2x128xi32, #tpu.memory_space<hbm>>) target(%arg7 : memref<2x128xi32, #tpu.memory_space<vmem>>) target_semaphore(%arg14 : memref<!tpu.dma_semaphore, #tpu.memory_space<semaphore_mem>>)
    %add3A_32 = arith.constant 3 : i32
    %add3A_33 = arith.addi %mul3A_2, %add3A_32 : i32
    %dma_start3A_34 = arith.constant 0 : i32
    %dma_start3A_35 = arith.constant 0 : i32
    %dma_start3A_36 = tpu.memref_slice %arg3[%add3A_33, %dma_start3A_34, %dma_start3A_35] : memref<2560x2x128xi32, #tpu.memory_space<hbm>> -> memref<1x2x128xi32, #tpu.memory_space<hbm>>
    %dma_start3A_37 = tpu.memref_squeeze %dma_start3A_36 : memref<1x2x128xi32, #tpu.memory_space<hbm>> -> memref<2x128xi32, #tpu.memory_space<hbm>>
    %dma_start3A_38 = arith.constant 0 : i32
    %dma_start3A_39 = arith.constant 0 : i32
    %dma_start3A_40 = tpu.memref_slice %arg3[%add3A_33, %dma_start3A_38, %dma_start3A_39] : memref<2560x2x128xi32, #tpu.memory_space<hbm>> -> memref<1x2x128xi32, #tpu.memory_space<hbm>>
    %dma_start3A_41 = tpu.memref_squeeze %dma_start3A_40 : memref<1x2x128xi32, #tpu.memory_space<hbm>> -> memref<2x128xi32, #tpu.memory_space<hbm>>
    tpu.enqueue_dma source(%dma_start3A_41 : memref<2x128xi32, #tpu.memory_space<hbm>>) target(%arg8 : memref<2x128xi32, #tpu.memory_space<vmem>>) target_semaphore(%arg15 : memref<!tpu.dma_semaphore, #tpu.memory_space<semaphore_mem>>)
    %broadcast_in_dim3A = arith.constant 0.000000e+00 : f32
    %broadcast_in_dim3A_42 = vector.broadcast %broadcast_in_dim3A : f32 to vector<16xf32>
    %scan3A = arith.constant 0 : i32
    %scan3A_43 = arith.constant 0 : i32
    %scan3A_44 = arith.constant 128 : i32
    %scan3A_45 = arith.addi %scan3A_43, %scan3A_44 : i32
    %scan3A_46 = arith.constant 1 : i32
    scf.for %scan3A_161 = %scan3A_43 to %scan3A_45 step %scan3A_46  : i32 {
      %swap3A = arith.index_cast %scan3A_161 : i32 to index
      %swap3A_162 = arith.constant 0 : index
      %swap3A_163 = tpu.vector_load %arg9[%swap3A, %swap3A_162] {strides = array<i32>} : memref<128x128xf32, #tpu.memory_space<vmem>>, vector<1x16xf32>,
      %swap3A_164 = vector.shape_cast %swap3A_163 : vector<1x16xf32> to vector<16xf32>
      %swap3A_165 = vector.shape_cast %broadcast_in_dim3A_42 : vector<16xf32> to vector<1x16xf32>
      tpu.vector_store %arg9[%swap3A, %swap3A_162], %swap3A_165 {strides = array<i32>} : memref<128x128xf32, #tpu.memory_space<vmem>>, vector<1x16xf32>,
      %swap3A_166 = arith.index_cast %scan3A_161 : i32 to index
      %swap3A_167 = arith.constant 16 : index
      %swap3A_168 = tpu.vector_load %arg9[%swap3A_166, %swap3A_167] {strides = array<i32>} : memref<128x128xf32, #tpu.memory_space<vmem>>, vector<1x16xf32>,
      %swap3A_169 = vector.shape_cast %swap3A_168 : vector<1x16xf32> to vector<16xf32>
      %swap3A_170 = vector.shape_cast %broadcast_in_dim3A_42 : vector<16xf32> to vector<1x16xf32>
      tpu.vector_store %arg9[%swap3A_166, %swap3A_167], %swap3A_170 {strides = array<i32>} : memref<128x128xf32, #tpu.memory_space<vmem>>, vector<1x16xf32>,
      %swap3A_171 = arith.index_cast %scan3A_161 : i32 to index
      %swap3A_172 = arith.constant 32 : index
      %swap3A_173 = tpu.vector_load %arg9[%swap3A_171, %swap3A_172] {strides = array<i32>} : memref<128x128xf32, #tpu.memory_space<vmem>>, vector<1x16xf32>,
      %swap3A_174 = vector.shape_cast %swap3A_173 : vector<1x16xf32> to vector<16xf32>
      %swap3A_175 = vector.shape_cast %broadcast_in_dim3A_42 : vector<16xf32> to vector<1x16xf32>
      tpu.vector_store %arg9[%swap3A_171, %swap3A_172], %swap3A_175 {strides = array<i32>} : memref<128x128xf32, #tpu.memory_space<vmem>>, vector<1x16xf32>,
      %swap3A_176 = arith.index_cast %scan3A_161 : i32 to index
      %swap3A_177 = arith.constant 48 : index
      %swap3A_178 = tpu.vector_load %arg9[%swap3A_176, %swap3A_177] {strides = array<i32>} : memref<128x128xf32, #tpu.memory_space<vmem>>, vector<1x16xf32>,
      %swap3A_179 = vector.shape_cast %swap3A_178 : vector<1x16xf32> to vector<16xf32>
      %swap3A_180 = vector.shape_cast %broadcast_in_dim3A_42 : vector<16xf32> to vector<1x16xf32>
      tpu.vector_store %arg9[%swap3A_176, %swap3A_177], %swap3A_180 {strides = array<i32>} : memref<128x128xf32, #tpu.memory_space<vmem>>, vector<1x16xf32>,
      %swap3A_181 = arith.index_cast %scan3A_161 : i32 to index
      %swap3A_182 = arith.constant 64 : index
      %swap3A_183 = tpu.vector_load %arg9[%swap3A_181, %swap3A_182] {strides = array<i32>} : memref<128x128xf32, #tpu.memory_space<vmem>>, vector<1x16xf32>,
      %swap3A_184 = vector.shape_cast %swap3A_183 : vector<1x16xf32> to vector<16xf32>
      %swap3A_185 = vector.shape_cast %broadcast_in_dim3A_42 : vector<16xf32> to vector<1x16xf32>
      tpu.vector_store %arg9[%swap3A_181, %swap3A_182], %swap3A_185 {strides = array<i32>} : memref<128x128xf32, #tpu.memory_space<vmem>>, vector<1x16xf32>,
      %swap3A_186 = arith.index_cast %scan3A_161 : i32 to index
      %swap3A_187 = arith.constant 80 : index
      %swap3A_188 = tpu.vector_load %arg9[%swap3A_186, %swap3A_187] {strides = array<i32>} : memref<128x128xf32, #tpu.memory_space<vmem>>, vector<1x16xf32>,
      %swap3A_189 = vector.shape_cast %swap3A_188 : vector<1x16xf32> to vector<16xf32>
      %swap3A_190 = vector.shape_cast %broadcast_in_dim3A_42 : vector<16xf32> to vector<1x16xf32>
      tpu.vector_store %arg9[%swap3A_186, %swap3A_187], %swap3A_190 {strides = array<i32>} : memref<128x128xf32, #tpu.memory_space<vmem>>, vector<1x16xf32>,
      %swap3A_191 = arith.index_cast %scan3A_161 : i32 to index
      %swap3A_192 = arith.constant 96 : index
      %swap3A_193 = tpu.vector_load %arg9[%swap3A_191, %swap3A_192] {strides = array<i32>} : memref<128x128xf32, #tpu.memory_space<vmem>>, vector<1x16xf32>,
      %swap3A_194 = vector.shape_cast %swap3A_193 : vector<1x16xf32> to vector<16xf32>
      %swap3A_195 = vector.shape_cast %broadcast_in_dim3A_42 : vector<16xf32> to vector<1x16xf32>
      tpu.vector_store %arg9[%swap3A_191, %swap3A_192], %swap3A_195 {strides = array<i32>} : memref<128x128xf32, #tpu.memory_space<vmem>>, vector<1x16xf32>,
      %swap3A_196 = arith.index_cast %scan3A_161 : i32 to index
      %swap3A_197 = arith.constant 112 : index
      %swap3A_198 = tpu.vector_load %arg9[%swap3A_196, %swap3A_197] {strides = array<i32>} : memref<128x128xf32, #tpu.memory_space<vmem>>, vector<1x16xf32>,
      %swap3A_199 = vector.shape_cast %swap3A_198 : vector<1x16xf32> to vector<16xf32>
      %swap3A_200 = vector.shape_cast %broadcast_in_dim3A_42 : vector<16xf32> to vector<1x16xf32>
      tpu.vector_store %arg9[%swap3A_196, %swap3A_197], %swap3A_200 {strides = array<i32>} : memref<128x128xf32, #tpu.memory_space<vmem>>, vector<1x16xf32>,
    }
    %scan3A_47 = arith.constant 128 : i32
    %mul3A_48 = arith.constant 640 : i32
    %mul3A_49 = arith.muli %arg1, %mul3A_48 : i32
    %scan3A_50 = arith.constant 0 : i32
    %scan3A_51 = arith.constant 0 : i32
    %scan3A_52 = arith.constant 5 : i32
    %scan3A_53 = arith.addi %scan3A_51, %scan3A_52 : i32
    %scan3A_54 = arith.constant 1 : i32
    scf.for %scan3A_161 = %scan3A_51 to %scan3A_53 step %scan3A_54  : i32 {
      %mul3A_162 = arith.constant 128 : i32
      %mul3A_163 = arith.muli %scan3A_161, %mul3A_162 : i32
      %add3A_164 = arith.addi %mul3A_49, %mul3A_163 : i32
      "tpu.region"() ({
        %run_scoped3A_165 = tpu.sem_alloc : memref<!tpu.dma_semaphore, #tpu.memory_space<semaphore_mem>>
        %dma_start3A_166 = arith.constant 0 : i32
        %dma_start3A_167 = tpu.memref_slice %arg11[%add3A_164, %dma_start3A_166] : memref<10240x128xf32, #tpu.memory_space<vmem_shared>> -> memref<128x128xf32, #tpu.memory_space<vmem_shared>>
        %dma_start3A_168 = arith.constant 0 : i32
        %dma_start3A_169 = tpu.memref_slice %arg11[%add3A_164, %dma_start3A_168] : memref<10240x128xf32, #tpu.memory_space<vmem_shared>> -> memref<128x128xf32, #tpu.memory_space<vmem_shared>>
        tpu.enqueue_dma source(%arg9 : memref<128x128xf32, #tpu.memory_space<vmem>>) target(%dma_start3A_169 : memref<128x128xf32, #tpu.memory_space<vmem_shared>>) target_semaphore(%run_scoped3A_165 : memref<!tpu.dma_semaphore, #tpu.memory_space<semaphore_mem>>)
        %dma_wait3A_170 = arith.constant 0 : i32
        %dma_wait3A_171 = tpu.memref_slice %arg11[%add3A_164, %dma_wait3A_170] : memref<10240x128xf32, #tpu.memory_space<vmem_shared>> -> memref<128x128xf32, #tpu.memory_space<vmem_shared>>
        %dma_wait3A_172 = arith.constant 0 : i32
        %dma_wait3A_173 = tpu.memref_slice %arg11[%add3A_164, %dma_wait3A_172] : memref<10240x128xf32, #tpu.memory_space<vmem_shared>> -> memref<128x128xf32, #tpu.memory_space<vmem_shared>>
        tpu.wait_dma2 semaphore(%run_scoped3A_165 : memref<!tpu.dma_semaphore, #tpu.memory_space<semaphore_mem>>) src(%arg9 : memref<128x128xf32, #tpu.memory_space<vmem>>) dst(%dma_wait3A_173 : memref<128x128xf32, #tpu.memory_space<vmem_shared>>)
        tpu.yield
      }) : () -> ()
    }
    %scan3A_55 = arith.constant 5 : i32
    %add3A_56 = arith.constant 0 : i32
    %add3A_57 = arith.addi %mul3A_2, %add3A_56 : i32
    %dma_wait3A = arith.constant 0 : i32
    %dma_wait3A_58 = arith.constant 0 : i32
    %dma_wait3A_59 = tpu.memref_slice %arg3[%add3A_57, %dma_wait3A, %dma_wait3A_58] : memref<2560x2x128xi32, #tpu.memory_space<hbm>> -> memref<1x2x128xi32, #tpu.memory_space<hbm>>
    %dma_wait3A_60 = tpu.memref_squeeze %dma_wait3A_59 : memref<1x2x128xi32, #tpu.memory_space<hbm>> -> memref<2x128xi32, #tpu.memory_space<hbm>>
    %dma_wait3A_61 = arith.constant 0 : i32
    %dma_wait3A_62 = arith.constant 0 : i32
    %dma_wait3A_63 = tpu.memref_slice %arg3[%add3A_57, %dma_wait3A_61, %dma_wait3A_62] : memref<2560x2x128xi32, #tpu.memory_space<hbm>> -> memref<1x2x128xi32, #tpu.memory_space<hbm>>
    %dma_wait3A_64 = tpu.memref_squeeze %dma_wait3A_63 : memref<1x2x128xi32, #tpu.memory_space<hbm>> -> memref<2x128xi32, #tpu.memory_space<hbm>>
    tpu.wait_dma2 semaphore(%arg12 : memref<!tpu.dma_semaphore, #tpu.memory_space<semaphore_mem>>) src(%dma_wait3A_64 : memref<2x128xi32, #tpu.memory_space<hbm>>) dst(%arg5 : memref<2x128xi32, #tpu.memory_space<vmem>>)
    %dma_start3A_65 = arith.constant 0 : i32
    %dma_start3A_66 = arith.constant 0 : i32
    %dma_start3A_67 = tpu.memref_slice %arg5[%dma_start3A_65, %dma_start3A_66] : memref<2x128xi32, #tpu.memory_space<vmem>> -> memref<1x128xi32, #tpu.memory_space<vmem>>
    %dma_start3A_68 = tpu.memref_squeeze %dma_start3A_67 : memref<1x128xi32, #tpu.memory_space<vmem>> -> memref<128xi32, #tpu.memory_space<vmem>>
    %dma_start3A_69 = arith.constant 0 : i32
    %dma_start3A_70 = arith.constant 0 : i32
    %dma_start3A_71 = tpu.memref_slice %arg2[%dma_start3A_69, %dma_start3A_70] : memref<10000x128xf32, #tpu.memory_space<hbm>> -> memref<10000x128xf32, #tpu.memory_space<hbm>>
    tpu.enqueue_indirect_dma source(%dma_start3A_71 : memref<10000x128xf32, #tpu.memory_space<hbm>>) target(%arg9 : memref<128x128xf32, #tpu.memory_space<vmem>>) offsets(%dma_start3A_68 : memref<128xi32, #tpu.memory_space<vmem>>) semaphore(%arg16 : memref<!tpu.dma_semaphore, #tpu.memory_space<semaphore_mem>>)
    %barrier3A = arith.constant 0 : index
    tpu.barrier barrier_id(%barrier3A)
    %scan3A_72 = arith.constant 0 : i32
    %scan3A_73 = arith.constant 0 : i32
    %scan3A_74 = arith.constant 19 : i32
    %scan3A_75 = arith.addi %scan3A_73, %scan3A_74 : i32
    %scan3A_76 = arith.constant 1 : i32
    scf.for %scan3A_161 = %scan3A_73 to %scan3A_75 step %scan3A_76  : i32 {
      %mul3A_162 = arith.constant 4 : i32
      %mul3A_163 = arith.muli %scan3A_161, %mul3A_162 : i32
      %dma_wait3A_164 = arith.constant 0 : i32
      %dma_wait3A_165 = arith.constant 0 : i32
      %dma_wait3A_166 = tpu.memref_slice %arg5[%dma_wait3A_164, %dma_wait3A_165] : memref<2x128xi32, #tpu.memory_space<vmem>> -> memref<1x128xi32, #tpu.memory_space<vmem>>
      %dma_wait3A_167 = tpu.memref_squeeze %dma_wait3A_166 : memref<1x128xi32, #tpu.memory_space<vmem>> -> memref<128xi32, #tpu.memory_space<vmem>>
      %dma_wait3A_168 = arith.constant 0 : i32
      %dma_wait3A_169 = arith.constant 0 : i32
      %dma_wait3A_170 = tpu.memref_slice %arg2[%dma_wait3A_168, %dma_wait3A_169] : memref<10000x128xf32, #tpu.memory_space<hbm>> -> memref<10000x128xf32, #tpu.memory_space<hbm>>
      tpu.wait_indirect_dma semaphore(%arg16 : memref<!tpu.dma_semaphore, #tpu.memory_space<semaphore_mem>>) src(%dma_wait3A_170 : memref<10000x128xf32, #tpu.memory_space<hbm>>) dst(%arg9 : memref<128x128xf32, #tpu.memory_space<vmem>>)
      %add3A_171 = arith.constant 1 : i32
      %add3A_172 = arith.addi %mul3A_163, %add3A_171 : i32
      %add3A_173 = arith.addi %mul3A_2, %add3A_172 : i32
      %dma_wait3A_174 = arith.constant 0 : i32
      %dma_wait3A_175 = arith.constant 0 : i32
      %dma_wait3A_176 = tpu.memref_slice %arg3[%add3A_173, %dma_wait3A_174, %dma_wait3A_175] : memref<2560x2x128xi32, #tpu.memory_space<hbm>> -> memref<1x2x128xi32, #tpu.memory_space<hbm>>
      %dma_wait3A_177 = tpu.memref_squeeze %dma_wait3A_176 : memref<1x2x128xi32, #tpu.memory_space<hbm>> -> memref<2x128xi32, #tpu.memory_space<hbm>>
      %dma_wait3A_178 = arith.constant 0 : i32
      %dma_wait3A_179 = arith.constant 0 : i32
      %dma_wait3A_180 = tpu.memref_slice %arg3[%add3A_173, %dma_wait3A_178, %dma_wait3A_179] : memref<2560x2x128xi32, #tpu.memory_space<hbm>> -> memref<1x2x128xi32, #tpu.memory_space<hbm>>
      %dma_wait3A_181 = tpu.memref_squeeze %dma_wait3A_180 : memref<1x2x128xi32, #tpu.memory_space<hbm>> -> memref<2x128xi32, #tpu.memory_space<hbm>>
      tpu.wait_dma2 semaphore(%arg13 : memref<!tpu.dma_semaphore, #tpu.memory_space<semaphore_mem>>) src(%dma_wait3A_181 : memref<2x128xi32, #tpu.memory_space<hbm>>) dst(%arg6 : memref<2x128xi32, #tpu.memory_space<vmem>>)
      %dma_start3A_182 = arith.constant 0 : i32
      %dma_start3A_183 = arith.constant 0 : i32
      %dma_start3A_184 = tpu.memref_slice %arg6[%dma_start3A_182, %dma_start3A_183] : memref<2x128xi32, #tpu.memory_space<vmem>> -> memref<1x128xi32, #tpu.memory_space<vmem>>
      %dma_start3A_185 = tpu.memref_squeeze %dma_start3A_184 : memref<1x128xi32, #tpu.memory_space<vmem>> -> memref<128xi32, #tpu.memory_space<vmem>>
      %dma_start3A_186 = arith.constant 0 : i32
      %dma_start3A_187 = arith.constant 0 : i32
      %dma_start3A_188 = tpu.memref_slice %arg2[%dma_start3A_186, %dma_start3A_187] : memref<10000x128xf32, #tpu.memory_space<hbm>> -> memref<10000x128xf32, #tpu.memory_space<hbm>>
      tpu.enqueue_indirect_dma source(%dma_start3A_188 : memref<10000x128xf32, #tpu.memory_space<hbm>>) target(%arg10 : memref<128x128xf32, #tpu.memory_space<vmem>>) offsets(%dma_start3A_185 : memref<128xi32, #tpu.memory_space<vmem>>) semaphore(%arg17 : memref<!tpu.dma_semaphore, #tpu.memory_space<semaphore_mem>>)
      %run_scoped3A_189 = arith.constant 1 : i32
      "tpu.region"() ({
        %run_scoped3A_318 = tpu.sem_alloc : memref<!tpu.dma_semaphore, #tpu.memory_space<semaphore_mem>>
        %dma_start3A_319 = arith.constant 0 : i32
        %dma_start3A_320 = tpu.memref_slice %arg5[%run_scoped3A_189, %dma_start3A_319] : memref<2x128xi32, #tpu.memory_space<vmem>> -> memref<1x128xi32, #tpu.memory_space<vmem>>
        %dma_start3A_321 = tpu.memref_squeeze %dma_start3A_320 : memref<1x128xi32, #tpu.memory_space<vmem>> -> memref<128xi32, #tpu.memory_space<vmem>>
        %dma_start3A_322 = arith.constant 0 : i32
        %dma_start3A_323 = arith.constant 0 : i32
        %dma_start3A_324 = tpu.memref_slice %arg11[%dma_start3A_322, %dma_start3A_323] : memref<10240x128xf32, #tpu.memory_space<vmem_shared>> -> memref<10240x128xf32, #tpu.memory_space<vmem_shared>>
        tpu.enqueue_indirect_dma source(%arg9 : memref<128x128xf32, #tpu.memory_space<vmem>>) target(%dma_start3A_324 : memref<10240x128xf32, #tpu.memory_space<vmem_shared>>) offsets(%dma_start3A_321 : memref<128xi32, #tpu.memory_space<vmem>>) semaphore(%run_scoped3A_318 : memref<!tpu.dma_semaphore, #tpu.memory_space<semaphore_mem>>) {add = true}
        %dma_wait3A_325 = arith.constant 0 : i32
        %dma_wait3A_326 = tpu.memref_slice %arg5[%run_scoped3A_189, %dma_wait3A_325] : memref<2x128xi32, #tpu.memory_space<vmem>> -> memref<1x128xi32, #tpu.memory_space<vmem>>
        %dma_wait3A_327 = tpu.memref_squeeze %dma_wait3A_326 : memref<1x128xi32, #tpu.memory_space<vmem>> -> memref<128xi32, #tpu.memory_space<vmem>>
        %dma_wait3A_328 = arith.constant 0 : i32
        %dma_wait3A_329 = arith.constant 0 : i32
        %dma_wait3A_330 = tpu.memref_slice %arg11[%dma_wait3A_328, %dma_wait3A_329] : memref<10240x128xf32, #tpu.memory_space<vmem_shared>> -> memref<10240x128xf32, #tpu.memory_space<vmem_shared>>
        tpu.wait_indirect_dma semaphore(%run_scoped3A_318 : memref<!tpu.dma_semaphore, #tpu.memory_space<semaphore_mem>>) src(%arg9 : memref<128x128xf32, #tpu.memory_space<vmem>>) dst(%dma_wait3A_330 : memref<10240x128xf32, #tpu.memory_space<vmem_shared>>)
        tpu.yield
      }) : () -> ()
      %add3A_190 = arith.constant 4 : i32
      %add3A_191 = arith.addi %mul3A_163, %add3A_190 : i32
      %add3A_192 = arith.addi %mul3A_2, %add3A_191 : i32
      %dma_start3A_193 = arith.constant 0 : i32
      %dma_start3A_194 = arith.constant 0 : i32
      %dma_start3A_195 = tpu.memref_slice %arg3[%add3A_192, %dma_start3A_193, %dma_start3A_194] : memref<2560x2x128xi32, #tpu.memory_space<hbm>> -> memref<1x2x128xi32, #tpu.memory_space<hbm>>
      %dma_start3A_196 = tpu.memref_squeeze %dma_start3A_195 : memref<1x2x128xi32, #tpu.memory_space<hbm>> -> memref<2x128xi32, #tpu.memory_space<hbm>>
      %dma_start3A_197 = arith.constant 0 : i32
      %dma_start3A_198 = arith.constant 0 : i32
      %dma_start3A_199 = tpu.memref_slice %arg3[%add3A_192, %dma_start3A_197, %dma_start3A_198] : memref<2560x2x128xi32, #tpu.memory_space<hbm>> -> memref<1x2x128xi32, #tpu.memory_space<hbm>>
      %dma_start3A_200 = tpu.memref_squeeze %dma_start3A_199 : memref<1x2x128xi32, #tpu.memory_space<hbm>> -> memref<2x128xi32, #tpu.memory_space<hbm>>
      tpu.enqueue_dma source(%dma_start3A_200 : memref<2x128xi32, #tpu.memory_space<hbm>>) target(%arg5 : memref<2x128xi32, #tpu.memory_space<vmem>>) target_semaphore(%arg12 : memref<!tpu.dma_semaphore, #tpu.memory_space<semaphore_mem>>)
      %add3A_201 = arith.constant 1 : i32
      %add3A_202 = arith.addi %mul3A_163, %add3A_201 : i32
      %dma_wait3A_203 = arith.constant 0 : i32
      %dma_wait3A_204 = arith.constant 0 : i32
      %dma_wait3A_205 = tpu.memref_slice %arg6[%dma_wait3A_203, %dma_wait3A_204] : memref<2x128xi32, #tpu.memory_space<vmem>> -> memref<1x128xi32, #tpu.memory_space<vmem>>
      %dma_wait3A_206 = tpu.memref_squeeze %dma_wait3A_205 : memref<1x128xi32, #tpu.memory_space<vmem>> -> memref<128xi32, #tpu.memory_space<vmem>>
      %dma_wait3A_207 = arith.constant 0 : i32
      %dma_wait3A_208 = arith.constant 0 : i32
      %dma_wait3A_209 = tpu.memref_slice %arg2[%dma_wait3A_207, %dma_wait3A_208] : memref<10000x128xf32, #tpu.memory_space<hbm>> -> memref<10000x128xf32, #tpu.memory_space<hbm>>
      tpu.wait_indirect_dma semaphore(%arg17 : memref<!tpu.dma_semaphore, #tpu.memory_space<semaphore_mem>>) src(%dma_wait3A_209 : memref<10000x128xf32, #tpu.memory_space<hbm>>) dst(%arg10 : memref<128x128xf32, #tpu.memory_space<vmem>>)
      %add3A_210 = arith.constant 1 : i32
      %add3A_211 = arith.addi %add3A_202, %add3A_210 : i32
      %add3A_212 = arith.addi %mul3A_2, %add3A_211 : i32
      %dma_wait3A_213 = arith.constant 0 : i32
      %dma_wait3A_214 = arith.constant 0 : i32
      %dma_wait3A_215 = tpu.memref_slice %arg3[%add3A_212, %dma_wait3A_213, %dma_wait3A_214] : memref<2560x2x128xi32, #tpu.memory_space<hbm>> -> memref<1x2x128xi32, #tpu.memory_space<hbm>>
      %dma_wait3A_216 = tpu.memref_squeeze %dma_wait3A_215 : memref<1x2x128xi32, #tpu.memory_space<hbm>> -> memref<2x128xi32, #tpu.memory_space<hbm>>
      %dma_wait3A_217 = arith.constant 0 : i32
      %dma_wait3A_218 = arith.constant 0 : i32
      %dma_wait3A_219 = tpu.memref_slice %arg3[%add3A_212, %dma_wait3A_217, %dma_wait3A_218] : memref<2560x2x128xi32, #tpu.memory_space<hbm>> -> memref<1x2x128xi32, #tpu.memory_space<hbm>>
      %dma_wait3A_220 = tpu.memref_squeeze %dma_wait3A_219 : memref<1x2x128xi32, #tpu.memory_space<hbm>> -> memref<2x128xi32, #tpu.memory_space<hbm>>
      tpu.wait_dma2 semaphore(%arg14 : memref<!tpu.dma_semaphore, #tpu.memory_space<semaphore_mem>>) src(%dma_wait3A_220 : memref<2x128xi32, #tpu.memory_space<hbm>>) dst(%arg7 : memref<2x128xi32, #tpu.memory_space<vmem>>)
      %dma_start3A_221 = arith.constant 0 : i32
      %dma_start3A_222 = arith.constant 0 : i32
      %dma_start3A_223 = tpu.memref_slice %arg7[%dma_start3A_221, %dma_start3A_222] : memref<2x128xi32, #tpu.memory_space<vmem>> -> memref<1x128xi32, #tpu.memory_space<vmem>>
      %dma_start3A_224 = tpu.memref_squeeze %dma_start3A_223 : memref<1x128xi32, #tpu.memory_space<vmem>> -> memref<128xi32, #tpu.memory_space<vmem>>
      %dma_start3A_225 = arith.constant 0 : i32
      %dma_start3A_226 = arith.constant 0 : i32
      %dma_start3A_227 = tpu.memref_slice %arg2[%dma_start3A_225, %dma_start3A_226] : memref<10000x128xf32, #tpu.memory_space<hbm>> -> memref<10000x128xf32, #tpu.memory_space<hbm>>
      tpu.enqueue_indirect_dma source(%dma_start3A_227 : memref<10000x128xf32, #tpu.memory_space<hbm>>) target(%arg9 : memref<128x128xf32, #tpu.memory_space<vmem>>) offsets(%dma_start3A_224 : memref<128xi32, #tpu.memory_space<vmem>>) semaphore(%arg16 : memref<!tpu.dma_semaphore, #tpu.memory_space<semaphore_mem>>)
      %run_scoped3A_228 = arith.constant 1 : i32
      "tpu.region"() ({
        %run_scoped3A_318 = tpu.sem_alloc : memref<!tpu.dma_semaphore, #tpu.memory_space<semaphore_mem>>
        %dma_start3A_319 = arith.constant 0 : i32
        %dma_start3A_320 = tpu.memref_slice %arg6[%run_scoped3A_228, %dma_start3A_319] : memref<2x128xi32, #tpu.memory_space<vmem>> -> memref<1x128xi32, #tpu.memory_space<vmem>>
        %dma_start3A_321 = tpu.memref_squeeze %dma_start3A_320 : memref<1x128xi32, #tpu.memory_space<vmem>> -> memref<128xi32, #tpu.memory_space<vmem>>
        %dma_start3A_322 = arith.constant 0 : i32
        %dma_start3A_323 = arith.constant 0 : i32
        %dma_start3A_324 = tpu.memref_slice %arg11[%dma_start3A_322, %dma_start3A_323] : memref<10240x128xf32, #tpu.memory_space<vmem_shared>> -> memref<10240x128xf32, #tpu.memory_space<vmem_shared>>
        tpu.enqueue_indirect_dma source(%arg10 : memref<128x128xf32, #tpu.memory_space<vmem>>) target(%dma_start3A_324 : memref<10240x128xf32, #tpu.memory_space<vmem_shared>>) offsets(%dma_start3A_321 : memref<128xi32, #tpu.memory_space<vmem>>) semaphore(%run_scoped3A_318 : memref<!tpu.dma_semaphore, #tpu.memory_space<semaphore_mem>>) {add = true}
        %dma_wait3A_325 = arith.constant 0 : i32
        %dma_wait3A_326 = tpu.memref_slice %arg6[%run_scoped3A_228, %dma_wait3A_325] : memref<2x128xi32, #tpu.memory_space<vmem>> -> memref<1x128xi32, #tpu.memory_space<vmem>>
        %dma_wait3A_327 = tpu.memref_squeeze %dma_wait3A_326 : memref<1x128xi32, #tpu.memory_space<vmem>> -> memref<128xi32, #tpu.memory_space<vmem>>
        %dma_wait3A_328 = arith.constant 0 : i32
        %dma_wait3A_329 = arith.constant 0 : i32
        %dma_wait3A_330 = tpu.memref_slice %arg11[%dma_wait3A_328, %dma_wait3A_329] : memref<10240x128xf32, #tpu.memory_space<vmem_shared>> -> memref<10240x128xf32, #tpu.memory_space<vmem_shared>>
        tpu.wait_indirect_dma semaphore(%run_scoped3A_318 : memref<!tpu.dma_semaphore, #tpu.memory_space<semaphore_mem>>) src(%arg10 : memref<128x128xf32, #tpu.memory_space<vmem>>) dst(%dma_wait3A_330 : memref<10240x128xf32, #tpu.memory_space<vmem_shared>>)
        tpu.yield
      }) : () -> ()
      %add3A_229 = arith.constant 4 : i32
      %add3A_230 = arith.addi %add3A_202, %add3A_229 : i32
      %add3A_231 = arith.addi %mul3A_2, %add3A_230 : i32
      %dma_start3A_232 = arith.constant 0 : i32
      %dma_start3A_233 = arith.constant 0 : i32
      %dma_start3A_234 = tpu.memref_slice %arg3[%add3A_231, %dma_start3A_232, %dma_start3A_233] : memref<2560x2x128xi32, #tpu.memory_space<hbm>> -> memref<1x2x128xi32, #tpu.memory_space<hbm>>
      %dma_start3A_235 = tpu.memref_squeeze %dma_start3A_234 : memref<1x2x128xi32, #tpu.memory_space<hbm>> -> memref<2x128xi32, #tpu.memory_space<hbm>>
      %dma_start3A_236 = arith.constant 0 : i32
      %dma_start3A_237 = arith.constant 0 : i32
      %dma_start3A_238 = tpu.memref_slice %arg3[%add3A_231, %dma_start3A_236, %dma_start3A_237] : memref<2560x2x128xi32, #tpu.memory_space<hbm>> -> memref<1x2x128xi32, #tpu.memory_space<hbm>>
      %dma_start3A_239 = tpu.memref_squeeze %dma_start3A_238 : memref<1x2x128xi32, #tpu.memory_space<hbm>> -> memref<2x128xi32, #tpu.memory_space<hbm>>
      tpu.enqueue_dma source(%dma_start3A_239 : memref<2x128xi32, #tpu.memory_space<hbm>>) target(%arg6 : memref<2x128xi32, #tpu.memory_space<vmem>>) target_semaphore(%arg13 : memref<!tpu.dma_semaphore, #tpu.memory_space<semaphore_mem>>)
      %add3A_240 = arith.constant 2 : i32
      %add3A_241 = arith.addi %mul3A_163, %add3A_240 : i32
      %dma_wait3A_242 = arith.constant 0 : i32
      %dma_wait3A_243 = arith.constant 0 : i32
      %dma_wait3A_244 = tpu.memref_slice %arg7[%dma_wait3A_242, %dma_wait3A_243] : memref<2x128xi32, #tpu.memory_space<vmem>> -> memref<1x128xi32, #tpu.memory_space<vmem>>
      %dma_wait3A_245 = tpu.memref_squeeze %dma_wait3A_244 : memref<1x128xi32, #tpu.memory_space<vmem>> -> memref<128xi32, #tpu.memory_space<vmem>>
      %dma_wait3A_246 = arith.constant 0 : i32
      %dma_wait3A_247 = arith.constant 0 : i32
      %dma_wait3A_248 = tpu.memref_slice %arg2[%dma_wait3A_246, %dma_wait3A_247] : memref<10000x128xf32, #tpu.memory_space<hbm>> -> memref<10000x128xf32, #tpu.memory_space<hbm>>
      tpu.wait_indirect_dma semaphore(%arg16 : memref<!tpu.dma_semaphore, #tpu.memory_space<semaphore_mem>>) src(%dma_wait3A_248 : memref<10000x128xf32, #tpu.memory_space<hbm>>) dst(%arg9 : memref<128x128xf32, #tpu.memory_space<vmem>>)
      %add3A_249 = arith.constant 1 : i32
      %add3A_250 = arith.addi %add3A_241, %add3A_249 : i32
      %add3A_251 = arith.addi %mul3A_2, %add3A_250 : i32
      %dma_wait3A_252 = arith.constant 0 : i32
      %dma_wait3A_253 = arith.constant 0 : i32
      %dma_wait3A_254 = tpu.memref_slice %arg3[%add3A_251, %dma_wait3A_252, %dma_wait3A_253] : memref<2560x2x128xi32, #tpu.memory_space<hbm>> -> memref<1x2x128xi32, #tpu.memory_space<hbm>>
      %dma_wait3A_255 = tpu.memref_squeeze %dma_wait3A_254 : memref<1x2x128xi32, #tpu.memory_space<hbm>> -> memref<2x128xi32, #tpu.memory_space<hbm>>
      %dma_wait3A_256 = arith.constant 0 : i32
      %dma_wait3A_257 = arith.constant 0 : i32
      %dma_wait3A_258 = tpu.memref_slice %arg3[%add3A_251, %dma_wait3A_256, %dma_wait3A_257] : memref<2560x2x128xi32, #tpu.memory_space<hbm>> -> memref<1x2x128xi32, #tpu.memory_space<hbm>>
      %dma_wait3A_259 = tpu.memref_squeeze %dma_wait3A_258 : memref<1x2x128xi32, #tpu.memory_space<hbm>> -> memref<2x128xi32, #tpu.memory_space<hbm>>
      tpu.wait_dma2 semaphore(%arg15 : memref<!tpu.dma_semaphore, #tpu.memory_space<semaphore_mem>>) src(%dma_wait3A_259 : memref<2x128xi32, #tpu.memory_space<hbm>>) dst(%arg8 : memref<2x128xi32, #tpu.memory_space<vmem>>)
      %dma_start3A_260 = arith.constant 0 : i32
      %dma_start3A_261 = arith.constant 0 : i32
      %dma_start3A_262 = tpu.memref_slice %arg8[%dma_start3A_260, %dma_start3A_261] : memref<2x128xi32, #tpu.memory_space<vmem>> -> memref<1x128xi32, #tpu.memory_space<vmem>>
      %dma_start3A_263 = tpu.memref_squeeze %dma_start3A_262 : memref<1x128xi32, #tpu.memory_space<vmem>> -> memref<128xi32, #tpu.memory_space<vmem>>
      %dma_start3A_264 = arith.constant 0 : i32
      %dma_start3A_265 = arith.constant 0 : i32
      %dma_start3A_266 = tpu.memref_slice %arg2[%dma_start3A_264, %dma_start3A_265] : memref<10000x128xf32, #tpu.memory_space<hbm>> -> memref<10000x128xf32, #tpu.memory_space<hbm>>
      tpu.enqueue_indirect_dma source(%dma_start3A_266 : memref<10000x128xf32, #tpu.memory_space<hbm>>) target(%arg10 : memref<128x128xf32, #tpu.memory_space<vmem>>) offsets(%dma_start3A_263 : memref<128xi32, #tpu.memory_space<vmem>>) semaphore(%arg17 : memref<!tpu.dma_semaphore, #tpu.memory_space<semaphore_mem>>)
      %run_scoped3A_267 = arith.constant 1 : i32
      "tpu.region"() ({
        %run_scoped3A_318 = tpu.sem_alloc : memref<!tpu.dma_semaphore, #tpu.memory_space<semaphore_mem>>
        %dma_start3A_319 = arith.constant 0 : i32
        %dma_start3A_320 = tpu.memref_slice %arg7[%run_scoped3A_267, %dma_start3A_319] : memref<2x128xi32, #tpu.memory_space<vmem>> -> memref<1x128xi32, #tpu.memory_space<vmem>>
        %dma_start3A_321 = tpu.memref_squeeze %dma_start3A_320 : memref<1x128xi32, #tpu.memory_space<vmem>> -> memref<128xi32, #tpu.memory_space<vmem>>
        %dma_start3A_322 = arith.constant 0 : i32
        %dma_start3A_323 = arith.constant 0 : i32
        %dma_start3A_324 = tpu.memref_slice %arg11[%dma_start3A_322, %dma_start3A_323] : memref<10240x128xf32, #tpu.memory_space<vmem_shared>> -> memref<10240x128xf32, #tpu.memory_space<vmem_shared>>
        tpu.enqueue_indirect_dma source(%arg9 : memref<128x128xf32, #tpu.memory_space<vmem>>) target(%dma_start3A_324 : memref<10240x128xf32, #tpu.memory_space<vmem_shared>>) offsets(%dma_start3A_321 : memref<128xi32, #tpu.memory_space<vmem>>) semaphore(%run_scoped3A_318 : memref<!tpu.dma_semaphore, #tpu.memory_space<semaphore_mem>>) {add = true}
        %dma_wait3A_325 = arith.constant 0 : i32
        %dma_wait3A_326 = tpu.memref_slice %arg7[%run_scoped3A_267, %dma_wait3A_325] : memref<2x128xi32, #tpu.memory_space<vmem>> -> memref<1x128xi32, #tpu.memory_space<vmem>>
        %dma_wait3A_327 = tpu.memref_squeeze %dma_wait3A_326 : memref<1x128xi32, #tpu.memory_space<vmem>> -> memref<128xi32, #tpu.memory_space<vmem>>
        %dma_wait3A_328 = arith.constant 0 : i32
        %dma_wait3A_329 = arith.constant 0 : i32
        %dma_wait3A_330 = tpu.memref_slice %arg11[%dma_wait3A_328, %dma_wait3A_329] : memref<10240x128xf32, #tpu.memory_space<vmem_shared>> -> memref<10240x128xf32, #tpu.memory_space<vmem_shared>>
        tpu.wait_indirect_dma semaphore(%run_scoped3A_318 : memref<!tpu.dma_semaphore, #tpu.memory_space<semaphore_mem>>) src(%arg9 : memref<128x128xf32, #tpu.memory_space<vmem>>) dst(%dma_wait3A_330 : memref<10240x128xf32, #tpu.memory_space<vmem_shared>>)
        tpu.yield
      }) : () -> ()
      %add3A_268 = arith.constant 4 : i32
      %add3A_269 = arith.addi %add3A_241, %add3A_268 : i32
      %add3A_270 = arith.addi %mul3A_2, %add3A_269 : i32
      %dma_start3A_271 = arith.constant 0 : i32
      %dma_start3A_272 = arith.constant 0 : i32
      %dma_start3A_273 = tpu.memref_slice %arg3[%add3A_270, %dma_start3A_271, %dma_start3A_272] : memref<2560x2x128xi32, #tpu.memory_space<hbm>> -> memref<1x2x128xi32, #tpu.memory_space<hbm>>
      %dma_start3A_274 = tpu.memref_squeeze %dma_start3A_273 : memref<1x2x128xi32, #tpu.memory_space<hbm>> -> memref<2x128xi32, #tpu.memory_space<hbm>>
      %dma_start3A_275 = arith.constant 0 : i32
      %dma_start3A_276 = arith.constant 0 : i32
      %dma_start3A_277 = tpu.memref_slice %arg3[%add3A_270, %dma_start3A_275, %dma_start3A_276] : memref<2560x2x128xi32, #tpu.memory_space<hbm>> -> memref<1x2x128xi32, #tpu.memory_space<hbm>>
      %dma_start3A_278 = tpu.memref_squeeze %dma_start3A_277 : memref<1x2x128xi32, #tpu.memory_space<hbm>> -> memref<2x128xi32, #tpu.memory_space<hbm>>
      tpu.enqueue_dma source(%dma_start3A_278 : memref<2x128xi32, #tpu.memory_space<hbm>>) target(%arg7 : memref<2x128xi32, #tpu.memory_space<vmem>>) target_semaphore(%arg14 : memref<!tpu.dma_semaphore, #tpu.memory_space<semaphore_mem>>)
      %add3A_279 = arith.constant 3 : i32
      %add3A_280 = arith.addi %mul3A_163, %add3A_279 : i32
      %dma_wait3A_281 = arith.constant 0 : i32
      %dma_wait3A_282 = arith.constant 0 : i32
      %dma_wait3A_283 = tpu.memref_slice %arg8[%dma_wait3A_281, %dma_wait3A_282] : memref<2x128xi32, #tpu.memory_space<vmem>> -> memref<1x128xi32, #tpu.memory_space<vmem>>
      %dma_wait3A_284 = tpu.memref_squeeze %dma_wait3A_283 : memref<1x128xi32, #tpu.memory_space<vmem>> -> memref<128xi32, #tpu.memory_space<vmem>>
      %dma_wait3A_285 = arith.constant 0 : i32
      %dma_wait3A_286 = arith.constant 0 : i32
      %dma_wait3A_287 = tpu.memref_slice %arg2[%dma_wait3A_285, %dma_wait3A_286] : memref<10000x128xf32, #tpu.memory_space<hbm>> -> memref<10000x128xf32, #tpu.memory_space<hbm>>
      tpu.wait_indirect_dma semaphore(%arg17 : memref<!tpu.dma_semaphore, #tpu.memory_space<semaphore_mem>>) src(%dma_wait3A_287 : memref<10000x128xf32, #tpu.memory_space<hbm>>) dst(%arg10 : memref<128x128xf32, #tpu.memory_space<vmem>>)
      %add3A_288 = arith.constant 1 : i32
      %add3A_289 = arith.addi %add3A_280, %add3A_288 : i32
      %add3A_290 = arith.addi %mul3A_2, %add3A_289 : i32
      %dma_wait3A_291 = arith.constant 0 : i32
      %dma_wait3A_292 = arith.constant 0 : i32
      %dma_wait3A_293 = tpu.memref_slice %arg3[%add3A_290, %dma_wait3A_291, %dma_wait3A_292] : memref<2560x2x128xi32, #tpu.memory_space<hbm>> -> memref<1x2x128xi32, #tpu.memory_space<hbm>>
      %dma_wait3A_294 = tpu.memref_squeeze %dma_wait3A_293 : memref<1x2x128xi32, #tpu.memory_space<hbm>> -> memref<2x128xi32, #tpu.memory_space<hbm>>
      %dma_wait3A_295 = arith.constant 0 : i32
      %dma_wait3A_296 = arith.constant 0 : i32
      %dma_wait3A_297 = tpu.memref_slice %arg3[%add3A_290, %dma_wait3A_295, %dma_wait3A_296] : memref<2560x2x128xi32, #tpu.memory_space<hbm>> -> memref<1x2x128xi32, #tpu.memory_space<hbm>>
      %dma_wait3A_298 = tpu.memref_squeeze %dma_wait3A_297 : memref<1x2x128xi32, #tpu.memory_space<hbm>> -> memref<2x128xi32, #tpu.memory_space<hbm>>
      tpu.wait_dma2 semaphore(%arg12 : memref<!tpu.dma_semaphore, #tpu.memory_space<semaphore_mem>>) src(%dma_wait3A_298 : memref<2x128xi32, #tpu.memory_space<hbm>>) dst(%arg5 : memref<2x128xi32, #tpu.memory_space<vmem>>)
      %dma_start3A_299 = arith.constant 0 : i32
      %dma_start3A_300 = arith.constant 0 : i32
      %dma_start3A_301 = tpu.memref_slice %arg5[%dma_start3A_299, %dma_start3A_300] : memref<2x128xi32, #tpu.memory_space<vmem>> -> memref<1x128xi32, #tpu.memory_space<vmem>>
      %dma_start3A_302 = tpu.memref_squeeze %dma_start3A_301 : memref<1x128xi32, #tpu.memory_space<vmem>> -> memref<128xi32, #tpu.memory_space<vmem>>
      %dma_start3A_303 = arith.constant 0 : i32
      %dma_start3A_304 = arith.constant 0 : i32
      %dma_start3A_305 = tpu.memref_slice %arg2[%dma_start3A_303, %dma_start3A_304] : memref<10000x128xf32, #tpu.memory_space<hbm>> -> memref<10000x128xf32, #tpu.memory_space<hbm>>
      tpu.enqueue_indirect_dma source(%dma_start3A_305 : memref<10000x128xf32, #tpu.memory_space<hbm>>) target(%arg9 : memref<128x128xf32, #tpu.memory_space<vmem>>) offsets(%dma_start3A_302 : memref<128xi32, #tpu.memory_space<vmem>>) semaphore(%arg16 : memref<!tpu.dma_semaphore, #tpu.memory_space<semaphore_mem>>)
      %run_scoped3A_306 = arith.constant 1 : i32
      "tpu.region"() ({
        %run_scoped3A_318 = tpu.sem_alloc : memref<!tpu.dma_semaphore, #tpu.memory_space<semaphore_mem>>
        %dma_start3A_319 = arith.constant 0 : i32
        %dma_start3A_320 = tpu.memref_slice %arg8[%run_scoped3A_306, %dma_start3A_319] : memref<2x128xi32, #tpu.memory_space<vmem>> -> memref<1x128xi32, #tpu.memory_space<vmem>>
        %dma_start3A_321 = tpu.memref_squeeze %dma_start3A_320 : memref<1x128xi32, #tpu.memory_space<vmem>> -> memref<128xi32, #tpu.memory_space<vmem>>
        %dma_start3A_322 = arith.constant 0 : i32
        %dma_start3A_323 = arith.constant 0 : i32
        %dma_start3A_324 = tpu.memref_slice %arg11[%dma_start3A_322, %dma_start3A_323] : memref<10240x128xf32, #tpu.memory_space<vmem_shared>> -> memref<10240x128xf32, #tpu.memory_space<vmem_shared>>
        tpu.enqueue_indirect_dma source(%arg10 : memref<128x128xf32, #tpu.memory_space<vmem>>) target(%dma_start3A_324 : memref<10240x128xf32, #tpu.memory_space<vmem_shared>>) offsets(%dma_start3A_321 : memref<128xi32, #tpu.memory_space<vmem>>) semaphore(%run_scoped3A_318 : memref<!tpu.dma_semaphore, #tpu.memory_space<semaphore_mem>>) {add = true}
        %dma_wait3A_325 = arith.constant 0 : i32
        %dma_wait3A_326 = tpu.memref_slice %arg8[%run_scoped3A_306, %dma_wait3A_325] : memref<2x128xi32, #tpu.memory_space<vmem>> -> memref<1x128xi32, #tpu.memory_space<vmem>>
        %dma_wait3A_327 = tpu.memref_squeeze %dma_wait3A_326 : memref<1x128xi32, #tpu.memory_space<vmem>> -> memref<128xi32, #tpu.memory_space<vmem>>
        %dma_wait3A_328 = arith.constant 0 : i32
        %dma_wait3A_329 = arith.constant 0 : i32
        %dma_wait3A_330 = tpu.memref_slice %arg11[%dma_wait3A_328, %dma_wait3A_329] : memref<10240x128xf32, #tpu.memory_space<vmem_shared>> -> memref<10240x128xf32, #tpu.memory_space<vmem_shared>>
        tpu.wait_indirect_dma semaphore(%run_scoped3A_318 : memref<!tpu.dma_semaphore, #tpu.memory_space<semaphore_mem>>) src(%arg10 : memref<128x128xf32, #tpu.memory_space<vmem>>) dst(%dma_wait3A_330 : memref<10240x128xf32, #tpu.memory_space<vmem_shared>>)
        tpu.yield
      }) : () -> ()
      %add3A_307 = arith.constant 4 : i32
      %add3A_308 = arith.addi %add3A_280, %add3A_307 : i32
      %add3A_309 = arith.addi %mul3A_2, %add3A_308 : i32
      %dma_start3A_310 = arith.constant 0 : i32
      %dma_start3A_311 = arith.constant 0 : i32
      %dma_start3A_312 = tpu.memref_slice %arg3[%add3A_309, %dma_start3A_310, %dma_start3A_311] : memref<2560x2x128xi32, #tpu.memory_space<hbm>> -> memref<1x2x128xi32, #tpu.memory_space<hbm>>
      %dma_start3A_313 = tpu.memref_squeeze %dma_start3A_312 : memref<1x2x128xi32, #tpu.memory_space<hbm>> -> memref<2x128xi32, #tpu.memory_space<hbm>>
      %dma_start3A_314 = arith.constant 0 : i32
      %dma_start3A_315 = arith.constant 0 : i32
      %dma_start3A_316 = tpu.memref_slice %arg3[%add3A_309, %dma_start3A_314, %dma_start3A_315] : memref<2560x2x128xi32, #tpu.memory_space<hbm>> -> memref<1x2x128xi32, #tpu.memory_space<hbm>>
      %dma_start3A_317 = tpu.memref_squeeze %dma_start3A_316 : memref<1x2x128xi32, #tpu.memory_space<hbm>> -> memref<2x128xi32, #tpu.memory_space<hbm>>
      tpu.enqueue_dma source(%dma_start3A_317 : memref<2x128xi32, #tpu.memory_space<hbm>>) target(%arg8 : memref<2x128xi32, #tpu.memory_space<vmem>>) target_semaphore(%arg15 : memref<!tpu.dma_semaphore, #tpu.memory_space<semaphore_mem>>)
    }
    %scan3A_77 = arith.constant 19 : i32
    %dma_wait3A_78 = arith.constant 0 : i32
    %dma_wait3A_79 = arith.constant 0 : i32
    %dma_wait3A_80 = tpu.memref_slice %arg5[%dma_wait3A_78, %dma_wait3A_79] : memref<2x128xi32, #tpu.memory_space<vmem>> -> memref<1x128xi32, #tpu.memory_space<vmem>>
    %dma_wait3A_81 = tpu.memref_squeeze %dma_wait3A_80 : memref<1x128xi32, #tpu.memory_space<vmem>> -> memref<128xi32, #tpu.memory_space<vmem>>
    %dma_wait3A_82 = arith.constant 0 : i32
    %dma_wait3A_83 = arith.constant 0 : i32
    %dma_wait3A_84 = tpu.memref_slice %arg2[%dma_wait3A_82, %dma_wait3A_83] : memref<10000x128xf32, #tpu.memory_space<hbm>> -> memref<10000x128xf32, #tpu.memory_space<hbm>>
    tpu.wait_indirect_dma semaphore(%arg16 : memref<!tpu.dma_semaphore, #tpu.memory_space<semaphore_mem>>) src(%dma_wait3A_84 : memref<10000x128xf32, #tpu.memory_space<hbm>>) dst(%arg9 : memref<128x128xf32, #tpu.memory_space<vmem>>)
    %add3A_85 = arith.constant 77 : i32
    %add3A_86 = arith.addi %mul3A_2, %add3A_85 : i32
    %dma_wait3A_87 = arith.constant 0 : i32
    %dma_wait3A_88 = arith.constant 0 : i32
    %dma_wait3A_89 = tpu.memref_slice %arg3[%add3A_86, %dma_wait3A_87, %dma_wait3A_88] : memref<2560x2x128xi32, #tpu.memory_space<hbm>> -> memref<1x2x128xi32, #tpu.memory_space<hbm>>
    %dma_wait3A_90 = tpu.memref_squeeze %dma_wait3A_89 : memref<1x2x128xi32, #tpu.memory_space<hbm>> -> memref<2x128xi32, #tpu.memory_space<hbm>>
    %dma_wait3A_91 = arith.constant 0 : i32
    %dma_wait3A_92 = arith.constant 0 : i32
    %dma_wait3A_93 = tpu.memref_slice %arg3[%add3A_86, %dma_wait3A_91, %dma_wait3A_92] : memref<2560x2x128xi32, #tpu.memory_space<hbm>> -> memref<1x2x128xi32, #tpu.memory_space<hbm>>
    %dma_wait3A_94 = tpu.memref_squeeze %dma_wait3A_93 : memref<1x2x128xi32, #tpu.memory_space<hbm>> -> memref<2x128xi32, #tpu.memory_space<hbm>>
    tpu.wait_dma2 semaphore(%arg13 : memref<!tpu.dma_semaphore, #tpu.memory_space<semaphore_mem>>) src(%dma_wait3A_94 : memref<2x128xi32, #tpu.memory_space<hbm>>) dst(%arg6 : memref<2x128xi32, #tpu.memory_space<vmem>>)
    %dma_start3A_95 = arith.constant 0 : i32
    %dma_start3A_96 = arith.constant 0 : i32
    %dma_start3A_97 = tpu.memref_slice %arg6[%dma_start3A_95, %dma_start3A_96] : memref<2x128xi32, #tpu.memory_space<vmem>> -> memref<1x128xi32, #tpu.memory_space<vmem>>
    %dma_start3A_98 = tpu.memref_squeeze %dma_start3A_97 : memref<1x128xi32, #tpu.memory_space<vmem>> -> memref<128xi32, #tpu.memory_space<vmem>>
    %dma_start3A_99 = arith.constant 0 : i32
    %dma_start3A_100 = arith.constant 0 : i32
    %dma_start3A_101 = tpu.memref_slice %arg2[%dma_start3A_99, %dma_start3A_100] : memref<10000x128xf32, #tpu.memory_space<hbm>> -> memref<10000x128xf32, #tpu.memory_space<hbm>>
    tpu.enqueue_indirect_dma source(%dma_start3A_101 : memref<10000x128xf32, #tpu.memory_space<hbm>>) target(%arg10 : memref<128x128xf32, #tpu.memory_space<vmem>>) offsets(%dma_start3A_98 : memref<128xi32, #tpu.memory_space<vmem>>) semaphore(%arg17 : memref<!tpu.dma_semaphore, #tpu.memory_space<semaphore_mem>>)
    %run_scoped3A = arith.constant 1 : i32
    "tpu.region"() ({
      %run_scoped3A_161 = tpu.sem_alloc : memref<!tpu.dma_semaphore, #tpu.memory_space<semaphore_mem>>
      %dma_start3A_162 = arith.constant 0 : i32
      %dma_start3A_163 = tpu.memref_slice %arg5[%run_scoped3A, %dma_start3A_162] : memref<2x128xi32, #tpu.memory_space<vmem>> -> memref<1x128xi32, #tpu.memory_space<vmem>>
      %dma_start3A_164 = tpu.memref_squeeze %dma_start3A_163 : memref<1x128xi32, #tpu.memory_space<vmem>> -> memref<128xi32, #tpu.memory_space<vmem>>
      %dma_start3A_165 = arith.constant 0 : i32
      %dma_start3A_166 = arith.constant 0 : i32
      %dma_start3A_167 = tpu.memref_slice %arg11[%dma_start3A_165, %dma_start3A_166] : memref<10240x128xf32, #tpu.memory_space<vmem_shared>> -> memref<10240x128xf32, #tpu.memory_space<vmem_shared>>
      tpu.enqueue_indirect_dma source(%arg9 : memref<128x128xf32, #tpu.memory_space<vmem>>) target(%dma_start3A_167 : memref<10240x128xf32, #tpu.memory_space<vmem_shared>>) offsets(%dma_start3A_164 : memref<128xi32, #tpu.memory_space<vmem>>) semaphore(%run_scoped3A_161 : memref<!tpu.dma_semaphore, #tpu.memory_space<semaphore_mem>>) {add = true}
      %dma_wait3A_168 = arith.constant 0 : i32
      %dma_wait3A_169 = tpu.memref_slice %arg5[%run_scoped3A, %dma_wait3A_168] : memref<2x128xi32, #tpu.memory_space<vmem>> -> memref<1x128xi32, #tpu.memory_space<vmem>>
      %dma_wait3A_170 = tpu.memref_squeeze %dma_wait3A_169 : memref<1x128xi32, #tpu.memory_space<vmem>> -> memref<128xi32, #tpu.memory_space<vmem>>
      %dma_wait3A_171 = arith.constant 0 : i32
      %dma_wait3A_172 = arith.constant 0 : i32
      %dma_wait3A_173 = tpu.memref_slice %arg11[%dma_wait3A_171, %dma_wait3A_172] : memref<10240x128xf32, #tpu.memory_space<vmem_shared>> -> memref<10240x128xf32, #tpu.memory_space<vmem_shared>>
      tpu.wait_indirect_dma semaphore(%run_scoped3A_161 : memref<!tpu.dma_semaphore, #tpu.memory_space<semaphore_mem>>) src(%arg9 : memref<128x128xf32, #tpu.memory_space<vmem>>) dst(%dma_wait3A_173 : memref<10240x128xf32, #tpu.memory_space<vmem_shared>>)
      tpu.yield
    }) : () -> ()
    %dma_wait3A_102 = arith.constant 0 : i32
    %dma_wait3A_103 = arith.constant 0 : i32
    %dma_wait3A_104 = tpu.memref_slice %arg6[%dma_wait3A_102, %dma_wait3A_103] : memref<2x128xi32, #tpu.memory_space<vmem>> -> memref<1x128xi32, #tpu.memory_space<vmem>>
    %dma_wait3A_105 = tpu.memref_squeeze %dma_wait3A_104 : memref<1x128xi32, #tpu.memory_space<vmem>> -> memref<128xi32, #tpu.memory_space<vmem>>
    %dma_wait3A_106 = arith.constant 0 : i32
    %dma_wait3A_107 = arith.constant 0 : i32
    %dma_wait3A_108 = tpu.memref_slice %arg2[%dma_wait3A_106, %dma_wait3A_107] : memref<10000x128xf32, #tpu.memory_space<hbm>> -> memref<10000x128xf32, #tpu.memory_space<hbm>>
    tpu.wait_indirect_dma semaphore(%arg17 : memref<!tpu.dma_semaphore, #tpu.memory_space<semaphore_mem>>) src(%dma_wait3A_108 : memref<10000x128xf32, #tpu.memory_space<hbm>>) dst(%arg10 : memref<128x128xf32, #tpu.memory_space<vmem>>)
    %add3A_109 = arith.constant 78 : i32
    %add3A_110 = arith.addi %mul3A_2, %add3A_109 : i32
    %dma_wait3A_111 = arith.constant 0 : i32
    %dma_wait3A_112 = arith.constant 0 : i32
    %dma_wait3A_113 = tpu.memref_slice %arg3[%add3A_110, %dma_wait3A_111, %dma_wait3A_112] : memref<2560x2x128xi32, #tpu.memory_space<hbm>> -> memref<1x2x128xi32, #tpu.memory_space<hbm>>
    %dma_wait3A_114 = tpu.memref_squeeze %dma_wait3A_113 : memref<1x2x128xi32, #tpu.memory_space<hbm>> -> memref<2x128xi32, #tpu.memory_space<hbm>>
    %dma_wait3A_115 = arith.constant 0 : i32
    %dma_wait3A_116 = arith.constant 0 : i32
    %dma_wait3A_117 = tpu.memref_slice %arg3[%add3A_110, %dma_wait3A_115, %dma_wait3A_116] : memref<2560x2x128xi32, #tpu.memory_space<hbm>> -> memref<1x2x128xi32, #tpu.memory_space<hbm>>
    %dma_wait3A_118 = tpu.memref_squeeze %dma_wait3A_117 : memref<1x2x128xi32, #tpu.memory_space<hbm>> -> memref<2x128xi32, #tpu.memory_space<hbm>>
    tpu.wait_dma2 semaphore(%arg14 : memref<!tpu.dma_semaphore, #tpu.memory_space<semaphore_mem>>) src(%dma_wait3A_118 : memref<2x128xi32, #tpu.memory_space<hbm>>) dst(%arg7 : memref<2x128xi32, #tpu.memory_space<vmem>>)
    %dma_start3A_119 = arith.constant 0 : i32
    %dma_start3A_120 = arith.constant 0 : i32
    %dma_start3A_121 = tpu.memref_slice %arg7[%dma_start3A_119, %dma_start3A_120] : memref<2x128xi32, #tpu.memory_space<vmem>> -> memref<1x128xi32, #tpu.memory_space<vmem>>
    %dma_start3A_122 = tpu.memref_squeeze %dma_start3A_121 : memref<1x128xi32, #tpu.memory_space<vmem>> -> memref<128xi32, #tpu.memory_space<vmem>>
    %dma_start3A_123 = arith.constant 0 : i32
    %dma_start3A_124 = arith.constant 0 : i32
    %dma_start3A_125 = tpu.memref_slice %arg2[%dma_start3A_123, %dma_start3A_124] : memref<10000x128xf32, #tpu.memory_space<hbm>> -> memref<10000x128xf32, #tpu.memory_space<hbm>>
    tpu.enqueue_indirect_dma source(%dma_start3A_125 : memref<10000x128xf32, #tpu.memory_space<hbm>>) target(%arg9 : memref<128x128xf32, #tpu.memory_space<vmem>>) offsets(%dma_start3A_122 : memref<128xi32, #tpu.memory_space<vmem>>) semaphore(%arg16 : memref<!tpu.dma_semaphore, #tpu.memory_space<semaphore_mem>>)
    %run_scoped3A_126 = arith.constant 1 : i32
    "tpu.region"() ({
      %run_scoped3A_161 = tpu.sem_alloc : memref<!tpu.dma_semaphore, #tpu.memory_space<semaphore_mem>>
      %dma_start3A_162 = arith.constant 0 : i32
      %dma_start3A_163 = tpu.memref_slice %arg6[%run_scoped3A_126, %dma_start3A_162] : memref<2x128xi32, #tpu.memory_space<vmem>> -> memref<1x128xi32, #tpu.memory_space<vmem>>
      %dma_start3A_164 = tpu.memref_squeeze %dma_start3A_163 : memref<1x128xi32, #tpu.memory_space<vmem>> -> memref<128xi32, #tpu.memory_space<vmem>>
      %dma_start3A_165 = arith.constant 0 : i32
      %dma_start3A_166 = arith.constant 0 : i32
      %dma_start3A_167 = tpu.memref_slice %arg11[%dma_start3A_165, %dma_start3A_166] : memref<10240x128xf32, #tpu.memory_space<vmem_shared>> -> memref<10240x128xf32, #tpu.memory_space<vmem_shared>>
      tpu.enqueue_indirect_dma source(%arg10 : memref<128x128xf32, #tpu.memory_space<vmem>>) target(%dma_start3A_167 : memref<10240x128xf32, #tpu.memory_space<vmem_shared>>) offsets(%dma_start3A_164 : memref<128xi32, #tpu.memory_space<vmem>>) semaphore(%run_scoped3A_161 : memref<!tpu.dma_semaphore, #tpu.memory_space<semaphore_mem>>) {add = true}
      %dma_wait3A_168 = arith.constant 0 : i32
      %dma_wait3A_169 = tpu.memref_slice %arg6[%run_scoped3A_126, %dma_wait3A_168] : memref<2x128xi32, #tpu.memory_space<vmem>> -> memref<1x128xi32, #tpu.memory_space<vmem>>
      %dma_wait3A_170 = tpu.memref_squeeze %dma_wait3A_169 : memref<1x128xi32, #tpu.memory_space<vmem>> -> memref<128xi32, #tpu.memory_space<vmem>>
      %dma_wait3A_171 = arith.constant 0 : i32
      %dma_wait3A_172 = arith.constant 0 : i32
      %dma_wait3A_173 = tpu.memref_slice %arg11[%dma_wait3A_171, %dma_wait3A_172] : memref<10240x128xf32, #tpu.memory_space<vmem_shared>> -> memref<10240x128xf32, #tpu.memory_space<vmem_shared>>
      tpu.wait_indirect_dma semaphore(%run_scoped3A_161 : memref<!tpu.dma_semaphore, #tpu.memory_space<semaphore_mem>>) src(%arg10 : memref<128x128xf32, #tpu.memory_space<vmem>>) dst(%dma_wait3A_173 : memref<10240x128xf32, #tpu.memory_space<vmem_shared>>)
      tpu.yield
    }) : () -> ()
    %dma_wait3A_127 = arith.constant 0 : i32
    %dma_wait3A_128 = arith.constant 0 : i32
    %dma_wait3A_129 = tpu.memref_slice %arg7[%dma_wait3A_127, %dma_wait3A_128] : memref<2x128xi32, #tpu.memory_space<vmem>> -> memref<1x128xi32, #tpu.memory_space<vmem>>
    %dma_wait3A_130 = tpu.memref_squeeze %dma_wait3A_129 : memref<1x128xi32, #tpu.memory_space<vmem>> -> memref<128xi32, #tpu.memory_space<vmem>>
    %dma_wait3A_131 = arith.constant 0 : i32
    %dma_wait3A_132 = arith.constant 0 : i32
    %dma_wait3A_133 = tpu.memref_slice %arg2[%dma_wait3A_131, %dma_wait3A_132] : memref<10000x128xf32, #tpu.memory_space<hbm>> -> memref<10000x128xf32, #tpu.memory_space<hbm>>
    tpu.wait_indirect_dma semaphore(%arg16 : memref<!tpu.dma_semaphore, #tpu.memory_space<semaphore_mem>>) src(%dma_wait3A_133 : memref<10000x128xf32, #tpu.memory_space<hbm>>) dst(%arg9 : memref<128x128xf32, #tpu.memory_space<vmem>>)
    %add3A_134 = arith.constant 79 : i32
    %add3A_135 = arith.addi %mul3A_2, %add3A_134 : i32
    %dma_wait3A_136 = arith.constant 0 : i32
    %dma_wait3A_137 = arith.constant 0 : i32
    %dma_wait3A_138 = tpu.memref_slice %arg3[%add3A_135, %dma_wait3A_136, %dma_wait3A_137] : memref<2560x2x128xi32, #tpu.memory_space<hbm>> -> memref<1x2x128xi32, #tpu.memory_space<hbm>>
    %dma_wait3A_139 = tpu.memref_squeeze %dma_wait3A_138 : memref<1x2x128xi32, #tpu.memory_space<hbm>> -> memref<2x128xi32, #tpu.memory_space<hbm>>
    %dma_wait3A_140 = arith.constant 0 : i32
    %dma_wait3A_141 = arith.constant 0 : i32
    %dma_wait3A_142 = tpu.memref_slice %arg3[%add3A_135, %dma_wait3A_140, %dma_wait3A_141] : memref<2560x2x128xi32, #tpu.memory_space<hbm>> -> memref<1x2x128xi32, #tpu.memory_space<hbm>>
    %dma_wait3A_143 = tpu.memref_squeeze %dma_wait3A_142 : memref<1x2x128xi32, #tpu.memory_space<hbm>> -> memref<2x128xi32, #tpu.memory_space<hbm>>
    tpu.wait_dma2 semaphore(%arg15 : memref<!tpu.dma_semaphore, #tpu.memory_space<semaphore_mem>>) src(%dma_wait3A_143 : memref<2x128xi32, #tpu.memory_space<hbm>>) dst(%arg8 : memref<2x128xi32, #tpu.memory_space<vmem>>)
    %dma_start3A_144 = arith.constant 0 : i32
    %dma_start3A_145 = arith.constant 0 : i32
    %dma_start3A_146 = tpu.memref_slice %arg8[%dma_start3A_144, %dma_start3A_145] : memref<2x128xi32, #tpu.memory_space<vmem>> -> memref<1x128xi32, #tpu.memory_space<vmem>>
    %dma_start3A_147 = tpu.memref_squeeze %dma_start3A_146 : memref<1x128xi32, #tpu.memory_space<vmem>> -> memref<128xi32, #tpu.memory_space<vmem>>
    %dma_start3A_148 = arith.constant 0 : i32
    %dma_start3A_149 = arith.constant 0 : i32
    %dma_start3A_150 = tpu.memref_slice %arg2[%dma_start3A_148, %dma_start3A_149] : memref<10000x128xf32, #tpu.memory_space<hbm>> -> memref<10000x128xf32, #tpu.memory_space<hbm>>
    tpu.enqueue_indirect_dma source(%dma_start3A_150 : memref<10000x128xf32, #tpu.memory_space<hbm>>) target(%arg10 : memref<128x128xf32, #tpu.memory_space<vmem>>) offsets(%dma_start3A_147 : memref<128xi32, #tpu.memory_space<vmem>>) semaphore(%arg17 : memref<!tpu.dma_semaphore, #tpu.memory_space<semaphore_mem>>)
    %run_scoped3A_151 = arith.constant 1 : i32
    "tpu.region"() ({
      %run_scoped3A_161 = tpu.sem_alloc : memref<!tpu.dma_semaphore, #tpu.memory_space<semaphore_mem>>
      %dma_start3A_162 = arith.constant 0 : i32
      %dma_start3A_163 = tpu.memref_slice %arg7[%run_scoped3A_151, %dma_start3A_162] : memref<2x128xi32, #tpu.memory_space<vmem>> -> memref<1x128xi32, #tpu.memory_space<vmem>>
      %dma_start3A_164 = tpu.memref_squeeze %dma_start3A_163 : memref<1x128xi32, #tpu.memory_space<vmem>> -> memref<128xi32, #tpu.memory_space<vmem>>
      %dma_start3A_165 = arith.constant 0 : i32
      %dma_start3A_166 = arith.constant 0 : i32
      %dma_start3A_167 = tpu.memref_slice %arg11[%dma_start3A_165, %dma_start3A_166] : memref<10240x128xf32, #tpu.memory_space<vmem_shared>> -> memref<10240x128xf32, #tpu.memory_space<vmem_shared>>
      tpu.enqueue_indirect_dma source(%arg9 : memref<128x128xf32, #tpu.memory_space<vmem>>) target(%dma_start3A_167 : memref<10240x128xf32, #tpu.memory_space<vmem_shared>>) offsets(%dma_start3A_164 : memref<128xi32, #tpu.memory_space<vmem>>) semaphore(%run_scoped3A_161 : memref<!tpu.dma_semaphore, #tpu.memory_space<semaphore_mem>>) {add = true}
      %dma_wait3A_168 = arith.constant 0 : i32
      %dma_wait3A_169 = tpu.memref_slice %arg7[%run_scoped3A_151, %dma_wait3A_168] : memref<2x128xi32, #tpu.memory_space<vmem>> -> memref<1x128xi32, #tpu.memory_space<vmem>>
      %dma_wait3A_170 = tpu.memref_squeeze %dma_wait3A_169 : memref<1x128xi32, #tpu.memory_space<vmem>> -> memref<128xi32, #tpu.memory_space<vmem>>
      %dma_wait3A_171 = arith.constant 0 : i32
      %dma_wait3A_172 = arith.constant 0 : i32
      %dma_wait3A_173 = tpu.memref_slice %arg11[%dma_wait3A_171, %dma_wait3A_172] : memref<10240x128xf32, #tpu.memory_space<vmem_shared>> -> memref<10240x128xf32, #tpu.memory_space<vmem_shared>>
      tpu.wait_indirect_dma semaphore(%run_scoped3A_161 : memref<!tpu.dma_semaphore, #tpu.memory_space<semaphore_mem>>) src(%arg9 : memref<128x128xf32, #tpu.memory_space<vmem>>) dst(%dma_wait3A_173 : memref<10240x128xf32, #tpu.memory_space<vmem_shared>>)
      tpu.yield
    }) : () -> ()
    %dma_wait3A_152 = arith.constant 0 : i32
    %dma_wait3A_153 = arith.constant 0 : i32
    %dma_wait3A_154 = tpu.memref_slice %arg8[%dma_wait3A_152, %dma_wait3A_153] : memref<2x128xi32, #tpu.memory_space<vmem>> -> memref<1x128xi32, #tpu.memory_space<vmem>>
    %dma_wait3A_155 = tpu.memref_squeeze %dma_wait3A_154 : memref<1x128xi32, #tpu.memory_space<vmem>> -> memref<128xi32, #tpu.memory_space<vmem>>
    %dma_wait3A_156 = arith.constant 0 : i32
    %dma_wait3A_157 = arith.constant 0 : i32
    %dma_wait3A_158 = tpu.memref_slice %arg2[%dma_wait3A_156, %dma_wait3A_157] : memref<10000x128xf32, #tpu.memory_space<hbm>> -> memref<10000x128xf32, #tpu.memory_space<hbm>>
    tpu.wait_indirect_dma semaphore(%arg17 : memref<!tpu.dma_semaphore, #tpu.memory_space<semaphore_mem>>) src(%dma_wait3A_158 : memref<10000x128xf32, #tpu.memory_space<hbm>>) dst(%arg10 : memref<128x128xf32, #tpu.memory_space<vmem>>)
    %run_scoped3A_159 = arith.constant 1 : i32
    "tpu.region"() ({
      %run_scoped3A_161 = tpu.sem_alloc : memref<!tpu.dma_semaphore, #tpu.memory_space<semaphore_mem>>
      %dma_start3A_162 = arith.constant 0 : i32
      %dma_start3A_163 = tpu.memref_slice %arg8[%run_scoped3A_159, %dma_start3A_162] : memref<2x128xi32, #tpu.memory_space<vmem>> -> memref<1x128xi32, #tpu.memory_space<vmem>>
      %dma_start3A_164 = tpu.memref_squeeze %dma_start3A_163 : memref<1x128xi32, #tpu.memory_space<vmem>> -> memref<128xi32, #tpu.memory_space<vmem>>
      %dma_start3A_165 = arith.constant 0 : i32
      %dma_start3A_166 = arith.constant 0 : i32
      %dma_start3A_167 = tpu.memref_slice %arg11[%dma_start3A_165, %dma_start3A_166] : memref<10240x128xf32, #tpu.memory_space<vmem_shared>> -> memref<10240x128xf32, #tpu.memory_space<vmem_shared>>
      tpu.enqueue_indirect_dma source(%arg10 : memref<128x128xf32, #tpu.memory_space<vmem>>) target(%dma_start3A_167 : memref<10240x128xf32, #tpu.memory_space<vmem_shared>>) offsets(%dma_start3A_164 : memref<128xi32, #tpu.memory_space<vmem>>) semaphore(%run_scoped3A_161 : memref<!tpu.dma_semaphore, #tpu.memory_space<semaphore_mem>>) {add = true}
      %dma_wait3A_168 = arith.constant 0 : i32
      %dma_wait3A_169 = tpu.memref_slice %arg8[%run_scoped3A_159, %dma_wait3A_168] : memref<2x128xi32, #tpu.memory_space<vmem>> -> memref<1x128xi32, #tpu.memory_space<vmem>>
      %dma_wait3A_170 = tpu.memref_squeeze %dma_wait3A_169 : memref<1x128xi32, #tpu.memory_space<vmem>> -> memref<128xi32, #tpu.memory_space<vmem>>
      %dma_wait3A_171 = arith.constant 0 : i32
      %dma_wait3A_172 = arith.constant 0 : i32
      %dma_wait3A_173 = tpu.memref_slice %arg11[%dma_wait3A_171, %dma_wait3A_172] : memref<10240x128xf32, #tpu.memory_space<vmem_shared>> -> memref<10240x128xf32, #tpu.memory_space<vmem_shared>>
      tpu.wait_indirect_dma semaphore(%run_scoped3A_161 : memref<!tpu.dma_semaphore, #tpu.memory_space<semaphore_mem>>) src(%arg10 : memref<128x128xf32, #tpu.memory_space<vmem>>) dst(%dma_wait3A_173 : memref<10240x128xf32, #tpu.memory_space<vmem_shared>>)
      tpu.yield
    }) : () -> ()
    %barrier3A_160 = arith.constant 0 : index
    tpu.barrier barrier_id(%barrier3A_160)
    "tpu.region"() ({
      %run_scoped3A_161 = tpu.sem_alloc : memref<!tpu.dma_semaphore, #tpu.memory_space<semaphore_mem>>
      %dma_start3A_162 = arith.constant 0 : i32
      %dma_start3A_163 = tpu.memref_slice %arg4[%arg0, %mul3A_49, %dma_start3A_162] : memref<2x10240x128xf32, #tpu.memory_space<hbm>> -> memref<1x640x128xf32, #tpu.memory_space<hbm>>
      %dma_start3A_164 = tpu.memref_squeeze %dma_start3A_163 : memref<1x640x128xf32, #tpu.memory_space<hbm>> -> memref<640x128xf32, #tpu.memory_space<hbm>>
      %dma_start3A_165 = arith.constant 0 : i32
      %dma_start3A_166 = tpu.memref_slice %arg11[%mul3A_49, %dma_start3A_165] : memref<10240x128xf32, #tpu.memory_space<vmem_shared>> -> memref<640x128xf32, #tpu.memory_space<vmem_shared>>
      tpu.enqueue_dma source(%dma_start3A_166 : memref<640x128xf32, #tpu.memory_space<vmem_shared>>) target(%dma_start3A_164 : memref<640x128xf32, #tpu.memory_space<hbm>>) target_semaphore(%run_scoped3A_161 : memref<!tpu.dma_semaphore, #tpu.memory_space<semaphore_mem>>)
      %dma_wait3A_167 = arith.constant 0 : i32
      %dma_wait3A_168 = tpu.memref_slice %arg4[%arg0, %mul3A_49, %dma_wait3A_167] : memref<2x10240x128xf32, #tpu.memory_space<hbm>> -> memref<1x640x128xf32, #tpu.memory_space<hbm>>
      %dma_wait3A_169 = tpu.memref_squeeze %dma_wait3A_168 : memref<1x640x128xf32, #tpu.memory_space<hbm>> -> memref<640x128xf32, #tpu.memory_space<hbm>>
      %dma_wait3A_170 = arith.constant 0 : i32
      %dma_wait3A_171 = tpu.memref_slice %arg11[%mul3A_49, %dma_wait3A_170] : memref<10240x128xf32, #tpu.memory_space<vmem_shared>> -> memref<640x128xf32, #tpu.memory_space<vmem_shared>>
      tpu.wait_dma2 semaphore(%run_scoped3A_161 : memref<!tpu.dma_semaphore, #tpu.memory_space<semaphore_mem>>) src(%dma_wait3A_171 : memref<640x128xf32, #tpu.memory_space<vmem_shared>>) dst(%dma_wait3A_169 : memref<640x128xf32, #tpu.memory_space<hbm>>)
      tpu.yield
    }) : () -> ()
    return
  }
}

#map = affine_map<(d0, d1) -> (0, 0)>
#map1 = affine_map<(d0, d1) -> (0, 0, 0)>
module attributes {stable_mosaic.version = 14 : i64} {
  func.func @prop(%arg0: i32, %arg1: i32, %arg2: memref<10000x128xf32, #tpu.memory_space<hbm>>, %arg3: memref<2560x2x128xi32, #tpu.memory_space<hbm>>, %arg4: memref<2x10240x128xf32, #tpu.memory_space<hbm>>, %arg5: memref<2x128xi32, #tpu.memory_space<vmem>>, %arg6: memref<2x128xi32, #tpu.memory_space<vmem>>, %arg7: memref<2x128xi32, #tpu.memory_space<vmem>>, %arg8: memref<2x128xi32, #tpu.memory_space<vmem>>, %arg9: memref<128x128xf32, #tpu.memory_space<vmem>>, %arg10: memref<128x128xf32, #tpu.memory_space<vmem>>, %arg11: memref<10240x128xf32, #tpu.memory_space<vmem_shared>>, %arg12: memref<!tpu.dma_semaphore, #tpu.memory_space<semaphore_mem>>, %arg13: memref<!tpu.dma_semaphore, #tpu.memory_space<semaphore_mem>>, %arg14: memref<!tpu.dma_semaphore, #tpu.memory_space<semaphore_mem>>, %arg15: memref<!tpu.dma_semaphore, #tpu.memory_space<semaphore_mem>>, %arg16: memref<!tpu.dma_semaphore, #tpu.memory_space<semaphore_mem>>, %arg17: memref<!tpu.dma_semaphore, #tpu.memory_space<semaphore_mem>>) attributes {dimension_semantics = [#tpu.dimension_semantics<core_parallel>, #tpu.dimension_semantics<subcore_parallel>], iteration_bounds = array<i64: 2, 16>, scalar_prefetch = 0 : i64, scratch_operands = 13 : i64, tpu.core_type = #tpu.core_type<sc_vector_subcore>, window_params = [{transform_indices = #map}, {transform_indices = #map1}, {transform_indices = #map1}]} {
    %mul3A = arith.constant 16 : i32
    %mul3A_0 = arith.muli %arg0, %mul3A : i32
    %add3A = arith.addi %mul3A_0, %arg1 : i32
    %mul3A_1 = arith.constant 80 : i32
    %mul3A_2 = arith.muli %add3A, %mul3A_1 : i32
    %add3A_3 = arith.constant 0 : i32
    %add3A_4 = arith.addi %mul3A_2, %add3A_3 : i32
    %dma_start3A = arith.constant 0 : i32
    %dma_start3A_5 = arith.constant 0 : i32
    %dma_start3A_6 = tpu.memref_slice %arg3[%add3A_4, %dma_start3A, %dma_start3A_5] : memref<2560x2x128xi32, #tpu.memory_space<hbm>> -> memref<1x2x128xi32, #tpu.memory_space<hbm>>
    %dma_start3A_7 = tpu.memref_squeeze %dma_start3A_6 : memref<1x2x128xi32, #tpu.memory_space<hbm>> -> memref<2x128xi32, #tpu.memory_space<hbm>>
    %dma_start3A_8 = arith.constant 0 : i32
    %dma_start3A_9 = arith.constant 0 : i32
    %dma_start3A_10 = tpu.memref_slice %arg3[%add3A_4, %dma_start3A_8, %dma_start3A_9] : memref<2560x2x128xi32, #tpu.memory_space<hbm>> -> memref<1x2x128xi32, #tpu.memory_space<hbm>>
    %dma_start3A_11 = tpu.memref_squeeze %dma_start3A_10 : memref<1x2x128xi32, #tpu.memory_space<hbm>> -> memref<2x128xi32, #tpu.memory_space<hbm>>
    tpu.enqueue_dma source(%dma_start3A_11 : memref<2x128xi32, #tpu.memory_space<hbm>>) target(%arg5 : memref<2x128xi32, #tpu.memory_space<vmem>>) target_semaphore(%arg12 : memref<!tpu.dma_semaphore, #tpu.memory_space<semaphore_mem>>)
    %add3A_12 = arith.constant 1 : i32
    %add3A_13 = arith.addi %mul3A_2, %add3A_12 : i32
    %dma_start3A_14 = arith.constant 0 : i32
    %dma_start3A_15 = arith.constant 0 : i32
    %dma_start3A_16 = tpu.memref_slice %arg3[%add3A_13, %dma_start3A_14, %dma_start3A_15] : memref<2560x2x128xi32, #tpu.memory_space<hbm>> -> memref<1x2x128xi32, #tpu.memory_space<hbm>>
    %dma_start3A_17 = tpu.memref_squeeze %dma_start3A_16 : memref<1x2x128xi32, #tpu.memory_space<hbm>> -> memref<2x128xi32, #tpu.memory_space<hbm>>
    %dma_start3A_18 = arith.constant 0 : i32
    %dma_start3A_19 = arith.constant 0 : i32
    %dma_start3A_20 = tpu.memref_slice %arg3[%add3A_13, %dma_start3A_18, %dma_start3A_19] : memref<2560x2x128xi32, #tpu.memory_space<hbm>> -> memref<1x2x128xi32, #tpu.memory_space<hbm>>
    %dma_start3A_21 = tpu.memref_squeeze %dma_start3A_20 : memref<1x2x128xi32, #tpu.memory_space<hbm>> -> memref<2x128xi32, #tpu.memory_space<hbm>>
    tpu.enqueue_dma source(%dma_start3A_21 : memref<2x128xi32, #tpu.memory_space<hbm>>) target(%arg6 : memref<2x128xi32, #tpu.memory_space<vmem>>) target_semaphore(%arg13 : memref<!tpu.dma_semaphore, #tpu.memory_space<semaphore_mem>>)
    %add3A_22 = arith.constant 2 : i32
    %add3A_23 = arith.addi %mul3A_2, %add3A_22 : i32
    %dma_start3A_24 = arith.constant 0 : i32
    %dma_start3A_25 = arith.constant 0 : i32
    %dma_start3A_26 = tpu.memref_slice %arg3[%add3A_23, %dma_start3A_24, %dma_start3A_25] : memref<2560x2x128xi32, #tpu.memory_space<hbm>> -> memref<1x2x128xi32, #tpu.memory_space<hbm>>
    %dma_start3A_27 = tpu.memref_squeeze %dma_start3A_26 : memref<1x2x128xi32, #tpu.memory_space<hbm>> -> memref<2x128xi32, #tpu.memory_space<hbm>>
    %dma_start3A_28 = arith.constant 0 : i32
    %dma_start3A_29 = arith.constant 0 : i32
    %dma_start3A_30 = tpu.memref_slice %arg3[%add3A_23, %dma_start3A_28, %dma_start3A_29] : memref<2560x2x128xi32, #tpu.memory_space<hbm>> -> memref<1x2x128xi32, #tpu.memory_space<hbm>>
    %dma_start3A_31 = tpu.memref_squeeze %dma_start3A_30 : memref<1x2x128xi32, #tpu.memory_space<hbm>> -> memref<2x128xi32, #tpu.memory_space<hbm>>
    tpu.enqueue_dma source(%dma_start3A_31 : memref<2x128xi32, #tpu.memory_space<hbm>>) target(%arg7 : memref<2x128xi32, #tpu.memory_space<vmem>>) target_semaphore(%arg14 : memref<!tpu.dma_semaphore, #tpu.memory_space<semaphore_mem>>)
    %add3A_32 = arith.constant 3 : i32
    %add3A_33 = arith.addi %mul3A_2, %add3A_32 : i32
    %dma_start3A_34 = arith.constant 0 : i32
    %dma_start3A_35 = arith.constant 0 : i32
    %dma_start3A_36 = tpu.memref_slice %arg3[%add3A_33, %dma_start3A_34, %dma_start3A_35] : memref<2560x2x128xi32, #tpu.memory_space<hbm>> -> memref<1x2x128xi32, #tpu.memory_space<hbm>>
    %dma_start3A_37 = tpu.memref_squeeze %dma_start3A_36 : memref<1x2x128xi32, #tpu.memory_space<hbm>> -> memref<2x128xi32, #tpu.memory_space<hbm>>
    %dma_start3A_38 = arith.constant 0 : i32
    %dma_start3A_39 = arith.constant 0 : i32
    %dma_start3A_40 = tpu.memref_slice %arg3[%add3A_33, %dma_start3A_38, %dma_start3A_39] : memref<2560x2x128xi32, #tpu.memory_space<hbm>> -> memref<1x2x128xi32, #tpu.memory_space<hbm>>
    %dma_start3A_41 = tpu.memref_squeeze %dma_start3A_40 : memref<1x2x128xi32, #tpu.memory_space<hbm>> -> memref<2x128xi32, #tpu.memory_space<hbm>>
    tpu.enqueue_dma source(%dma_start3A_41 : memref<2x128xi32, #tpu.memory_space<hbm>>) target(%arg8 : memref<2x128xi32, #tpu.memory_space<vmem>>) target_semaphore(%arg15 : memref<!tpu.dma_semaphore, #tpu.memory_space<semaphore_mem>>)
    %broadcast_in_dim3A = arith.constant 0.000000e+00 : f32
    %broadcast_in_dim3A_42 = vector.broadcast %broadcast_in_dim3A : f32 to vector<16xf32>
    %scan3A = arith.constant 0 : i32
    %scan3A_43 = arith.constant 0 : i32
    %scan3A_44 = arith.constant 128 : i32
    %scan3A_45 = arith.addi %scan3A_43, %scan3A_44 : i32
    %scan3A_46 = arith.constant 1 : i32
    scf.for %scan3A_161 = %scan3A_43 to %scan3A_45 step %scan3A_46  : i32 {
      %swap3A = arith.index_cast %scan3A_161 : i32 to index
      %swap3A_162 = arith.constant 0 : index
      %swap3A_163 = tpu.vector_load %arg9[%swap3A, %swap3A_162] {strides = array<i32>} : memref<128x128xf32, #tpu.memory_space<vmem>>, vector<1x16xf32>,
      %swap3A_164 = vector.shape_cast %swap3A_163 : vector<1x16xf32> to vector<16xf32>
      %swap3A_165 = vector.shape_cast %broadcast_in_dim3A_42 : vector<16xf32> to vector<1x16xf32>
      tpu.vector_store %arg9[%swap3A, %swap3A_162], %swap3A_165 {strides = array<i32>} : memref<128x128xf32, #tpu.memory_space<vmem>>, vector<1x16xf32>,
      %swap3A_166 = arith.index_cast %scan3A_161 : i32 to index
      %swap3A_167 = arith.constant 16 : index
      %swap3A_168 = tpu.vector_load %arg9[%swap3A_166, %swap3A_167] {strides = array<i32>} : memref<128x128xf32, #tpu.memory_space<vmem>>, vector<1x16xf32>,
      %swap3A_169 = vector.shape_cast %swap3A_168 : vector<1x16xf32> to vector<16xf32>
      %swap3A_170 = vector.shape_cast %broadcast_in_dim3A_42 : vector<16xf32> to vector<1x16xf32>
      tpu.vector_store %arg9[%swap3A_166, %swap3A_167], %swap3A_170 {strides = array<i32>} : memref<128x128xf32, #tpu.memory_space<vmem>>, vector<1x16xf32>,
      %swap3A_171 = arith.index_cast %scan3A_161 : i32 to index
      %swap3A_172 = arith.constant 32 : index
      %swap3A_173 = tpu.vector_load %arg9[%swap3A_171, %swap3A_172] {strides = array<i32>} : memref<128x128xf32, #tpu.memory_space<vmem>>, vector<1x16xf32>,
      %swap3A_174 = vector.shape_cast %swap3A_173 : vector<1x16xf32> to vector<16xf32>
      %swap3A_175 = vector.shape_cast %broadcast_in_dim3A_42 : vector<16xf32> to vector<1x16xf32>
      tpu.vector_store %arg9[%swap3A_171, %swap3A_172], %swap3A_175 {strides = array<i32>} : memref<128x128xf32, #tpu.memory_space<vmem>>, vector<1x16xf32>,
      %swap3A_176 = arith.index_cast %scan3A_161 : i32 to index
      %swap3A_177 = arith.constant 48 : index
      %swap3A_178 = tpu.vector_load %arg9[%swap3A_176, %swap3A_177] {strides = array<i32>} : memref<128x128xf32, #tpu.memory_space<vmem>>, vector<1x16xf32>,
      %swap3A_179 = vector.shape_cast %swap3A_178 : vector<1x16xf32> to vector<16xf32>
      %swap3A_180 = vector.shape_cast %broadcast_in_dim3A_42 : vector<16xf32> to vector<1x16xf32>
      tpu.vector_store %arg9[%swap3A_176, %swap3A_177], %swap3A_180 {strides = array<i32>} : memref<128x128xf32, #tpu.memory_space<vmem>>, vector<1x16xf32>,
      %swap3A_181 = arith.index_cast %scan3A_161 : i32 to index
      %swap3A_182 = arith.constant 64 : index
      %swap3A_183 = tpu.vector_load %arg9[%swap3A_181, %swap3A_182] {strides = array<i32>} : memref<128x128xf32, #tpu.memory_space<vmem>>, vector<1x16xf32>,
      %swap3A_184 = vector.shape_cast %swap3A_183 : vector<1x16xf32> to vector<16xf32>
      %swap3A_185 = vector.shape_cast %broadcast_in_dim3A_42 : vector<16xf32> to vector<1x16xf32>
      tpu.vector_store %arg9[%swap3A_181, %swap3A_182], %swap3A_185 {strides = array<i32>} : memref<128x128xf32, #tpu.memory_space<vmem>>, vector<1x16xf32>,
      %swap3A_186 = arith.index_cast %scan3A_161 : i32 to index
      %swap3A_187 = arith.constant 80 : index
      %swap3A_188 = tpu.vector_load %arg9[%swap3A_186, %swap3A_187] {strides = array<i32>} : memref<128x128xf32, #tpu.memory_space<vmem>>, vector<1x16xf32>,
      %swap3A_189 = vector.shape_cast %swap3A_188 : vector<1x16xf32> to vector<16xf32>
      %swap3A_190 = vector.shape_cast %broadcast_in_dim3A_42 : vector<16xf32> to vector<1x16xf32>
      tpu.vector_store %arg9[%swap3A_186, %swap3A_187], %swap3A_190 {strides = array<i32>} : memref<128x128xf32, #tpu.memory_space<vmem>>, vector<1x16xf32>,
      %swap3A_191 = arith.index_cast %scan3A_161 : i32 to index
      %swap3A_192 = arith.constant 96 : index
      %swap3A_193 = tpu.vector_load %arg9[%swap3A_191, %swap3A_192] {strides = array<i32>} : memref<128x128xf32, #tpu.memory_space<vmem>>, vector<1x16xf32>,
      %swap3A_194 = vector.shape_cast %swap3A_193 : vector<1x16xf32> to vector<16xf32>
      %swap3A_195 = vector.shape_cast %broadcast_in_dim3A_42 : vector<16xf32> to vector<1x16xf32>
      tpu.vector_store %arg9[%swap3A_191, %swap3A_192], %swap3A_195 {strides = array<i32>} : memref<128x128xf32, #tpu.memory_space<vmem>>, vector<1x16xf32>,
      %swap3A_196 = arith.index_cast %scan3A_161 : i32 to index
      %swap3A_197 = arith.constant 112 : index
      %swap3A_198 = tpu.vector_load %arg9[%swap3A_196, %swap3A_197] {strides = array<i32>} : memref<128x128xf32, #tpu.memory_space<vmem>>, vector<1x16xf32>,
      %swap3A_199 = vector.shape_cast %swap3A_198 : vector<1x16xf32> to vector<16xf32>
      %swap3A_200 = vector.shape_cast %broadcast_in_dim3A_42 : vector<16xf32> to vector<1x16xf32>
      tpu.vector_store %arg9[%swap3A_196, %swap3A_197], %swap3A_200 {strides = array<i32>} : memref<128x128xf32, #tpu.memory_space<vmem>>, vector<1x16xf32>,
    }
    %scan3A_47 = arith.constant 128 : i32
    %mul3A_48 = arith.constant 640 : i32
    %mul3A_49 = arith.muli %arg1, %mul3A_48 : i32
    %scan3A_50 = arith.constant 0 : i32
    %scan3A_51 = arith.constant 0 : i32
    %scan3A_52 = arith.constant 5 : i32
    %scan3A_53 = arith.addi %scan3A_51, %scan3A_52 : i32
    %scan3A_54 = arith.constant 1 : i32
    scf.for %scan3A_161 = %scan3A_51 to %scan3A_53 step %scan3A_54  : i32 {
      %mul3A_162 = arith.constant 128 : i32
      %mul3A_163 = arith.muli %scan3A_161, %mul3A_162 : i32
      %add3A_164 = arith.addi %mul3A_49, %mul3A_163 : i32
      "tpu.region"() ({
        %run_scoped3A_165 = tpu.sem_alloc : memref<!tpu.dma_semaphore, #tpu.memory_space<semaphore_mem>>
        %dma_start3A_166 = arith.constant 0 : i32
        %dma_start3A_167 = tpu.memref_slice %arg11[%add3A_164, %dma_start3A_166] : memref<10240x128xf32, #tpu.memory_space<vmem_shared>> -> memref<128x128xf32, #tpu.memory_space<vmem_shared>>
        %dma_start3A_168 = arith.constant 0 : i32
        %dma_start3A_169 = tpu.memref_slice %arg11[%add3A_164, %dma_start3A_168] : memref<10240x128xf32, #tpu.memory_space<vmem_shared>> -> memref<128x128xf32, #tpu.memory_space<vmem_shared>>
        tpu.enqueue_dma source(%arg9 : memref<128x128xf32, #tpu.memory_space<vmem>>) target(%dma_start3A_169 : memref<128x128xf32, #tpu.memory_space<vmem_shared>>) target_semaphore(%run_scoped3A_165 : memref<!tpu.dma_semaphore, #tpu.memory_space<semaphore_mem>>)
        %dma_wait3A_170 = arith.constant 0 : i32
        %dma_wait3A_171 = tpu.memref_slice %arg11[%add3A_164, %dma_wait3A_170] : memref<10240x128xf32, #tpu.memory_space<vmem_shared>> -> memref<128x128xf32, #tpu.memory_space<vmem_shared>>
        %dma_wait3A_172 = arith.constant 0 : i32
        %dma_wait3A_173 = tpu.memref_slice %arg11[%add3A_164, %dma_wait3A_172] : memref<10240x128xf32, #tpu.memory_space<vmem_shared>> -> memref<128x128xf32, #tpu.memory_space<vmem_shared>>
        tpu.wait_dma2 semaphore(%run_scoped3A_165 : memref<!tpu.dma_semaphore, #tpu.memory_space<semaphore_mem>>) src(%arg9 : memref<128x128xf32, #tpu.memory_space<vmem>>) dst(%dma_wait3A_173 : memref<128x128xf32, #tpu.memory_space<vmem_shared>>)
        tpu.yield
      }) : () -> ()
    }
    %scan3A_55 = arith.constant 5 : i32
    %add3A_56 = arith.constant 0 : i32
    %add3A_57 = arith.addi %mul3A_2, %add3A_56 : i32
    %dma_wait3A = arith.constant 0 : i32
    %dma_wait3A_58 = arith.constant 0 : i32
    %dma_wait3A_59 = tpu.memref_slice %arg3[%add3A_57, %dma_wait3A, %dma_wait3A_58] : memref<2560x2x128xi32, #tpu.memory_space<hbm>> -> memref<1x2x128xi32, #tpu.memory_space<hbm>>
    %dma_wait3A_60 = tpu.memref_squeeze %dma_wait3A_59 : memref<1x2x128xi32, #tpu.memory_space<hbm>> -> memref<2x128xi32, #tpu.memory_space<hbm>>
    %dma_wait3A_61 = arith.constant 0 : i32
    %dma_wait3A_62 = arith.constant 0 : i32
    %dma_wait3A_63 = tpu.memref_slice %arg3[%add3A_57, %dma_wait3A_61, %dma_wait3A_62] : memref<2560x2x128xi32, #tpu.memory_space<hbm>> -> memref<1x2x128xi32, #tpu.memory_space<hbm>>
    %dma_wait3A_64 = tpu.memref_squeeze %dma_wait3A_63 : memref<1x2x128xi32, #tpu.memory_space<hbm>> -> memref<2x128xi32, #tpu.memory_space<hbm>>
    tpu.wait_dma2 semaphore(%arg12 : memref<!tpu.dma_semaphore, #tpu.memory_space<semaphore_mem>>) src(%dma_wait3A_64 : memref<2x128xi32, #tpu.memory_space<hbm>>) dst(%arg5 : memref<2x128xi32, #tpu.memory_space<vmem>>)
    %dma_start3A_65 = arith.constant 0 : i32
    %dma_start3A_66 = arith.constant 0 : i32
    %dma_start3A_67 = tpu.memref_slice %arg5[%dma_start3A_65, %dma_start3A_66] : memref<2x128xi32, #tpu.memory_space<vmem>> -> memref<1x128xi32, #tpu.memory_space<vmem>>
    %dma_start3A_68 = tpu.memref_squeeze %dma_start3A_67 : memref<1x128xi32, #tpu.memory_space<vmem>> -> memref<128xi32, #tpu.memory_space<vmem>>
    %dma_start3A_69 = arith.constant 0 : i32
    %dma_start3A_70 = arith.constant 0 : i32
    %dma_start3A_71 = tpu.memref_slice %arg2[%dma_start3A_69, %dma_start3A_70] : memref<10000x128xf32, #tpu.memory_space<hbm>> -> memref<10000x128xf32, #tpu.memory_space<hbm>>
    tpu.enqueue_indirect_dma source(%dma_start3A_71 : memref<10000x128xf32, #tpu.memory_space<hbm>>) target(%arg9 : memref<128x128xf32, #tpu.memory_space<vmem>>) offsets(%dma_start3A_68 : memref<128xi32, #tpu.memory_space<vmem>>) semaphore(%arg16 : memref<!tpu.dma_semaphore, #tpu.memory_space<semaphore_mem>>)
    %barrier3A = arith.constant 0 : index
    tpu.barrier barrier_id(%barrier3A)
    %scan3A_72 = arith.constant 0 : i32
    %scan3A_73 = arith.constant 0 : i32
    %scan3A_74 = arith.constant 19 : i32
    %scan3A_75 = arith.addi %scan3A_73, %scan3A_74 : i32
    %scan3A_76 = arith.constant 1 : i32
    scf.for %scan3A_161 = %scan3A_73 to %scan3A_75 step %scan3A_76  : i32 {
      %mul3A_162 = arith.constant 4 : i32
      %mul3A_163 = arith.muli %scan3A_161, %mul3A_162 : i32
      %dma_wait3A_164 = arith.constant 0 : i32
      %dma_wait3A_165 = arith.constant 0 : i32
      %dma_wait3A_166 = tpu.memref_slice %arg5[%dma_wait3A_164, %dma_wait3A_165] : memref<2x128xi32, #tpu.memory_space<vmem>> -> memref<1x128xi32, #tpu.memory_space<vmem>>
      %dma_wait3A_167 = tpu.memref_squeeze %dma_wait3A_166 : memref<1x128xi32, #tpu.memory_space<vmem>> -> memref<128xi32, #tpu.memory_space<vmem>>
      %dma_wait3A_168 = arith.constant 0 : i32
      %dma_wait3A_169 = arith.constant 0 : i32
      %dma_wait3A_170 = tpu.memref_slice %arg2[%dma_wait3A_168, %dma_wait3A_169] : memref<10000x128xf32, #tpu.memory_space<hbm>> -> memref<10000x128xf32, #tpu.memory_space<hbm>>
      tpu.wait_indirect_dma semaphore(%arg16 : memref<!tpu.dma_semaphore, #tpu.memory_space<semaphore_mem>>) src(%dma_wait3A_170 : memref<10000x128xf32, #tpu.memory_space<hbm>>) dst(%arg9 : memref<128x128xf32, #tpu.memory_space<vmem>>)
      %add3A_171 = arith.constant 1 : i32
      %add3A_172 = arith.addi %mul3A_163, %add3A_171 : i32
      %add3A_173 = arith.addi %mul3A_2, %add3A_172 : i32
      %dma_wait3A_174 = arith.constant 0 : i32
      %dma_wait3A_175 = arith.constant 0 : i32
      %dma_wait3A_176 = tpu.memref_slice %arg3[%add3A_173, %dma_wait3A_174, %dma_wait3A_175] : memref<2560x2x128xi32, #tpu.memory_space<hbm>> -> memref<1x2x128xi32, #tpu.memory_space<hbm>>
      %dma_wait3A_177 = tpu.memref_squeeze %dma_wait3A_176 : memref<1x2x128xi32, #tpu.memory_space<hbm>> -> memref<2x128xi32, #tpu.memory_space<hbm>>
      %dma_wait3A_178 = arith.constant 0 : i32
      %dma_wait3A_179 = arith.constant 0 : i32
      %dma_wait3A_180 = tpu.memref_slice %arg3[%add3A_173, %dma_wait3A_178, %dma_wait3A_179] : memref<2560x2x128xi32, #tpu.memory_space<hbm>> -> memref<1x2x128xi32, #tpu.memory_space<hbm>>
      %dma_wait3A_181 = tpu.memref_squeeze %dma_wait3A_180 : memref<1x2x128xi32, #tpu.memory_space<hbm>> -> memref<2x128xi32, #tpu.memory_space<hbm>>
      tpu.wait_dma2 semaphore(%arg13 : memref<!tpu.dma_semaphore, #tpu.memory_space<semaphore_mem>>) src(%dma_wait3A_181 : memref<2x128xi32, #tpu.memory_space<hbm>>) dst(%arg6 : memref<2x128xi32, #tpu.memory_space<vmem>>)
      %dma_start3A_182 = arith.constant 0 : i32
      %dma_start3A_183 = arith.constant 0 : i32
      %dma_start3A_184 = tpu.memref_slice %arg6[%dma_start3A_182, %dma_start3A_183] : memref<2x128xi32, #tpu.memory_space<vmem>> -> memref<1x128xi32, #tpu.memory_space<vmem>>
      %dma_start3A_185 = tpu.memref_squeeze %dma_start3A_184 : memref<1x128xi32, #tpu.memory_space<vmem>> -> memref<128xi32, #tpu.memory_space<vmem>>
      %dma_start3A_186 = arith.constant 0 : i32
      %dma_start3A_187 = arith.constant 0 : i32
      %dma_start3A_188 = tpu.memref_slice %arg2[%dma_start3A_186, %dma_start3A_187] : memref<10000x128xf32, #tpu.memory_space<hbm>> -> memref<10000x128xf32, #tpu.memory_space<hbm>>
      tpu.enqueue_indirect_dma source(%dma_start3A_188 : memref<10000x128xf32, #tpu.memory_space<hbm>>) target(%arg10 : memref<128x128xf32, #tpu.memory_space<vmem>>) offsets(%dma_start3A_185 : memref<128xi32, #tpu.memory_space<vmem>>) semaphore(%arg17 : memref<!tpu.dma_semaphore, #tpu.memory_space<semaphore_mem>>)
      %run_scoped3A_189 = arith.constant 1 : i32
      "tpu.region"() ({
        %run_scoped3A_318 = tpu.sem_alloc : memref<!tpu.dma_semaphore, #tpu.memory_space<semaphore_mem>>
        %dma_start3A_319 = arith.constant 0 : i32
        %dma_start3A_320 = tpu.memref_slice %arg5[%run_scoped3A_189, %dma_start3A_319] : memref<2x128xi32, #tpu.memory_space<vmem>> -> memref<1x128xi32, #tpu.memory_space<vmem>>
        %dma_start3A_321 = tpu.memref_squeeze %dma_start3A_320 : memref<1x128xi32, #tpu.memory_space<vmem>> -> memref<128xi32, #tpu.memory_space<vmem>>
        %dma_start3A_322 = arith.constant 0 : i32
        %dma_start3A_323 = arith.constant 0 : i32
        %dma_start3A_324 = tpu.memref_slice %arg11[%dma_start3A_322, %dma_start3A_323] : memref<10240x128xf32, #tpu.memory_space<vmem_shared>> -> memref<10240x128xf32, #tpu.memory_space<vmem_shared>>
        tpu.enqueue_indirect_dma source(%arg9 : memref<128x128xf32, #tpu.memory_space<vmem>>) target(%dma_start3A_324 : memref<10240x128xf32, #tpu.memory_space<vmem_shared>>) offsets(%dma_start3A_321 : memref<128xi32, #tpu.memory_space<vmem>>) semaphore(%run_scoped3A_318 : memref<!tpu.dma_semaphore, #tpu.memory_space<semaphore_mem>>) {add = true}
        %dma_wait3A_325 = arith.constant 0 : i32
        %dma_wait3A_326 = tpu.memref_slice %arg5[%run_scoped3A_189, %dma_wait3A_325] : memref<2x128xi32, #tpu.memory_space<vmem>> -> memref<1x128xi32, #tpu.memory_space<vmem>>
        %dma_wait3A_327 = tpu.memref_squeeze %dma_wait3A_326 : memref<1x128xi32, #tpu.memory_space<vmem>> -> memref<128xi32, #tpu.memory_space<vmem>>
        %dma_wait3A_328 = arith.constant 0 : i32
        %dma_wait3A_329 = arith.constant 0 : i32
        %dma_wait3A_330 = tpu.memref_slice %arg11[%dma_wait3A_328, %dma_wait3A_329] : memref<10240x128xf32, #tpu.memory_space<vmem_shared>> -> memref<10240x128xf32, #tpu.memory_space<vmem_shared>>
        tpu.wait_indirect_dma semaphore(%run_scoped3A_318 : memref<!tpu.dma_semaphore, #tpu.memory_space<semaphore_mem>>) src(%arg9 : memref<128x128xf32, #tpu.memory_space<vmem>>) dst(%dma_wait3A_330 : memref<10240x128xf32, #tpu.memory_space<vmem_shared>>)
        tpu.yield
      }) : () -> ()
      %add3A_190 = arith.constant 4 : i32
      %add3A_191 = arith.addi %mul3A_163, %add3A_190 : i32
      %add3A_192 = arith.addi %mul3A_2, %add3A_191 : i32
      %dma_start3A_193 = arith.constant 0 : i32
      %dma_start3A_194 = arith.constant 0 : i32
      %dma_start3A_195 = tpu.memref_slice %arg3[%add3A_192, %dma_start3A_193, %dma_start3A_194] : memref<2560x2x128xi32, #tpu.memory_space<hbm>> -> memref<1x2x128xi32, #tpu.memory_space<hbm>>
      %dma_start3A_196 = tpu.memref_squeeze %dma_start3A_195 : memref<1x2x128xi32, #tpu.memory_space<hbm>> -> memref<2x128xi32, #tpu.memory_space<hbm>>
      %dma_start3A_197 = arith.constant 0 : i32
      %dma_start3A_198 = arith.constant 0 : i32
      %dma_start3A_199 = tpu.memref_slice %arg3[%add3A_192, %dma_start3A_197, %dma_start3A_198] : memref<2560x2x128xi32, #tpu.memory_space<hbm>> -> memref<1x2x128xi32, #tpu.memory_space<hbm>>
      %dma_start3A_200 = tpu.memref_squeeze %dma_start3A_199 : memref<1x2x128xi32, #tpu.memory_space<hbm>> -> memref<2x128xi32, #tpu.memory_space<hbm>>
      tpu.enqueue_dma source(%dma_start3A_200 : memref<2x128xi32, #tpu.memory_space<hbm>>) target(%arg5 : memref<2x128xi32, #tpu.memory_space<vmem>>) target_semaphore(%arg12 : memref<!tpu.dma_semaphore, #tpu.memory_space<semaphore_mem>>)
      %add3A_201 = arith.constant 1 : i32
      %add3A_202 = arith.addi %mul3A_163, %add3A_201 : i32
      %dma_wait3A_203 = arith.constant 0 : i32
      %dma_wait3A_204 = arith.constant 0 : i32
      %dma_wait3A_205 = tpu.memref_slice %arg6[%dma_wait3A_203, %dma_wait3A_204] : memref<2x128xi32, #tpu.memory_space<vmem>> -> memref<1x128xi32, #tpu.memory_space<vmem>>
      %dma_wait3A_206 = tpu.memref_squeeze %dma_wait3A_205 : memref<1x128xi32, #tpu.memory_space<vmem>> -> memref<128xi32, #tpu.memory_space<vmem>>
      %dma_wait3A_207 = arith.constant 0 : i32
      %dma_wait3A_208 = arith.constant 0 : i32
      %dma_wait3A_209 = tpu.memref_slice %arg2[%dma_wait3A_207, %dma_wait3A_208] : memref<10000x128xf32, #tpu.memory_space<hbm>> -> memref<10000x128xf32, #tpu.memory_space<hbm>>
      tpu.wait_indirect_dma semaphore(%arg17 : memref<!tpu.dma_semaphore, #tpu.memory_space<semaphore_mem>>) src(%dma_wait3A_209 : memref<10000x128xf32, #tpu.memory_space<hbm>>) dst(%arg10 : memref<128x128xf32, #tpu.memory_space<vmem>>)
      %add3A_210 = arith.constant 1 : i32
      %add3A_211 = arith.addi %add3A_202, %add3A_210 : i32
      %add3A_212 = arith.addi %mul3A_2, %add3A_211 : i32
      %dma_wait3A_213 = arith.constant 0 : i32
      %dma_wait3A_214 = arith.constant 0 : i32
      %dma_wait3A_215 = tpu.memref_slice %arg3[%add3A_212, %dma_wait3A_213, %dma_wait3A_214] : memref<2560x2x128xi32, #tpu.memory_space<hbm>> -> memref<1x2x128xi32, #tpu.memory_space<hbm>>
      %dma_wait3A_216 = tpu.memref_squeeze %dma_wait3A_215 : memref<1x2x128xi32, #tpu.memory_space<hbm>> -> memref<2x128xi32, #tpu.memory_space<hbm>>
      %dma_wait3A_217 = arith.constant 0 : i32
      %dma_wait3A_218 = arith.constant 0 : i32
      %dma_wait3A_219 = tpu.memref_slice %arg3[%add3A_212, %dma_wait3A_217, %dma_wait3A_218] : memref<2560x2x128xi32, #tpu.memory_space<hbm>> -> memref<1x2x128xi32, #tpu.memory_space<hbm>>
      %dma_wait3A_220 = tpu.memref_squeeze %dma_wait3A_219 : memref<1x2x128xi32, #tpu.memory_space<hbm>> -> memref<2x128xi32, #tpu.memory_space<hbm>>
      tpu.wait_dma2 semaphore(%arg14 : memref<!tpu.dma_semaphore, #tpu.memory_space<semaphore_mem>>) src(%dma_wait3A_220 : memref<2x128xi32, #tpu.memory_space<hbm>>) dst(%arg7 : memref<2x128xi32, #tpu.memory_space<vmem>>)
      %dma_start3A_221 = arith.constant 0 : i32
      %dma_start3A_222 = arith.constant 0 : i32
      %dma_start3A_223 = tpu.memref_slice %arg7[%dma_start3A_221, %dma_start3A_222] : memref<2x128xi32, #tpu.memory_space<vmem>> -> memref<1x128xi32, #tpu.memory_space<vmem>>
      %dma_start3A_224 = tpu.memref_squeeze %dma_start3A_223 : memref<1x128xi32, #tpu.memory_space<vmem>> -> memref<128xi32, #tpu.memory_space<vmem>>
      %dma_start3A_225 = arith.constant 0 : i32
      %dma_start3A_226 = arith.constant 0 : i32
      %dma_start3A_227 = tpu.memref_slice %arg2[%dma_start3A_225, %dma_start3A_226] : memref<10000x128xf32, #tpu.memory_space<hbm>> -> memref<10000x128xf32, #tpu.memory_space<hbm>>
      tpu.enqueue_indirect_dma source(%dma_start3A_227 : memref<10000x128xf32, #tpu.memory_space<hbm>>) target(%arg9 : memref<128x128xf32, #tpu.memory_space<vmem>>) offsets(%dma_start3A_224 : memref<128xi32, #tpu.memory_space<vmem>>) semaphore(%arg16 : memref<!tpu.dma_semaphore, #tpu.memory_space<semaphore_mem>>)
      %run_scoped3A_228 = arith.constant 1 : i32
      "tpu.region"() ({
        %run_scoped3A_318 = tpu.sem_alloc : memref<!tpu.dma_semaphore, #tpu.memory_space<semaphore_mem>>
        %dma_start3A_319 = arith.constant 0 : i32
        %dma_start3A_320 = tpu.memref_slice %arg6[%run_scoped3A_228, %dma_start3A_319] : memref<2x128xi32, #tpu.memory_space<vmem>> -> memref<1x128xi32, #tpu.memory_space<vmem>>
        %dma_start3A_321 = tpu.memref_squeeze %dma_start3A_320 : memref<1x128xi32, #tpu.memory_space<vmem>> -> memref<128xi32, #tpu.memory_space<vmem>>
        %dma_start3A_322 = arith.constant 0 : i32
        %dma_start3A_323 = arith.constant 0 : i32
        %dma_start3A_324 = tpu.memref_slice %arg11[%dma_start3A_322, %dma_start3A_323] : memref<10240x128xf32, #tpu.memory_space<vmem_shared>> -> memref<10240x128xf32, #tpu.memory_space<vmem_shared>>
        tpu.enqueue_indirect_dma source(%arg10 : memref<128x128xf32, #tpu.memory_space<vmem>>) target(%dma_start3A_324 : memref<10240x128xf32, #tpu.memory_space<vmem_shared>>) offsets(%dma_start3A_321 : memref<128xi32, #tpu.memory_space<vmem>>) semaphore(%run_scoped3A_318 : memref<!tpu.dma_semaphore, #tpu.memory_space<semaphore_mem>>) {add = true}
        %dma_wait3A_325 = arith.constant 0 : i32
        %dma_wait3A_326 = tpu.memref_slice %arg6[%run_scoped3A_228, %dma_wait3A_325] : memref<2x128xi32, #tpu.memory_space<vmem>> -> memref<1x128xi32, #tpu.memory_space<vmem>>
        %dma_wait3A_327 = tpu.memref_squeeze %dma_wait3A_326 : memref<1x128xi32, #tpu.memory_space<vmem>> -> memref<128xi32, #tpu.memory_space<vmem>>
        %dma_wait3A_328 = arith.constant 0 : i32
        %dma_wait3A_329 = arith.constant 0 : i32
        %dma_wait3A_330 = tpu.memref_slice %arg11[%dma_wait3A_328, %dma_wait3A_329] : memref<10240x128xf32, #tpu.memory_space<vmem_shared>> -> memref<10240x128xf32, #tpu.memory_space<vmem_shared>>
        tpu.wait_indirect_dma semaphore(%run_scoped3A_318 : memref<!tpu.dma_semaphore, #tpu.memory_space<semaphore_mem>>) src(%arg10 : memref<128x128xf32, #tpu.memory_space<vmem>>) dst(%dma_wait3A_330 : memref<10240x128xf32, #tpu.memory_space<vmem_shared>>)
        tpu.yield
      }) : () -> ()
      %add3A_229 = arith.constant 4 : i32
      %add3A_230 = arith.addi %add3A_202, %add3A_229 : i32
      %add3A_231 = arith.addi %mul3A_2, %add3A_230 : i32
      %dma_start3A_232 = arith.constant 0 : i32
      %dma_start3A_233 = arith.constant 0 : i32
      %dma_start3A_234 = tpu.memref_slice %arg3[%add3A_231, %dma_start3A_232, %dma_start3A_233] : memref<2560x2x128xi32, #tpu.memory_space<hbm>> -> memref<1x2x128xi32, #tpu.memory_space<hbm>>
      %dma_start3A_235 = tpu.memref_squeeze %dma_start3A_234 : memref<1x2x128xi32, #tpu.memory_space<hbm>> -> memref<2x128xi32, #tpu.memory_space<hbm>>
      %dma_start3A_236 = arith.constant 0 : i32
      %dma_start3A_237 = arith.constant 0 : i32
      %dma_start3A_238 = tpu.memref_slice %arg3[%add3A_231, %dma_start3A_236, %dma_start3A_237] : memref<2560x2x128xi32, #tpu.memory_space<hbm>> -> memref<1x2x128xi32, #tpu.memory_space<hbm>>
      %dma_start3A_239 = tpu.memref_squeeze %dma_start3A_238 : memref<1x2x128xi32, #tpu.memory_space<hbm>> -> memref<2x128xi32, #tpu.memory_space<hbm>>
      tpu.enqueue_dma source(%dma_start3A_239 : memref<2x128xi32, #tpu.memory_space<hbm>>) target(%arg6 : memref<2x128xi32, #tpu.memory_space<vmem>>) target_semaphore(%arg13 : memref<!tpu.dma_semaphore, #tpu.memory_space<semaphore_mem>>)
      %add3A_240 = arith.constant 2 : i32
      %add3A_241 = arith.addi %mul3A_163, %add3A_240 : i32
      %dma_wait3A_242 = arith.constant 0 : i32
      %dma_wait3A_243 = arith.constant 0 : i32
      %dma_wait3A_244 = tpu.memref_slice %arg7[%dma_wait3A_242, %dma_wait3A_243] : memref<2x128xi32, #tpu.memory_space<vmem>> -> memref<1x128xi32, #tpu.memory_space<vmem>>
      %dma_wait3A_245 = tpu.memref_squeeze %dma_wait3A_244 : memref<1x128xi32, #tpu.memory_space<vmem>> -> memref<128xi32, #tpu.memory_space<vmem>>
      %dma_wait3A_246 = arith.constant 0 : i32
      %dma_wait3A_247 = arith.constant 0 : i32
      %dma_wait3A_248 = tpu.memref_slice %arg2[%dma_wait3A_246, %dma_wait3A_247] : memref<10000x128xf32, #tpu.memory_space<hbm>> -> memref<10000x128xf32, #tpu.memory_space<hbm>>
      tpu.wait_indirect_dma semaphore(%arg16 : memref<!tpu.dma_semaphore, #tpu.memory_space<semaphore_mem>>) src(%dma_wait3A_248 : memref<10000x128xf32, #tpu.memory_space<hbm>>) dst(%arg9 : memref<128x128xf32, #tpu.memory_space<vmem>>)
      %add3A_249 = arith.constant 1 : i32
      %add3A_250 = arith.addi %add3A_241, %add3A_249 : i32
      %add3A_251 = arith.addi %mul3A_2, %add3A_250 : i32
      %dma_wait3A_252 = arith.constant 0 : i32
      %dma_wait3A_253 = arith.constant 0 : i32
      %dma_wait3A_254 = tpu.memref_slice %arg3[%add3A_251, %dma_wait3A_252, %dma_wait3A_253] : memref<2560x2x128xi32, #tpu.memory_space<hbm>> -> memref<1x2x128xi32, #tpu.memory_space<hbm>>
      %dma_wait3A_255 = tpu.memref_squeeze %dma_wait3A_254 : memref<1x2x128xi32, #tpu.memory_space<hbm>> -> memref<2x128xi32, #tpu.memory_space<hbm>>
      %dma_wait3A_256 = arith.constant 0 : i32
      %dma_wait3A_257 = arith.constant 0 : i32
      %dma_wait3A_258 = tpu.memref_slice %arg3[%add3A_251, %dma_wait3A_256, %dma_wait3A_257] : memref<2560x2x128xi32, #tpu.memory_space<hbm>> -> memref<1x2x128xi32, #tpu.memory_space<hbm>>
      %dma_wait3A_259 = tpu.memref_squeeze %dma_wait3A_258 : memref<1x2x128xi32, #tpu.memory_space<hbm>> -> memref<2x128xi32, #tpu.memory_space<hbm>>
      tpu.wait_dma2 semaphore(%arg15 : memref<!tpu.dma_semaphore, #tpu.memory_space<semaphore_mem>>) src(%dma_wait3A_259 : memref<2x128xi32, #tpu.memory_space<hbm>>) dst(%arg8 : memref<2x128xi32, #tpu.memory_space<vmem>>)
      %dma_start3A_260 = arith.constant 0 : i32
      %dma_start3A_261 = arith.constant 0 : i32
      %dma_start3A_262 = tpu.memref_slice %arg8[%dma_start3A_260, %dma_start3A_261] : memref<2x128xi32, #tpu.memory_space<vmem>> -> memref<1x128xi32, #tpu.memory_space<vmem>>
      %dma_start3A_263 = tpu.memref_squeeze %dma_start3A_262 : memref<1x128xi32, #tpu.memory_space<vmem>> -> memref<128xi32, #tpu.memory_space<vmem>>
      %dma_start3A_264 = arith.constant 0 : i32
      %dma_start3A_265 = arith.constant 0 : i32
      %dma_start3A_266 = tpu.memref_slice %arg2[%dma_start3A_264, %dma_start3A_265] : memref<10000x128xf32, #tpu.memory_space<hbm>> -> memref<10000x128xf32, #tpu.memory_space<hbm>>
      tpu.enqueue_indirect_dma source(%dma_start3A_266 : memref<10000x128xf32, #tpu.memory_space<hbm>>) target(%arg10 : memref<128x128xf32, #tpu.memory_space<vmem>>) offsets(%dma_start3A_263 : memref<128xi32, #tpu.memory_space<vmem>>) semaphore(%arg17 : memref<!tpu.dma_semaphore, #tpu.memory_space<semaphore_mem>>)
      %run_scoped3A_267 = arith.constant 1 : i32
      "tpu.region"() ({
        %run_scoped3A_318 = tpu.sem_alloc : memref<!tpu.dma_semaphore, #tpu.memory_space<semaphore_mem>>
        %dma_start3A_319 = arith.constant 0 : i32
        %dma_start3A_320 = tpu.memref_slice %arg7[%run_scoped3A_267, %dma_start3A_319] : memref<2x128xi32, #tpu.memory_space<vmem>> -> memref<1x128xi32, #tpu.memory_space<vmem>>
        %dma_start3A_321 = tpu.memref_squeeze %dma_start3A_320 : memref<1x128xi32, #tpu.memory_space<vmem>> -> memref<128xi32, #tpu.memory_space<vmem>>
        %dma_start3A_322 = arith.constant 0 : i32
        %dma_start3A_323 = arith.constant 0 : i32
        %dma_start3A_324 = tpu.memref_slice %arg11[%dma_start3A_322, %dma_start3A_323] : memref<10240x128xf32, #tpu.memory_space<vmem_shared>> -> memref<10240x128xf32, #tpu.memory_space<vmem_shared>>
        tpu.enqueue_indirect_dma source(%arg9 : memref<128x128xf32, #tpu.memory_space<vmem>>) target(%dma_start3A_324 : memref<10240x128xf32, #tpu.memory_space<vmem_shared>>) offsets(%dma_start3A_321 : memref<128xi32, #tpu.memory_space<vmem>>) semaphore(%run_scoped3A_318 : memref<!tpu.dma_semaphore, #tpu.memory_space<semaphore_mem>>) {add = true}
        %dma_wait3A_325 = arith.constant 0 : i32
        %dma_wait3A_326 = tpu.memref_slice %arg7[%run_scoped3A_267, %dma_wait3A_325] : memref<2x128xi32, #tpu.memory_space<vmem>> -> memref<1x128xi32, #tpu.memory_space<vmem>>
        %dma_wait3A_327 = tpu.memref_squeeze %dma_wait3A_326 : memref<1x128xi32, #tpu.memory_space<vmem>> -> memref<128xi32, #tpu.memory_space<vmem>>
        %dma_wait3A_328 = arith.constant 0 : i32
        %dma_wait3A_329 = arith.constant 0 : i32
        %dma_wait3A_330 = tpu.memref_slice %arg11[%dma_wait3A_328, %dma_wait3A_329] : memref<10240x128xf32, #tpu.memory_space<vmem_shared>> -> memref<10240x128xf32, #tpu.memory_space<vmem_shared>>
        tpu.wait_indirect_dma semaphore(%run_scoped3A_318 : memref<!tpu.dma_semaphore, #tpu.memory_space<semaphore_mem>>) src(%arg9 : memref<128x128xf32, #tpu.memory_space<vmem>>) dst(%dma_wait3A_330 : memref<10240x128xf32, #tpu.memory_space<vmem_shared>>)
        tpu.yield
      }) : () -> ()
      %add3A_268 = arith.constant 4 : i32
      %add3A_269 = arith.addi %add3A_241, %add3A_268 : i32
      %add3A_270 = arith.addi %mul3A_2, %add3A_269 : i32
      %dma_start3A_271 = arith.constant 0 : i32
      %dma_start3A_272 = arith.constant 0 : i32
      %dma_start3A_273 = tpu.memref_slice %arg3[%add3A_270, %dma_start3A_271, %dma_start3A_272] : memref<2560x2x128xi32, #tpu.memory_space<hbm>> -> memref<1x2x128xi32, #tpu.memory_space<hbm>>
      %dma_start3A_274 = tpu.memref_squeeze %dma_start3A_273 : memref<1x2x128xi32, #tpu.memory_space<hbm>> -> memref<2x128xi32, #tpu.memory_space<hbm>>
      %dma_start3A_275 = arith.constant 0 : i32
      %dma_start3A_276 = arith.constant 0 : i32
      %dma_start3A_277 = tpu.memref_slice %arg3[%add3A_270, %dma_start3A_275, %dma_start3A_276] : memref<2560x2x128xi32, #tpu.memory_space<hbm>> -> memref<1x2x128xi32, #tpu.memory_space<hbm>>
      %dma_start3A_278 = tpu.memref_squeeze %dma_start3A_277 : memref<1x2x128xi32, #tpu.memory_space<hbm>> -> memref<2x128xi32, #tpu.memory_space<hbm>>
      tpu.enqueue_dma source(%dma_start3A_278 : memref<2x128xi32, #tpu.memory_space<hbm>>) target(%arg7 : memref<2x128xi32, #tpu.memory_space<vmem>>) target_semaphore(%arg14 : memref<!tpu.dma_semaphore, #tpu.memory_space<semaphore_mem>>)
      %add3A_279 = arith.constant 3 : i32
      %add3A_280 = arith.addi %mul3A_163, %add3A_279 : i32
      %dma_wait3A_281 = arith.constant 0 : i32
      %dma_wait3A_282 = arith.constant 0 : i32
      %dma_wait3A_283 = tpu.memref_slice %arg8[%dma_wait3A_281, %dma_wait3A_282] : memref<2x128xi32, #tpu.memory_space<vmem>> -> memref<1x128xi32, #tpu.memory_space<vmem>>
      %dma_wait3A_284 = tpu.memref_squeeze %dma_wait3A_283 : memref<1x128xi32, #tpu.memory_space<vmem>> -> memref<128xi32, #tpu.memory_space<vmem>>
      %dma_wait3A_285 = arith.constant 0 : i32
      %dma_wait3A_286 = arith.constant 0 : i32
      %dma_wait3A_287 = tpu.memref_slice %arg2[%dma_wait3A_285, %dma_wait3A_286] : memref<10000x128xf32, #tpu.memory_space<hbm>> -> memref<10000x128xf32, #tpu.memory_space<hbm>>
      tpu.wait_indirect_dma semaphore(%arg17 : memref<!tpu.dma_semaphore, #tpu.memory_space<semaphore_mem>>) src(%dma_wait3A_287 : memref<10000x128xf32, #tpu.memory_space<hbm>>) dst(%arg10 : memref<128x128xf32, #tpu.memory_space<vmem>>)
      %add3A_288 = arith.constant 1 : i32
      %add3A_289 = arith.addi %add3A_280, %add3A_288 : i32
      %add3A_290 = arith.addi %mul3A_2, %add3A_289 : i32
      %dma_wait3A_291 = arith.constant 0 : i32
      %dma_wait3A_292 = arith.constant 0 : i32
      %dma_wait3A_293 = tpu.memref_slice %arg3[%add3A_290, %dma_wait3A_291, %dma_wait3A_292] : memref<2560x2x128xi32, #tpu.memory_space<hbm>> -> memref<1x2x128xi32, #tpu.memory_space<hbm>>
      %dma_wait3A_294 = tpu.memref_squeeze %dma_wait3A_293 : memref<1x2x128xi32, #tpu.memory_space<hbm>> -> memref<2x128xi32, #tpu.memory_space<hbm>>
      %dma_wait3A_295 = arith.constant 0 : i32
      %dma_wait3A_296 = arith.constant 0 : i32
      %dma_wait3A_297 = tpu.memref_slice %arg3[%add3A_290, %dma_wait3A_295, %dma_wait3A_296] : memref<2560x2x128xi32, #tpu.memory_space<hbm>> -> memref<1x2x128xi32, #tpu.memory_space<hbm>>
      %dma_wait3A_298 = tpu.memref_squeeze %dma_wait3A_297 : memref<1x2x128xi32, #tpu.memory_space<hbm>> -> memref<2x128xi32, #tpu.memory_space<hbm>>
      tpu.wait_dma2 semaphore(%arg12 : memref<!tpu.dma_semaphore, #tpu.memory_space<semaphore_mem>>) src(%dma_wait3A_298 : memref<2x128xi32, #tpu.memory_space<hbm>>) dst(%arg5 : memref<2x128xi32, #tpu.memory_space<vmem>>)
      %dma_start3A_299 = arith.constant 0 : i32
      %dma_start3A_300 = arith.constant 0 : i32
      %dma_start3A_301 = tpu.memref_slice %arg5[%dma_start3A_299, %dma_start3A_300] : memref<2x128xi32, #tpu.memory_space<vmem>> -> memref<1x128xi32, #tpu.memory_space<vmem>>
      %dma_start3A_302 = tpu.memref_squeeze %dma_start3A_301 : memref<1x128xi32, #tpu.memory_space<vmem>> -> memref<128xi32, #tpu.memory_space<vmem>>
      %dma_start3A_303 = arith.constant 0 : i32
      %dma_start3A_304 = arith.constant 0 : i32
      %dma_start3A_305 = tpu.memref_slice %arg2[%dma_start3A_303, %dma_start3A_304] : memref<10000x128xf32, #tpu.memory_space<hbm>> -> memref<10000x128xf32, #tpu.memory_space<hbm>>
      tpu.enqueue_indirect_dma source(%dma_start3A_305 : memref<10000x128xf32, #tpu.memory_space<hbm>>) target(%arg9 : memref<128x128xf32, #tpu.memory_space<vmem>>) offsets(%dma_start3A_302 : memref<128xi32, #tpu.memory_space<vmem>>) semaphore(%arg16 : memref<!tpu.dma_semaphore, #tpu.memory_space<semaphore_mem>>)
      %run_scoped3A_306 = arith.constant 1 : i32
      "tpu.region"() ({
        %run_scoped3A_318 = tpu.sem_alloc : memref<!tpu.dma_semaphore, #tpu.memory_space<semaphore_mem>>
        %dma_start3A_319 = arith.constant 0 : i32
        %dma_start3A_320 = tpu.memref_slice %arg8[%run_scoped3A_306, %dma_start3A_319] : memref<2x128xi32, #tpu.memory_space<vmem>> -> memref<1x128xi32, #tpu.memory_space<vmem>>
        %dma_start3A_321 = tpu.memref_squeeze %dma_start3A_320 : memref<1x128xi32, #tpu.memory_space<vmem>> -> memref<128xi32, #tpu.memory_space<vmem>>
        %dma_start3A_322 = arith.constant 0 : i32
        %dma_start3A_323 = arith.constant 0 : i32
        %dma_start3A_324 = tpu.memref_slice %arg11[%dma_start3A_322, %dma_start3A_323] : memref<10240x128xf32, #tpu.memory_space<vmem_shared>> -> memref<10240x128xf32, #tpu.memory_space<vmem_shared>>
        tpu.enqueue_indirect_dma source(%arg10 : memref<128x128xf32, #tpu.memory_space<vmem>>) target(%dma_start3A_324 : memref<10240x128xf32, #tpu.memory_space<vmem_shared>>) offsets(%dma_start3A_321 : memref<128xi32, #tpu.memory_space<vmem>>) semaphore(%run_scoped3A_318 : memref<!tpu.dma_semaphore, #tpu.memory_space<semaphore_mem>>) {add = true}
        %dma_wait3A_325 = arith.constant 0 : i32
        %dma_wait3A_326 = tpu.memref_slice %arg8[%run_scoped3A_306, %dma_wait3A_325] : memref<2x128xi32, #tpu.memory_space<vmem>> -> memref<1x128xi32, #tpu.memory_space<vmem>>
        %dma_wait3A_327 = tpu.memref_squeeze %dma_wait3A_326 : memref<1x128xi32, #tpu.memory_space<vmem>> -> memref<128xi32, #tpu.memory_space<vmem>>
        %dma_wait3A_328 = arith.constant 0 : i32
        %dma_wait3A_329 = arith.constant 0 : i32
        %dma_wait3A_330 = tpu.memref_slice %arg11[%dma_wait3A_328, %dma_wait3A_329] : memref<10240x128xf32, #tpu.memory_space<vmem_shared>> -> memref<10240x128xf32, #tpu.memory_space<vmem_shared>>
        tpu.wait_indirect_dma semaphore(%run_scoped3A_318 : memref<!tpu.dma_semaphore, #tpu.memory_space<semaphore_mem>>) src(%arg10 : memref<128x128xf32, #tpu.memory_space<vmem>>) dst(%dma_wait3A_330 : memref<10240x128xf32, #tpu.memory_space<vmem_shared>>)
        tpu.yield
      }) : () -> ()
      %add3A_307 = arith.constant 4 : i32
      %add3A_308 = arith.addi %add3A_280, %add3A_307 : i32
      %add3A_309 = arith.addi %mul3A_2, %add3A_308 : i32
      %dma_start3A_310 = arith.constant 0 : i32
      %dma_start3A_311 = arith.constant 0 : i32
      %dma_start3A_312 = tpu.memref_slice %arg3[%add3A_309, %dma_start3A_310, %dma_start3A_311] : memref<2560x2x128xi32, #tpu.memory_space<hbm>> -> memref<1x2x128xi32, #tpu.memory_space<hbm>>
      %dma_start3A_313 = tpu.memref_squeeze %dma_start3A_312 : memref<1x2x128xi32, #tpu.memory_space<hbm>> -> memref<2x128xi32, #tpu.memory_space<hbm>>
      %dma_start3A_314 = arith.constant 0 : i32
      %dma_start3A_315 = arith.constant 0 : i32
      %dma_start3A_316 = tpu.memref_slice %arg3[%add3A_309, %dma_start3A_314, %dma_start3A_315] : memref<2560x2x128xi32, #tpu.memory_space<hbm>> -> memref<1x2x128xi32, #tpu.memory_space<hbm>>
      %dma_start3A_317 = tpu.memref_squeeze %dma_start3A_316 : memref<1x2x128xi32, #tpu.memory_space<hbm>> -> memref<2x128xi32, #tpu.memory_space<hbm>>
      tpu.enqueue_dma source(%dma_start3A_317 : memref<2x128xi32, #tpu.memory_space<hbm>>) target(%arg8 : memref<2x128xi32, #tpu.memory_space<vmem>>) target_semaphore(%arg15 : memref<!tpu.dma_semaphore, #tpu.memory_space<semaphore_mem>>)
    }
    %scan3A_77 = arith.constant 19 : i32
    %dma_wait3A_78 = arith.constant 0 : i32
    %dma_wait3A_79 = arith.constant 0 : i32
    %dma_wait3A_80 = tpu.memref_slice %arg5[%dma_wait3A_78, %dma_wait3A_79] : memref<2x128xi32, #tpu.memory_space<vmem>> -> memref<1x128xi32, #tpu.memory_space<vmem>>
    %dma_wait3A_81 = tpu.memref_squeeze %dma_wait3A_80 : memref<1x128xi32, #tpu.memory_space<vmem>> -> memref<128xi32, #tpu.memory_space<vmem>>
    %dma_wait3A_82 = arith.constant 0 : i32
    %dma_wait3A_83 = arith.constant 0 : i32
    %dma_wait3A_84 = tpu.memref_slice %arg2[%dma_wait3A_82, %dma_wait3A_83] : memref<10000x128xf32, #tpu.memory_space<hbm>> -> memref<10000x128xf32, #tpu.memory_space<hbm>>
    tpu.wait_indirect_dma semaphore(%arg16 : memref<!tpu.dma_semaphore, #tpu.memory_space<semaphore_mem>>) src(%dma_wait3A_84 : memref<10000x128xf32, #tpu.memory_space<hbm>>) dst(%arg9 : memref<128x128xf32, #tpu.memory_space<vmem>>)
    %add3A_85 = arith.constant 77 : i32
    %add3A_86 = arith.addi %mul3A_2, %add3A_85 : i32
    %dma_wait3A_87 = arith.constant 0 : i32
    %dma_wait3A_88 = arith.constant 0 : i32
    %dma_wait3A_89 = tpu.memref_slice %arg3[%add3A_86, %dma_wait3A_87, %dma_wait3A_88] : memref<2560x2x128xi32, #tpu.memory_space<hbm>> -> memref<1x2x128xi32, #tpu.memory_space<hbm>>
    %dma_wait3A_90 = tpu.memref_squeeze %dma_wait3A_89 : memref<1x2x128xi32, #tpu.memory_space<hbm>> -> memref<2x128xi32, #tpu.memory_space<hbm>>
    %dma_wait3A_91 = arith.constant 0 : i32
    %dma_wait3A_92 = arith.constant 0 : i32
    %dma_wait3A_93 = tpu.memref_slice %arg3[%add3A_86, %dma_wait3A_91, %dma_wait3A_92] : memref<2560x2x128xi32, #tpu.memory_space<hbm>> -> memref<1x2x128xi32, #tpu.memory_space<hbm>>
    %dma_wait3A_94 = tpu.memref_squeeze %dma_wait3A_93 : memref<1x2x128xi32, #tpu.memory_space<hbm>> -> memref<2x128xi32, #tpu.memory_space<hbm>>
    tpu.wait_dma2 semaphore(%arg13 : memref<!tpu.dma_semaphore, #tpu.memory_space<semaphore_mem>>) src(%dma_wait3A_94 : memref<2x128xi32, #tpu.memory_space<hbm>>) dst(%arg6 : memref<2x128xi32, #tpu.memory_space<vmem>>)
    %dma_start3A_95 = arith.constant 0 : i32
    %dma_start3A_96 = arith.constant 0 : i32
    %dma_start3A_97 = tpu.memref_slice %arg6[%dma_start3A_95, %dma_start3A_96] : memref<2x128xi32, #tpu.memory_space<vmem>> -> memref<1x128xi32, #tpu.memory_space<vmem>>
    %dma_start3A_98 = tpu.memref_squeeze %dma_start3A_97 : memref<1x128xi32, #tpu.memory_space<vmem>> -> memref<128xi32, #tpu.memory_space<vmem>>
    %dma_start3A_99 = arith.constant 0 : i32
    %dma_start3A_100 = arith.constant 0 : i32
    %dma_start3A_101 = tpu.memref_slice %arg2[%dma_start3A_99, %dma_start3A_100] : memref<10000x128xf32, #tpu.memory_space<hbm>> -> memref<10000x128xf32, #tpu.memory_space<hbm>>
    tpu.enqueue_indirect_dma source(%dma_start3A_101 : memref<10000x128xf32, #tpu.memory_space<hbm>>) target(%arg10 : memref<128x128xf32, #tpu.memory_space<vmem>>) offsets(%dma_start3A_98 : memref<128xi32, #tpu.memory_space<vmem>>) semaphore(%arg17 : memref<!tpu.dma_semaphore, #tpu.memory_space<semaphore_mem>>)
    %run_scoped3A = arith.constant 1 : i32
    "tpu.region"() ({
      %run_scoped3A_161 = tpu.sem_alloc : memref<!tpu.dma_semaphore, #tpu.memory_space<semaphore_mem>>
      %dma_start3A_162 = arith.constant 0 : i32
      %dma_start3A_163 = tpu.memref_slice %arg5[%run_scoped3A, %dma_start3A_162] : memref<2x128xi32, #tpu.memory_space<vmem>> -> memref<1x128xi32, #tpu.memory_space<vmem>>
      %dma_start3A_164 = tpu.memref_squeeze %dma_start3A_163 : memref<1x128xi32, #tpu.memory_space<vmem>> -> memref<128xi32, #tpu.memory_space<vmem>>
      %dma_start3A_165 = arith.constant 0 : i32
      %dma_start3A_166 = arith.constant 0 : i32
      %dma_start3A_167 = tpu.memref_slice %arg11[%dma_start3A_165, %dma_start3A_166] : memref<10240x128xf32, #tpu.memory_space<vmem_shared>> -> memref<10240x128xf32, #tpu.memory_space<vmem_shared>>
      tpu.enqueue_indirect_dma source(%arg9 : memref<128x128xf32, #tpu.memory_space<vmem>>) target(%dma_start3A_167 : memref<10240x128xf32, #tpu.memory_space<vmem_shared>>) offsets(%dma_start3A_164 : memref<128xi32, #tpu.memory_space<vmem>>) semaphore(%run_scoped3A_161 : memref<!tpu.dma_semaphore, #tpu.memory_space<semaphore_mem>>) {add = true}
      %dma_wait3A_168 = arith.constant 0 : i32
      %dma_wait3A_169 = tpu.memref_slice %arg5[%run_scoped3A, %dma_wait3A_168] : memref<2x128xi32, #tpu.memory_space<vmem>> -> memref<1x128xi32, #tpu.memory_space<vmem>>
      %dma_wait3A_170 = tpu.memref_squeeze %dma_wait3A_169 : memref<1x128xi32, #tpu.memory_space<vmem>> -> memref<128xi32, #tpu.memory_space<vmem>>
      %dma_wait3A_171 = arith.constant 0 : i32
      %dma_wait3A_172 = arith.constant 0 : i32
      %dma_wait3A_173 = tpu.memref_slice %arg11[%dma_wait3A_171, %dma_wait3A_172] : memref<10240x128xf32, #tpu.memory_space<vmem_shared>> -> memref<10240x128xf32, #tpu.memory_space<vmem_shared>>
      tpu.wait_indirect_dma semaphore(%run_scoped3A_161 : memref<!tpu.dma_semaphore, #tpu.memory_space<semaphore_mem>>) src(%arg9 : memref<128x128xf32, #tpu.memory_space<vmem>>) dst(%dma_wait3A_173 : memref<10240x128xf32, #tpu.memory_space<vmem_shared>>)
      tpu.yield
    }) : () -> ()
    %dma_wait3A_102 = arith.constant 0 : i32
    %dma_wait3A_103 = arith.constant 0 : i32
    %dma_wait3A_104 = tpu.memref_slice %arg6[%dma_wait3A_102, %dma_wait3A_103] : memref<2x128xi32, #tpu.memory_space<vmem>> -> memref<1x128xi32, #tpu.memory_space<vmem>>
    %dma_wait3A_105 = tpu.memref_squeeze %dma_wait3A_104 : memref<1x128xi32, #tpu.memory_space<vmem>> -> memref<128xi32, #tpu.memory_space<vmem>>
    %dma_wait3A_106 = arith.constant 0 : i32
    %dma_wait3A_107 = arith.constant 0 : i32
    %dma_wait3A_108 = tpu.memref_slice %arg2[%dma_wait3A_106, %dma_wait3A_107] : memref<10000x128xf32, #tpu.memory_space<hbm>> -> memref<10000x128xf32, #tpu.memory_space<hbm>>
    tpu.wait_indirect_dma semaphore(%arg17 : memref<!tpu.dma_semaphore, #tpu.memory_space<semaphore_mem>>) src(%dma_wait3A_108 : memref<10000x128xf32, #tpu.memory_space<hbm>>) dst(%arg10 : memref<128x128xf32, #tpu.memory_space<vmem>>)
    %add3A_109 = arith.constant 78 : i32
    %add3A_110 = arith.addi %mul3A_2, %add3A_109 : i32
    %dma_wait3A_111 = arith.constant 0 : i32
    %dma_wait3A_112 = arith.constant 0 : i32
    %dma_wait3A_113 = tpu.memref_slice %arg3[%add3A_110, %dma_wait3A_111, %dma_wait3A_112] : memref<2560x2x128xi32, #tpu.memory_space<hbm>> -> memref<1x2x128xi32, #tpu.memory_space<hbm>>
    %dma_wait3A_114 = tpu.memref_squeeze %dma_wait3A_113 : memref<1x2x128xi32, #tpu.memory_space<hbm>> -> memref<2x128xi32, #tpu.memory_space<hbm>>
    %dma_wait3A_115 = arith.constant 0 : i32
    %dma_wait3A_116 = arith.constant 0 : i32
    %dma_wait3A_117 = tpu.memref_slice %arg3[%add3A_110, %dma_wait3A_115, %dma_wait3A_116] : memref<2560x2x128xi32, #tpu.memory_space<hbm>> -> memref<1x2x128xi32, #tpu.memory_space<hbm>>
    %dma_wait3A_118 = tpu.memref_squeeze %dma_wait3A_117 : memref<1x2x128xi32, #tpu.memory_space<hbm>> -> memref<2x128xi32, #tpu.memory_space<hbm>>
    tpu.wait_dma2 semaphore(%arg14 : memref<!tpu.dma_semaphore, #tpu.memory_space<semaphore_mem>>) src(%dma_wait3A_118 : memref<2x128xi32, #tpu.memory_space<hbm>>) dst(%arg7 : memref<2x128xi32, #tpu.memory_space<vmem>>)
    %dma_start3A_119 = arith.constant 0 : i32
    %dma_start3A_120 = arith.constant 0 : i32
    %dma_start3A_121 = tpu.memref_slice %arg7[%dma_start3A_119, %dma_start3A_120] : memref<2x128xi32, #tpu.memory_space<vmem>> -> memref<1x128xi32, #tpu.memory_space<vmem>>
    %dma_start3A_122 = tpu.memref_squeeze %dma_start3A_121 : memref<1x128xi32, #tpu.memory_space<vmem>> -> memref<128xi32, #tpu.memory_space<vmem>>
    %dma_start3A_123 = arith.constant 0 : i32
    %dma_start3A_124 = arith.constant 0 : i32
    %dma_start3A_125 = tpu.memref_slice %arg2[%dma_start3A_123, %dma_start3A_124] : memref<10000x128xf32, #tpu.memory_space<hbm>> -> memref<10000x128xf32, #tpu.memory_space<hbm>>
    tpu.enqueue_indirect_dma source(%dma_start3A_125 : memref<10000x128xf32, #tpu.memory_space<hbm>>) target(%arg9 : memref<128x128xf32, #tpu.memory_space<vmem>>) offsets(%dma_start3A_122 : memref<128xi32, #tpu.memory_space<vmem>>) semaphore(%arg16 : memref<!tpu.dma_semaphore, #tpu.memory_space<semaphore_mem>>)
    %run_scoped3A_126 = arith.constant 1 : i32
    "tpu.region"() ({
      %run_scoped3A_161 = tpu.sem_alloc : memref<!tpu.dma_semaphore, #tpu.memory_space<semaphore_mem>>
      %dma_start3A_162 = arith.constant 0 : i32
      %dma_start3A_163 = tpu.memref_slice %arg6[%run_scoped3A_126, %dma_start3A_162] : memref<2x128xi32, #tpu.memory_space<vmem>> -> memref<1x128xi32, #tpu.memory_space<vmem>>
      %dma_start3A_164 = tpu.memref_squeeze %dma_start3A_163 : memref<1x128xi32, #tpu.memory_space<vmem>> -> memref<128xi32, #tpu.memory_space<vmem>>
      %dma_start3A_165 = arith.constant 0 : i32
      %dma_start3A_166 = arith.constant 0 : i32
      %dma_start3A_167 = tpu.memref_slice %arg11[%dma_start3A_165, %dma_start3A_166] : memref<10240x128xf32, #tpu.memory_space<vmem_shared>> -> memref<10240x128xf32, #tpu.memory_space<vmem_shared>>
      tpu.enqueue_indirect_dma source(%arg10 : memref<128x128xf32, #tpu.memory_space<vmem>>) target(%dma_start3A_167 : memref<10240x128xf32, #tpu.memory_space<vmem_shared>>) offsets(%dma_start3A_164 : memref<128xi32, #tpu.memory_space<vmem>>) semaphore(%run_scoped3A_161 : memref<!tpu.dma_semaphore, #tpu.memory_space<semaphore_mem>>) {add = true}
      %dma_wait3A_168 = arith.constant 0 : i32
      %dma_wait3A_169 = tpu.memref_slice %arg6[%run_scoped3A_126, %dma_wait3A_168] : memref<2x128xi32, #tpu.memory_space<vmem>> -> memref<1x128xi32, #tpu.memory_space<vmem>>
      %dma_wait3A_170 = tpu.memref_squeeze %dma_wait3A_169 : memref<1x128xi32, #tpu.memory_space<vmem>> -> memref<128xi32, #tpu.memory_space<vmem>>
      %dma_wait3A_171 = arith.constant 0 : i32
      %dma_wait3A_172 = arith.constant 0 : i32
      %dma_wait3A_173 = tpu.memref_slice %arg11[%dma_wait3A_171, %dma_wait3A_172] : memref<10240x128xf32, #tpu.memory_space<vmem_shared>> -> memref<10240x128xf32, #tpu.memory_space<vmem_shared>>
      tpu.wait_indirect_dma semaphore(%run_scoped3A_161 : memref<!tpu.dma_semaphore, #tpu.memory_space<semaphore_mem>>) src(%arg10 : memref<128x128xf32, #tpu.memory_space<vmem>>) dst(%dma_wait3A_173 : memref<10240x128xf32, #tpu.memory_space<vmem_shared>>)
      tpu.yield
    }) : () -> ()
    %dma_wait3A_127 = arith.constant 0 : i32
    %dma_wait3A_128 = arith.constant 0 : i32
    %dma_wait3A_129 = tpu.memref_slice %arg7[%dma_wait3A_127, %dma_wait3A_128] : memref<2x128xi32, #tpu.memory_space<vmem>> -> memref<1x128xi32, #tpu.memory_space<vmem>>
    %dma_wait3A_130 = tpu.memref_squeeze %dma_wait3A_129 : memref<1x128xi32, #tpu.memory_space<vmem>> -> memref<128xi32, #tpu.memory_space<vmem>>
    %dma_wait3A_131 = arith.constant 0 : i32
    %dma_wait3A_132 = arith.constant 0 : i32
    %dma_wait3A_133 = tpu.memref_slice %arg2[%dma_wait3A_131, %dma_wait3A_132] : memref<10000x128xf32, #tpu.memory_space<hbm>> -> memref<10000x128xf32, #tpu.memory_space<hbm>>
    tpu.wait_indirect_dma semaphore(%arg16 : memref<!tpu.dma_semaphore, #tpu.memory_space<semaphore_mem>>) src(%dma_wait3A_133 : memref<10000x128xf32, #tpu.memory_space<hbm>>) dst(%arg9 : memref<128x128xf32, #tpu.memory_space<vmem>>)
    %add3A_134 = arith.constant 79 : i32
    %add3A_135 = arith.addi %mul3A_2, %add3A_134 : i32
    %dma_wait3A_136 = arith.constant 0 : i32
    %dma_wait3A_137 = arith.constant 0 : i32
    %dma_wait3A_138 = tpu.memref_slice %arg3[%add3A_135, %dma_wait3A_136, %dma_wait3A_137] : memref<2560x2x128xi32, #tpu.memory_space<hbm>> -> memref<1x2x128xi32, #tpu.memory_space<hbm>>
    %dma_wait3A_139 = tpu.memref_squeeze %dma_wait3A_138 : memref<1x2x128xi32, #tpu.memory_space<hbm>> -> memref<2x128xi32, #tpu.memory_space<hbm>>
    %dma_wait3A_140 = arith.constant 0 : i32
    %dma_wait3A_141 = arith.constant 0 : i32
    %dma_wait3A_142 = tpu.memref_slice %arg3[%add3A_135, %dma_wait3A_140, %dma_wait3A_141] : memref<2560x2x128xi32, #tpu.memory_space<hbm>> -> memref<1x2x128xi32, #tpu.memory_space<hbm>>
    %dma_wait3A_143 = tpu.memref_squeeze %dma_wait3A_142 : memref<1x2x128xi32, #tpu.memory_space<hbm>> -> memref<2x128xi32, #tpu.memory_space<hbm>>
    tpu.wait_dma2 semaphore(%arg15 : memref<!tpu.dma_semaphore, #tpu.memory_space<semaphore_mem>>) src(%dma_wait3A_143 : memref<2x128xi32, #tpu.memory_space<hbm>>) dst(%arg8 : memref<2x128xi32, #tpu.memory_space<vmem>>)
    %dma_start3A_144 = arith.constant 0 : i32
    %dma_start3A_145 = arith.constant 0 : i32
    %dma_start3A_146 = tpu.memref_slice %arg8[%dma_start3A_144, %dma_start3A_145] : memref<2x128xi32, #tpu.memory_space<vmem>> -> memref<1x128xi32, #tpu.memory_space<vmem>>
    %dma_start3A_147 = tpu.memref_squeeze %dma_start3A_146 : memref<1x128xi32, #tpu.memory_space<vmem>> -> memref<128xi32, #tpu.memory_space<vmem>>
    %dma_start3A_148 = arith.constant 0 : i32
    %dma_start3A_149 = arith.constant 0 : i32
    %dma_start3A_150 = tpu.memref_slice %arg2[%dma_start3A_148, %dma_start3A_149] : memref<10000x128xf32, #tpu.memory_space<hbm>> -> memref<10000x128xf32, #tpu.memory_space<hbm>>
    tpu.enqueue_indirect_dma source(%dma_start3A_150 : memref<10000x128xf32, #tpu.memory_space<hbm>>) target(%arg10 : memref<128x128xf32, #tpu.memory_space<vmem>>) offsets(%dma_start3A_147 : memref<128xi32, #tpu.memory_space<vmem>>) semaphore(%arg17 : memref<!tpu.dma_semaphore, #tpu.memory_space<semaphore_mem>>)
    %run_scoped3A_151 = arith.constant 1 : i32
    "tpu.region"() ({
      %run_scoped3A_161 = tpu.sem_alloc : memref<!tpu.dma_semaphore, #tpu.memory_space<semaphore_mem>>
      %dma_start3A_162 = arith.constant 0 : i32
      %dma_start3A_163 = tpu.memref_slice %arg7[%run_scoped3A_151, %dma_start3A_162] : memref<2x128xi32, #tpu.memory_space<vmem>> -> memref<1x128xi32, #tpu.memory_space<vmem>>
      %dma_start3A_164 = tpu.memref_squeeze %dma_start3A_163 : memref<1x128xi32, #tpu.memory_space<vmem>> -> memref<128xi32, #tpu.memory_space<vmem>>
      %dma_start3A_165 = arith.constant 0 : i32
      %dma_start3A_166 = arith.constant 0 : i32
      %dma_start3A_167 = tpu.memref_slice %arg11[%dma_start3A_165, %dma_start3A_166] : memref<10240x128xf32, #tpu.memory_space<vmem_shared>> -> memref<10240x128xf32, #tpu.memory_space<vmem_shared>>
      tpu.enqueue_indirect_dma source(%arg9 : memref<128x128xf32, #tpu.memory_space<vmem>>) target(%dma_start3A_167 : memref<10240x128xf32, #tpu.memory_space<vmem_shared>>) offsets(%dma_start3A_164 : memref<128xi32, #tpu.memory_space<vmem>>) semaphore(%run_scoped3A_161 : memref<!tpu.dma_semaphore, #tpu.memory_space<semaphore_mem>>) {add = true}
      %dma_wait3A_168 = arith.constant 0 : i32
      %dma_wait3A_169 = tpu.memref_slice %arg7[%run_scoped3A_151, %dma_wait3A_168] : memref<2x128xi32, #tpu.memory_space<vmem>> -> memref<1x128xi32, #tpu.memory_space<vmem>>
      %dma_wait3A_170 = tpu.memref_squeeze %dma_wait3A_169 : memref<1x128xi32, #tpu.memory_space<vmem>> -> memref<128xi32, #tpu.memory_space<vmem>>
      %dma_wait3A_171 = arith.constant 0 : i32
      %dma_wait3A_172 = arith.constant 0 : i32
      %dma_wait3A_173 = tpu.memref_slice %arg11[%dma_wait3A_171, %dma_wait3A_172] : memref<10240x128xf32, #tpu.memory_space<vmem_shared>> -> memref<10240x128xf32, #tpu.memory_space<vmem_shared>>
      tpu.wait_indirect_dma semaphore(%run_scoped3A_161 : memref<!tpu.dma_semaphore, #tpu.memory_space<semaphore_mem>>) src(%arg9 : memref<128x128xf32, #tpu.memory_space<vmem>>) dst(%dma_wait3A_173 : memref<10240x128xf32, #tpu.memory_space<vmem_shared>>)
      tpu.yield
    }) : () -> ()
    %dma_wait3A_152 = arith.constant 0 : i32
    %dma_wait3A_153 = arith.constant 0 : i32
    %dma_wait3A_154 = tpu.memref_slice %arg8[%dma_wait3A_152, %dma_wait3A_153] : memref<2x128xi32, #tpu.memory_space<vmem>> -> memref<1x128xi32, #tpu.memory_space<vmem>>
    %dma_wait3A_155 = tpu.memref_squeeze %dma_wait3A_154 : memref<1x128xi32, #tpu.memory_space<vmem>> -> memref<128xi32, #tpu.memory_space<vmem>>
    %dma_wait3A_156 = arith.constant 0 : i32
    %dma_wait3A_157 = arith.constant 0 : i32
    %dma_wait3A_158 = tpu.memref_slice %arg2[%dma_wait3A_156, %dma_wait3A_157] : memref<10000x128xf32, #tpu.memory_space<hbm>> -> memref<10000x128xf32, #tpu.memory_space<hbm>>
    tpu.wait_indirect_dma semaphore(%arg17 : memref<!tpu.dma_semaphore, #tpu.memory_space<semaphore_mem>>) src(%dma_wait3A_158 : memref<10000x128xf32, #tpu.memory_space<hbm>>) dst(%arg10 : memref<128x128xf32, #tpu.memory_space<vmem>>)
    %run_scoped3A_159 = arith.constant 1 : i32
    "tpu.region"() ({
      %run_scoped3A_161 = tpu.sem_alloc : memref<!tpu.dma_semaphore, #tpu.memory_space<semaphore_mem>>
      %dma_start3A_162 = arith.constant 0 : i32
      %dma_start3A_163 = tpu.memref_slice %arg8[%run_scoped3A_159, %dma_start3A_162] : memref<2x128xi32, #tpu.memory_space<vmem>> -> memref<1x128xi32, #tpu.memory_space<vmem>>
      %dma_start3A_164 = tpu.memref_squeeze %dma_start3A_163 : memref<1x128xi32, #tpu.memory_space<vmem>> -> memref<128xi32, #tpu.memory_space<vmem>>
      %dma_start3A_165 = arith.constant 0 : i32
      %dma_start3A_166 = arith.constant 0 : i32
      %dma_start3A_167 = tpu.memref_slice %arg11[%dma_start3A_165, %dma_start3A_166] : memref<10240x128xf32, #tpu.memory_space<vmem_shared>> -> memref<10240x128xf32, #tpu.memory_space<vmem_shared>>
      tpu.enqueue_indirect_dma source(%arg10 : memref<128x128xf32, #tpu.memory_space<vmem>>) target(%dma_start3A_167 : memref<10240x128xf32, #tpu.memory_space<vmem_shared>>) offsets(%dma_start3A_164 : memref<128xi32, #tpu.memory_space<vmem>>) semaphore(%run_scoped3A_161 : memref<!tpu.dma_semaphore, #tpu.memory_space<semaphore_mem>>) {add = true}
      %dma_wait3A_168 = arith.constant 0 : i32
      %dma_wait3A_169 = tpu.memref_slice %arg8[%run_scoped3A_159, %dma_wait3A_168] : memref<2x128xi32, #tpu.memory_space<vmem>> -> memref<1x128xi32, #tpu.memory_space<vmem>>
      %dma_wait3A_170 = tpu.memref_squeeze %dma_wait3A_169 : memref<1x128xi32, #tpu.memory_space<vmem>> -> memref<128xi32, #tpu.memory_space<vmem>>
      %dma_wait3A_171 = arith.constant 0 : i32
      %dma_wait3A_172 = arith.constant 0 : i32
      %dma_wait3A_173 = tpu.memref_slice %arg11[%dma_wait3A_171, %dma_wait3A_172] : memref<10240x128xf32, #tpu.memory_space<vmem_shared>> -> memref<10240x128xf32, #tpu.memory_space<vmem_shared>>
      tpu.wait_indirect_dma semaphore(%run_scoped3A_161 : memref<!tpu.dma_semaphore, #tpu.memory_space<semaphore_mem>>) src(%arg10 : memref<128x128xf32, #tpu.memory_space<vmem>>) dst(%dma_wait3A_173 : memref<10240x128xf32, #tpu.memory_space<vmem_shared>>)
      tpu.yield
    }) : () -> ()
    %barrier3A_160 = arith.constant 0 : index
    tpu.barrier barrier_id(%barrier3A_160)
    "tpu.region"() ({
      %run_scoped3A_161 = tpu.sem_alloc : memref<!tpu.dma_semaphore, #tpu.memory_space<semaphore_mem>>
      %dma_start3A_162 = arith.constant 0 : i32
      %dma_start3A_163 = tpu.memref_slice %arg4[%arg0, %mul3A_49, %dma_start3A_162] : memref<2x10240x128xf32, #tpu.memory_space<hbm>> -> memref<1x640x128xf32, #tpu.memory_space<hbm>>
      %dma_start3A_164 = tpu.memref_squeeze %dma_start3A_163 : memref<1x640x128xf32, #tpu.memory_space<hbm>> -> memref<640x128xf32, #tpu.memory_space<hbm>>
      %dma_start3A_165 = arith.constant 0 : i32
      %dma_start3A_166 = tpu.memref_slice %arg11[%mul3A_49, %dma_start3A_165] : memref<10240x128xf32, #tpu.memory_space<vmem_shared>> -> memref<640x128xf32, #tpu.memory_space<vmem_shared>>
      tpu.enqueue_dma source(%dma_start3A_166 : memref<640x128xf32, #tpu.memory_space<vmem_shared>>) target(%dma_start3A_164 : memref<640x128xf32, #tpu.memory_space<hbm>>) target_semaphore(%run_scoped3A_161 : memref<!tpu.dma_semaphore, #tpu.memory_space<semaphore_mem>>)
      %dma_wait3A_167 = arith.constant 0 : i32
      %dma_wait3A_168 = tpu.memref_slice %arg4[%arg0, %mul3A_49, %dma_wait3A_167] : memref<2x10240x128xf32, #tpu.memory_space<hbm>> -> memref<1x640x128xf32, #tpu.memory_space<hbm>>
      %dma_wait3A_169 = tpu.memref_squeeze %dma_wait3A_168 : memref<1x640x128xf32, #tpu.memory_space<hbm>> -> memref<640x128xf32, #tpu.memory_space<hbm>>
      %dma_wait3A_170 = arith.constant 0 : i32
      %dma_wait3A_171 = tpu.memref_slice %arg11[%mul3A_49, %dma_wait3A_170] : memref<10240x128xf32, #tpu.memory_space<vmem_shared>> -> memref<640x128xf32, #tpu.memory_space<vmem_shared>>
      tpu.wait_dma2 semaphore(%run_scoped3A_161 : memref<!tpu.dma_semaphore, #tpu.memory_space<semaphore_mem>>) src(%dma_wait3A_171 : memref<640x128xf32, #tpu.memory_space<vmem_shared>>) dst(%dma_wait3A_169 : memref<640x128xf32, #tpu.memory_space<hbm>>)
      tpu.yield
    }) : () -> ()
    return
  }
}

#map = affine_map<(d0, d1) -> (0, 0)>
#map1 = affine_map<(d0, d1) -> (0)>
module attributes {stable_mosaic.version = 14 : i64} {
  func.func @deg(%arg0: i32, %arg1: i32, %arg2: memref<2560x128xi32, #tpu.memory_space<hbm>>, %arg3: memref<32768xf32, #tpu.memory_space<hbm>>, %arg4: memref<80x128xi32, #tpu.memory_space<vmem>>, %arg5: memref<128xf32, #tpu.memory_space<vmem>>, %arg6: memref<1024xf32, #tpu.memory_space<vmem>>, %arg7: memref<16384xf32, #tpu.memory_space<vmem_shared>>, %arg8: memref<!tpu.dma_semaphore, #tpu.memory_space<semaphore_mem>>) attributes {dimension_semantics = [#tpu.dimension_semantics<core_parallel>, #tpu.dimension_semantics<subcore_parallel>], iteration_bounds = array<i64: 2, 16>, scalar_prefetch = 0 : i64, scratch_operands = 5 : i64, tpu.core_type = #tpu.core_type<sc_vector_subcore>, window_params = [{transform_indices = #map}, {transform_indices = #map1}]} {
    %mul3A = arith.constant 16 : i32
    %mul3A_0 = arith.muli %arg0, %mul3A : i32
    %add3A = arith.addi %mul3A_0, %arg1 : i32
    %mul3A_1 = arith.constant 80 : i32
    %mul3A_2 = arith.muli %add3A, %mul3A_1 : i32
    %dma_start3A = arith.constant 0 : i32
    %dma_start3A_3 = tpu.memref_slice %arg2[%mul3A_2, %dma_start3A] : memref<2560x128xi32, #tpu.memory_space<hbm>> -> memref<80x128xi32, #tpu.memory_space<hbm>>
    %dma_start3A_4 = arith.constant 0 : i32
    %dma_start3A_5 = tpu.memref_slice %arg2[%mul3A_2, %dma_start3A_4] : memref<2560x128xi32, #tpu.memory_space<hbm>> -> memref<80x128xi32, #tpu.memory_space<hbm>>
    tpu.enqueue_dma source(%dma_start3A_5 : memref<80x128xi32, #tpu.memory_space<hbm>>) target(%arg4 : memref<80x128xi32, #tpu.memory_space<vmem>>) target_semaphore(%arg8 : memref<!tpu.dma_semaphore, #tpu.memory_space<semaphore_mem>>)
    %broadcast_in_dim3A = arith.constant 0.000000e+00 : f32
    %broadcast_in_dim3A_6 = vector.broadcast %broadcast_in_dim3A : f32 to vector<16xf32>
    %broadcast_in_dim3A_7 = arith.constant 1.000000e+00 : f32
    %broadcast_in_dim3A_8 = vector.broadcast %broadcast_in_dim3A_7 : f32 to vector<16xf32>
    %scan3A = arith.constant 0 : i32
    %scan3A_9 = arith.constant 0 : i32
    %scan3A_10 = arith.constant 64 : i32
    %scan3A_11 = arith.addi %scan3A_9, %scan3A_10 : i32
    %scan3A_12 = arith.constant 1 : i32
    scf.for %scan3A_64 = %scan3A_9 to %scan3A_11 step %scan3A_12  : i32 {
      %mul3A_65 = arith.constant 16 : i32
      %mul3A_66 = arith.muli %scan3A_64, %mul3A_65 : i32
      %swap3A_67 = arith.index_cast %mul3A_66 : i32 to index
      %swap3A_68 = tpu.vector_load %arg6[%swap3A_67] {strides = array<i32>} : memref<1024xf32, #tpu.memory_space<vmem>>, vector<16xf32>,
      %swap3A_69 = vector.shape_cast %swap3A_68 : vector<16xf32> to vector<16xf32>
      %swap3A_70 = vector.shape_cast %broadcast_in_dim3A_6 : vector<16xf32> to vector<16xf32>
      tpu.vector_store %arg6[%swap3A_67], %swap3A_70 {strides = array<i32>} : memref<1024xf32, #tpu.memory_space<vmem>>, vector<16xf32>,
    }
    %scan3A_13 = arith.constant 64 : i32
    %swap3A = arith.constant 0 : index
    %swap3A_14 = tpu.vector_load %arg5[%swap3A] {strides = array<i32>} : memref<128xf32, #tpu.memory_space<vmem>>, vector<16xf32>,
    %swap3A_15 = vector.shape_cast %swap3A_14 : vector<16xf32> to vector<16xf32>
    %swap3A_16 = vector.shape_cast %broadcast_in_dim3A_8 : vector<16xf32> to vector<16xf32>
    tpu.vector_store %arg5[%swap3A], %swap3A_16 {strides = array<i32>} : memref<128xf32, #tpu.memory_space<vmem>>, vector<16xf32>,
    %swap3A_17 = arith.constant 16 : index
    %swap3A_18 = tpu.vector_load %arg5[%swap3A_17] {strides = array<i32>} : memref<128xf32, #tpu.memory_space<vmem>>, vector<16xf32>,
    %swap3A_19 = vector.shape_cast %swap3A_18 : vector<16xf32> to vector<16xf32>
    %swap3A_20 = vector.shape_cast %broadcast_in_dim3A_8 : vector<16xf32> to vector<16xf32>
    tpu.vector_store %arg5[%swap3A_17], %swap3A_20 {strides = array<i32>} : memref<128xf32, #tpu.memory_space<vmem>>, vector<16xf32>,
    %swap3A_21 = arith.constant 32 : index
    %swap3A_22 = tpu.vector_load %arg5[%swap3A_21] {strides = array<i32>} : memref<128xf32, #tpu.memory_space<vmem>>, vector<16xf32>,
    %swap3A_23 = vector.shape_cast %swap3A_22 : vector<16xf32> to vector<16xf32>
    %swap3A_24 = vector.shape_cast %broadcast_in_dim3A_8 : vector<16xf32> to vector<16xf32>
    tpu.vector_store %arg5[%swap3A_21], %swap3A_24 {strides = array<i32>} : memref<128xf32, #tpu.memory_space<vmem>>, vector<16xf32>,
    %swap3A_25 = arith.constant 48 : index
    %swap3A_26 = tpu.vector_load %arg5[%swap3A_25] {strides = array<i32>} : memref<128xf32, #tpu.memory_space<vmem>>, vector<16xf32>,
    %swap3A_27 = vector.shape_cast %swap3A_26 : vector<16xf32> to vector<16xf32>
    %swap3A_28 = vector.shape_cast %broadcast_in_dim3A_8 : vector<16xf32> to vector<16xf32>
    tpu.vector_store %arg5[%swap3A_25], %swap3A_28 {strides = array<i32>} : memref<128xf32, #tpu.memory_space<vmem>>, vector<16xf32>,
    %swap3A_29 = arith.constant 64 : index
    %swap3A_30 = tpu.vector_load %arg5[%swap3A_29] {strides = array<i32>} : memref<128xf32, #tpu.memory_space<vmem>>, vector<16xf32>,
    %swap3A_31 = vector.shape_cast %swap3A_30 : vector<16xf32> to vector<16xf32>
    %swap3A_32 = vector.shape_cast %broadcast_in_dim3A_8 : vector<16xf32> to vector<16xf32>
    tpu.vector_store %arg5[%swap3A_29], %swap3A_32 {strides = array<i32>} : memref<128xf32, #tpu.memory_space<vmem>>, vector<16xf32>,
    %swap3A_33 = arith.constant 80 : index
    %swap3A_34 = tpu.vector_load %arg5[%swap3A_33] {strides = array<i32>} : memref<128xf32, #tpu.memory_space<vmem>>, vector<16xf32>,
    %swap3A_35 = vector.shape_cast %swap3A_34 : vector<16xf32> to vector<16xf32>
    %swap3A_36 = vector.shape_cast %broadcast_in_dim3A_8 : vector<16xf32> to vector<16xf32>
    tpu.vector_store %arg5[%swap3A_33], %swap3A_36 {strides = array<i32>} : memref<128xf32, #tpu.memory_space<vmem>>, vector<16xf32>,
    %swap3A_37 = arith.constant 96 : index
    %swap3A_38 = tpu.vector_load %arg5[%swap3A_37] {strides = array<i32>} : memref<128xf32, #tpu.memory_space<vmem>>, vector<16xf32>,
    %swap3A_39 = vector.shape_cast %swap3A_38 : vector<16xf32> to vector<16xf32>
    %swap3A_40 = vector.shape_cast %broadcast_in_dim3A_8 : vector<16xf32> to vector<16xf32>
    tpu.vector_store %arg5[%swap3A_37], %swap3A_40 {strides = array<i32>} : memref<128xf32, #tpu.memory_space<vmem>>, vector<16xf32>,
    %swap3A_41 = arith.constant 112 : index
    %swap3A_42 = tpu.vector_load %arg5[%swap3A_41] {strides = array<i32>} : memref<128xf32, #tpu.memory_space<vmem>>, vector<16xf32>,
    %swap3A_43 = vector.shape_cast %swap3A_42 : vector<16xf32> to vector<16xf32>
    %swap3A_44 = vector.shape_cast %broadcast_in_dim3A_8 : vector<16xf32> to vector<16xf32>
    tpu.vector_store %arg5[%swap3A_41], %swap3A_44 {strides = array<i32>} : memref<128xf32, #tpu.memory_space<vmem>>, vector<16xf32>,
    %mul3A_45 = arith.constant 1024 : i32
    %mul3A_46 = arith.muli %arg1, %mul3A_45 : i32
    "tpu.region"() ({
      %run_scoped3A = tpu.sem_alloc : memref<!tpu.dma_semaphore, #tpu.memory_space<semaphore_mem>>
      %dma_start3A_64 = tpu.memref_slice %arg7[%mul3A_46] : memref<16384xf32, #tpu.memory_space<vmem_shared>> -> memref<1024xf32, #tpu.memory_space<vmem_shared>>
      %dma_start3A_65 = tpu.memref_slice %arg7[%mul3A_46] : memref<16384xf32, #tpu.memory_space<vmem_shared>> -> memref<1024xf32, #tpu.memory_space<vmem_shared>>
      tpu.enqueue_dma source(%arg6 : memref<1024xf32, #tpu.memory_space<vmem>>) target(%dma_start3A_65 : memref<1024xf32, #tpu.memory_space<vmem_shared>>) target_semaphore(%run_scoped3A : memref<!tpu.dma_semaphore, #tpu.memory_space<semaphore_mem>>)
      %dma_wait3A_66 = tpu.memref_slice %arg7[%mul3A_46] : memref<16384xf32, #tpu.memory_space<vmem_shared>> -> memref<1024xf32, #tpu.memory_space<vmem_shared>>
      %dma_wait3A_67 = tpu.memref_slice %arg7[%mul3A_46] : memref<16384xf32, #tpu.memory_space<vmem_shared>> -> memref<1024xf32, #tpu.memory_space<vmem_shared>>
      tpu.wait_dma2 semaphore(%run_scoped3A : memref<!tpu.dma_semaphore, #tpu.memory_space<semaphore_mem>>) src(%arg6 : memref<1024xf32, #tpu.memory_space<vmem>>) dst(%dma_wait3A_67 : memref<1024xf32, #tpu.memory_space<vmem_shared>>)
      tpu.yield
    }) : () -> ()
    %dma_wait3A = arith.constant 0 : i32
    %dma_wait3A_47 = tpu.memref_slice %arg2[%mul3A_2, %dma_wait3A] : memref<2560x128xi32, #tpu.memory_space<hbm>> -> memref<80x128xi32, #tpu.memory_space<hbm>>
    %dma_wait3A_48 = arith.constant 0 : i32
    %dma_wait3A_49 = tpu.memref_slice %arg2[%mul3A_2, %dma_wait3A_48] : memref<2560x128xi32, #tpu.memory_space<hbm>> -> memref<80x128xi32, #tpu.memory_space<hbm>>
    tpu.wait_dma2 semaphore(%arg8 : memref<!tpu.dma_semaphore, #tpu.memory_space<semaphore_mem>>) src(%dma_wait3A_49 : memref<80x128xi32, #tpu.memory_space<hbm>>) dst(%arg4 : memref<80x128xi32, #tpu.memory_space<vmem>>)
    %barrier3A = arith.constant 0 : index
    tpu.barrier barrier_id(%barrier3A)
    %scan3A_50 = arith.constant 0 : i32
    %scan3A_51 = arith.constant 0 : i32
    %scan3A_52 = arith.constant 80 : i32
    %scan3A_53 = arith.addi %scan3A_51, %scan3A_52 : i32
    %scan3A_54 = arith.constant 1 : i32
    scf.for %scan3A_64 = %scan3A_51 to %scan3A_53 step %scan3A_54  : i32 {
      "tpu.region"() ({
        %run_scoped3A = tpu.sem_alloc : memref<!tpu.dma_semaphore, #tpu.memory_space<semaphore_mem>>
        %dma_start3A_65 = arith.constant 0 : i32
        %dma_start3A_66 = tpu.memref_slice %arg4[%scan3A_64, %dma_start3A_65] : memref<80x128xi32, #tpu.memory_space<vmem>> -> memref<1x128xi32, #tpu.memory_space<vmem>>
        %dma_start3A_67 = tpu.memref_squeeze %dma_start3A_66 : memref<1x128xi32, #tpu.memory_space<vmem>> -> memref<128xi32, #tpu.memory_space<vmem>>
        %dma_start3A_68 = arith.constant 0 : i32
        %dma_start3A_69 = tpu.memref_slice %arg7[%dma_start3A_68] : memref<16384xf32, #tpu.memory_space<vmem_shared>> -> memref<16384xf32, #tpu.memory_space<vmem_shared>>
        tpu.enqueue_indirect_dma source(%arg5 : memref<128xf32, #tpu.memory_space<vmem>>) target(%dma_start3A_69 : memref<16384xf32, #tpu.memory_space<vmem_shared>>) offsets(%dma_start3A_67 : memref<128xi32, #tpu.memory_space<vmem>>) semaphore(%run_scoped3A : memref<!tpu.dma_semaphore, #tpu.memory_space<semaphore_mem>>) {add = true}
        %dma_wait3A_70 = arith.constant 0 : i32
        %dma_wait3A_71 = tpu.memref_slice %arg4[%scan3A_64, %dma_wait3A_70] : memref<80x128xi32, #tpu.memory_space<vmem>> -> memref<1x128xi32, #tpu.memory_space<vmem>>
        %dma_wait3A_72 = tpu.memref_squeeze %dma_wait3A_71 : memref<1x128xi32, #tpu.memory_space<vmem>> -> memref<128xi32, #tpu.memory_space<vmem>>
        %dma_wait3A_73 = arith.constant 0 : i32
        %dma_wait3A_74 = tpu.memref_slice %arg7[%dma_wait3A_73] : memref<16384xf32, #tpu.memory_space<vmem_shared>> -> memref<16384xf32, #tpu.memory_space<vmem_shared>>
        tpu.wait_indirect_dma semaphore(%run_scoped3A : memref<!tpu.dma_semaphore, #tpu.memory_space<semaphore_mem>>) src(%arg5 : memref<128xf32, #tpu.memory_space<vmem>>) dst(%dma_wait3A_74 : memref<16384xf32, #tpu.memory_space<vmem_shared>>)
        tpu.yield
      }) : () -> ()
    }
    %scan3A_55 = arith.constant 80 : i32
    %barrier3A_56 = arith.constant 0 : index
    tpu.barrier barrier_id(%barrier3A_56)
    %mul3A_57 = arith.constant 1024 : i32
    %mul3A_58 = arith.muli %arg1, %mul3A_57 : i32
    %mul3A_59 = arith.constant 16384 : i32
    %mul3A_60 = arith.muli %arg0, %mul3A_59 : i32
    %mul3A_61 = arith.constant 1024 : i32
    %mul3A_62 = arith.muli %arg1, %mul3A_61 : i32
    %add3A_63 = arith.addi %mul3A_60, %mul3A_62 : i32
    "tpu.region"() ({
      %run_scoped3A = tpu.sem_alloc : memref<!tpu.dma_semaphore, #tpu.memory_space<semaphore_mem>>
      %dma_start3A_64 = tpu.memref_slice %arg3[%add3A_63] : memref<32768xf32, #tpu.memory_space<hbm>> -> memref<1024xf32, #tpu.memory_space<hbm>>
      %dma_start3A_65 = tpu.memref_slice %arg7[%mul3A_58] : memref<16384xf32, #tpu.memory_space<vmem_shared>> -> memref<1024xf32, #tpu.memory_space<vmem_shared>>
      tpu.enqueue_dma source(%dma_start3A_65 : memref<1024xf32, #tpu.memory_space<vmem_shared>>) target(%dma_start3A_64 : memref<1024xf32, #tpu.memory_space<hbm>>) target_semaphore(%run_scoped3A : memref<!tpu.dma_semaphore, #tpu.memory_space<semaphore_mem>>)
      %dma_wait3A_66 = tpu.memref_slice %arg3[%add3A_63] : memref<32768xf32, #tpu.memory_space<hbm>> -> memref<1024xf32, #tpu.memory_space<hbm>>
      %dma_wait3A_67 = tpu.memref_slice %arg7[%mul3A_58] : memref<16384xf32, #tpu.memory_space<vmem_shared>> -> memref<1024xf32, #tpu.memory_space<vmem_shared>>
      tpu.wait_dma2 semaphore(%run_scoped3A : memref<!tpu.dma_semaphore, #tpu.memory_space<semaphore_mem>>) src(%dma_wait3A_67 : memref<1024xf32, #tpu.memory_space<vmem_shared>>) dst(%dma_wait3A_66 : memref<1024xf32, #tpu.memory_space<hbm>>)
      tpu.yield
    }) : () -> ()
    return
  }
}

#map = affine_map<(d0, d1) -> (0, 0)>
#map1 = affine_map<(d0, d1) -> (0, 0, 0)>
module attributes {stable_mosaic.version = 14 : i64} {
  func.func @prop(%arg0: i32, %arg1: i32, %arg2: memref<10000x128xf32, #tpu.memory_space<hbm>>, %arg3: memref<2560x2x128xi32, #tpu.memory_space<hbm>>, %arg4: memref<2x10240x128xf32, #tpu.memory_space<hbm>>, %arg5: memref<2x128xi32, #tpu.memory_space<vmem>>, %arg6: memref<2x128xi32, #tpu.memory_space<vmem>>, %arg7: memref<2x128xi32, #tpu.memory_space<vmem>>, %arg8: memref<2x128xi32, #tpu.memory_space<vmem>>, %arg9: memref<128x128xf32, #tpu.memory_space<vmem>>, %arg10: memref<128x128xf32, #tpu.memory_space<vmem>>, %arg11: memref<10240x128xf32, #tpu.memory_space<vmem_shared>>, %arg12: memref<!tpu.dma_semaphore, #tpu.memory_space<semaphore_mem>>, %arg13: memref<!tpu.dma_semaphore, #tpu.memory_space<semaphore_mem>>, %arg14: memref<!tpu.dma_semaphore, #tpu.memory_space<semaphore_mem>>, %arg15: memref<!tpu.dma_semaphore, #tpu.memory_space<semaphore_mem>>, %arg16: memref<!tpu.dma_semaphore, #tpu.memory_space<semaphore_mem>>, %arg17: memref<!tpu.dma_semaphore, #tpu.memory_space<semaphore_mem>>) attributes {dimension_semantics = [#tpu.dimension_semantics<core_parallel>, #tpu.dimension_semantics<subcore_parallel>], iteration_bounds = array<i64: 2, 16>, scalar_prefetch = 0 : i64, scratch_operands = 13 : i64, tpu.core_type = #tpu.core_type<sc_vector_subcore>, window_params = [{transform_indices = #map}, {transform_indices = #map1}, {transform_indices = #map1}]} {
    %mul3A = arith.constant 16 : i32
    %mul3A_0 = arith.muli %arg0, %mul3A : i32
    %add3A = arith.addi %mul3A_0, %arg1 : i32
    %mul3A_1 = arith.constant 80 : i32
    %mul3A_2 = arith.muli %add3A, %mul3A_1 : i32
    %add3A_3 = arith.constant 0 : i32
    %add3A_4 = arith.addi %mul3A_2, %add3A_3 : i32
    %dma_start3A = arith.constant 0 : i32
    %dma_start3A_5 = arith.constant 0 : i32
    %dma_start3A_6 = tpu.memref_slice %arg3[%add3A_4, %dma_start3A, %dma_start3A_5] : memref<2560x2x128xi32, #tpu.memory_space<hbm>> -> memref<1x2x128xi32, #tpu.memory_space<hbm>>
    %dma_start3A_7 = tpu.memref_squeeze %dma_start3A_6 : memref<1x2x128xi32, #tpu.memory_space<hbm>> -> memref<2x128xi32, #tpu.memory_space<hbm>>
    %dma_start3A_8 = arith.constant 0 : i32
    %dma_start3A_9 = arith.constant 0 : i32
    %dma_start3A_10 = tpu.memref_slice %arg3[%add3A_4, %dma_start3A_8, %dma_start3A_9] : memref<2560x2x128xi32, #tpu.memory_space<hbm>> -> memref<1x2x128xi32, #tpu.memory_space<hbm>>
    %dma_start3A_11 = tpu.memref_squeeze %dma_start3A_10 : memref<1x2x128xi32, #tpu.memory_space<hbm>> -> memref<2x128xi32, #tpu.memory_space<hbm>>
    tpu.enqueue_dma source(%dma_start3A_11 : memref<2x128xi32, #tpu.memory_space<hbm>>) target(%arg5 : memref<2x128xi32, #tpu.memory_space<vmem>>) target_semaphore(%arg12 : memref<!tpu.dma_semaphore, #tpu.memory_space<semaphore_mem>>)
    %add3A_12 = arith.constant 1 : i32
    %add3A_13 = arith.addi %mul3A_2, %add3A_12 : i32
    %dma_start3A_14 = arith.constant 0 : i32
    %dma_start3A_15 = arith.constant 0 : i32
    %dma_start3A_16 = tpu.memref_slice %arg3[%add3A_13, %dma_start3A_14, %dma_start3A_15] : memref<2560x2x128xi32, #tpu.memory_space<hbm>> -> memref<1x2x128xi32, #tpu.memory_space<hbm>>
    %dma_start3A_17 = tpu.memref_squeeze %dma_start3A_16 : memref<1x2x128xi32, #tpu.memory_space<hbm>> -> memref<2x128xi32, #tpu.memory_space<hbm>>
    %dma_start3A_18 = arith.constant 0 : i32
    %dma_start3A_19 = arith.constant 0 : i32
    %dma_start3A_20 = tpu.memref_slice %arg3[%add3A_13, %dma_start3A_18, %dma_start3A_19] : memref<2560x2x128xi32, #tpu.memory_space<hbm>> -> memref<1x2x128xi32, #tpu.memory_space<hbm>>
    %dma_start3A_21 = tpu.memref_squeeze %dma_start3A_20 : memref<1x2x128xi32, #tpu.memory_space<hbm>> -> memref<2x128xi32, #tpu.memory_space<hbm>>
    tpu.enqueue_dma source(%dma_start3A_21 : memref<2x128xi32, #tpu.memory_space<hbm>>) target(%arg6 : memref<2x128xi32, #tpu.memory_space<vmem>>) target_semaphore(%arg13 : memref<!tpu.dma_semaphore, #tpu.memory_space<semaphore_mem>>)
    %add3A_22 = arith.constant 2 : i32
    %add3A_23 = arith.addi %mul3A_2, %add3A_22 : i32
    %dma_start3A_24 = arith.constant 0 : i32
    %dma_start3A_25 = arith.constant 0 : i32
    %dma_start3A_26 = tpu.memref_slice %arg3[%add3A_23, %dma_start3A_24, %dma_start3A_25] : memref<2560x2x128xi32, #tpu.memory_space<hbm>> -> memref<1x2x128xi32, #tpu.memory_space<hbm>>
    %dma_start3A_27 = tpu.memref_squeeze %dma_start3A_26 : memref<1x2x128xi32, #tpu.memory_space<hbm>> -> memref<2x128xi32, #tpu.memory_space<hbm>>
    %dma_start3A_28 = arith.constant 0 : i32
    %dma_start3A_29 = arith.constant 0 : i32
    %dma_start3A_30 = tpu.memref_slice %arg3[%add3A_23, %dma_start3A_28, %dma_start3A_29] : memref<2560x2x128xi32, #tpu.memory_space<hbm>> -> memref<1x2x128xi32, #tpu.memory_space<hbm>>
    %dma_start3A_31 = tpu.memref_squeeze %dma_start3A_30 : memref<1x2x128xi32, #tpu.memory_space<hbm>> -> memref<2x128xi32, #tpu.memory_space<hbm>>
    tpu.enqueue_dma source(%dma_start3A_31 : memref<2x128xi32, #tpu.memory_space<hbm>>) target(%arg7 : memref<2x128xi32, #tpu.memory_space<vmem>>) target_semaphore(%arg14 : memref<!tpu.dma_semaphore, #tpu.memory_space<semaphore_mem>>)
    %add3A_32 = arith.constant 3 : i32
    %add3A_33 = arith.addi %mul3A_2, %add3A_32 : i32
    %dma_start3A_34 = arith.constant 0 : i32
    %dma_start3A_35 = arith.constant 0 : i32
    %dma_start3A_36 = tpu.memref_slice %arg3[%add3A_33, %dma_start3A_34, %dma_start3A_35] : memref<2560x2x128xi32, #tpu.memory_space<hbm>> -> memref<1x2x128xi32, #tpu.memory_space<hbm>>
    %dma_start3A_37 = tpu.memref_squeeze %dma_start3A_36 : memref<1x2x128xi32, #tpu.memory_space<hbm>> -> memref<2x128xi32, #tpu.memory_space<hbm>>
    %dma_start3A_38 = arith.constant 0 : i32
    %dma_start3A_39 = arith.constant 0 : i32
    %dma_start3A_40 = tpu.memref_slice %arg3[%add3A_33, %dma_start3A_38, %dma_start3A_39] : memref<2560x2x128xi32, #tpu.memory_space<hbm>> -> memref<1x2x128xi32, #tpu.memory_space<hbm>>
    %dma_start3A_41 = tpu.memref_squeeze %dma_start3A_40 : memref<1x2x128xi32, #tpu.memory_space<hbm>> -> memref<2x128xi32, #tpu.memory_space<hbm>>
    tpu.enqueue_dma source(%dma_start3A_41 : memref<2x128xi32, #tpu.memory_space<hbm>>) target(%arg8 : memref<2x128xi32, #tpu.memory_space<vmem>>) target_semaphore(%arg15 : memref<!tpu.dma_semaphore, #tpu.memory_space<semaphore_mem>>)
    %broadcast_in_dim3A = arith.constant 0.000000e+00 : f32
    %broadcast_in_dim3A_42 = vector.broadcast %broadcast_in_dim3A : f32 to vector<16xf32>
    %scan3A = arith.constant 0 : i32
    %scan3A_43 = arith.constant 0 : i32
    %scan3A_44 = arith.constant 128 : i32
    %scan3A_45 = arith.addi %scan3A_43, %scan3A_44 : i32
    %scan3A_46 = arith.constant 1 : i32
    scf.for %scan3A_161 = %scan3A_43 to %scan3A_45 step %scan3A_46  : i32 {
      %swap3A = arith.index_cast %scan3A_161 : i32 to index
      %swap3A_162 = arith.constant 0 : index
      %swap3A_163 = tpu.vector_load %arg9[%swap3A, %swap3A_162] {strides = array<i32>} : memref<128x128xf32, #tpu.memory_space<vmem>>, vector<1x16xf32>,
      %swap3A_164 = vector.shape_cast %swap3A_163 : vector<1x16xf32> to vector<16xf32>
      %swap3A_165 = vector.shape_cast %broadcast_in_dim3A_42 : vector<16xf32> to vector<1x16xf32>
      tpu.vector_store %arg9[%swap3A, %swap3A_162], %swap3A_165 {strides = array<i32>} : memref<128x128xf32, #tpu.memory_space<vmem>>, vector<1x16xf32>,
      %swap3A_166 = arith.index_cast %scan3A_161 : i32 to index
      %swap3A_167 = arith.constant 16 : index
      %swap3A_168 = tpu.vector_load %arg9[%swap3A_166, %swap3A_167] {strides = array<i32>} : memref<128x128xf32, #tpu.memory_space<vmem>>, vector<1x16xf32>,
      %swap3A_169 = vector.shape_cast %swap3A_168 : vector<1x16xf32> to vector<16xf32>
      %swap3A_170 = vector.shape_cast %broadcast_in_dim3A_42 : vector<16xf32> to vector<1x16xf32>
      tpu.vector_store %arg9[%swap3A_166, %swap3A_167], %swap3A_170 {strides = array<i32>} : memref<128x128xf32, #tpu.memory_space<vmem>>, vector<1x16xf32>,
      %swap3A_171 = arith.index_cast %scan3A_161 : i32 to index
      %swap3A_172 = arith.constant 32 : index
      %swap3A_173 = tpu.vector_load %arg9[%swap3A_171, %swap3A_172] {strides = array<i32>} : memref<128x128xf32, #tpu.memory_space<vmem>>, vector<1x16xf32>,
      %swap3A_174 = vector.shape_cast %swap3A_173 : vector<1x16xf32> to vector<16xf32>
      %swap3A_175 = vector.shape_cast %broadcast_in_dim3A_42 : vector<16xf32> to vector<1x16xf32>
      tpu.vector_store %arg9[%swap3A_171, %swap3A_172], %swap3A_175 {strides = array<i32>} : memref<128x128xf32, #tpu.memory_space<vmem>>, vector<1x16xf32>,
      %swap3A_176 = arith.index_cast %scan3A_161 : i32 to index
      %swap3A_177 = arith.constant 48 : index
      %swap3A_178 = tpu.vector_load %arg9[%swap3A_176, %swap3A_177] {strides = array<i32>} : memref<128x128xf32, #tpu.memory_space<vmem>>, vector<1x16xf32>,
      %swap3A_179 = vector.shape_cast %swap3A_178 : vector<1x16xf32> to vector<16xf32>
      %swap3A_180 = vector.shape_cast %broadcast_in_dim3A_42 : vector<16xf32> to vector<1x16xf32>
      tpu.vector_store %arg9[%swap3A_176, %swap3A_177], %swap3A_180 {strides = array<i32>} : memref<128x128xf32, #tpu.memory_space<vmem>>, vector<1x16xf32>,
      %swap3A_181 = arith.index_cast %scan3A_161 : i32 to index
      %swap3A_182 = arith.constant 64 : index
      %swap3A_183 = tpu.vector_load %arg9[%swap3A_181, %swap3A_182] {strides = array<i32>} : memref<128x128xf32, #tpu.memory_space<vmem>>, vector<1x16xf32>,
      %swap3A_184 = vector.shape_cast %swap3A_183 : vector<1x16xf32> to vector<16xf32>
      %swap3A_185 = vector.shape_cast %broadcast_in_dim3A_42 : vector<16xf32> to vector<1x16xf32>
      tpu.vector_store %arg9[%swap3A_181, %swap3A_182], %swap3A_185 {strides = array<i32>} : memref<128x128xf32, #tpu.memory_space<vmem>>, vector<1x16xf32>,
      %swap3A_186 = arith.index_cast %scan3A_161 : i32 to index
      %swap3A_187 = arith.constant 80 : index
      %swap3A_188 = tpu.vector_load %arg9[%swap3A_186, %swap3A_187] {strides = array<i32>} : memref<128x128xf32, #tpu.memory_space<vmem>>, vector<1x16xf32>,
      %swap3A_189 = vector.shape_cast %swap3A_188 : vector<1x16xf32> to vector<16xf32>
      %swap3A_190 = vector.shape_cast %broadcast_in_dim3A_42 : vector<16xf32> to vector<1x16xf32>
      tpu.vector_store %arg9[%swap3A_186, %swap3A_187], %swap3A_190 {strides = array<i32>} : memref<128x128xf32, #tpu.memory_space<vmem>>, vector<1x16xf32>,
      %swap3A_191 = arith.index_cast %scan3A_161 : i32 to index
      %swap3A_192 = arith.constant 96 : index
      %swap3A_193 = tpu.vector_load %arg9[%swap3A_191, %swap3A_192] {strides = array<i32>} : memref<128x128xf32, #tpu.memory_space<vmem>>, vector<1x16xf32>,
      %swap3A_194 = vector.shape_cast %swap3A_193 : vector<1x16xf32> to vector<16xf32>
      %swap3A_195 = vector.shape_cast %broadcast_in_dim3A_42 : vector<16xf32> to vector<1x16xf32>
      tpu.vector_store %arg9[%swap3A_191, %swap3A_192], %swap3A_195 {strides = array<i32>} : memref<128x128xf32, #tpu.memory_space<vmem>>, vector<1x16xf32>,
      %swap3A_196 = arith.index_cast %scan3A_161 : i32 to index
      %swap3A_197 = arith.constant 112 : index
      %swap3A_198 = tpu.vector_load %arg9[%swap3A_196, %swap3A_197] {strides = array<i32>} : memref<128x128xf32, #tpu.memory_space<vmem>>, vector<1x16xf32>,
      %swap3A_199 = vector.shape_cast %swap3A_198 : vector<1x16xf32> to vector<16xf32>
      %swap3A_200 = vector.shape_cast %broadcast_in_dim3A_42 : vector<16xf32> to vector<1x16xf32>
      tpu.vector_store %arg9[%swap3A_196, %swap3A_197], %swap3A_200 {strides = array<i32>} : memref<128x128xf32, #tpu.memory_space<vmem>>, vector<1x16xf32>,
    }
    %scan3A_47 = arith.constant 128 : i32
    %mul3A_48 = arith.constant 640 : i32
    %mul3A_49 = arith.muli %arg1, %mul3A_48 : i32
    %scan3A_50 = arith.constant 0 : i32
    %scan3A_51 = arith.constant 0 : i32
    %scan3A_52 = arith.constant 5 : i32
    %scan3A_53 = arith.addi %scan3A_51, %scan3A_52 : i32
    %scan3A_54 = arith.constant 1 : i32
    scf.for %scan3A_161 = %scan3A_51 to %scan3A_53 step %scan3A_54  : i32 {
      %mul3A_162 = arith.constant 128 : i32
      %mul3A_163 = arith.muli %scan3A_161, %mul3A_162 : i32
      %add3A_164 = arith.addi %mul3A_49, %mul3A_163 : i32
      "tpu.region"() ({
        %run_scoped3A_165 = tpu.sem_alloc : memref<!tpu.dma_semaphore, #tpu.memory_space<semaphore_mem>>
        %dma_start3A_166 = arith.constant 0 : i32
        %dma_start3A_167 = tpu.memref_slice %arg11[%add3A_164, %dma_start3A_166] : memref<10240x128xf32, #tpu.memory_space<vmem_shared>> -> memref<128x128xf32, #tpu.memory_space<vmem_shared>>
        %dma_start3A_168 = arith.constant 0 : i32
        %dma_start3A_169 = tpu.memref_slice %arg11[%add3A_164, %dma_start3A_168] : memref<10240x128xf32, #tpu.memory_space<vmem_shared>> -> memref<128x128xf32, #tpu.memory_space<vmem_shared>>
        tpu.enqueue_dma source(%arg9 : memref<128x128xf32, #tpu.memory_space<vmem>>) target(%dma_start3A_169 : memref<128x128xf32, #tpu.memory_space<vmem_shared>>) target_semaphore(%run_scoped3A_165 : memref<!tpu.dma_semaphore, #tpu.memory_space<semaphore_mem>>)
        %dma_wait3A_170 = arith.constant 0 : i32
        %dma_wait3A_171 = tpu.memref_slice %arg11[%add3A_164, %dma_wait3A_170] : memref<10240x128xf32, #tpu.memory_space<vmem_shared>> -> memref<128x128xf32, #tpu.memory_space<vmem_shared>>
        %dma_wait3A_172 = arith.constant 0 : i32
        %dma_wait3A_173 = tpu.memref_slice %arg11[%add3A_164, %dma_wait3A_172] : memref<10240x128xf32, #tpu.memory_space<vmem_shared>> -> memref<128x128xf32, #tpu.memory_space<vmem_shared>>
        tpu.wait_dma2 semaphore(%run_scoped3A_165 : memref<!tpu.dma_semaphore, #tpu.memory_space<semaphore_mem>>) src(%arg9 : memref<128x128xf32, #tpu.memory_space<vmem>>) dst(%dma_wait3A_173 : memref<128x128xf32, #tpu.memory_space<vmem_shared>>)
        tpu.yield
      }) : () -> ()
    }
    %scan3A_55 = arith.constant 5 : i32
    %add3A_56 = arith.constant 0 : i32
    %add3A_57 = arith.addi %mul3A_2, %add3A_56 : i32
    %dma_wait3A = arith.constant 0 : i32
    %dma_wait3A_58 = arith.constant 0 : i32
    %dma_wait3A_59 = tpu.memref_slice %arg3[%add3A_57, %dma_wait3A, %dma_wait3A_58] : memref<2560x2x128xi32, #tpu.memory_space<hbm>> -> memref<1x2x128xi32, #tpu.memory_space<hbm>>
    %dma_wait3A_60 = tpu.memref_squeeze %dma_wait3A_59 : memref<1x2x128xi32, #tpu.memory_space<hbm>> -> memref<2x128xi32, #tpu.memory_space<hbm>>
    %dma_wait3A_61 = arith.constant 0 : i32
    %dma_wait3A_62 = arith.constant 0 : i32
    %dma_wait3A_63 = tpu.memref_slice %arg3[%add3A_57, %dma_wait3A_61, %dma_wait3A_62] : memref<2560x2x128xi32, #tpu.memory_space<hbm>> -> memref<1x2x128xi32, #tpu.memory_space<hbm>>
    %dma_wait3A_64 = tpu.memref_squeeze %dma_wait3A_63 : memref<1x2x128xi32, #tpu.memory_space<hbm>> -> memref<2x128xi32, #tpu.memory_space<hbm>>
    tpu.wait_dma2 semaphore(%arg12 : memref<!tpu.dma_semaphore, #tpu.memory_space<semaphore_mem>>) src(%dma_wait3A_64 : memref<2x128xi32, #tpu.memory_space<hbm>>) dst(%arg5 : memref<2x128xi32, #tpu.memory_space<vmem>>)
    %dma_start3A_65 = arith.constant 0 : i32
    %dma_start3A_66 = arith.constant 0 : i32
    %dma_start3A_67 = tpu.memref_slice %arg5[%dma_start3A_65, %dma_start3A_66] : memref<2x128xi32, #tpu.memory_space<vmem>> -> memref<1x128xi32, #tpu.memory_space<vmem>>
    %dma_start3A_68 = tpu.memref_squeeze %dma_start3A_67 : memref<1x128xi32, #tpu.memory_space<vmem>> -> memref<128xi32, #tpu.memory_space<vmem>>
    %dma_start3A_69 = arith.constant 0 : i32
    %dma_start3A_70 = arith.constant 0 : i32
    %dma_start3A_71 = tpu.memref_slice %arg2[%dma_start3A_69, %dma_start3A_70] : memref<10000x128xf32, #tpu.memory_space<hbm>> -> memref<10000x128xf32, #tpu.memory_space<hbm>>
    tpu.enqueue_indirect_dma source(%dma_start3A_71 : memref<10000x128xf32, #tpu.memory_space<hbm>>) target(%arg9 : memref<128x128xf32, #tpu.memory_space<vmem>>) offsets(%dma_start3A_68 : memref<128xi32, #tpu.memory_space<vmem>>) semaphore(%arg16 : memref<!tpu.dma_semaphore, #tpu.memory_space<semaphore_mem>>)
    %barrier3A = arith.constant 0 : index
    tpu.barrier barrier_id(%barrier3A)
    %scan3A_72 = arith.constant 0 : i32
    %scan3A_73 = arith.constant 0 : i32
    %scan3A_74 = arith.constant 19 : i32
    %scan3A_75 = arith.addi %scan3A_73, %scan3A_74 : i32
    %scan3A_76 = arith.constant 1 : i32
    scf.for %scan3A_161 = %scan3A_73 to %scan3A_75 step %scan3A_76  : i32 {
      %mul3A_162 = arith.constant 4 : i32
      %mul3A_163 = arith.muli %scan3A_161, %mul3A_162 : i32
      %dma_wait3A_164 = arith.constant 0 : i32
      %dma_wait3A_165 = arith.constant 0 : i32
      %dma_wait3A_166 = tpu.memref_slice %arg5[%dma_wait3A_164, %dma_wait3A_165] : memref<2x128xi32, #tpu.memory_space<vmem>> -> memref<1x128xi32, #tpu.memory_space<vmem>>
      %dma_wait3A_167 = tpu.memref_squeeze %dma_wait3A_166 : memref<1x128xi32, #tpu.memory_space<vmem>> -> memref<128xi32, #tpu.memory_space<vmem>>
      %dma_wait3A_168 = arith.constant 0 : i32
      %dma_wait3A_169 = arith.constant 0 : i32
      %dma_wait3A_170 = tpu.memref_slice %arg2[%dma_wait3A_168, %dma_wait3A_169] : memref<10000x128xf32, #tpu.memory_space<hbm>> -> memref<10000x128xf32, #tpu.memory_space<hbm>>
      tpu.wait_indirect_dma semaphore(%arg16 : memref<!tpu.dma_semaphore, #tpu.memory_space<semaphore_mem>>) src(%dma_wait3A_170 : memref<10000x128xf32, #tpu.memory_space<hbm>>) dst(%arg9 : memref<128x128xf32, #tpu.memory_space<vmem>>)
      %add3A_171 = arith.constant 1 : i32
      %add3A_172 = arith.addi %mul3A_163, %add3A_171 : i32
      %add3A_173 = arith.addi %mul3A_2, %add3A_172 : i32
      %dma_wait3A_174 = arith.constant 0 : i32
      %dma_wait3A_175 = arith.constant 0 : i32
      %dma_wait3A_176 = tpu.memref_slice %arg3[%add3A_173, %dma_wait3A_174, %dma_wait3A_175] : memref<2560x2x128xi32, #tpu.memory_space<hbm>> -> memref<1x2x128xi32, #tpu.memory_space<hbm>>
      %dma_wait3A_177 = tpu.memref_squeeze %dma_wait3A_176 : memref<1x2x128xi32, #tpu.memory_space<hbm>> -> memref<2x128xi32, #tpu.memory_space<hbm>>
      %dma_wait3A_178 = arith.constant 0 : i32
      %dma_wait3A_179 = arith.constant 0 : i32
      %dma_wait3A_180 = tpu.memref_slice %arg3[%add3A_173, %dma_wait3A_178, %dma_wait3A_179] : memref<2560x2x128xi32, #tpu.memory_space<hbm>> -> memref<1x2x128xi32, #tpu.memory_space<hbm>>
      %dma_wait3A_181 = tpu.memref_squeeze %dma_wait3A_180 : memref<1x2x128xi32, #tpu.memory_space<hbm>> -> memref<2x128xi32, #tpu.memory_space<hbm>>
      tpu.wait_dma2 semaphore(%arg13 : memref<!tpu.dma_semaphore, #tpu.memory_space<semaphore_mem>>) src(%dma_wait3A_181 : memref<2x128xi32, #tpu.memory_space<hbm>>) dst(%arg6 : memref<2x128xi32, #tpu.memory_space<vmem>>)
      %dma_start3A_182 = arith.constant 0 : i32
      %dma_start3A_183 = arith.constant 0 : i32
      %dma_start3A_184 = tpu.memref_slice %arg6[%dma_start3A_182, %dma_start3A_183] : memref<2x128xi32, #tpu.memory_space<vmem>> -> memref<1x128xi32, #tpu.memory_space<vmem>>
      %dma_start3A_185 = tpu.memref_squeeze %dma_start3A_184 : memref<1x128xi32, #tpu.memory_space<vmem>> -> memref<128xi32, #tpu.memory_space<vmem>>
      %dma_start3A_186 = arith.constant 0 : i32
      %dma_start3A_187 = arith.constant 0 : i32
      %dma_start3A_188 = tpu.memref_slice %arg2[%dma_start3A_186, %dma_start3A_187] : memref<10000x128xf32, #tpu.memory_space<hbm>> -> memref<10000x128xf32, #tpu.memory_space<hbm>>
      tpu.enqueue_indirect_dma source(%dma_start3A_188 : memref<10000x128xf32, #tpu.memory_space<hbm>>) target(%arg10 : memref<128x128xf32, #tpu.memory_space<vmem>>) offsets(%dma_start3A_185 : memref<128xi32, #tpu.memory_space<vmem>>) semaphore(%arg17 : memref<!tpu.dma_semaphore, #tpu.memory_space<semaphore_mem>>)
      %run_scoped3A_189 = arith.constant 1 : i32
      "tpu.region"() ({
        %run_scoped3A_318 = tpu.sem_alloc : memref<!tpu.dma_semaphore, #tpu.memory_space<semaphore_mem>>
        %dma_start3A_319 = arith.constant 0 : i32
        %dma_start3A_320 = tpu.memref_slice %arg5[%run_scoped3A_189, %dma_start3A_319] : memref<2x128xi32, #tpu.memory_space<vmem>> -> memref<1x128xi32, #tpu.memory_space<vmem>>
        %dma_start3A_321 = tpu.memref_squeeze %dma_start3A_320 : memref<1x128xi32, #tpu.memory_space<vmem>> -> memref<128xi32, #tpu.memory_space<vmem>>
        %dma_start3A_322 = arith.constant 0 : i32
        %dma_start3A_323 = arith.constant 0 : i32
        %dma_start3A_324 = tpu.memref_slice %arg11[%dma_start3A_322, %dma_start3A_323] : memref<10240x128xf32, #tpu.memory_space<vmem_shared>> -> memref<10240x128xf32, #tpu.memory_space<vmem_shared>>
        tpu.enqueue_indirect_dma source(%arg9 : memref<128x128xf32, #tpu.memory_space<vmem>>) target(%dma_start3A_324 : memref<10240x128xf32, #tpu.memory_space<vmem_shared>>) offsets(%dma_start3A_321 : memref<128xi32, #tpu.memory_space<vmem>>) semaphore(%run_scoped3A_318 : memref<!tpu.dma_semaphore, #tpu.memory_space<semaphore_mem>>) {add = true}
        %dma_wait3A_325 = arith.constant 0 : i32
        %dma_wait3A_326 = tpu.memref_slice %arg5[%run_scoped3A_189, %dma_wait3A_325] : memref<2x128xi32, #tpu.memory_space<vmem>> -> memref<1x128xi32, #tpu.memory_space<vmem>>
        %dma_wait3A_327 = tpu.memref_squeeze %dma_wait3A_326 : memref<1x128xi32, #tpu.memory_space<vmem>> -> memref<128xi32, #tpu.memory_space<vmem>>
        %dma_wait3A_328 = arith.constant 0 : i32
        %dma_wait3A_329 = arith.constant 0 : i32
        %dma_wait3A_330 = tpu.memref_slice %arg11[%dma_wait3A_328, %dma_wait3A_329] : memref<10240x128xf32, #tpu.memory_space<vmem_shared>> -> memref<10240x128xf32, #tpu.memory_space<vmem_shared>>
        tpu.wait_indirect_dma semaphore(%run_scoped3A_318 : memref<!tpu.dma_semaphore, #tpu.memory_space<semaphore_mem>>) src(%arg9 : memref<128x128xf32, #tpu.memory_space<vmem>>) dst(%dma_wait3A_330 : memref<10240x128xf32, #tpu.memory_space<vmem_shared>>)
        tpu.yield
      }) : () -> ()
      %add3A_190 = arith.constant 4 : i32
      %add3A_191 = arith.addi %mul3A_163, %add3A_190 : i32
      %add3A_192 = arith.addi %mul3A_2, %add3A_191 : i32
      %dma_start3A_193 = arith.constant 0 : i32
      %dma_start3A_194 = arith.constant 0 : i32
      %dma_start3A_195 = tpu.memref_slice %arg3[%add3A_192, %dma_start3A_193, %dma_start3A_194] : memref<2560x2x128xi32, #tpu.memory_space<hbm>> -> memref<1x2x128xi32, #tpu.memory_space<hbm>>
      %dma_start3A_196 = tpu.memref_squeeze %dma_start3A_195 : memref<1x2x128xi32, #tpu.memory_space<hbm>> -> memref<2x128xi32, #tpu.memory_space<hbm>>
      %dma_start3A_197 = arith.constant 0 : i32
      %dma_start3A_198 = arith.constant 0 : i32
      %dma_start3A_199 = tpu.memref_slice %arg3[%add3A_192, %dma_start3A_197, %dma_start3A_198] : memref<2560x2x128xi32, #tpu.memory_space<hbm>> -> memref<1x2x128xi32, #tpu.memory_space<hbm>>
      %dma_start3A_200 = tpu.memref_squeeze %dma_start3A_199 : memref<1x2x128xi32, #tpu.memory_space<hbm>> -> memref<2x128xi32, #tpu.memory_space<hbm>>
      tpu.enqueue_dma source(%dma_start3A_200 : memref<2x128xi32, #tpu.memory_space<hbm>>) target(%arg5 : memref<2x128xi32, #tpu.memory_space<vmem>>) target_semaphore(%arg12 : memref<!tpu.dma_semaphore, #tpu.memory_space<semaphore_mem>>)
      %add3A_201 = arith.constant 1 : i32
      %add3A_202 = arith.addi %mul3A_163, %add3A_201 : i32
      %dma_wait3A_203 = arith.constant 0 : i32
      %dma_wait3A_204 = arith.constant 0 : i32
      %dma_wait3A_205 = tpu.memref_slice %arg6[%dma_wait3A_203, %dma_wait3A_204] : memref<2x128xi32, #tpu.memory_space<vmem>> -> memref<1x128xi32, #tpu.memory_space<vmem>>
      %dma_wait3A_206 = tpu.memref_squeeze %dma_wait3A_205 : memref<1x128xi32, #tpu.memory_space<vmem>> -> memref<128xi32, #tpu.memory_space<vmem>>
      %dma_wait3A_207 = arith.constant 0 : i32
      %dma_wait3A_208 = arith.constant 0 : i32
      %dma_wait3A_209 = tpu.memref_slice %arg2[%dma_wait3A_207, %dma_wait3A_208] : memref<10000x128xf32, #tpu.memory_space<hbm>> -> memref<10000x128xf32, #tpu.memory_space<hbm>>
      tpu.wait_indirect_dma semaphore(%arg17 : memref<!tpu.dma_semaphore, #tpu.memory_space<semaphore_mem>>) src(%dma_wait3A_209 : memref<10000x128xf32, #tpu.memory_space<hbm>>) dst(%arg10 : memref<128x128xf32, #tpu.memory_space<vmem>>)
      %add3A_210 = arith.constant 1 : i32
      %add3A_211 = arith.addi %add3A_202, %add3A_210 : i32
      %add3A_212 = arith.addi %mul3A_2, %add3A_211 : i32
      %dma_wait3A_213 = arith.constant 0 : i32
      %dma_wait3A_214 = arith.constant 0 : i32
      %dma_wait3A_215 = tpu.memref_slice %arg3[%add3A_212, %dma_wait3A_213, %dma_wait3A_214] : memref<2560x2x128xi32, #tpu.memory_space<hbm>> -> memref<1x2x128xi32, #tpu.memory_space<hbm>>
      %dma_wait3A_216 = tpu.memref_squeeze %dma_wait3A_215 : memref<1x2x128xi32, #tpu.memory_space<hbm>> -> memref<2x128xi32, #tpu.memory_space<hbm>>
      %dma_wait3A_217 = arith.constant 0 : i32
      %dma_wait3A_218 = arith.constant 0 : i32
      %dma_wait3A_219 = tpu.memref_slice %arg3[%add3A_212, %dma_wait3A_217, %dma_wait3A_218] : memref<2560x2x128xi32, #tpu.memory_space<hbm>> -> memref<1x2x128xi32, #tpu.memory_space<hbm>>
      %dma_wait3A_220 = tpu.memref_squeeze %dma_wait3A_219 : memref<1x2x128xi32, #tpu.memory_space<hbm>> -> memref<2x128xi32, #tpu.memory_space<hbm>>
      tpu.wait_dma2 semaphore(%arg14 : memref<!tpu.dma_semaphore, #tpu.memory_space<semaphore_mem>>) src(%dma_wait3A_220 : memref<2x128xi32, #tpu.memory_space<hbm>>) dst(%arg7 : memref<2x128xi32, #tpu.memory_space<vmem>>)
      %dma_start3A_221 = arith.constant 0 : i32
      %dma_start3A_222 = arith.constant 0 : i32
      %dma_start3A_223 = tpu.memref_slice %arg7[%dma_start3A_221, %dma_start3A_222] : memref<2x128xi32, #tpu.memory_space<vmem>> -> memref<1x128xi32, #tpu.memory_space<vmem>>
      %dma_start3A_224 = tpu.memref_squeeze %dma_start3A_223 : memref<1x128xi32, #tpu.memory_space<vmem>> -> memref<128xi32, #tpu.memory_space<vmem>>
      %dma_start3A_225 = arith.constant 0 : i32
      %dma_start3A_226 = arith.constant 0 : i32
      %dma_start3A_227 = tpu.memref_slice %arg2[%dma_start3A_225, %dma_start3A_226] : memref<10000x128xf32, #tpu.memory_space<hbm>> -> memref<10000x128xf32, #tpu.memory_space<hbm>>
      tpu.enqueue_indirect_dma source(%dma_start3A_227 : memref<10000x128xf32, #tpu.memory_space<hbm>>) target(%arg9 : memref<128x128xf32, #tpu.memory_space<vmem>>) offsets(%dma_start3A_224 : memref<128xi32, #tpu.memory_space<vmem>>) semaphore(%arg16 : memref<!tpu.dma_semaphore, #tpu.memory_space<semaphore_mem>>)
      %run_scoped3A_228 = arith.constant 1 : i32
      "tpu.region"() ({
        %run_scoped3A_318 = tpu.sem_alloc : memref<!tpu.dma_semaphore, #tpu.memory_space<semaphore_mem>>
        %dma_start3A_319 = arith.constant 0 : i32
        %dma_start3A_320 = tpu.memref_slice %arg6[%run_scoped3A_228, %dma_start3A_319] : memref<2x128xi32, #tpu.memory_space<vmem>> -> memref<1x128xi32, #tpu.memory_space<vmem>>
        %dma_start3A_321 = tpu.memref_squeeze %dma_start3A_320 : memref<1x128xi32, #tpu.memory_space<vmem>> -> memref<128xi32, #tpu.memory_space<vmem>>
        %dma_start3A_322 = arith.constant 0 : i32
        %dma_start3A_323 = arith.constant 0 : i32
        %dma_start3A_324 = tpu.memref_slice %arg11[%dma_start3A_322, %dma_start3A_323] : memref<10240x128xf32, #tpu.memory_space<vmem_shared>> -> memref<10240x128xf32, #tpu.memory_space<vmem_shared>>
        tpu.enqueue_indirect_dma source(%arg10 : memref<128x128xf32, #tpu.memory_space<vmem>>) target(%dma_start3A_324 : memref<10240x128xf32, #tpu.memory_space<vmem_shared>>) offsets(%dma_start3A_321 : memref<128xi32, #tpu.memory_space<vmem>>) semaphore(%run_scoped3A_318 : memref<!tpu.dma_semaphore, #tpu.memory_space<semaphore_mem>>) {add = true}
        %dma_wait3A_325 = arith.constant 0 : i32
        %dma_wait3A_326 = tpu.memref_slice %arg6[%run_scoped3A_228, %dma_wait3A_325] : memref<2x128xi32, #tpu.memory_space<vmem>> -> memref<1x128xi32, #tpu.memory_space<vmem>>
        %dma_wait3A_327 = tpu.memref_squeeze %dma_wait3A_326 : memref<1x128xi32, #tpu.memory_space<vmem>> -> memref<128xi32, #tpu.memory_space<vmem>>
        %dma_wait3A_328 = arith.constant 0 : i32
        %dma_wait3A_329 = arith.constant 0 : i32
        %dma_wait3A_330 = tpu.memref_slice %arg11[%dma_wait3A_328, %dma_wait3A_329] : memref<10240x128xf32, #tpu.memory_space<vmem_shared>> -> memref<10240x128xf32, #tpu.memory_space<vmem_shared>>
        tpu.wait_indirect_dma semaphore(%run_scoped3A_318 : memref<!tpu.dma_semaphore, #tpu.memory_space<semaphore_mem>>) src(%arg10 : memref<128x128xf32, #tpu.memory_space<vmem>>) dst(%dma_wait3A_330 : memref<10240x128xf32, #tpu.memory_space<vmem_shared>>)
        tpu.yield
      }) : () -> ()
      %add3A_229 = arith.constant 4 : i32
      %add3A_230 = arith.addi %add3A_202, %add3A_229 : i32
      %add3A_231 = arith.addi %mul3A_2, %add3A_230 : i32
      %dma_start3A_232 = arith.constant 0 : i32
      %dma_start3A_233 = arith.constant 0 : i32
      %dma_start3A_234 = tpu.memref_slice %arg3[%add3A_231, %dma_start3A_232, %dma_start3A_233] : memref<2560x2x128xi32, #tpu.memory_space<hbm>> -> memref<1x2x128xi32, #tpu.memory_space<hbm>>
      %dma_start3A_235 = tpu.memref_squeeze %dma_start3A_234 : memref<1x2x128xi32, #tpu.memory_space<hbm>> -> memref<2x128xi32, #tpu.memory_space<hbm>>
      %dma_start3A_236 = arith.constant 0 : i32
      %dma_start3A_237 = arith.constant 0 : i32
      %dma_start3A_238 = tpu.memref_slice %arg3[%add3A_231, %dma_start3A_236, %dma_start3A_237] : memref<2560x2x128xi32, #tpu.memory_space<hbm>> -> memref<1x2x128xi32, #tpu.memory_space<hbm>>
      %dma_start3A_239 = tpu.memref_squeeze %dma_start3A_238 : memref<1x2x128xi32, #tpu.memory_space<hbm>> -> memref<2x128xi32, #tpu.memory_space<hbm>>
      tpu.enqueue_dma source(%dma_start3A_239 : memref<2x128xi32, #tpu.memory_space<hbm>>) target(%arg6 : memref<2x128xi32, #tpu.memory_space<vmem>>) target_semaphore(%arg13 : memref<!tpu.dma_semaphore, #tpu.memory_space<semaphore_mem>>)
      %add3A_240 = arith.constant 2 : i32
      %add3A_241 = arith.addi %mul3A_163, %add3A_240 : i32
      %dma_wait3A_242 = arith.constant 0 : i32
      %dma_wait3A_243 = arith.constant 0 : i32
      %dma_wait3A_244 = tpu.memref_slice %arg7[%dma_wait3A_242, %dma_wait3A_243] : memref<2x128xi32, #tpu.memory_space<vmem>> -> memref<1x128xi32, #tpu.memory_space<vmem>>
      %dma_wait3A_245 = tpu.memref_squeeze %dma_wait3A_244 : memref<1x128xi32, #tpu.memory_space<vmem>> -> memref<128xi32, #tpu.memory_space<vmem>>
      %dma_wait3A_246 = arith.constant 0 : i32
      %dma_wait3A_247 = arith.constant 0 : i32
      %dma_wait3A_248 = tpu.memref_slice %arg2[%dma_wait3A_246, %dma_wait3A_247] : memref<10000x128xf32, #tpu.memory_space<hbm>> -> memref<10000x128xf32, #tpu.memory_space<hbm>>
      tpu.wait_indirect_dma semaphore(%arg16 : memref<!tpu.dma_semaphore, #tpu.memory_space<semaphore_mem>>) src(%dma_wait3A_248 : memref<10000x128xf32, #tpu.memory_space<hbm>>) dst(%arg9 : memref<128x128xf32, #tpu.memory_space<vmem>>)
      %add3A_249 = arith.constant 1 : i32
      %add3A_250 = arith.addi %add3A_241, %add3A_249 : i32
      %add3A_251 = arith.addi %mul3A_2, %add3A_250 : i32
      %dma_wait3A_252 = arith.constant 0 : i32
      %dma_wait3A_253 = arith.constant 0 : i32
      %dma_wait3A_254 = tpu.memref_slice %arg3[%add3A_251, %dma_wait3A_252, %dma_wait3A_253] : memref<2560x2x128xi32, #tpu.memory_space<hbm>> -> memref<1x2x128xi32, #tpu.memory_space<hbm>>
      %dma_wait3A_255 = tpu.memref_squeeze %dma_wait3A_254 : memref<1x2x128xi32, #tpu.memory_space<hbm>> -> memref<2x128xi32, #tpu.memory_space<hbm>>
      %dma_wait3A_256 = arith.constant 0 : i32
      %dma_wait3A_257 = arith.constant 0 : i32
      %dma_wait3A_258 = tpu.memref_slice %arg3[%add3A_251, %dma_wait3A_256, %dma_wait3A_257] : memref<2560x2x128xi32, #tpu.memory_space<hbm>> -> memref<1x2x128xi32, #tpu.memory_space<hbm>>
      %dma_wait3A_259 = tpu.memref_squeeze %dma_wait3A_258 : memref<1x2x128xi32, #tpu.memory_space<hbm>> -> memref<2x128xi32, #tpu.memory_space<hbm>>
      tpu.wait_dma2 semaphore(%arg15 : memref<!tpu.dma_semaphore, #tpu.memory_space<semaphore_mem>>) src(%dma_wait3A_259 : memref<2x128xi32, #tpu.memory_space<hbm>>) dst(%arg8 : memref<2x128xi32, #tpu.memory_space<vmem>>)
      %dma_start3A_260 = arith.constant 0 : i32
      %dma_start3A_261 = arith.constant 0 : i32
      %dma_start3A_262 = tpu.memref_slice %arg8[%dma_start3A_260, %dma_start3A_261] : memref<2x128xi32, #tpu.memory_space<vmem>> -> memref<1x128xi32, #tpu.memory_space<vmem>>
      %dma_start3A_263 = tpu.memref_squeeze %dma_start3A_262 : memref<1x128xi32, #tpu.memory_space<vmem>> -> memref<128xi32, #tpu.memory_space<vmem>>
      %dma_start3A_264 = arith.constant 0 : i32
      %dma_start3A_265 = arith.constant 0 : i32
      %dma_start3A_266 = tpu.memref_slice %arg2[%dma_start3A_264, %dma_start3A_265] : memref<10000x128xf32, #tpu.memory_space<hbm>> -> memref<10000x128xf32, #tpu.memory_space<hbm>>
      tpu.enqueue_indirect_dma source(%dma_start3A_266 : memref<10000x128xf32, #tpu.memory_space<hbm>>) target(%arg10 : memref<128x128xf32, #tpu.memory_space<vmem>>) offsets(%dma_start3A_263 : memref<128xi32, #tpu.memory_space<vmem>>) semaphore(%arg17 : memref<!tpu.dma_semaphore, #tpu.memory_space<semaphore_mem>>)
      %run_scoped3A_267 = arith.constant 1 : i32
      "tpu.region"() ({
        %run_scoped3A_318 = tpu.sem_alloc : memref<!tpu.dma_semaphore, #tpu.memory_space<semaphore_mem>>
        %dma_start3A_319 = arith.constant 0 : i32
        %dma_start3A_320 = tpu.memref_slice %arg7[%run_scoped3A_267, %dma_start3A_319] : memref<2x128xi32, #tpu.memory_space<vmem>> -> memref<1x128xi32, #tpu.memory_space<vmem>>
        %dma_start3A_321 = tpu.memref_squeeze %dma_start3A_320 : memref<1x128xi32, #tpu.memory_space<vmem>> -> memref<128xi32, #tpu.memory_space<vmem>>
        %dma_start3A_322 = arith.constant 0 : i32
        %dma_start3A_323 = arith.constant 0 : i32
        %dma_start3A_324 = tpu.memref_slice %arg11[%dma_start3A_322, %dma_start3A_323] : memref<10240x128xf32, #tpu.memory_space<vmem_shared>> -> memref<10240x128xf32, #tpu.memory_space<vmem_shared>>
        tpu.enqueue_indirect_dma source(%arg9 : memref<128x128xf32, #tpu.memory_space<vmem>>) target(%dma_start3A_324 : memref<10240x128xf32, #tpu.memory_space<vmem_shared>>) offsets(%dma_start3A_321 : memref<128xi32, #tpu.memory_space<vmem>>) semaphore(%run_scoped3A_318 : memref<!tpu.dma_semaphore, #tpu.memory_space<semaphore_mem>>) {add = true}
        %dma_wait3A_325 = arith.constant 0 : i32
        %dma_wait3A_326 = tpu.memref_slice %arg7[%run_scoped3A_267, %dma_wait3A_325] : memref<2x128xi32, #tpu.memory_space<vmem>> -> memref<1x128xi32, #tpu.memory_space<vmem>>
        %dma_wait3A_327 = tpu.memref_squeeze %dma_wait3A_326 : memref<1x128xi32, #tpu.memory_space<vmem>> -> memref<128xi32, #tpu.memory_space<vmem>>
        %dma_wait3A_328 = arith.constant 0 : i32
        %dma_wait3A_329 = arith.constant 0 : i32
        %dma_wait3A_330 = tpu.memref_slice %arg11[%dma_wait3A_328, %dma_wait3A_329] : memref<10240x128xf32, #tpu.memory_space<vmem_shared>> -> memref<10240x128xf32, #tpu.memory_space<vmem_shared>>
        tpu.wait_indirect_dma semaphore(%run_scoped3A_318 : memref<!tpu.dma_semaphore, #tpu.memory_space<semaphore_mem>>) src(%arg9 : memref<128x128xf32, #tpu.memory_space<vmem>>) dst(%dma_wait3A_330 : memref<10240x128xf32, #tpu.memory_space<vmem_shared>>)
        tpu.yield
      }) : () -> ()
      %add3A_268 = arith.constant 4 : i32
      %add3A_269 = arith.addi %add3A_241, %add3A_268 : i32
      %add3A_270 = arith.addi %mul3A_2, %add3A_269 : i32
      %dma_start3A_271 = arith.constant 0 : i32
      %dma_start3A_272 = arith.constant 0 : i32
      %dma_start3A_273 = tpu.memref_slice %arg3[%add3A_270, %dma_start3A_271, %dma_start3A_272] : memref<2560x2x128xi32, #tpu.memory_space<hbm>> -> memref<1x2x128xi32, #tpu.memory_space<hbm>>
      %dma_start3A_274 = tpu.memref_squeeze %dma_start3A_273 : memref<1x2x128xi32, #tpu.memory_space<hbm>> -> memref<2x128xi32, #tpu.memory_space<hbm>>
      %dma_start3A_275 = arith.constant 0 : i32
      %dma_start3A_276 = arith.constant 0 : i32
      %dma_start3A_277 = tpu.memref_slice %arg3[%add3A_270, %dma_start3A_275, %dma_start3A_276] : memref<2560x2x128xi32, #tpu.memory_space<hbm>> -> memref<1x2x128xi32, #tpu.memory_space<hbm>>
      %dma_start3A_278 = tpu.memref_squeeze %dma_start3A_277 : memref<1x2x128xi32, #tpu.memory_space<hbm>> -> memref<2x128xi32, #tpu.memory_space<hbm>>
      tpu.enqueue_dma source(%dma_start3A_278 : memref<2x128xi32, #tpu.memory_space<hbm>>) target(%arg7 : memref<2x128xi32, #tpu.memory_space<vmem>>) target_semaphore(%arg14 : memref<!tpu.dma_semaphore, #tpu.memory_space<semaphore_mem>>)
      %add3A_279 = arith.constant 3 : i32
      %add3A_280 = arith.addi %mul3A_163, %add3A_279 : i32
      %dma_wait3A_281 = arith.constant 0 : i32
      %dma_wait3A_282 = arith.constant 0 : i32
      %dma_wait3A_283 = tpu.memref_slice %arg8[%dma_wait3A_281, %dma_wait3A_282] : memref<2x128xi32, #tpu.memory_space<vmem>> -> memref<1x128xi32, #tpu.memory_space<vmem>>
      %dma_wait3A_284 = tpu.memref_squeeze %dma_wait3A_283 : memref<1x128xi32, #tpu.memory_space<vmem>> -> memref<128xi32, #tpu.memory_space<vmem>>
      %dma_wait3A_285 = arith.constant 0 : i32
      %dma_wait3A_286 = arith.constant 0 : i32
      %dma_wait3A_287 = tpu.memref_slice %arg2[%dma_wait3A_285, %dma_wait3A_286] : memref<10000x128xf32, #tpu.memory_space<hbm>> -> memref<10000x128xf32, #tpu.memory_space<hbm>>
      tpu.wait_indirect_dma semaphore(%arg17 : memref<!tpu.dma_semaphore, #tpu.memory_space<semaphore_mem>>) src(%dma_wait3A_287 : memref<10000x128xf32, #tpu.memory_space<hbm>>) dst(%arg10 : memref<128x128xf32, #tpu.memory_space<vmem>>)
      %add3A_288 = arith.constant 1 : i32
      %add3A_289 = arith.addi %add3A_280, %add3A_288 : i32
      %add3A_290 = arith.addi %mul3A_2, %add3A_289 : i32
      %dma_wait3A_291 = arith.constant 0 : i32
      %dma_wait3A_292 = arith.constant 0 : i32
      %dma_wait3A_293 = tpu.memref_slice %arg3[%add3A_290, %dma_wait3A_291, %dma_wait3A_292] : memref<2560x2x128xi32, #tpu.memory_space<hbm>> -> memref<1x2x128xi32, #tpu.memory_space<hbm>>
      %dma_wait3A_294 = tpu.memref_squeeze %dma_wait3A_293 : memref<1x2x128xi32, #tpu.memory_space<hbm>> -> memref<2x128xi32, #tpu.memory_space<hbm>>
      %dma_wait3A_295 = arith.constant 0 : i32
      %dma_wait3A_296 = arith.constant 0 : i32
      %dma_wait3A_297 = tpu.memref_slice %arg3[%add3A_290, %dma_wait3A_295, %dma_wait3A_296] : memref<2560x2x128xi32, #tpu.memory_space<hbm>> -> memref<1x2x128xi32, #tpu.memory_space<hbm>>
      %dma_wait3A_298 = tpu.memref_squeeze %dma_wait3A_297 : memref<1x2x128xi32, #tpu.memory_space<hbm>> -> memref<2x128xi32, #tpu.memory_space<hbm>>
      tpu.wait_dma2 semaphore(%arg12 : memref<!tpu.dma_semaphore, #tpu.memory_space<semaphore_mem>>) src(%dma_wait3A_298 : memref<2x128xi32, #tpu.memory_space<hbm>>) dst(%arg5 : memref<2x128xi32, #tpu.memory_space<vmem>>)
      %dma_start3A_299 = arith.constant 0 : i32
      %dma_start3A_300 = arith.constant 0 : i32
      %dma_start3A_301 = tpu.memref_slice %arg5[%dma_start3A_299, %dma_start3A_300] : memref<2x128xi32, #tpu.memory_space<vmem>> -> memref<1x128xi32, #tpu.memory_space<vmem>>
      %dma_start3A_302 = tpu.memref_squeeze %dma_start3A_301 : memref<1x128xi32, #tpu.memory_space<vmem>> -> memref<128xi32, #tpu.memory_space<vmem>>
      %dma_start3A_303 = arith.constant 0 : i32
      %dma_start3A_304 = arith.constant 0 : i32
      %dma_start3A_305 = tpu.memref_slice %arg2[%dma_start3A_303, %dma_start3A_304] : memref<10000x128xf32, #tpu.memory_space<hbm>> -> memref<10000x128xf32, #tpu.memory_space<hbm>>
      tpu.enqueue_indirect_dma source(%dma_start3A_305 : memref<10000x128xf32, #tpu.memory_space<hbm>>) target(%arg9 : memref<128x128xf32, #tpu.memory_space<vmem>>) offsets(%dma_start3A_302 : memref<128xi32, #tpu.memory_space<vmem>>) semaphore(%arg16 : memref<!tpu.dma_semaphore, #tpu.memory_space<semaphore_mem>>)
      %run_scoped3A_306 = arith.constant 1 : i32
      "tpu.region"() ({
        %run_scoped3A_318 = tpu.sem_alloc : memref<!tpu.dma_semaphore, #tpu.memory_space<semaphore_mem>>
        %dma_start3A_319 = arith.constant 0 : i32
        %dma_start3A_320 = tpu.memref_slice %arg8[%run_scoped3A_306, %dma_start3A_319] : memref<2x128xi32, #tpu.memory_space<vmem>> -> memref<1x128xi32, #tpu.memory_space<vmem>>
        %dma_start3A_321 = tpu.memref_squeeze %dma_start3A_320 : memref<1x128xi32, #tpu.memory_space<vmem>> -> memref<128xi32, #tpu.memory_space<vmem>>
        %dma_start3A_322 = arith.constant 0 : i32
        %dma_start3A_323 = arith.constant 0 : i32
        %dma_start3A_324 = tpu.memref_slice %arg11[%dma_start3A_322, %dma_start3A_323] : memref<10240x128xf32, #tpu.memory_space<vmem_shared>> -> memref<10240x128xf32, #tpu.memory_space<vmem_shared>>
        tpu.enqueue_indirect_dma source(%arg10 : memref<128x128xf32, #tpu.memory_space<vmem>>) target(%dma_start3A_324 : memref<10240x128xf32, #tpu.memory_space<vmem_shared>>) offsets(%dma_start3A_321 : memref<128xi32, #tpu.memory_space<vmem>>) semaphore(%run_scoped3A_318 : memref<!tpu.dma_semaphore, #tpu.memory_space<semaphore_mem>>) {add = true}
        %dma_wait3A_325 = arith.constant 0 : i32
        %dma_wait3A_326 = tpu.memref_slice %arg8[%run_scoped3A_306, %dma_wait3A_325] : memref<2x128xi32, #tpu.memory_space<vmem>> -> memref<1x128xi32, #tpu.memory_space<vmem>>
        %dma_wait3A_327 = tpu.memref_squeeze %dma_wait3A_326 : memref<1x128xi32, #tpu.memory_space<vmem>> -> memref<128xi32, #tpu.memory_space<vmem>>
        %dma_wait3A_328 = arith.constant 0 : i32
        %dma_wait3A_329 = arith.constant 0 : i32
        %dma_wait3A_330 = tpu.memref_slice %arg11[%dma_wait3A_328, %dma_wait3A_329] : memref<10240x128xf32, #tpu.memory_space<vmem_shared>> -> memref<10240x128xf32, #tpu.memory_space<vmem_shared>>
        tpu.wait_indirect_dma semaphore(%run_scoped3A_318 : memref<!tpu.dma_semaphore, #tpu.memory_space<semaphore_mem>>) src(%arg10 : memref<128x128xf32, #tpu.memory_space<vmem>>) dst(%dma_wait3A_330 : memref<10240x128xf32, #tpu.memory_space<vmem_shared>>)
        tpu.yield
      }) : () -> ()
      %add3A_307 = arith.constant 4 : i32
      %add3A_308 = arith.addi %add3A_280, %add3A_307 : i32
      %add3A_309 = arith.addi %mul3A_2, %add3A_308 : i32
      %dma_start3A_310 = arith.constant 0 : i32
      %dma_start3A_311 = arith.constant 0 : i32
      %dma_start3A_312 = tpu.memref_slice %arg3[%add3A_309, %dma_start3A_310, %dma_start3A_311] : memref<2560x2x128xi32, #tpu.memory_space<hbm>> -> memref<1x2x128xi32, #tpu.memory_space<hbm>>
      %dma_start3A_313 = tpu.memref_squeeze %dma_start3A_312 : memref<1x2x128xi32, #tpu.memory_space<hbm>> -> memref<2x128xi32, #tpu.memory_space<hbm>>
      %dma_start3A_314 = arith.constant 0 : i32
      %dma_start3A_315 = arith.constant 0 : i32
      %dma_start3A_316 = tpu.memref_slice %arg3[%add3A_309, %dma_start3A_314, %dma_start3A_315] : memref<2560x2x128xi32, #tpu.memory_space<hbm>> -> memref<1x2x128xi32, #tpu.memory_space<hbm>>
      %dma_start3A_317 = tpu.memref_squeeze %dma_start3A_316 : memref<1x2x128xi32, #tpu.memory_space<hbm>> -> memref<2x128xi32, #tpu.memory_space<hbm>>
      tpu.enqueue_dma source(%dma_start3A_317 : memref<2x128xi32, #tpu.memory_space<hbm>>) target(%arg8 : memref<2x128xi32, #tpu.memory_space<vmem>>) target_semaphore(%arg15 : memref<!tpu.dma_semaphore, #tpu.memory_space<semaphore_mem>>)
    }
    %scan3A_77 = arith.constant 19 : i32
    %dma_wait3A_78 = arith.constant 0 : i32
    %dma_wait3A_79 = arith.constant 0 : i32
    %dma_wait3A_80 = tpu.memref_slice %arg5[%dma_wait3A_78, %dma_wait3A_79] : memref<2x128xi32, #tpu.memory_space<vmem>> -> memref<1x128xi32, #tpu.memory_space<vmem>>
    %dma_wait3A_81 = tpu.memref_squeeze %dma_wait3A_80 : memref<1x128xi32, #tpu.memory_space<vmem>> -> memref<128xi32, #tpu.memory_space<vmem>>
    %dma_wait3A_82 = arith.constant 0 : i32
    %dma_wait3A_83 = arith.constant 0 : i32
    %dma_wait3A_84 = tpu.memref_slice %arg2[%dma_wait3A_82, %dma_wait3A_83] : memref<10000x128xf32, #tpu.memory_space<hbm>> -> memref<10000x128xf32, #tpu.memory_space<hbm>>
    tpu.wait_indirect_dma semaphore(%arg16 : memref<!tpu.dma_semaphore, #tpu.memory_space<semaphore_mem>>) src(%dma_wait3A_84 : memref<10000x128xf32, #tpu.memory_space<hbm>>) dst(%arg9 : memref<128x128xf32, #tpu.memory_space<vmem>>)
    %add3A_85 = arith.constant 77 : i32
    %add3A_86 = arith.addi %mul3A_2, %add3A_85 : i32
    %dma_wait3A_87 = arith.constant 0 : i32
    %dma_wait3A_88 = arith.constant 0 : i32
    %dma_wait3A_89 = tpu.memref_slice %arg3[%add3A_86, %dma_wait3A_87, %dma_wait3A_88] : memref<2560x2x128xi32, #tpu.memory_space<hbm>> -> memref<1x2x128xi32, #tpu.memory_space<hbm>>
    %dma_wait3A_90 = tpu.memref_squeeze %dma_wait3A_89 : memref<1x2x128xi32, #tpu.memory_space<hbm>> -> memref<2x128xi32, #tpu.memory_space<hbm>>
    %dma_wait3A_91 = arith.constant 0 : i32
    %dma_wait3A_92 = arith.constant 0 : i32
    %dma_wait3A_93 = tpu.memref_slice %arg3[%add3A_86, %dma_wait3A_91, %dma_wait3A_92] : memref<2560x2x128xi32, #tpu.memory_space<hbm>> -> memref<1x2x128xi32, #tpu.memory_space<hbm>>
    %dma_wait3A_94 = tpu.memref_squeeze %dma_wait3A_93 : memref<1x2x128xi32, #tpu.memory_space<hbm>> -> memref<2x128xi32, #tpu.memory_space<hbm>>
    tpu.wait_dma2 semaphore(%arg13 : memref<!tpu.dma_semaphore, #tpu.memory_space<semaphore_mem>>) src(%dma_wait3A_94 : memref<2x128xi32, #tpu.memory_space<hbm>>) dst(%arg6 : memref<2x128xi32, #tpu.memory_space<vmem>>)
    %dma_start3A_95 = arith.constant 0 : i32
    %dma_start3A_96 = arith.constant 0 : i32
    %dma_start3A_97 = tpu.memref_slice %arg6[%dma_start3A_95, %dma_start3A_96] : memref<2x128xi32, #tpu.memory_space<vmem>> -> memref<1x128xi32, #tpu.memory_space<vmem>>
    %dma_start3A_98 = tpu.memref_squeeze %dma_start3A_97 : memref<1x128xi32, #tpu.memory_space<vmem>> -> memref<128xi32, #tpu.memory_space<vmem>>
    %dma_start3A_99 = arith.constant 0 : i32
    %dma_start3A_100 = arith.constant 0 : i32
    %dma_start3A_101 = tpu.memref_slice %arg2[%dma_start3A_99, %dma_start3A_100] : memref<10000x128xf32, #tpu.memory_space<hbm>> -> memref<10000x128xf32, #tpu.memory_space<hbm>>
    tpu.enqueue_indirect_dma source(%dma_start3A_101 : memref<10000x128xf32, #tpu.memory_space<hbm>>) target(%arg10 : memref<128x128xf32, #tpu.memory_space<vmem>>) offsets(%dma_start3A_98 : memref<128xi32, #tpu.memory_space<vmem>>) semaphore(%arg17 : memref<!tpu.dma_semaphore, #tpu.memory_space<semaphore_mem>>)
    %run_scoped3A = arith.constant 1 : i32
    "tpu.region"() ({
      %run_scoped3A_161 = tpu.sem_alloc : memref<!tpu.dma_semaphore, #tpu.memory_space<semaphore_mem>>
      %dma_start3A_162 = arith.constant 0 : i32
      %dma_start3A_163 = tpu.memref_slice %arg5[%run_scoped3A, %dma_start3A_162] : memref<2x128xi32, #tpu.memory_space<vmem>> -> memref<1x128xi32, #tpu.memory_space<vmem>>
      %dma_start3A_164 = tpu.memref_squeeze %dma_start3A_163 : memref<1x128xi32, #tpu.memory_space<vmem>> -> memref<128xi32, #tpu.memory_space<vmem>>
      %dma_start3A_165 = arith.constant 0 : i32
      %dma_start3A_166 = arith.constant 0 : i32
      %dma_start3A_167 = tpu.memref_slice %arg11[%dma_start3A_165, %dma_start3A_166] : memref<10240x128xf32, #tpu.memory_space<vmem_shared>> -> memref<10240x128xf32, #tpu.memory_space<vmem_shared>>
      tpu.enqueue_indirect_dma source(%arg9 : memref<128x128xf32, #tpu.memory_space<vmem>>) target(%dma_start3A_167 : memref<10240x128xf32, #tpu.memory_space<vmem_shared>>) offsets(%dma_start3A_164 : memref<128xi32, #tpu.memory_space<vmem>>) semaphore(%run_scoped3A_161 : memref<!tpu.dma_semaphore, #tpu.memory_space<semaphore_mem>>) {add = true}
      %dma_wait3A_168 = arith.constant 0 : i32
      %dma_wait3A_169 = tpu.memref_slice %arg5[%run_scoped3A, %dma_wait3A_168] : memref<2x128xi32, #tpu.memory_space<vmem>> -> memref<1x128xi32, #tpu.memory_space<vmem>>
      %dma_wait3A_170 = tpu.memref_squeeze %dma_wait3A_169 : memref<1x128xi32, #tpu.memory_space<vmem>> -> memref<128xi32, #tpu.memory_space<vmem>>
      %dma_wait3A_171 = arith.constant 0 : i32
      %dma_wait3A_172 = arith.constant 0 : i32
      %dma_wait3A_173 = tpu.memref_slice %arg11[%dma_wait3A_171, %dma_wait3A_172] : memref<10240x128xf32, #tpu.memory_space<vmem_shared>> -> memref<10240x128xf32, #tpu.memory_space<vmem_shared>>
      tpu.wait_indirect_dma semaphore(%run_scoped3A_161 : memref<!tpu.dma_semaphore, #tpu.memory_space<semaphore_mem>>) src(%arg9 : memref<128x128xf32, #tpu.memory_space<vmem>>) dst(%dma_wait3A_173 : memref<10240x128xf32, #tpu.memory_space<vmem_shared>>)
      tpu.yield
    }) : () -> ()
    %dma_wait3A_102 = arith.constant 0 : i32
    %dma_wait3A_103 = arith.constant 0 : i32
    %dma_wait3A_104 = tpu.memref_slice %arg6[%dma_wait3A_102, %dma_wait3A_103] : memref<2x128xi32, #tpu.memory_space<vmem>> -> memref<1x128xi32, #tpu.memory_space<vmem>>
    %dma_wait3A_105 = tpu.memref_squeeze %dma_wait3A_104 : memref<1x128xi32, #tpu.memory_space<vmem>> -> memref<128xi32, #tpu.memory_space<vmem>>
    %dma_wait3A_106 = arith.constant 0 : i32
    %dma_wait3A_107 = arith.constant 0 : i32
    %dma_wait3A_108 = tpu.memref_slice %arg2[%dma_wait3A_106, %dma_wait3A_107] : memref<10000x128xf32, #tpu.memory_space<hbm>> -> memref<10000x128xf32, #tpu.memory_space<hbm>>
    tpu.wait_indirect_dma semaphore(%arg17 : memref<!tpu.dma_semaphore, #tpu.memory_space<semaphore_mem>>) src(%dma_wait3A_108 : memref<10000x128xf32, #tpu.memory_space<hbm>>) dst(%arg10 : memref<128x128xf32, #tpu.memory_space<vmem>>)
    %add3A_109 = arith.constant 78 : i32
    %add3A_110 = arith.addi %mul3A_2, %add3A_109 : i32
    %dma_wait3A_111 = arith.constant 0 : i32
    %dma_wait3A_112 = arith.constant 0 : i32
    %dma_wait3A_113 = tpu.memref_slice %arg3[%add3A_110, %dma_wait3A_111, %dma_wait3A_112] : memref<2560x2x128xi32, #tpu.memory_space<hbm>> -> memref<1x2x128xi32, #tpu.memory_space<hbm>>
    %dma_wait3A_114 = tpu.memref_squeeze %dma_wait3A_113 : memref<1x2x128xi32, #tpu.memory_space<hbm>> -> memref<2x128xi32, #tpu.memory_space<hbm>>
    %dma_wait3A_115 = arith.constant 0 : i32
    %dma_wait3A_116 = arith.constant 0 : i32
    %dma_wait3A_117 = tpu.memref_slice %arg3[%add3A_110, %dma_wait3A_115, %dma_wait3A_116] : memref<2560x2x128xi32, #tpu.memory_space<hbm>> -> memref<1x2x128xi32, #tpu.memory_space<hbm>>
    %dma_wait3A_118 = tpu.memref_squeeze %dma_wait3A_117 : memref<1x2x128xi32, #tpu.memory_space<hbm>> -> memref<2x128xi32, #tpu.memory_space<hbm>>
    tpu.wait_dma2 semaphore(%arg14 : memref<!tpu.dma_semaphore, #tpu.memory_space<semaphore_mem>>) src(%dma_wait3A_118 : memref<2x128xi32, #tpu.memory_space<hbm>>) dst(%arg7 : memref<2x128xi32, #tpu.memory_space<vmem>>)
    %dma_start3A_119 = arith.constant 0 : i32
    %dma_start3A_120 = arith.constant 0 : i32
    %dma_start3A_121 = tpu.memref_slice %arg7[%dma_start3A_119, %dma_start3A_120] : memref<2x128xi32, #tpu.memory_space<vmem>> -> memref<1x128xi32, #tpu.memory_space<vmem>>
    %dma_start3A_122 = tpu.memref_squeeze %dma_start3A_121 : memref<1x128xi32, #tpu.memory_space<vmem>> -> memref<128xi32, #tpu.memory_space<vmem>>
    %dma_start3A_123 = arith.constant 0 : i32
    %dma_start3A_124 = arith.constant 0 : i32
    %dma_start3A_125 = tpu.memref_slice %arg2[%dma_start3A_123, %dma_start3A_124] : memref<10000x128xf32, #tpu.memory_space<hbm>> -> memref<10000x128xf32, #tpu.memory_space<hbm>>
    tpu.enqueue_indirect_dma source(%dma_start3A_125 : memref<10000x128xf32, #tpu.memory_space<hbm>>) target(%arg9 : memref<128x128xf32, #tpu.memory_space<vmem>>) offsets(%dma_start3A_122 : memref<128xi32, #tpu.memory_space<vmem>>) semaphore(%arg16 : memref<!tpu.dma_semaphore, #tpu.memory_space<semaphore_mem>>)
    %run_scoped3A_126 = arith.constant 1 : i32
    "tpu.region"() ({
      %run_scoped3A_161 = tpu.sem_alloc : memref<!tpu.dma_semaphore, #tpu.memory_space<semaphore_mem>>
      %dma_start3A_162 = arith.constant 0 : i32
      %dma_start3A_163 = tpu.memref_slice %arg6[%run_scoped3A_126, %dma_start3A_162] : memref<2x128xi32, #tpu.memory_space<vmem>> -> memref<1x128xi32, #tpu.memory_space<vmem>>
      %dma_start3A_164 = tpu.memref_squeeze %dma_start3A_163 : memref<1x128xi32, #tpu.memory_space<vmem>> -> memref<128xi32, #tpu.memory_space<vmem>>
      %dma_start3A_165 = arith.constant 0 : i32
      %dma_start3A_166 = arith.constant 0 : i32
      %dma_start3A_167 = tpu.memref_slice %arg11[%dma_start3A_165, %dma_start3A_166] : memref<10240x128xf32, #tpu.memory_space<vmem_shared>> -> memref<10240x128xf32, #tpu.memory_space<vmem_shared>>
      tpu.enqueue_indirect_dma source(%arg10 : memref<128x128xf32, #tpu.memory_space<vmem>>) target(%dma_start3A_167 : memref<10240x128xf32, #tpu.memory_space<vmem_shared>>) offsets(%dma_start3A_164 : memref<128xi32, #tpu.memory_space<vmem>>) semaphore(%run_scoped3A_161 : memref<!tpu.dma_semaphore, #tpu.memory_space<semaphore_mem>>) {add = true}
      %dma_wait3A_168 = arith.constant 0 : i32
      %dma_wait3A_169 = tpu.memref_slice %arg6[%run_scoped3A_126, %dma_wait3A_168] : memref<2x128xi32, #tpu.memory_space<vmem>> -> memref<1x128xi32, #tpu.memory_space<vmem>>
      %dma_wait3A_170 = tpu.memref_squeeze %dma_wait3A_169 : memref<1x128xi32, #tpu.memory_space<vmem>> -> memref<128xi32, #tpu.memory_space<vmem>>
      %dma_wait3A_171 = arith.constant 0 : i32
      %dma_wait3A_172 = arith.constant 0 : i32
      %dma_wait3A_173 = tpu.memref_slice %arg11[%dma_wait3A_171, %dma_wait3A_172] : memref<10240x128xf32, #tpu.memory_space<vmem_shared>> -> memref<10240x128xf32, #tpu.memory_space<vmem_shared>>
      tpu.wait_indirect_dma semaphore(%run_scoped3A_161 : memref<!tpu.dma_semaphore, #tpu.memory_space<semaphore_mem>>) src(%arg10 : memref<128x128xf32, #tpu.memory_space<vmem>>) dst(%dma_wait3A_173 : memref<10240x128xf32, #tpu.memory_space<vmem_shared>>)
      tpu.yield
    }) : () -> ()
    %dma_wait3A_127 = arith.constant 0 : i32
    %dma_wait3A_128 = arith.constant 0 : i32
    %dma_wait3A_129 = tpu.memref_slice %arg7[%dma_wait3A_127, %dma_wait3A_128] : memref<2x128xi32, #tpu.memory_space<vmem>> -> memref<1x128xi32, #tpu.memory_space<vmem>>
    %dma_wait3A_130 = tpu.memref_squeeze %dma_wait3A_129 : memref<1x128xi32, #tpu.memory_space<vmem>> -> memref<128xi32, #tpu.memory_space<vmem>>
    %dma_wait3A_131 = arith.constant 0 : i32
    %dma_wait3A_132 = arith.constant 0 : i32
    %dma_wait3A_133 = tpu.memref_slice %arg2[%dma_wait3A_131, %dma_wait3A_132] : memref<10000x128xf32, #tpu.memory_space<hbm>> -> memref<10000x128xf32, #tpu.memory_space<hbm>>
    tpu.wait_indirect_dma semaphore(%arg16 : memref<!tpu.dma_semaphore, #tpu.memory_space<semaphore_mem>>) src(%dma_wait3A_133 : memref<10000x128xf32, #tpu.memory_space<hbm>>) dst(%arg9 : memref<128x128xf32, #tpu.memory_space<vmem>>)
    %add3A_134 = arith.constant 79 : i32
    %add3A_135 = arith.addi %mul3A_2, %add3A_134 : i32
    %dma_wait3A_136 = arith.constant 0 : i32
    %dma_wait3A_137 = arith.constant 0 : i32
    %dma_wait3A_138 = tpu.memref_slice %arg3[%add3A_135, %dma_wait3A_136, %dma_wait3A_137] : memref<2560x2x128xi32, #tpu.memory_space<hbm>> -> memref<1x2x128xi32, #tpu.memory_space<hbm>>
    %dma_wait3A_139 = tpu.memref_squeeze %dma_wait3A_138 : memref<1x2x128xi32, #tpu.memory_space<hbm>> -> memref<2x128xi32, #tpu.memory_space<hbm>>
    %dma_wait3A_140 = arith.constant 0 : i32
    %dma_wait3A_141 = arith.constant 0 : i32
    %dma_wait3A_142 = tpu.memref_slice %arg3[%add3A_135, %dma_wait3A_140, %dma_wait3A_141] : memref<2560x2x128xi32, #tpu.memory_space<hbm>> -> memref<1x2x128xi32, #tpu.memory_space<hbm>>
    %dma_wait3A_143 = tpu.memref_squeeze %dma_wait3A_142 : memref<1x2x128xi32, #tpu.memory_space<hbm>> -> memref<2x128xi32, #tpu.memory_space<hbm>>
    tpu.wait_dma2 semaphore(%arg15 : memref<!tpu.dma_semaphore, #tpu.memory_space<semaphore_mem>>) src(%dma_wait3A_143 : memref<2x128xi32, #tpu.memory_space<hbm>>) dst(%arg8 : memref<2x128xi32, #tpu.memory_space<vmem>>)
    %dma_start3A_144 = arith.constant 0 : i32
    %dma_start3A_145 = arith.constant 0 : i32
    %dma_start3A_146 = tpu.memref_slice %arg8[%dma_start3A_144, %dma_start3A_145] : memref<2x128xi32, #tpu.memory_space<vmem>> -> memref<1x128xi32, #tpu.memory_space<vmem>>
    %dma_start3A_147 = tpu.memref_squeeze %dma_start3A_146 : memref<1x128xi32, #tpu.memory_space<vmem>> -> memref<128xi32, #tpu.memory_space<vmem>>
    %dma_start3A_148 = arith.constant 0 : i32
    %dma_start3A_149 = arith.constant 0 : i32
    %dma_start3A_150 = tpu.memref_slice %arg2[%dma_start3A_148, %dma_start3A_149] : memref<10000x128xf32, #tpu.memory_space<hbm>> -> memref<10000x128xf32, #tpu.memory_space<hbm>>
    tpu.enqueue_indirect_dma source(%dma_start3A_150 : memref<10000x128xf32, #tpu.memory_space<hbm>>) target(%arg10 : memref<128x128xf32, #tpu.memory_space<vmem>>) offsets(%dma_start3A_147 : memref<128xi32, #tpu.memory_space<vmem>>) semaphore(%arg17 : memref<!tpu.dma_semaphore, #tpu.memory_space<semaphore_mem>>)
    %run_scoped3A_151 = arith.constant 1 : i32
    "tpu.region"() ({
      %run_scoped3A_161 = tpu.sem_alloc : memref<!tpu.dma_semaphore, #tpu.memory_space<semaphore_mem>>
      %dma_start3A_162 = arith.constant 0 : i32
      %dma_start3A_163 = tpu.memref_slice %arg7[%run_scoped3A_151, %dma_start3A_162] : memref<2x128xi32, #tpu.memory_space<vmem>> -> memref<1x128xi32, #tpu.memory_space<vmem>>
      %dma_start3A_164 = tpu.memref_squeeze %dma_start3A_163 : memref<1x128xi32, #tpu.memory_space<vmem>> -> memref<128xi32, #tpu.memory_space<vmem>>
      %dma_start3A_165 = arith.constant 0 : i32
      %dma_start3A_166 = arith.constant 0 : i32
      %dma_start3A_167 = tpu.memref_slice %arg11[%dma_start3A_165, %dma_start3A_166] : memref<10240x128xf32, #tpu.memory_space<vmem_shared>> -> memref<10240x128xf32, #tpu.memory_space<vmem_shared>>
      tpu.enqueue_indirect_dma source(%arg9 : memref<128x128xf32, #tpu.memory_space<vmem>>) target(%dma_start3A_167 : memref<10240x128xf32, #tpu.memory_space<vmem_shared>>) offsets(%dma_start3A_164 : memref<128xi32, #tpu.memory_space<vmem>>) semaphore(%run_scoped3A_161 : memref<!tpu.dma_semaphore, #tpu.memory_space<semaphore_mem>>) {add = true}
      %dma_wait3A_168 = arith.constant 0 : i32
      %dma_wait3A_169 = tpu.memref_slice %arg7[%run_scoped3A_151, %dma_wait3A_168] : memref<2x128xi32, #tpu.memory_space<vmem>> -> memref<1x128xi32, #tpu.memory_space<vmem>>
      %dma_wait3A_170 = tpu.memref_squeeze %dma_wait3A_169 : memref<1x128xi32, #tpu.memory_space<vmem>> -> memref<128xi32, #tpu.memory_space<vmem>>
      %dma_wait3A_171 = arith.constant 0 : i32
      %dma_wait3A_172 = arith.constant 0 : i32
      %dma_wait3A_173 = tpu.memref_slice %arg11[%dma_wait3A_171, %dma_wait3A_172] : memref<10240x128xf32, #tpu.memory_space<vmem_shared>> -> memref<10240x128xf32, #tpu.memory_space<vmem_shared>>
      tpu.wait_indirect_dma semaphore(%run_scoped3A_161 : memref<!tpu.dma_semaphore, #tpu.memory_space<semaphore_mem>>) src(%arg9 : memref<128x128xf32, #tpu.memory_space<vmem>>) dst(%dma_wait3A_173 : memref<10240x128xf32, #tpu.memory_space<vmem_shared>>)
      tpu.yield
    }) : () -> ()
    %dma_wait3A_152 = arith.constant 0 : i32
    %dma_wait3A_153 = arith.constant 0 : i32
    %dma_wait3A_154 = tpu.memref_slice %arg8[%dma_wait3A_152, %dma_wait3A_153] : memref<2x128xi32, #tpu.memory_space<vmem>> -> memref<1x128xi32, #tpu.memory_space<vmem>>
    %dma_wait3A_155 = tpu.memref_squeeze %dma_wait3A_154 : memref<1x128xi32, #tpu.memory_space<vmem>> -> memref<128xi32, #tpu.memory_space<vmem>>
    %dma_wait3A_156 = arith.constant 0 : i32
    %dma_wait3A_157 = arith.constant 0 : i32
    %dma_wait3A_158 = tpu.memref_slice %arg2[%dma_wait3A_156, %dma_wait3A_157] : memref<10000x128xf32, #tpu.memory_space<hbm>> -> memref<10000x128xf32, #tpu.memory_space<hbm>>
    tpu.wait_indirect_dma semaphore(%arg17 : memref<!tpu.dma_semaphore, #tpu.memory_space<semaphore_mem>>) src(%dma_wait3A_158 : memref<10000x128xf32, #tpu.memory_space<hbm>>) dst(%arg10 : memref<128x128xf32, #tpu.memory_space<vmem>>)
    %run_scoped3A_159 = arith.constant 1 : i32
    "tpu.region"() ({
      %run_scoped3A_161 = tpu.sem_alloc : memref<!tpu.dma_semaphore, #tpu.memory_space<semaphore_mem>>
      %dma_start3A_162 = arith.constant 0 : i32
      %dma_start3A_163 = tpu.memref_slice %arg8[%run_scoped3A_159, %dma_start3A_162] : memref<2x128xi32, #tpu.memory_space<vmem>> -> memref<1x128xi32, #tpu.memory_space<vmem>>
      %dma_start3A_164 = tpu.memref_squeeze %dma_start3A_163 : memref<1x128xi32, #tpu.memory_space<vmem>> -> memref<128xi32, #tpu.memory_space<vmem>>
      %dma_start3A_165 = arith.constant 0 : i32
      %dma_start3A_166 = arith.constant 0 : i32
      %dma_start3A_167 = tpu.memref_slice %arg11[%dma_start3A_165, %dma_start3A_166] : memref<10240x128xf32, #tpu.memory_space<vmem_shared>> -> memref<10240x128xf32, #tpu.memory_space<vmem_shared>>
      tpu.enqueue_indirect_dma source(%arg10 : memref<128x128xf32, #tpu.memory_space<vmem>>) target(%dma_start3A_167 : memref<10240x128xf32, #tpu.memory_space<vmem_shared>>) offsets(%dma_start3A_164 : memref<128xi32, #tpu.memory_space<vmem>>) semaphore(%run_scoped3A_161 : memref<!tpu.dma_semaphore, #tpu.memory_space<semaphore_mem>>) {add = true}
      %dma_wait3A_168 = arith.constant 0 : i32
      %dma_wait3A_169 = tpu.memref_slice %arg8[%run_scoped3A_159, %dma_wait3A_168] : memref<2x128xi32, #tpu.memory_space<vmem>> -> memref<1x128xi32, #tpu.memory_space<vmem>>
      %dma_wait3A_170 = tpu.memref_squeeze %dma_wait3A_169 : memref<1x128xi32, #tpu.memory_space<vmem>> -> memref<128xi32, #tpu.memory_space<vmem>>
      %dma_wait3A_171 = arith.constant 0 : i32
      %dma_wait3A_172 = arith.constant 0 : i32
      %dma_wait3A_173 = tpu.memref_slice %arg11[%dma_wait3A_171, %dma_wait3A_172] : memref<10240x128xf32, #tpu.memory_space<vmem_shared>> -> memref<10240x128xf32, #tpu.memory_space<vmem_shared>>
      tpu.wait_indirect_dma semaphore(%run_scoped3A_161 : memref<!tpu.dma_semaphore, #tpu.memory_space<semaphore_mem>>) src(%arg10 : memref<128x128xf32, #tpu.memory_space<vmem>>) dst(%dma_wait3A_173 : memref<10240x128xf32, #tpu.memory_space<vmem_shared>>)
      tpu.yield
    }) : () -> ()
    %barrier3A_160 = arith.constant 0 : index
    tpu.barrier barrier_id(%barrier3A_160)
    "tpu.region"() ({
      %run_scoped3A_161 = tpu.sem_alloc : memref<!tpu.dma_semaphore, #tpu.memory_space<semaphore_mem>>
      %dma_start3A_162 = arith.constant 0 : i32
      %dma_start3A_163 = tpu.memref_slice %arg4[%arg0, %mul3A_49, %dma_start3A_162] : memref<2x10240x128xf32, #tpu.memory_space<hbm>> -> memref<1x640x128xf32, #tpu.memory_space<hbm>>
      %dma_start3A_164 = tpu.memref_squeeze %dma_start3A_163 : memref<1x640x128xf32, #tpu.memory_space<hbm>> -> memref<640x128xf32, #tpu.memory_space<hbm>>
      %dma_start3A_165 = arith.constant 0 : i32
      %dma_start3A_166 = tpu.memref_slice %arg11[%mul3A_49, %dma_start3A_165] : memref<10240x128xf32, #tpu.memory_space<vmem_shared>> -> memref<640x128xf32, #tpu.memory_space<vmem_shared>>
      tpu.enqueue_dma source(%dma_start3A_166 : memref<640x128xf32, #tpu.memory_space<vmem_shared>>) target(%dma_start3A_164 : memref<640x128xf32, #tpu.memory_space<hbm>>) target_semaphore(%run_scoped3A_161 : memref<!tpu.dma_semaphore, #tpu.memory_space<semaphore_mem>>)
      %dma_wait3A_167 = arith.constant 0 : i32
      %dma_wait3A_168 = tpu.memref_slice %arg4[%arg0, %mul3A_49, %dma_wait3A_167] : memref<2x10240x128xf32, #tpu.memory_space<hbm>> -> memref<1x640x128xf32, #tpu.memory_space<hbm>>
      %dma_wait3A_169 = tpu.memref_squeeze %dma_wait3A_168 : memref<1x640x128xf32, #tpu.memory_space<hbm>> -> memref<640x128xf32, #tpu.memory_space<hbm>>
      %dma_wait3A_170 = arith.constant 0 : i32
      %dma_wait3A_171 = tpu.memref_slice %arg11[%mul3A_49, %dma_wait3A_170] : memref<10240x128xf32, #tpu.memory_space<vmem_shared>> -> memref<640x128xf32, #tpu.memory_space<vmem_shared>>
      tpu.wait_dma2 semaphore(%run_scoped3A_161 : memref<!tpu.dma_semaphore, #tpu.memory_space<semaphore_mem>>) src(%dma_wait3A_171 : memref<640x128xf32, #tpu.memory_space<vmem_shared>>) dst(%dma_wait3A_169 : memref<640x128xf32, #tpu.memory_space<hbm>>)
      tpu.yield
    }) : () -> ()
    return
  }
}

module attributes {stable_mosaic.version = 14 : i64} {
  func.func @_prologue_body(%arg0: i32, %arg1: memref<2000x2xf32, #tpu.memory_space<vmem>>, %arg2: memref<2000x128xf32, #tpu.memory_space<vmem>>, %arg3: memref<128x128xf32, #tpu.memory_space<vmem>>, %arg4: memref<2000x1xf32, #tpu.memory_space<vmem>>, %arg5: memref<2000x128xf32, #tpu.memory_space<vmem>>) attributes {dimension_semantics = [#tpu.dimension_semantics<arbitrary>], iteration_bounds = array<i64: 5>, scalar_prefetch = 0 : i64, scratch_operands = 0 : i64, tpu.core_type = #tpu.core_type<tc>, window_params = [{transform_indices = @transform_0, window_bounds = array<i64: 2000, 2>}, {transform_indices = @transform_1, window_bounds = array<i64: 2000, 128>}, {pipeline_mode = #tpu.pipeline_mode<synchronous>, transform_indices = @transform_2, window_bounds = array<i64: 128, 128>}, {transform_indices = @transform_3, window_bounds = array<i64: 2000, 1>}, {transform_indices = @transform_4, window_bounds = array<i64: 2000, 128>}]} {
    %get3A = arith.constant 0 : index
    %get3A_0 = arith.constant 0 : index
    %get3A_1 = vector.load %arg1[%get3A, %get3A_0] : memref<2000x2xf32, #tpu.memory_space<vmem>>, vector<2000x1xf32>
    %get3A_2 = arith.constant 0 : index
    %get3A_3 = arith.constant 1 : index
    %get3A_4 = vector.load %arg1[%get3A_2, %get3A_3] : memref<2000x2xf32, #tpu.memory_space<vmem>>, vector<2000x1xf32>
    %add3A = arith.addf %get3A_1, %get3A_4 : vector<2000x1xf32>
    %add3A_5 = arith.constant 1.000000e+00 : f32
    %add3A_6 = vector.broadcast %add3A_5 : f32 to vector<2000x1xf32>
    %add3A_7 = arith.addf %add3A, %add3A_6 : vector<2000x1xf32>
    %rsqrt3A = math.rsqrt %add3A_7 : vector<2000x1xf32>
    %swap3A = arith.constant 0 : index
    %swap3A_8 = arith.constant 0 : index
    %swap3A_9 = vector.load %arg4[%swap3A, %swap3A_8] : memref<2000x1xf32, #tpu.memory_space<vmem>>, vector<2000x1xf32>
    tpu.vector_store %arg4[%swap3A, %swap3A_8], %rsqrt3A {strides = array<i32>} : memref<2000x1xf32, #tpu.memory_space<vmem>>, vector<2000x1xf32>,
    %get3A_10 = arith.constant 0 : index
    %get3A_11 = arith.constant 0 : index
    %get3A_12 = vector.load %arg2[%get3A_10, %get3A_11] : memref<2000x128xf32, #tpu.memory_space<vmem>>, vector<2000x128xf32>
    %get3A_13 = arith.constant 0 : index
    %get3A_14 = arith.constant 0 : index
    %get3A_15 = vector.load %arg3[%get3A_13, %get3A_14] : memref<128x128xf32, #tpu.memory_space<vmem>>, vector<128x128xf32>
    %dot_general3A = arith.constant dense<0.000000e+00> : vector<2000x128xf32>
    %dot_general3A_16 = tpu.matmul %get3A_12, %get3A_15, %dot_general3A {dimension_numbers = #tpu.dot_dimension_numbers<[1], [0], [0], [1], [0, 0, 1, 1], [], []>, transpose_lhs_hint = false} : vector<2000x128xf32>, vector<128x128xf32>, vector<2000x128xf32> -> vector<2000x128xf32>
    %mul3A = vector.broadcast %rsqrt3A : vector<2000x1xf32> to vector<2000x128xf32>
    %mul3A_17 = arith.mulf %mul3A, %dot_general3A_16 : vector<2000x128xf32>
    %swap3A_18 = arith.constant 0 : index
    %swap3A_19 = arith.constant 0 : index
    %swap3A_20 = vector.load %arg5[%swap3A_18, %swap3A_19] : memref<2000x128xf32, #tpu.memory_space<vmem>>, vector<2000x128xf32>
    tpu.vector_store %arg5[%swap3A_18, %swap3A_19], %mul3A_17 {strides = array<i32>} : memref<2000x128xf32, #tpu.memory_space<vmem>>, vector<2000x128xf32>,
    return
  }
  func.func @transform_0(%arg0: i32) -> (i32, i32) {
    %c0_i32 = arith.constant 0 : i32
    %c0_i32_0 = arith.constant 0 : i32
    return %arg0, %c0_i32 : i32, i32
  }
  func.func @transform_1(%arg0: i32) -> (i32, i32) {
    %c0_i32 = arith.constant 0 : i32
    %c0_i32_0 = arith.constant 0 : i32
    return %arg0, %c0_i32 : i32, i32
  }
  func.func @transform_2(%arg0: i32) -> (i32, i32) {
    %c0_i32 = arith.constant 0 : i32
    %c0_i32_0 = arith.constant 0 : i32
    %c0_i32_1 = arith.constant 0 : i32
    return %c0_i32, %c0_i32_0 : i32, i32
  }
  func.func @transform_3(%arg0: i32) -> (i32, i32) {
    %c0_i32 = arith.constant 0 : i32
    %c0_i32_0 = arith.constant 0 : i32
    return %arg0, %c0_i32 : i32, i32
  }
  func.func @transform_4(%arg0: i32) -> (i32, i32) {
    %c0_i32 = arith.constant 0 : i32
    %c0_i32_0 = arith.constant 0 : i32
    return %arg0, %c0_i32 : i32, i32
  }
}

module attributes {stable_mosaic.version = 14 : i64} {
  func.func @_mid_body(%arg0: i32, %arg1: memref<2x2000x128xf32, #tpu.memory_space<vmem>>, %arg2: memref<2000x128xf32, #tpu.memory_space<vmem>>, %arg3: memref<2000x1xf32, #tpu.memory_space<vmem>>, %arg4: memref<1x128xf32, #tpu.memory_space<vmem>>, %arg5: memref<128x128xf32, #tpu.memory_space<vmem>>, %arg6: memref<2000x128xf32, #tpu.memory_space<vmem>>, %arg7: memref<2000x128xf32, #tpu.memory_space<vmem>>) attributes {dimension_semantics = [#tpu.dimension_semantics<arbitrary>], iteration_bounds = array<i64: 5>, scalar_prefetch = 0 : i64, scratch_operands = 0 : i64, tpu.core_type = #tpu.core_type<tc>, window_params = [{transform_indices = @transform_0, window_bounds = array<i64: 2, 2000, 128>}, {transform_indices = @transform_1, window_bounds = array<i64: 2000, 128>}, {transform_indices = @transform_2, window_bounds = array<i64: 2000, 1>}, {pipeline_mode = #tpu.pipeline_mode<synchronous>, transform_indices = @transform_3, window_bounds = array<i64: 1, 128>}, {pipeline_mode = #tpu.pipeline_mode<synchronous>, transform_indices = @transform_4, window_bounds = array<i64: 128, 128>}, {transform_indices = @transform_5, window_bounds = array<i64: 2000, 128>}, {transform_indices = @transform_6, window_bounds = array<i64: 2000, 128>}]} {
    %get3A = arith.constant 0 : index
    %get3A_0 = arith.constant 0 : index
    %get3A_1 = vector.load %arg3[%get3A, %get3A_0] : memref<2000x1xf32, #tpu.memory_space<vmem>>, vector<2000x1xf32>
    %get3A_2 = arith.constant 0 : index
    %get3A_3 = arith.constant 0 : index
    %get3A_4 = arith.constant 0 : index
    %get3A_5 = vector.load %arg1[%get3A_2, %get3A_3, %get3A_4] : memref<2x2000x128xf32, #tpu.memory_space<vmem>>, vector<1x2000x128xf32>
    %get3A_6 = vector.shape_cast %get3A_5 : vector<1x2000x128xf32> to vector<2000x128xf32>
    %get3A_7 = arith.constant 1 : index
    %get3A_8 = arith.constant 0 : index
    %get3A_9 = arith.constant 0 : index
    %get3A_10 = vector.load %arg1[%get3A_7, %get3A_8, %get3A_9] : memref<2x2000x128xf32, #tpu.memory_space<vmem>>, vector<1x2000x128xf32>
    %get3A_11 = vector.shape_cast %get3A_10 : vector<1x2000x128xf32> to vector<2000x128xf32>
    %add3A = arith.addf %get3A_6, %get3A_11 : vector<2000x128xf32>
    %get3A_12 = arith.constant 0 : index
    %get3A_13 = arith.constant 0 : index
    %get3A_14 = vector.load %arg2[%get3A_12, %get3A_13] : memref<2000x128xf32, #tpu.memory_space<vmem>>, vector<2000x128xf32>
    %add3A_15 = arith.addf %add3A, %get3A_14 : vector<2000x128xf32>
    %mul3A = vector.broadcast %get3A_1 : vector<2000x1xf32> to vector<2000x128xf32>
    %mul3A_16 = arith.mulf %mul3A, %add3A_15 : vector<2000x128xf32>
    %get3A_17 = arith.constant 0 : index
    %get3A_18 = arith.constant 0 : index
    %get3A_19 = vector.load %arg4[%get3A_17, %get3A_18] : memref<1x128xf32, #tpu.memory_space<vmem>>, vector<1x128xf32>
    %add3A_20 = vector.broadcast %get3A_19 : vector<1x128xf32> to vector<2000x128xf32>
    %add3A_21 = arith.addf %mul3A_16, %add3A_20 : vector<2000x128xf32>
    %max3A = arith.constant 0.000000e+00 : f32
    %max3A_22 = vector.broadcast %max3A : f32 to vector<2000x128xf32>
    %max3A_23 = arith.maximumf %add3A_21, %max3A_22 : vector<2000x128xf32>
    %swap3A = arith.constant 0 : index
    %swap3A_24 = arith.constant 0 : index
    %swap3A_25 = vector.load %arg6[%swap3A, %swap3A_24] : memref<2000x128xf32, #tpu.memory_space<vmem>>, vector<2000x128xf32>
    tpu.vector_store %arg6[%swap3A, %swap3A_24], %max3A_23 {strides = array<i32>} : memref<2000x128xf32, #tpu.memory_space<vmem>>, vector<2000x128xf32>,
    %get3A_26 = arith.constant 0 : index
    %get3A_27 = arith.constant 0 : index
    %get3A_28 = vector.load %arg5[%get3A_26, %get3A_27] : memref<128x128xf32, #tpu.memory_space<vmem>>, vector<128x128xf32>
    %dot_general3A = arith.constant dense<0.000000e+00> : vector<2000x128xf32>
    %dot_general3A_29 = tpu.matmul %max3A_23, %get3A_28, %dot_general3A {dimension_numbers = #tpu.dot_dimension_numbers<[1], [0], [0], [1], [0, 0, 1, 1], [], []>, transpose_lhs_hint = false} : vector<2000x128xf32>, vector<128x128xf32>, vector<2000x128xf32> -> vector<2000x128xf32>
    %mul3A_30 = vector.broadcast %get3A_1 : vector<2000x1xf32> to vector<2000x128xf32>
    %mul3A_31 = arith.mulf %mul3A_30, %dot_general3A_29 : vector<2000x128xf32>
    %swap3A_32 = arith.constant 0 : index
    %swap3A_33 = arith.constant 0 : index
    %swap3A_34 = vector.load %arg7[%swap3A_32, %swap3A_33] : memref<2000x128xf32, #tpu.memory_space<vmem>>, vector<2000x128xf32>
    tpu.vector_store %arg7[%swap3A_32, %swap3A_33], %mul3A_31 {strides = array<i32>} : memref<2000x128xf32, #tpu.memory_space<vmem>>, vector<2000x128xf32>,
    return
  }
  func.func @transform_0(%arg0: i32) -> (i32, i32, i32) {
    %c0_i32 = arith.constant 0 : i32
    %c0_i32_0 = arith.constant 0 : i32
    %c0_i32_1 = arith.constant 0 : i32
    return %c0_i32, %arg0, %c0_i32_0 : i32, i32, i32
  }
  func.func @transform_1(%arg0: i32) -> (i32, i32) {
    %c0_i32 = arith.constant 0 : i32
    %c0_i32_0 = arith.constant 0 : i32
    return %arg0, %c0_i32 : i32, i32
  }
  func.func @transform_2(%arg0: i32) -> (i32, i32) {
    %c0_i32 = arith.constant 0 : i32
    %c0_i32_0 = arith.constant 0 : i32
    return %arg0, %c0_i32 : i32, i32
  }
  func.func @transform_3(%arg0: i32) -> (i32, i32) {
    %c0_i32 = arith.constant 0 : i32
    %c0_i32_0 = arith.constant 0 : i32
    %c0_i32_1 = arith.constant 0 : i32
    return %c0_i32, %c0_i32_0 : i32, i32
  }
  func.func @transform_4(%arg0: i32) -> (i32, i32) {
    %c0_i32 = arith.constant 0 : i32
    %c0_i32_0 = arith.constant 0 : i32
    %c0_i32_1 = arith.constant 0 : i32
    return %c0_i32, %c0_i32_0 : i32, i32
  }
  func.func @transform_5(%arg0: i32) -> (i32, i32) {
    %c0_i32 = arith.constant 0 : i32
    %c0_i32_0 = arith.constant 0 : i32
    return %arg0, %c0_i32 : i32, i32
  }
  func.func @transform_6(%arg0: i32) -> (i32, i32) {
    %c0_i32 = arith.constant 0 : i32
    %c0_i32_0 = arith.constant 0 : i32
    return %arg0, %c0_i32 : i32, i32
  }
}

module attributes {stable_mosaic.version = 14 : i64} {
  func.func @_proj_body(%arg0: i32, %arg1: memref<2x2000x128xf32, #tpu.memory_space<vmem>>, %arg2: memref<2000x128xf32, #tpu.memory_space<vmem>>, %arg3: memref<2000x1xf32, #tpu.memory_space<vmem>>, %arg4: memref<1x128xf32, #tpu.memory_space<vmem>>, %arg5: memref<2000x128xf32, #tpu.memory_space<vmem>>, %arg6: memref<2000x128xf32, #tpu.memory_space<vmem>>, %arg7: memref<384x128xf32, #tpu.memory_space<vmem>>, %arg8: memref<2000x128xf32, #tpu.memory_space<vmem>>) attributes {dimension_semantics = [#tpu.dimension_semantics<arbitrary>], iteration_bounds = array<i64: 5>, scalar_prefetch = 0 : i64, scratch_operands = 0 : i64, tpu.core_type = #tpu.core_type<tc>, window_params = [{transform_indices = @transform_0, window_bounds = array<i64: 2, 2000, 128>}, {transform_indices = @transform_1, window_bounds = array<i64: 2000, 128>}, {transform_indices = @transform_2, window_bounds = array<i64: 2000, 1>}, {pipeline_mode = #tpu.pipeline_mode<synchronous>, transform_indices = @transform_3, window_bounds = array<i64: 1, 128>}, {transform_indices = @transform_4, window_bounds = array<i64: 2000, 128>}, {transform_indices = @transform_5, window_bounds = array<i64: 2000, 128>}, {pipeline_mode = #tpu.pipeline_mode<synchronous>, transform_indices = @transform_6, window_bounds = array<i64: 384, 128>}, {transform_indices = @transform_7, window_bounds = array<i64: 2000, 128>}]} {
    %get3A = arith.constant 0 : index
    %get3A_0 = arith.constant 0 : index
    %get3A_1 = vector.load %arg3[%get3A, %get3A_0] : memref<2000x1xf32, #tpu.memory_space<vmem>>, vector<2000x1xf32>
    %get3A_2 = arith.constant 0 : index
    %get3A_3 = arith.constant 0 : index
    %get3A_4 = arith.constant 0 : index
    %get3A_5 = vector.load %arg1[%get3A_2, %get3A_3, %get3A_4] : memref<2x2000x128xf32, #tpu.memory_space<vmem>>, vector<1x2000x128xf32>
    %get3A_6 = vector.shape_cast %get3A_5 : vector<1x2000x128xf32> to vector<2000x128xf32>
    %get3A_7 = arith.constant 1 : index
    %get3A_8 = arith.constant 0 : index
    %get3A_9 = arith.constant 0 : index
    %get3A_10 = vector.load %arg1[%get3A_7, %get3A_8, %get3A_9] : memref<2x2000x128xf32, #tpu.memory_space<vmem>>, vector<1x2000x128xf32>
    %get3A_11 = vector.shape_cast %get3A_10 : vector<1x2000x128xf32> to vector<2000x128xf32>
    %add3A = arith.addf %get3A_6, %get3A_11 : vector<2000x128xf32>
    %get3A_12 = arith.constant 0 : index
    %get3A_13 = arith.constant 0 : index
    %get3A_14 = vector.load %arg2[%get3A_12, %get3A_13] : memref<2000x128xf32, #tpu.memory_space<vmem>>, vector<2000x128xf32>
    %add3A_15 = arith.addf %add3A, %get3A_14 : vector<2000x128xf32>
    %mul3A = vector.broadcast %get3A_1 : vector<2000x1xf32> to vector<2000x128xf32>
    %mul3A_16 = arith.mulf %mul3A, %add3A_15 : vector<2000x128xf32>
    %get3A_17 = arith.constant 0 : index
    %get3A_18 = arith.constant 0 : index
    %get3A_19 = vector.load %arg4[%get3A_17, %get3A_18] : memref<1x128xf32, #tpu.memory_space<vmem>>, vector<1x128xf32>
    %add3A_20 = vector.broadcast %get3A_19 : vector<1x128xf32> to vector<2000x128xf32>
    %add3A_21 = arith.addf %mul3A_16, %add3A_20 : vector<2000x128xf32>
    %max3A = arith.constant 0.000000e+00 : f32
    %max3A_22 = vector.broadcast %max3A : f32 to vector<2000x128xf32>
    %max3A_23 = arith.maximumf %add3A_21, %max3A_22 : vector<2000x128xf32>
    %get3A_24 = arith.constant 0 : index
    %get3A_25 = arith.constant 0 : index
    %get3A_26 = vector.load %arg5[%get3A_24, %get3A_25] : memref<2000x128xf32, #tpu.memory_space<vmem>>, vector<2000x128xf32>
    %get3A_27 = arith.constant 0 : index
    %get3A_28 = arith.constant 0 : index
    %get3A_29 = vector.load %arg7[%get3A_27, %get3A_28] : memref<384x128xf32, #tpu.memory_space<vmem>>, vector<128x128xf32>
    %dot_general3A = arith.constant dense<0.000000e+00> : vector<2000x128xf32>
    %dot_general3A_30 = tpu.matmul %get3A_26, %get3A_29, %dot_general3A {dimension_numbers = #tpu.dot_dimension_numbers<[1], [0], [0], [1], [0, 0, 1, 1], [], []>, transpose_lhs_hint = false} : vector<2000x128xf32>, vector<128x128xf32>, vector<2000x128xf32> -> vector<2000x128xf32>
    %get3A_31 = arith.constant 0 : index
    %get3A_32 = arith.constant 0 : index
    %get3A_33 = vector.load %arg6[%get3A_31, %get3A_32] : memref<2000x128xf32, #tpu.memory_space<vmem>>, vector<2000x128xf32>
    %get3A_34 = arith.constant 128 : index
    %get3A_35 = arith.constant 0 : index
    %get3A_36 = vector.load %arg7[%get3A_34, %get3A_35] : memref<384x128xf32, #tpu.memory_space<vmem>>, vector<128x128xf32>
    %dot_general3A_37 = arith.constant dense<0.000000e+00> : vector<2000x128xf32>
    %dot_general3A_38 = tpu.matmul %get3A_33, %get3A_36, %dot_general3A_37 {dimension_numbers = #tpu.dot_dimension_numbers<[1], [0], [0], [1], [0, 0, 1, 1], [], []>, transpose_lhs_hint = false} : vector<2000x128xf32>, vector<128x128xf32>, vector<2000x128xf32> -> vector<2000x128xf32>
    %add3A_39 = arith.addf %dot_general3A_30, %dot_general3A_38 : vector<2000x128xf32>
    %get3A_40 = arith.constant 256 : index
    %get3A_41 = arith.constant 0 : index
    %get3A_42 = vector.load %arg7[%get3A_40, %get3A_41] : memref<384x128xf32, #tpu.memory_space<vmem>>, vector<128x128xf32>
    %dot_general3A_43 = arith.constant dense<0.000000e+00> : vector<2000x128xf32>
    %dot_general3A_44 = tpu.matmul %max3A_23, %get3A_42, %dot_general3A_43 {dimension_numbers = #tpu.dot_dimension_numbers<[1], [0], [0], [1], [0, 0, 1, 1], [], []>, transpose_lhs_hint = false} : vector<2000x128xf32>, vector<128x128xf32>, vector<2000x128xf32> -> vector<2000x128xf32>
    %add3A_45 = arith.addf %add3A_39, %dot_general3A_44 : vector<2000x128xf32>
    %mul3A_46 = vector.broadcast %get3A_1 : vector<2000x1xf32> to vector<2000x128xf32>
    %mul3A_47 = arith.mulf %mul3A_46, %add3A_45 : vector<2000x128xf32>
    %swap3A = arith.constant 0 : index
    %swap3A_48 = arith.constant 0 : index
    %swap3A_49 = vector.load %arg8[%swap3A, %swap3A_48] : memref<2000x128xf32, #tpu.memory_space<vmem>>, vector<2000x128xf32>
    tpu.vector_store %arg8[%swap3A, %swap3A_48], %mul3A_47 {strides = array<i32>} : memref<2000x128xf32, #tpu.memory_space<vmem>>, vector<2000x128xf32>,
    return
  }
  func.func @transform_0(%arg0: i32) -> (i32, i32, i32) {
    %c0_i32 = arith.constant 0 : i32
    %c0_i32_0 = arith.constant 0 : i32
    %c0_i32_1 = arith.constant 0 : i32
    return %c0_i32, %arg0, %c0_i32_0 : i32, i32, i32
  }
  func.func @transform_1(%arg0: i32) -> (i32, i32) {
    %c0_i32 = arith.constant 0 : i32
    %c0_i32_0 = arith.constant 0 : i32
    return %arg0, %c0_i32 : i32, i32
  }
  func.func @transform_2(%arg0: i32) -> (i32, i32) {
    %c0_i32 = arith.constant 0 : i32
    %c0_i32_0 = arith.constant 0 : i32
    return %arg0, %c0_i32 : i32, i32
  }
  func.func @transform_3(%arg0: i32) -> (i32, i32) {
    %c0_i32 = arith.constant 0 : i32
    %c0_i32_0 = arith.constant 0 : i32
    %c0_i32_1 = arith.constant 0 : i32
    return %c0_i32, %c0_i32_0 : i32, i32
  }
  func.func @transform_4(%arg0: i32) -> (i32, i32) {
    %c0_i32 = arith.constant 0 : i32
    %c0_i32_0 = arith.constant 0 : i32
    return %arg0, %c0_i32 : i32, i32
  }
  func.func @transform_5(%arg0: i32) -> (i32, i32) {
    %c0_i32 = arith.constant 0 : i32
    %c0_i32_0 = arith.constant 0 : i32
    return %arg0, %c0_i32 : i32, i32
  }
  func.func @transform_6(%arg0: i32) -> (i32, i32) {
    %c0_i32 = arith.constant 0 : i32
    %c0_i32_0 = arith.constant 0 : i32
    %c0_i32_1 = arith.constant 0 : i32
    return %c0_i32, %c0_i32_0 : i32, i32
  }
  func.func @transform_7(%arg0: i32) -> (i32, i32) {
    %c0_i32 = arith.constant 0 : i32
    %c0_i32_0 = arith.constant 0 : i32
    return %arg0, %c0_i32 : i32, i32
  }
}

module attributes {stable_mosaic.version = 14 : i64} {
  func.func @_final_body(%arg0: i32, %arg1: memref<2x2000x128xf32, #tpu.memory_space<vmem>>, %arg2: memref<2000x128xf32, #tpu.memory_space<vmem>>, %arg3: memref<2000x1xf32, #tpu.memory_space<vmem>>, %arg4: memref<1x128xf32, #tpu.memory_space<vmem>>, %arg5: memref<2000x128xf32, #tpu.memory_space<vmem>>) attributes {dimension_semantics = [#tpu.dimension_semantics<arbitrary>], iteration_bounds = array<i64: 5>, scalar_prefetch = 0 : i64, scratch_operands = 0 : i64, tpu.core_type = #tpu.core_type<tc>, window_params = [{transform_indices = @transform_0, window_bounds = array<i64: 2, 2000, 128>}, {transform_indices = @transform_1, window_bounds = array<i64: 2000, 128>}, {transform_indices = @transform_2, window_bounds = array<i64: 2000, 1>}, {pipeline_mode = #tpu.pipeline_mode<synchronous>, transform_indices = @transform_3, window_bounds = array<i64: 1, 128>}, {transform_indices = @transform_4, window_bounds = array<i64: 2000, 128>}]} {
    %get3A = arith.constant 0 : index
    %get3A_0 = arith.constant 0 : index
    %get3A_1 = vector.load %arg3[%get3A, %get3A_0] : memref<2000x1xf32, #tpu.memory_space<vmem>>, vector<2000x1xf32>
    %get3A_2 = arith.constant 0 : index
    %get3A_3 = arith.constant 0 : index
    %get3A_4 = arith.constant 0 : index
    %get3A_5 = vector.load %arg1[%get3A_2, %get3A_3, %get3A_4] : memref<2x2000x128xf32, #tpu.memory_space<vmem>>, vector<1x2000x128xf32>
    %get3A_6 = vector.shape_cast %get3A_5 : vector<1x2000x128xf32> to vector<2000x128xf32>
    %get3A_7 = arith.constant 1 : index
    %get3A_8 = arith.constant 0 : index
    %get3A_9 = arith.constant 0 : index
    %get3A_10 = vector.load %arg1[%get3A_7, %get3A_8, %get3A_9] : memref<2x2000x128xf32, #tpu.memory_space<vmem>>, vector<1x2000x128xf32>
    %get3A_11 = vector.shape_cast %get3A_10 : vector<1x2000x128xf32> to vector<2000x128xf32>
    %add3A = arith.addf %get3A_6, %get3A_11 : vector<2000x128xf32>
    %get3A_12 = arith.constant 0 : index
    %get3A_13 = arith.constant 0 : index
    %get3A_14 = vector.load %arg2[%get3A_12, %get3A_13] : memref<2000x128xf32, #tpu.memory_space<vmem>>, vector<2000x128xf32>
    %add3A_15 = arith.addf %add3A, %get3A_14 : vector<2000x128xf32>
    %mul3A = vector.broadcast %get3A_1 : vector<2000x1xf32> to vector<2000x128xf32>
    %mul3A_16 = arith.mulf %mul3A, %add3A_15 : vector<2000x128xf32>
    %get3A_17 = arith.constant 0 : index
    %get3A_18 = arith.constant 0 : index
    %get3A_19 = vector.load %arg4[%get3A_17, %get3A_18] : memref<1x128xf32, #tpu.memory_space<vmem>>, vector<1x128xf32>
    %add3A_20 = vector.broadcast %get3A_19 : vector<1x128xf32> to vector<2000x128xf32>
    %add3A_21 = arith.addf %mul3A_16, %add3A_20 : vector<2000x128xf32>
    %max3A = arith.constant 0.000000e+00 : f32
    %max3A_22 = vector.broadcast %max3A : f32 to vector<2000x128xf32>
    %max3A_23 = arith.maximumf %add3A_21, %max3A_22 : vector<2000x128xf32>
    %swap3A = arith.constant 0 : index
    %swap3A_24 = arith.constant 0 : index
    %swap3A_25 = vector.load %arg5[%swap3A, %swap3A_24] : memref<2000x128xf32, #tpu.memory_space<vmem>>, vector<2000x128xf32>
    tpu.vector_store %arg5[%swap3A, %swap3A_24], %max3A_23 {strides = array<i32>} : memref<2000x128xf32, #tpu.memory_space<vmem>>, vector<2000x128xf32>,
    return
  }
  func.func @transform_0(%arg0: i32) -> (i32, i32, i32) {
    %c0_i32 = arith.constant 0 : i32
    %c0_i32_0 = arith.constant 0 : i32
    %c0_i32_1 = arith.constant 0 : i32
    return %c0_i32, %arg0, %c0_i32_0 : i32, i32, i32
  }
  func.func @transform_1(%arg0: i32) -> (i32, i32) {
    %c0_i32 = arith.constant 0 : i32
    %c0_i32_0 = arith.constant 0 : i32
    return %arg0, %c0_i32 : i32, i32
  }
  func.func @transform_2(%arg0: i32) -> (i32, i32) {
    %c0_i32 = arith.constant 0 : i32
    %c0_i32_0 = arith.constant 0 : i32
    return %arg0, %c0_i32 : i32, i32
  }
  func.func @transform_3(%arg0: i32) -> (i32, i32) {
    %c0_i32 = arith.constant 0 : i32
    %c0_i32_0 = arith.constant 0 : i32
    %c0_i32_1 = arith.constant 0 : i32
    return %c0_i32, %c0_i32_0 : i32, i32
  }
  func.func @transform_4(%arg0: i32) -> (i32, i32) {
    %c0_i32 = arith.constant 0 : i32
    %c0_i32_0 = arith.constant 0 : i32
    return %arg0, %c0_i32 : i32, i32
  }
}

</mosaic_0001>

<sc_bundles>
// kernel: kernel.10.cloned.1.call-start
scs
__scs_entry_jumppad:
0x0: {  	(pc) =	sbr.rel $0x88, $3  }
0x1: {  	(tag) =	ssettag $0x0;
	lr =	simm.s32 $0x1  }
0x2: {  	[smem:$0x3F99] =	sst lr;
	_ =	strace $0xD0000000  }
0x3: {  	_ = 	snop  }
0x4: {  	_ = 	snop  }
0x5: {  	_ = 	snop  }
0x6: {  	_ = 	snop  }
0x7: {  	_ = 	snop  }
__scs_overlays_trampoline_lowered:
0x8: {  	[smem:$0x3FA8] =	sst s0  }
0x9: {  	[smem:$0x3FA9] =	sst s1  }
0xa: {  	[smem:$0x3FAA] =	sst s2  }
0xb: {  	[smem:$0x3FAB] =	sst s3  }
0xc: {  	[smem:$0x3FAC] =	sst s4  }
0xd: {  	[smem:$0x3FAD] =	sst s5  }
0xe: {  	[smem:$0x3FAE] =	sst s6  }
0xf: {  	[smem:$0x3FAF] =	sst s7  }
0x10: {  	[smem:$0x3FB0] =	sst s8  }
0x11: {  	[smem:$0x3FB1] =	sst s9;
	s0 =	simm.s32 @!p0 $0x0  }
0x12: {  	s1 =	sld [smem:$0x3F97];
	s0 =	simm.s32 @p0 $0x1  }
0x13: {  	[smem:$0x3FB2] =	sst s0;
	s0 =	simm.s32 @!p1 $0x0  }
0x14: {  	s2 =	sld [smem:$0x3F96];
	s0 =	simm.s32 @p1 $0x1  }
0x15: {  	[smem:$0x3FB3] =	sst s0;
	s0 =	simm.s32 @!p2 $0x0  }
0x16: {  	s3 =	sld [smem:$0x3FDB];
	s0 =	simm.s32 @p2 $0x1  }
0x17: {  	s4 =	simm.s32 $0x1BF5;
	[smem:$0x3FB5] =	sst s0  }
0x18: {  	s0 =	sld [smem:$0x3F98];
	_ =	swait.ge [sflag:s4], $0x0  }
0x19: {  	s7 =	sld [smem:$0x3F99]  }
0x1a: {  	s8 =	sadd.s32 $0xFFFFE003, lr  }
0x1b: {  	s9 =	sadd.s32 $0xFFFFFEF7, lr;
	s5 =	simm.s32 $0xFFFFFFFF;
	p2 =	slt.u32 s8, $0xFFFFF086  }
0x1c: {  	p1 =	slt.u32 s9, $0xF7A;
	s5 =	simm.s32 @!p2 $0x0  }
0x1d: {  	s5 =	simm.s32 @p1 $0x1;
	p0 =	seq.s32 s7, s2  }
0x1e: {  	s7 =	smul.u32 @!p0 $0xF7A, s2;
	p2 =	seq.s32 @!p0 s5, $0x0  }
0x1f: {  	s9 =	smul.u32 $0xF7A, s1;
	s8 =	simm.s32 @!p0 $0x1BF5;
	p2 =	por !p2, p0  }
0x20: {  	[sflag:s8] =	ssyncset.s32 @!p0 $0xFFFFF086;
	s6 =	sadd.s32 @!p0 s3, s7;
	s7 =	simm.s32 @!p0 $0x108  }
0x21: {  	s3 =	sadd.s32 s3, s9;
	s6 =	sadd.s32 @!p0 $0x88, s6;
	s7 =	simm.s32 @p2 $0x1082  }
0x22: {  	[simem:s7], [sflag:s8] =	dma.local @!p0 [hbm:s6], $0xF7A  }
0x23: {  	s9 =	sor.u32 $0xD0000000, s2;
	s6 =	simm.s32 $0x108;
	_ =	swait.ge @!p0 [sflag:s8], $0x0  }
0x24: {  	s3 =	sadd.s32 $0x88, s3;
	s6 =	simm.s32 @!p1 $0x1082;
	[sflag:s4] =	ssyncset.s32 $0xFFFFF086  }
0x25: {  	[simem:s6], [sflag:s4] =	dma.local [hbm:s3], $0xF7A  }
0x26: {  	[smem:$0x3F99] =	sst s1;
	(tag) =	ssettag s2;
	_ =	strace s9  }
0x27: {  	s1 =	sld [smem:$0x3FA9]  }
0x28: {  	s2 =	sld [smem:$0x3FAA]  }
0x29: {  	s4 =	sld [smem:$0x3FAC]  }
0x2a: {  	p0 =	seq.s32 s5, $0x0;
	s5 =	sld [smem:$0x3FAD]  }
0x2b: {  	s6 =	sld [smem:$0x3FAE]  }
0x2c: {  	s7 =	sld [smem:$0x3FAF]  }
0x2d: {  	s3 =	simm.s32 $0x108;
	s8 =	sld [smem:$0x3FB0]  }
0x2e: {  	s3 =	simm.s32 @!p0 $0x1082;
	s9 =	sld [smem:$0x3FB1]  }
0x2f: {  	lr =	sadd.s32 s0, s3;
	s0 =	sld [smem:$0x3FA8]  }
0x30: {  	s3 =	sld [smem:$0x3FAB]  }
0x31: {  	[smem:$0x3FB4] =	sst s10  }
0x32: {  	s10 =	sld [smem:$0x3FB2];
	_ =	sdelay $0x3  }
0x33: {  	p0 =	seq.s32 s10, $0x1;
	s10 =	sld [smem:$0x3FB4];
	_ =	sdelay $0x3  }
0x34: {  	[smem:$0x3FB4] =	sst s10  }
0x35: {  	s10 =	sld [smem:$0x3FB3];
	_ =	sdelay $0x3  }
0x36: {  	p1 =	seq.s32 s10, $0x1;
	s10 =	sld [smem:$0x3FB4];
	_ =	sdelay $0x3  }
0x37: {  	[smem:$0x3FB4] =	sst s10  }
0x38: {  	s10 =	sld [smem:$0x3FB5]  }
0x39: {  	_ = 	snop;
	(pc) =	sbr.ind lr, $3  }
0x3a: {  	_ = 	snop  }
0x3b: {  	_ = 	snop  }
0x3c: {  	p2 =	seq.s32 s10, $0x1;
	s10 =	sld [smem:$0x3FB4]  }
0x3d: {  	_ =	shalt  }
0x3e: {  	_ =	shalt  }
0x3f: {  	_ =	shalt  }
0x40: {  	_ =	shalt  }
0x41: {  	_ =	shalt  }
0x42: {  	_ =	shalt  }
0x43: {  	_ =	shalt  }
0x44: {  	_ =	shalt  }
0x45: {  	_ =	shalt  }
0x46: {  	_ =	shalt  }
0x47: {  	_ =	shalt  }
0x48: {  	_ =	shalt  }
0x49: {  	_ =	shalt  }
0x4a: {  	_ =	shalt  }
0x4b: {  	_ =	shalt  }
0x4c: {  	_ =	shalt  }
0x4d: {  	_ =	shalt  }
0x4e: {  	_ =	shalt  }
0x4f: {  	_ =	shalt  }
0x50: {  	_ =	shalt  }
0x51: {  	_ =	shalt  }
0x52: {  	_ =	shalt  }
0x53: {  	_ =	shalt  }
0x54: {  	_ =	shalt  }
0x55: {  	_ =	shalt  }
0x56: {  	_ =	shalt  }
0x57: {  	_ =	shalt  }
0x58: {  	_ =	shalt  }
0x59: {  	_ =	shalt  }
0x5a: {  	_ =	shalt  }
0x5b: {  	_ =	shalt  }
0x5c: {  	_ =	shalt  }
0x5d: {  	_ =	shalt  }
0x5e: {  	_ =	shalt  }
0x5f: {  	_ =	shalt  }
0x60: {  	_ =	shalt  }
0x61: {  	_ =	shalt  }
0x62: {  	_ =	shalt  }
0x63: {  	_ =	shalt  }
0x64: {  	_ =	shalt  }
0x65: {  	_ =	shalt  }
0x66: {  	_ =	shalt  }
0x67: {  	_ =	shalt  }
0x68: {  	_ =	shalt  }
0x69: {  	_ =	shalt  }
0x6a: {  	_ =	shalt  }
0x6b: {  	_ =	shalt  }
0x6c: {  	_ =	shalt  }
0x6d: {  	_ =	shalt  }
0x6e: {  	_ =	shalt  }
0x6f: {  	_ =	shalt  }
0x70: {  	_ =	shalt  }
0x71: {  	_ =	shalt  }
0x72: {  	_ =	shalt  }
0x73: {  	_ =	shalt  }
0x74: {  	_ =	shalt  }
0x75: {  	_ =	shalt  }
0x76: {  	_ =	shalt  }
0x77: {  	_ =	shalt  }
0x78: {  	_ =	shalt  }
0x79: {  	_ =	shalt  }
0x7a: {  	_ =	shalt  }
0x7b: {  	_ =	shalt  }
0x7c: {  	_ =	shalt  }
0x7d: {  	_ =	shalt  }
0x7e: {  	_ =	shalt  }
0x7f: {  	_ =	shalt  }
0x80: {  	_ =	shalt  }
0x81: {  	_ =	shalt  }
0x82: {  	_ =	shalt  }
0x83: {  	_ =	shalt  }
0x84: {  	_ =	shalt  }
0x85: {  	_ =	shalt  }
0x86: {  	_ =	shalt  }
0x87: {  	_ =	shalt  }
.Lfunc_end0:
.L_simem_size_0:
called_computation_lowered:
.L_overlay_start_0:
0x88: {  	s2 =	sld [smem:$0x3FD9]  }
0x89: {  	s3 =	sld [smem:$0x3FFE];
	_ =	sdelay $0x1  }
0x8a: {  	s1 =	srdreg.scid  }
0x8b: {  	s0 =	sand.u32 $0x1, s1  }
0x8c: {  	s17 =	sshll.u32 s0, $0xA;
	s2 =	sadd.s32 s3, s2  }
0x8d: {  	s2 =	sadd.s32 s2, s17  }
0x8e: {  	[smem:$0x3FC0] =	sst s2  }
0x8f: {  	_ = 	snop  }
0x90: {  	s2 =	sld [smem:$0x3FD0];
	(tm) =	ssettm $0x1  }
0x91: {  	s18 =	sld [smem:$0x3FFB];
	_ =	sdelay $0x3  }
0x92: {  	_ =	strace s18  }
0x93: {  	s3 =	sld [smem:$0x3FFC];
	_ =	sdelay $0x3  }
0x94: {  	_ =	strace s3  }
0x95: {  	s3 =	sld [smem:$0x3FFD];
	_ =	sdelay $0x3  }
0x96: {  	_ =	strace s3  }
0x97: {  	_ =	strace $0x8FFFFFFF  }
0x98: {  	s19 =	sld [smem:$0x3FDB];
	_ =	sdelay $0x1  }
0x99: {  	s4 =	simm.s32 $_scs_section_size  }
0x9a: {  	s5 =	simm.s32 $_size__tile_overlayer_lowered;
	s6 =	simm.s32 $_tile_overlayer_lowered  }
0x9b: {  	s22 =	simm.s32 $0x1BFF;
	s21 =	sshll.u32 s6, $0x1;
	s3 =	sadd.s32 s4, s19  }
0x9c: {  	s7 =	simm.s32 $0x0;
	s20 =	sshll.u32 s5, $0x1;
	s5 =	sadd.s32 s21, s3  }
0x9d: {  	[timem:s7], [sflag:s22] =	dma.local [hbm:s5], s20  }
0x9e: {  	_ =	swait.ge [sflag:s22], s20  }
0x9f: {  	s4 =	ssub.s32 $0x0, s20;
	[sflag:s22] =	ssyncset.done $0x0  }
0xa0: {  	[sflag:s22] =	ssyncadd.s32 s4;
	_ =	sdelay $0x1  }
0xa1: {  	s23 =	simm.s32 $0x1B8B  }
0xa2: {  	_ =	swait.ge [sflag:s23], $0x1  }
0xa3: {  	[sflag:s23] =	ssyncset.done $0x0  }
0xa4: {  	s25 =	simm.s32 $0x1B8E;
	s24 =	sld [smem:$0x3FFE];
	[sflag:s23] =	ssyncadd.s32 $0xFFFFFFFF  }
0xa5: {  	s26 =	simm.s32 $execute0_lowered;
	[smem:$0x3FD2] =	sst s25  }
0xa6: {  	s5 =	sshll.u32 s26, $0x1;
	_ =	strace $0x80000046;
	[dreg:$0x1] =	wrdreg $0xFFFFFFFF  }
0xa7: {  	s28 =	simm.s32 $_size_execute0_lowered;
	s3 =	sadd.s32 s3, s5;
	[dreg:$0x0] =	wrdreg $0x0  }
0xa8: {  	s5 =	sshll.u32 s28, $0x1;
	[dreg:$0x2] =	wrdreg s3  }
0xa9: {  	[dreg:$0x3] =	wrdreg s5  }
0xaa: {  	[dreg:$0x4] =	wrdreg $0xC0  }
0xab: {  	_ =	task [dreg:s7], $0x5FFFF  }
0xac: {  	[dreg:$0x1] =	wrdreg $0xFFFFFFFF  }
0xad: {  	[dreg:$0x0] =	wrdreg $0x60  }
0xae: {  	[dreg:$0x2] =	wrdreg s2  }
0xaf: {  	[dreg:$0x3] =	wrdreg s24  }
0xb0: {  	[dreg:$0x4] =	wrdreg $0x2C800  }
0xb1: {  	[dreg:$0x5] =	wrdreg $0x9  }
0xb2: {  	_ =	task.clear_ibuf [dreg:s7], $0x6FFFF;
	_ =	strace $0x90000046  }
0xb3: {  	s29 =	simm.s32 $0x9;
	_ =	strace $0x80000048  }
0xb4: {  	_ =	swait.ge [sflag:s29], $0x1  }
0xb5: {  	[sflag:s29] =	ssyncadd.s32 $0xFFFFFFFF  }
0xb6: {  	_ =	strace $0x90000048  }
0xb7: {  	_ =	sfence  }
0xb8: {  	s30 =	sld [smem:$0x0];
	_ =	sdelay $0x2  }
0xb9: {  	s31 =	sshll.u32 s1, $0xD;
	s1 =	sshrl.u32 s1, $0x2  }
0xba: {  	s3 =	sand.u32 $0x4000, s31;
	s1 =	sadd.s32 s1, s30  }
0xbb: {  	s0 =	sor.u32 s3, s0;
	s1 =	sshll.u32 s1, $0x11  }
0xbc: {  	s0 =	sor.u32 s1, s0  }
0xbd: {  	s0 =	sadd.s32 $0x8F2B, s0  }
0xbe: {  	[sflag:s0] =	ssyncadd.remote.s32 $0x1  }
0xbf: {  	_ =	sfence.sel $0xFFFF  }
0xc0: {  	[dreg:$0x0] =	wrdreg $0xFFFFFFFF;
	(pc) =	sbr.abs _section_cstart, $3  }
0xc1: {  	[dreg:$0x1] =	wrdreg $0xFFFFFFFF  }
0xc2: {  	_ =	task.clear_ibuf [dreg:s7], $0x2FFFF;
	_ =	strace $0x9FFFFFFF  }
0xc3: {  	(tm) =	ssettm $0x7FFFFFFF  }
tec
execute0_lowered:
.L_overlay_start_1:
0x0: {  	(tag) =	ssettag $0x1  }
0x1: {  	s4 =	rddreg [dreg:$0x0]  }
0x2: {  	s5 =	rddreg [dreg:$0x1]  }
0x3: {  	s1 =	rddreg [dreg:$0x2];
	s2 =	srdreg.scid  }
0x4: {  	s0 =	rddreg [dreg:$0x3];
	s3 =	simm.s32 $0x0;
	s11 =	simm.s32 $0x80  }
0x5: {  	s12 =	simm.s32 $0x2800;
	s15 =	simm.s32 $0x0;
	s6 =	sand.u32 $0x1, s2  }
0x6: {  	[smem:$0x7FF] =	sst s3;
	s2 =	stileid.u32;
	s7 =	sshll.u32 s6, $0x4  }
0x7: {  	s8 =	sshll.u32 s2, $0xA;
	s9 =	sshll.u32 s6, $0xE;
	s6 =	ssub.s32 $0x2, s6  }
0x8: {  	_ =	strace $0x80000047;
	s13 =	sshll.u32 s2, $0x6;
	s7 =	sor.u32 s2, s7  }
0x9: {  	s9 =	sor.u32 s8, s9;
	s10 =	sshrl.u32 s6, $0x1;
	s13 =	sor.u32 $0x1C02, s13  }
0xa: {  	s7 =	smul.u32 $0x500, s7;
	s9 =	sshrl.u32 s9, $0x3;
	s10 =	ssub.s32 s6, s10  }
0xb: {  	s9 =	sadd.s32 s9, s5;
	s5 =	sadd.s32 s8, s1;
	s8 =	simm.s32 $0x2880  }
0xc: {  	s4 =	sadd.s32 s4, s7;
	s6 =	sadd.s32 $0x3A00, s9;
	s7 =	smax.u32 s10, $0x1  }
0xd: {  	v0 =	vimm.f32 $0.0e+00;
	v1 =	vimm.f32 $1.000000000e+00;
	s9 =	simm.s32 $0x2;
	s10 =	simm.s32 $0x1;
	s14 =	sshrl.u32 s5, $0x3  }
.LBB2_1:
0xe: {  	[tilespmem:s3], [sflag:$0x1] =	stream.linear.gather [hbm4b:s4+s3], $0x2800, $0x38;
	[tilespmem:$0x3080] =	vst v63  }
0xf: {  	s16 =	simm.s32 $0x40;
	s17 =	simm.s32 $0x0  }
.LBB2_2:
0x10: {  	p0 =	sne.s32 s16, $0xFC0;
	[tilespmem:s17+$0x2880] =	vst v0;
	s17 =	smov.u32 s16;
	s16 =	sadd.s32 $0x40, s16  }
.Ltmp0:
0x11: {  	(pc) =	sbr.rel @p0 .LBB2_2-.Ltmp0, $2  }
0x12: {  	_ =	sdelay $0x2  }
0x13: {  	s17 =	sshra.s32 s17, $0x2  }
0x14: {  	[tilespmem:s17+$0x2880] =	vst v0  }
0x15: {  	[tilespmem:$0x2800] =	vst v1  }
0x16: {  	[tilespmem:$0x2810] =	vst v1  }
0x17: {  	[tilespmem:$0x2820] =	vst v1  }
0x18: {  	[tilespmem:$0x2830] =	vst v1  }
0x19: {  	[tilespmem:$0x2840] =	vst v1  }
0x1a: {  	[tilespmem:$0x2850] =	vst v1  }
0x1b: {  	[tilespmem:$0x2860] =	vst v1  }
0x1c: {  	[tilespmem:$0x2870] =	vst v1  }
0x1d: {  	[spmem:s5] =	stream.linear.scatter [tilespmem:s8], [sflag:$0x2], $0x400, $0x38;
	[tilespmem:$0x3080] =	vst v63  }
0x1e: {  	_ =	swait.ge [sflag:s9], $0x400  }
0x1f: {  	[sflag:s9] =	ssyncset.done $0x0  }
0x20: {  	[sflag:s9] =	ssyncadd.s32 $0xFFFFFC00  }
0x21: {  	_ =	swait.ge [sflag:s10], $0x2800  }
0x22: {  	[sflag:s10] =	ssyncset.done $0x0  }
0x23: {  	[sflag:s10] =	ssyncadd.s32 $0xFFFFD800  }
0x24: {  	s16 =	simm.s32 $0x0;
	[bflag:$0x0] =	sbarrier.arrive $0xFFFF  }
0x25: {  	[spmem:s1] =	stream.indirect.scatter.add.f32 [tilespmem:s12], [sflag:$0x2], $0x1, s16, s11, $0xb8;
	[tilespmem:$0x3080] =	vst v63  }
0x26: {  	_ =	swait.ge [sflag:s9], $0x80  }
0x27: {  	s16 =	simm.s32 $0x200;
	[sflag:s9] =	ssyncset.done $0x0  }
.LBB2_4:
0x28: {  	s17 =	sshra.s32 s16, $0x2;
	[sflag:s9] =	ssyncadd.s32 $0xFFFFFF80;
	p0 =	sne.s32 s16, $0x9E00  }
0x29: {  	[spmem:s1] =	stream.indirect.scatter.add.f32 [tilespmem:s12], [sflag:$0x2], $0x1, s17, s11, $0xb8;
	[tilespmem:$0x3080] =	vst v63  }
.Ltmp1:
0x2a: {  	_ = 	snop;
	(pc) =	sbr.rel @p0 .LBB2_4-.Ltmp1, $4  }
0x2b: {  	_ = 	snop  }
0x2c: {  	s16 =	sadd.s32 $0x200, s16  }
0x2d: {  	_ =	swait.ge [sflag:s9], $0x80  }
0x2e: {  	[sflag:s9] =	ssyncset.done $0x0  }
0x2f: {  	s15 =	sadd.s32 $0x1, s15  }
0x30: {  	[sflag:s9] =	ssyncadd.s32 $0xFFFFFF80;
	p0 =	sne.s32 s15, s7  }
.Ltmp2:
0x31: {  	[bflag:$0x0] =	sbarrier.arrive $0xFFFF;
	(pc) =	sbr.rel @p0 .LBB2_1-.Ltmp2, $4  }
0x32: {  	[hbm:s6], [sflag:s13] =	dma.local [spmem:s14], $0x80  }
0x33: {  	_ =	swait.ge [sflag:s9], $0x80  }
0x34: {  	[sflag:s9] =	ssyncset.done $0x0  }
0x35: {  	[sflag:s9] =	ssyncadd.s32 $0xFFFFFF80  }
0x36: {  	_ =	sfence.sel $0x180000  }
0x37: {  	[bflag:$0x0] =	sbarrier.arrive $0xFFFF  }
0x38: {  	p0 =	sne.s32 s2, $0x0;
	_ =	strace $0x90000047  }
0x39: {  	s0 =	sadd.s32 @!p0 $0x100000, s0;
	[bflag:$0x2] =	sbarrier.arrive $0xFFFF  }
0x3a: {  	[sflag:s0] =	ssyncadd.tile.s32 @!p0 $0x1;
	_ =	shalt  }
.Lfunc_end2:
_tile_overlayer_lowered:
.L_overlay_start_2:
0x3b: {  	(tag) =	ssettag $0x2  }
0x3c: {  	s0 =	rddreg [dreg:$0x0];
	s2 =	stileid.u32  }
0x3d: {  	s1 =	rddreg [dreg:$0x1];
	p0 =	sne.s32 s2, $0x0  }
0x3e: {  	s3 =	rddreg [dreg:$0x2];
	[bflag:$0x3] =	sbarrier.arrive $0xFFFF;
	s2 =	simm.s32 @!p0 $0x1C02  }
0x3f: {  	[timem:s3], [sflag:s2] =	dma.local @!p0 [hbm:s0], s1  }
0x40: {  	s0 =	simm.s32 @!p0 $0x2  }
0x41: {  	_ =	swait.ge @!p0 [sflag:s0], s1  }
0x42: {  	s1 =	ssub.s32 @!p0 $0x0, s1;
	[sflag:s0] =	ssyncset.done @!p0 $0x0  }
0x43: {  	[sflag:s0] =	ssyncadd.s32 @!p0 s1  }
0x44: {  	[bflag:$0x3] =	sbarrier.arrive $0xFFFF  }
0x45: {  	_ =	shalt  }

// kernel: kernel.13.cloned.1.call-start
scs
__scs_entry_jumppad:
0x0: {  	(pc) =	sbr.rel $0x88, $3  }
0x1: {  	(tag) =	ssettag $0x0;
	lr =	simm.s32 $0x1  }
0x2: {  	[smem:$0x3F99] =	sst lr;
	_ =	strace $0xD0000000  }
0x3: {  	_ = 	snop  }
0x4: {  	_ = 	snop  }
0x5: {  	_ = 	snop  }
0x6: {  	_ = 	snop  }
0x7: {  	_ = 	snop  }
__scs_overlays_trampoline_lowered:
0x8: {  	[smem:$0x3FA8] =	sst s0  }
0x9: {  	[smem:$0x3FA9] =	sst s1  }
0xa: {  	[smem:$0x3FAA] =	sst s2  }
0xb: {  	[smem:$0x3FAB] =	sst s3  }
0xc: {  	[smem:$0x3FAC] =	sst s4  }
0xd: {  	[smem:$0x3FAD] =	sst s5  }
0xe: {  	[smem:$0x3FAE] =	sst s6  }
0xf: {  	[smem:$0x3FAF] =	sst s7  }
0x10: {  	[smem:$0x3FB0] =	sst s8  }
0x11: {  	[smem:$0x3FB1] =	sst s9;
	s0 =	simm.s32 @!p0 $0x0  }
0x12: {  	s1 =	sld [smem:$0x3F97];
	s0 =	simm.s32 @p0 $0x1  }
0x13: {  	[smem:$0x3FB2] =	sst s0;
	s0 =	simm.s32 @!p1 $0x0  }
0x14: {  	s2 =	sld [smem:$0x3F96];
	s0 =	simm.s32 @p1 $0x1  }
0x15: {  	[smem:$0x3FB3] =	sst s0;
	s0 =	simm.s32 @!p2 $0x0  }
0x16: {  	s3 =	sld [smem:$0x3FDB];
	s0 =	simm.s32 @p2 $0x1  }
0x17: {  	s4 =	simm.s32 $0x1BF5;
	[smem:$0x3FB5] =	sst s0  }
0x18: {  	s0 =	sld [smem:$0x3F98];
	_ =	swait.ge [sflag:s4], $0x0  }
0x19: {  	s7 =	sld [smem:$0x3F99]  }
0x1a: {  	s8 =	sadd.s32 $0xFFFFE003, lr  }
0x1b: {  	s9 =	sadd.s32 $0xFFFFFEF7, lr;
	s5 =	simm.s32 $0xFFFFFFFF;
	p2 =	slt.u32 s8, $0xFFFFF086  }
0x1c: {  	p1 =	slt.u32 s9, $0xF7A;
	s5 =	simm.s32 @!p2 $0x0  }
0x1d: {  	s5 =	simm.s32 @p1 $0x1;
	p0 =	seq.s32 s7, s2  }
0x1e: {  	s7 =	smul.u32 @!p0 $0xF7A, s2;
	p2 =	seq.s32 @!p0 s5, $0x0  }
0x1f: {  	s9 =	smul.u32 $0xF7A, s1;
	s8 =	simm.s32 @!p0 $0x1BF5;
	p2 =	por !p2, p0  }
0x20: {  	[sflag:s8] =	ssyncset.s32 @!p0 $0xFFFFF086;
	s6 =	sadd.s32 @!p0 s3, s7;
	s7 =	simm.s32 @!p0 $0x108  }
0x21: {  	s3 =	sadd.s32 s3, s9;
	s6 =	sadd.s32 @!p0 $0x88, s6;
	s7 =	simm.s32 @p2 $0x1082  }
0x22: {  	[simem:s7], [sflag:s8] =	dma.local @!p0 [hbm:s6], $0xF7A  }
0x23: {  	s9 =	sor.u32 $0xD0000000, s2;
	s6 =	simm.s32 $0x108;
	_ =	swait.ge @!p0 [sflag:s8], $0x0  }
0x24: {  	s3 =	sadd.s32 $0x88, s3;
	s6 =	simm.s32 @!p1 $0x1082;
	[sflag:s4] =	ssyncset.s32 $0xFFFFF086  }
0x25: {  	[simem:s6], [sflag:s4] =	dma.local [hbm:s3], $0xF7A  }
0x26: {  	[smem:$0x3F99] =	sst s1;
	(tag) =	ssettag s2;
	_ =	strace s9  }
0x27: {  	s1 =	sld [smem:$0x3FA9]  }
0x28: {  	s2 =	sld [smem:$0x3FAA]  }
0x29: {  	s4 =	sld [smem:$0x3FAC]  }
0x2a: {  	p0 =	seq.s32 s5, $0x0;
	s5 =	sld [smem:$0x3FAD]  }
0x2b: {  	s6 =	sld [smem:$0x3FAE]  }
0x2c: {  	s7 =	sld [smem:$0x3FAF]  }
0x2d: {  	s3 =	simm.s32 $0x108;
	s8 =	sld [smem:$0x3FB0]  }
0x2e: {  	s3 =	simm.s32 @!p0 $0x1082;
	s9 =	sld [smem:$0x3FB1]  }
0x2f: {  	lr =	sadd.s32 s0, s3;
	s0 =	sld [smem:$0x3FA8]  }
0x30: {  	s3 =	sld [smem:$0x3FAB]  }
0x31: {  	[smem:$0x3FB4] =	sst s10  }
0x32: {  	s10 =	sld [smem:$0x3FB2];
	_ =	sdelay $0x3  }
0x33: {  	p0 =	seq.s32 s10, $0x1;
	s10 =	sld [smem:$0x3FB4];
	_ =	sdelay $0x3  }
0x34: {  	[smem:$0x3FB4] =	sst s10  }
0x35: {  	s10 =	sld [smem:$0x3FB3];
	_ =	sdelay $0x3  }
0x36: {  	p1 =	seq.s32 s10, $0x1;
	s10 =	sld [smem:$0x3FB4];
	_ =	sdelay $0x3  }
0x37: {  	[smem:$0x3FB4] =	sst s10  }
0x38: {  	s10 =	sld [smem:$0x3FB5]  }
0x39: {  	_ = 	snop;
	(pc) =	sbr.ind lr, $3  }
0x3a: {  	_ = 	snop  }
0x3b: {  	_ = 	snop  }
0x3c: {  	p2 =	seq.s32 s10, $0x1;
	s10 =	sld [smem:$0x3FB4]  }
0x3d: {  	_ =	shalt  }
0x3e: {  	_ =	shalt  }
0x3f: {  	_ =	shalt  }
0x40: {  	_ =	shalt  }
0x41: {  	_ =	shalt  }
0x42: {  	_ =	shalt  }
0x43: {  	_ =	shalt  }
0x44: {  	_ =	shalt  }
0x45: {  	_ =	shalt  }
0x46: {  	_ =	shalt  }
0x47: {  	_ =	shalt  }
0x48: {  	_ =	shalt  }
0x49: {  	_ =	shalt  }
0x4a: {  	_ =	shalt  }
0x4b: {  	_ =	shalt  }
0x4c: {  	_ =	shalt  }
0x4d: {  	_ =	shalt  }
0x4e: {  	_ =	shalt  }
0x4f: {  	_ =	shalt  }
0x50: {  	_ =	shalt  }
0x51: {  	_ =	shalt  }
0x52: {  	_ =	shalt  }
0x53: {  	_ =	shalt  }
0x54: {  	_ =	shalt  }
0x55: {  	_ =	shalt  }
0x56: {  	_ =	shalt  }
0x57: {  	_ =	shalt  }
0x58: {  	_ =	shalt  }
0x59: {  	_ =	shalt  }
0x5a: {  	_ =	shalt  }
0x5b: {  	_ =	shalt  }
0x5c: {  	_ =	shalt  }
0x5d: {  	_ =	shalt  }
0x5e: {  	_ =	shalt  }
0x5f: {  	_ =	shalt  }
0x60: {  	_ =	shalt  }
0x61: {  	_ =	shalt  }
0x62: {  	_ =	shalt  }
0x63: {  	_ =	shalt  }
0x64: {  	_ =	shalt  }
0x65: {  	_ =	shalt  }
0x66: {  	_ =	shalt  }
0x67: {  	_ =	shalt  }
0x68: {  	_ =	shalt  }
0x69: {  	_ =	shalt  }
0x6a: {  	_ =	shalt  }
0x6b: {  	_ =	shalt  }
0x6c: {  	_ =	shalt  }
0x6d: {  	_ =	shalt  }
0x6e: {  	_ =	shalt  }
0x6f: {  	_ =	shalt  }
0x70: {  	_ =	shalt  }
0x71: {  	_ =	shalt  }
0x72: {  	_ =	shalt  }
0x73: {  	_ =	shalt  }
0x74: {  	_ =	shalt  }
0x75: {  	_ =	shalt  }
0x76: {  	_ =	shalt  }
0x77: {  	_ =	shalt  }
0x78: {  	_ =	shalt  }
0x79: {  	_ =	shalt  }
0x7a: {  	_ =	shalt  }
0x7b: {  	_ =	shalt  }
0x7c: {  	_ =	shalt  }
0x7d: {  	_ =	shalt  }
0x7e: {  	_ =	shalt  }
0x7f: {  	_ =	shalt  }
0x80: {  	_ =	shalt  }
0x81: {  	_ =	shalt  }
0x82: {  	_ =	shalt  }
0x83: {  	_ =	shalt  }
0x84: {  	_ =	shalt  }
0x85: {  	_ =	shalt  }
0x86: {  	_ =	shalt  }
0x87: {  	_ =	shalt  }
.Lfunc_end0:
.L_simem_size_0:
called_computation.1_lowered:
.L_overlay_start_0:
0x88: {  	s2 =	sld [smem:$0x3FD9]  }
0x89: {  	s3 =	sld [smem:$0x3FFE];
	_ =	sdelay $0x1  }
0x8a: {  	s1 =	srdreg.scid  }
0x8b: {  	s0 =	sand.u32 $0x1, s1  }
0x8c: {  	s16 =	sshll.u32 s0, $0xA;
	s2 =	sadd.s32 s3, s2  }
0x8d: {  	s2 =	sadd.s32 s2, s16  }
0x8e: {  	[smem:$0x3FC0] =	sst s2  }
0x8f: {  	_ = 	snop  }
0x90: {  	(tm) =	ssettm $0x1  }
0x91: {  	s17 =	sld [smem:$0x3FFB];
	_ =	sdelay $0x3  }
0x92: {  	_ =	strace s17  }
0x93: {  	s2 =	sld [smem:$0x3FFC];
	_ =	sdelay $0x3  }
0x94: {  	_ =	strace s2  }
0x95: {  	s2 =	sld [smem:$0x3FFD];
	_ =	sdelay $0x3  }
0x96: {  	_ =	strace s2  }
0x97: {  	_ =	strace $0x8FFFFFFF  }
0x98: {  	s18 =	sld [smem:$0x3FDB];
	_ =	sdelay $0x1  }
0x99: {  	s19 =	simm.s32 $_scs_section_size  }
0x9a: {  	s4 =	simm.s32 $_size__tile_overlayer_lowered;
	s5 =	simm.s32 $_tile_overlayer_lowered  }
0x9b: {  	s22 =	simm.s32 $0x1BFF;
	s21 =	sshll.u32 s5, $0x1;
	s2 =	sadd.s32 s19, s18  }
0x9c: {  	s6 =	simm.s32 $0x0;
	s20 =	sshll.u32 s4, $0x1;
	s4 =	sadd.s32 s21, s2  }
0x9d: {  	[timem:s6], [sflag:s22] =	dma.local [hbm:s4], s20  }
0x9e: {  	_ =	swait.ge [sflag:s22], s20  }
0x9f: {  	s3 =	ssub.s32 $0x0, s20;
	[sflag:s22] =	ssyncset.done $0x0  }
0xa0: {  	[sflag:s22] =	ssyncadd.s32 s3;
	_ =	sdelay $0x1  }
0xa1: {  	s23 =	simm.s32 $0x1B8B  }
0xa2: {  	_ =	swait.ge [sflag:s23], $0x1  }
0xa3: {  	[sflag:s23] =	ssyncset.done $0x0  }
0xa4: {  	s25 =	simm.s32 $0x1B8E;
	s24 =	sld [smem:$0x3FFE];
	[sflag:s23] =	ssyncadd.s32 $0xFFFFFFFF  }
0xa5: {  	s26 =	simm.s32 $execute0_lowered;
	[smem:$0x3FD2] =	sst s25  }
0xa6: {  	s4 =	sshll.u32 s26, $0x1;
	_ =	strace $0x80000049;
	[dreg:$0x1] =	wrdreg $0xFFFFFFFF  }
0xa7: {  	s28 =	simm.s32 $_size_execute0_lowered;
	s2 =	sadd.s32 s2, s4;
	[dreg:$0x0] =	wrdreg $0x0  }
0xa8: {  	s4 =	sshll.u32 s28, $0x1;
	[dreg:$0x2] =	wrdreg s2  }
0xa9: {  	[dreg:$0x3] =	wrdreg s4  }
0xaa: {  	[dreg:$0x4] =	wrdreg $0xC0  }
0xab: {  	_ =	task [dreg:s6], $0x5FFFF  }
0xac: {  	[dreg:$0x1] =	wrdreg $0xFFFFFFFF  }
0xad: {  	[dreg:$0x0] =	wrdreg $0x60  }
0xae: {  	[dreg:$0x2] =	wrdreg s24  }
0xaf: {  	[dreg:$0x3] =	wrdreg $0x84000  }
0xb0: {  	[dreg:$0x4] =	wrdreg $0x9  }
0xb1: {  	_ =	task.clear_ibuf [dreg:s6], $0x5FFFF;
	_ =	strace $0x90000049  }
0xb2: {  	s29 =	simm.s32 $0x9;
	_ =	strace $0x8000004B  }
0xb3: {  	_ =	swait.ge [sflag:s29], $0x1  }
0xb4: {  	[sflag:s29] =	ssyncadd.s32 $0xFFFFFFFF  }
0xb5: {  	_ =	strace $0x9000004B  }
0xb6: {  	_ =	sfence  }
0xb7: {  	s30 =	sld [smem:$0x0];
	_ =	sdelay $0x2  }
0xb8: {  	s31 =	sshll.u32 s1, $0xD;
	s1 =	sshrl.u32 s1, $0x2  }
0xb9: {  	s3 =	sand.u32 $0x4000, s31;
	s1 =	sadd.s32 s1, s30  }
0xba: {  	s0 =	sor.u32 s3, s0;
	s1 =	sshll.u32 s1, $0x11  }
0xbb: {  	s0 =	sor.u32 s1, s0  }
0xbc: {  	s0 =	sadd.s32 $0x8F2B, s0  }
0xbd: {  	[sflag:s0] =	ssyncadd.remote.s32 $0x1  }
0xbe: {  	_ =	sfence.sel $0xFFFF  }
0xbf: {  	[dreg:$0x0] =	wrdreg $0xFFFFFFFF;
	(pc) =	sbr.abs _section_cstart, $3  }
0xc0: {  	[dreg:$0x1] =	wrdreg $0xFFFFFFFF  }
0xc1: {  	_ =	task.clear_ibuf [dreg:s6], $0x2FFFF;
	_ =	strace $0x9FFFFFFF  }
0xc2: {  	(tm) =	ssettm $0x7FFFFFFF  }
0xc3: {  	_ =	shalt  }
tec
execute0_lowered:
.L_overlay_start_1:
0x0: {  	(tag) =	ssettag $0x1  }
0x1: {  	s0 =	rddreg [dreg:$0x0]  }
0x2: {  	s1 =	rddreg [dreg:$0x1]  }
0x3: {  	s2 =	srdreg.scid;
	s3 =	simm.s32 $0x0;
	s10 =	stileid.u32  }
0x4: {  	s28 =	simm.s32 $0x2;
	s29 =	simm.s32 $0x4400;
	s6 =	smul.u32 $0x14000, s10  }
0x5: {  	s30 =	simm.s32 $0x6;
	s31 =	simm.s32 $0x3;
	s9 =	smul.u32 $0x50000, s10  }
0x6: {  	s2 =	sand.u32 $0x1, s2;
	[smem:$0x7FF] =	sst s3;
	s19 =	smul.u32 $0x50, s10  }
0x7: {  	s4 =	sadd.s32 $0x18A00, s0;
	s8 =	sadd.s32 $0x4A00, s0;
	s5 =	smul.u32 $0x140000, s2  }
0x8: {  	s7 =	sshll.u32 s2, $0x4;
	_ =	strace $0x8000004A;
	s17 =	ssub.s32 $0x2, s2  }
0x9: {  	s2 =	smul.u32 $0x500, s2;
	s7 =	sor.u32 s10, s7;
	s18 =	sshrl.u32 s17, $0x1  }
0xa: {  	s9 =	sshrl.u32 s9, $0x2;
	s5 =	sadd.s32 s6, s5;
	s16 =	smul.u32 $0xA00, s7  }
0xb: {  	s7 =	ssub.s32 s17, s18;
	s9 =	sadd.s32 s9, s1;
	s2 =	sadd.s32 s19, s2  }
0xc: {  	s19 =	simm.s32 $0x100;
	s6 =	simm.s32 $0x280;
	s5 =	sshrl.u32 s5, $0x3  }
0xd: {  	s23 =	smax.u32 s7, $0x1;
	s24 =	sshll.u32 s2, $0x5;
	s25 =	sadd.s32 $0x4000, s9  }
0xe: {  	s26 =	sadd.s32 $0x8000, s9;
	s15 =	sadd.s32 $0xC000, s9;
	[dreg:$0x7] =	wrdreg s23  }
0xf: {  	s2 =	simm.s32 $0x4;
	s7 =	simm.s32 $0x380;
	[dreg:$0x8] =	wrdreg s25  }
0x10: {  	s0 =	sadd.s32 s5, s0;
	s5 =	sadd.s32 s8, s16;
	[dreg:$0x9] =	wrdreg s26  }
0x11: {  	s14 =	sadd.s32 s24, s8;
	s16 =	sadd.s32 $0x10000, s9;
	s23 =	simm.s32 $0x7  }
0x12: {  	s24 =	simm.s32 $0x1;
	s25 =	simm.s32 $0x80;
	s20 =	sadd.s32 $0x20, s5  }
0x13: {  	s26 =	simm.s32 $0x5;
	s21 =	sadd.s32 $0x40, s5;
	[dreg:$0x3] =	wrdreg s20  }
0x14: {  	s8 =	simm.s32 $0x0;
	s22 =	sadd.s32 $0x60, s5;
	[dreg:$0x4] =	wrdreg s21  }
0x15: {  	s0 =	sadd.s32 $0x3FC00, s0;
	s17 =	sadd.s32 $0xC0, s14;
	[dreg:$0x5] =	wrdreg s22  }
0x16: {  	s18 =	sadd.s32 $0x80, s14;
	[dreg:$0x6] =	wrdreg s0;
	s20 =	simm.s32 $0x200  }
0x17: {  	v0 =	vimm.f32 $0.0e+00;
	s21 =	simm.s32 $0x300;
	s22 =	simm.s32 $0x400;
	s0 =	simm.s32 $0x180  }
.LBB2_1:
0x18: {  	[tilespmem:s3], [sflag:$0x1] =	stream.linear.gather [hbm4b:s5+s3], $0x100, $0x38;
	[tilespmem:$0x1C400] =	vst v63  }
0x19: {  	s10 =	rddreg [dreg:$0x3]  }
0x1a: {  	[tilespmem:s19], [sflag:$0x2] =	stream.linear.gather [hbm4b:s10+s3], $0x100, $0x38;
	[tilespmem:$0x1C400] =	vst v63  }
0x1b: {  	s12 =	rddreg [dreg:$0x4]  }
0x1c: {  	[tilespmem:s20], [sflag:$0x3] =	stream.linear.gather [hbm4b:s12+s3], $0x100, $0x38;
	[tilespmem:$0x1C400] =	vst v63  }
0x1d: {  	s13 =	rddreg [dreg:$0x5];
	s11 =	simm.s32 $0x200;
	s10 =	simm.s32 $0x0  }
0x1e: {  	[tilespmem:s21], [sflag:$0x4] =	stream.linear.gather [hbm4b:s13+s3], $0x100, $0x38;
	[tilespmem:$0x1C400] =	vst v63  }
.LBB2_2:
0x1f: {  	p0 =	sne.s32 s11, $0xFE00;
	[tilespmem:s10+$0x470] =	vst v0  }
0x20: {  	[tilespmem:s10+$0x400] =	vst v0  }
0x21: {  	[tilespmem:s10+$0x410] =	vst v0  }
.Ltmp0:
0x22: {  	[tilespmem:s10+$0x420] =	vst v0;
	(pc) =	sbr.rel @p0 .LBB2_2-.Ltmp0, $4  }
0x23: {  	[tilespmem:s10+$0x430] =	vst v0  }
0x24: {  	[tilespmem:s10+$0x440] =	vst v0  }
0x25: {  	[tilespmem:s10+$0x450] =	vst v0  }
0x26: {  	[tilespmem:s10+$0x460] =	vst v0;
	s10 =	sshra.s32 s11, $0x2;
	s11 =	sadd.s32 $0x200, s11  }
0x27: {  	[tilespmem:s10+$0x470] =	vst v0  }
0x28: {  	[tilespmem:s10+$0x400] =	vst v0  }
0x29: {  	[tilespmem:s10+$0x410] =	vst v0  }
0x2a: {  	[tilespmem:s10+$0x420] =	vst v0  }
0x2b: {  	[tilespmem:s10+$0x430] =	vst v0  }
0x2c: {  	[tilespmem:s10+$0x440] =	vst v0  }
0x2d: {  	[tilespmem:s10+$0x450] =	vst v0  }
0x2e: {  	[tilespmem:s10+$0x460] =	vst v0  }
0x2f: {  	[spmem:s9] =	stream.linear.scatter [tilespmem:s22], [sflag:$0x7], $0x4000, $0x38;
	[tilespmem:$0x1C400] =	vst v63  }
0x30: {  	_ =	swait.ge [sflag:s23], $0x4000  }
0x31: {  	[sflag:s23] =	ssyncset.done $0x0  }
0x32: {  	s11 =	rddreg [dreg:$0x8];
	[sflag:s23] =	ssyncadd.s32 $0xFFFFC000  }
0x33: {  	[spmem:s11] =	stream.linear.scatter [tilespmem:s22], [sflag:$0x7], $0x4000, $0x38;
	[tilespmem:$0x1C400] =	vst v63  }
0x34: {  	_ =	swait.ge [sflag:s23], $0x4000  }
0x35: {  	[sflag:s23] =	ssyncset.done $0x0  }
0x36: {  	s12 =	rddreg [dreg:$0x9];
	[sflag:s23] =	ssyncadd.s32 $0xFFFFC000  }
0x37: {  	[spmem:s12] =	stream.linear.scatter [tilespmem:s22], [sflag:$0x7], $0x4000, $0x38;
	[tilespmem:$0x1C400] =	vst v63  }
0x38: {  	_ =	swait.ge [sflag:s23], $0x4000  }
0x39: {  	[sflag:s23] =	ssyncset.done $0x0  }
0x3a: {  	[sflag:s23] =	ssyncadd.s32 $0xFFFFC000  }
0x3b: {  	[spmem:s15] =	stream.linear.scatter [tilespmem:s22], [sflag:$0x7], $0x4000, $0x38;
	[tilespmem:$0x1C400] =	vst v63  }
0x3c: {  	_ =	swait.ge [sflag:s23], $0x4000  }
0x3d: {  	[sflag:s23] =	ssyncset.done $0x0  }
0x3e: {  	[sflag:s23] =	ssyncadd.s32 $0xFFFFC000  }
0x3f: {  	[spmem:s16] =	stream.linear.scatter [tilespmem:s22], [sflag:$0x7], $0x4000, $0x38;
	[tilespmem:$0x1C400] =	vst v63  }
0x40: {  	_ =	swait.ge [sflag:s23], $0x4000  }
0x41: {  	[sflag:s23] =	ssyncset.done $0x0  }
0x42: {  	[sflag:s23] =	ssyncadd.s32 $0xFFFFC000  }
0x43: {  	_ =	swait.ge [sflag:s24], $0x100  }
0x44: {  	[sflag:s24] =	ssyncset.done $0x0  }
0x45: {  	s13 =	simm.s32 $0x0;
	[sflag:s24] =	ssyncadd.s32 $0xFFFFFF00  }
0x46: {  	[tilespmem:s22], [sflag:$0x5] =	stream.indirect.gather [hbm4b:s4+s25], $0x80, s13, s25, $0xb8;
	[tilespmem:$0x1C400] =	vst v63  }
0x47: {  	[bflag:$0x0] =	sbarrier.arrive $0xFFFF  }
0x48: {  	_ =	swait.ge [sflag:s26], $0x4000  }
0x49: {  	[sflag:s26] =	ssyncset.done $0x0  }
0x4a: {  	[sflag:s26] =	ssyncadd.s32 $0xFFFFC000  }
0x4b: {  	_ =	swait.ge [sflag:s28], $0x100  }
0x4c: {  	[sflag:s28] =	ssyncset.done $0x0  }
0x4d: {  	[sflag:s28] =	ssyncadd.s32 $0xFFFFFF00  }
0x4e: {  	[tilespmem:s29], [sflag:$0x6] =	stream.indirect.gather [hbm4b:s4+s25], $0x80, s19, s25, $0xb8;
	[tilespmem:$0x1C400] =	vst v63  }
0x4f: {  	_ = 	snop  }
0x50: {  	[spmem:s1] =	stream.indirect.scatter.add.f32 [tilespmem:s22], [sflag:$0x7], $0x80, s25, s25, $0xb8;
	[tilespmem:$0x1C400] =	vst v63  }
0x51: {  	_ =	swait.ge [sflag:s23], $0x4000  }
0x52: {  	[sflag:s23] =	ssyncset.done $0x0  }
0x53: {  	s11 =	sadd.s32 $0x0, s18;
	[sflag:s23] =	ssyncadd.s32 $0xFFFFC000  }
0x54: {  	[tilespmem:s3], [sflag:$0x1] =	stream.linear.gather [hbm4b:s11+s3], $0x100, $0x38;
	[tilespmem:$0x1C400] =	vst v63  }
0x55: {  	_ =	swait.ge [sflag:s30], $0x4000  }
0x56: {  	[sflag:s30] =	ssyncset.done $0x0  }
0x57: {  	[sflag:s30] =	ssyncadd.s32 $0xFFFFC000  }
0x58: {  	_ =	swait.ge [sflag:s31], $0x100  }
0x59: {  	[sflag:s31] =	ssyncset.done $0x0  }
0x5a: {  	[sflag:s31] =	ssyncadd.s32 $0xFFFFFF00  }
0x5b: {  	[tilespmem:s22], [sflag:$0x5] =	stream.indirect.gather [hbm4b:s4+s25], $0x80, s20, s25, $0xb8;
	[tilespmem:$0x1C400] =	vst v63  }
0x5c: {  	_ = 	snop  }
0x5d: {  	[spmem:s1] =	stream.indirect.scatter.add.f32 [tilespmem:s29], [sflag:$0x7], $0x80, s0, s25, $0xb8;
	[tilespmem:$0x1C400] =	vst v63  }
0x5e: {  	_ =	swait.ge [sflag:s23], $0x4000  }
0x5f: {  	s11 =	sadd.s32 $0x0, s14;
	[sflag:s23] =	ssyncset.done $0x0  }
0x60: {  	s12 =	sadd.s32 $0xA0, s11;
	[sflag:s23] =	ssyncadd.s32 $0xFFFFC000  }
0x61: {  	[tilespmem:s19], [sflag:$0x2] =	stream.linear.gather [hbm4b:s12+s3], $0x100, $0x38;
	[tilespmem:$0x1C400] =	vst v63  }
0x62: {  	_ =	swait.ge [sflag:s26], $0x4000  }
0x63: {  	[sflag:s26] =	ssyncset.done $0x0  }
0x64: {  	[sflag:s26] =	ssyncadd.s32 $0xFFFFC000  }
0x65: {  	_ =	swait.ge [sflag:s2], $0x100  }
0x66: {  	[sflag:s2] =	ssyncset.done $0x0  }
0x67: {  	[sflag:s2] =	ssyncadd.s32 $0xFFFFFF00  }
0x68: {  	[tilespmem:s29], [sflag:$0x6] =	stream.indirect.gather [hbm4b:s4+s25], $0x80, s21, s25, $0xb8;
	[tilespmem:$0x1C400] =	vst v63  }
0x69: {  	_ = 	snop  }
0x6a: {  	[spmem:s1] =	stream.indirect.scatter.add.f32 [tilespmem:s22], [sflag:$0x7], $0x80, s6, s25, $0xb8;
	[tilespmem:$0x1C400] =	vst v63  }
0x6b: {  	_ =	swait.ge [sflag:s23], $0x4000  }
0x6c: {  	[sflag:s23] =	ssyncset.done $0x0  }
0x6d: {  	s13 =	sadd.s32 $0x0, s17;
	[sflag:s23] =	ssyncadd.s32 $0xFFFFC000  }
0x6e: {  	[tilespmem:s20], [sflag:$0x3] =	stream.linear.gather [hbm4b:s13+s3], $0x100, $0x38;
	[tilespmem:$0x1C400] =	vst v63  }
0x6f: {  	_ =	swait.ge [sflag:s30], $0x4000  }
0x70: {  	[sflag:s30] =	ssyncset.done $0x0  }
0x71: {  	[sflag:s30] =	ssyncadd.s32 $0xFFFFC000  }
0x72: {  	_ =	swait.ge [sflag:s24], $0x100  }
0x73: {  	[sflag:s24] =	ssyncset.done $0x0  }
0x74: {  	[sflag:s24] =	ssyncadd.s32 $0xFFFFFF00  }
0x75: {  	[tilespmem:s22], [sflag:$0x5] =	stream.indirect.gather [hbm4b:s4+s25], $0x80, s3, s25, $0xb8;
	[tilespmem:$0x1C400] =	vst v63  }
0x76: {  	_ = 	snop  }
0x77: {  	[spmem:s1] =	stream.indirect.scatter.add.f32 [tilespmem:s29], [sflag:$0x7], $0x80, s7, s25, $0xb8;
	[tilespmem:$0x1C400] =	vst v63  }
0x78: {  	_ =	swait.ge [sflag:s23], $0x4000  }
0x79: {  	[sflag:s23] =	ssyncset.done $0x0  }
0x7a: {  	s10 =	simm.s32 $0x80;
	s11 =	sadd.s32 $0xE0, s11;
	[sflag:s23] =	ssyncadd.s32 $0xFFFFC000  }
.LBB2_4:
0x7b: {  	[tilespmem:s21], [sflag:$0x4] =	stream.linear.gather [hbm4b:s11+s3], $0x100, $0x38;
	[tilespmem:$0x1C400] =	vst v63  }
0x7c: {  	s11 =	smov.u32 s10  }
0x7d: {  	p0 =	sne.s32 s10, $0x900;
	s10 =	sadd.s32 $0x80, s10;
	_ =	swait.ge [sflag:s26], $0x4000  }
0x7e: {  	[sflag:s26] =	ssyncset.done $0x0  }
0x7f: {  	[sflag:s26] =	ssyncadd.s32 $0xFFFFC000  }
0x80: {  	_ =	swait.ge [sflag:s28], $0x100  }
0x81: {  	[sflag:s28] =	ssyncset.done $0x0  }
0x82: {  	[sflag:s28] =	ssyncadd.s32 $0xFFFFFF00  }
0x83: {  	[tilespmem:s29], [sflag:$0x6] =	stream.indirect.gather [hbm4b:s4+s25], $0x80, s19, s25, $0xb8;
	[tilespmem:$0x1C400] =	vst v63  }
0x84: {  	_ = 	snop  }
0x85: {  	[spmem:s1] =	stream.indirect.scatter.add.f32 [tilespmem:s22], [sflag:$0x7], $0x80, s25, s25, $0xb8;
	[tilespmem:$0x1C400] =	vst v63  }
0x86: {  	_ =	swait.ge [sflag:s23], $0x4000  }
0x87: {  	[sflag:s23] =	ssyncset.done $0x0  }
0x88: {  	s12 =	sadd.s32 s11, s18;
	[sflag:s23] =	ssyncadd.s32 $0xFFFFC000  }
0x89: {  	[tilespmem:s3], [sflag:$0x1] =	stream.linear.gather [hbm4b:s12+s3], $0x100, $0x38;
	[tilespmem:$0x1C400] =	vst v63  }
0x8a: {  	_ =	swait.ge [sflag:s30], $0x4000  }
0x8b: {  	[sflag:s30] =	ssyncset.done $0x0  }
0x8c: {  	[sflag:s30] =	ssyncadd.s32 $0xFFFFC000  }
0x8d: {  	_ =	swait.ge [sflag:s31], $0x100  }
0x8e: {  	[sflag:s31] =	ssyncset.done $0x0  }
0x8f: {  	[sflag:s31] =	ssyncadd.s32 $0xFFFFFF00  }
0x90: {  	[tilespmem:s22], [sflag:$0x5] =	stream.indirect.gather [hbm4b:s4+s25], $0x80, s20, s25, $0xb8;
	[tilespmem:$0x1C400] =	vst v63  }
0x91: {  	_ = 	snop  }
0x92: {  	[spmem:s1] =	stream.indirect.scatter.add.f32 [tilespmem:s29], [sflag:$0x7], $0x80, s0, s25, $0xb8;
	[tilespmem:$0x1C400] =	vst v63  }
0x93: {  	_ =	swait.ge [sflag:s23], $0x4000  }
0x94: {  	s12 =	sadd.s32 s11, s14;
	[sflag:s23] =	ssyncset.done $0x0  }
0x95: {  	s13 =	sadd.s32 $0xA0, s12;
	[sflag:s23] =	ssyncadd.s32 $0xFFFFC000  }
0x96: {  	[tilespmem:s19], [sflag:$0x2] =	stream.linear.gather [hbm4b:s13+s3], $0x100, $0x38;
	[tilespmem:$0x1C400] =	vst v63  }
0x97: {  	_ =	swait.ge [sflag:s26], $0x4000  }
0x98: {  	[sflag:s26] =	ssyncset.done $0x0  }
0x99: {  	[sflag:s26] =	ssyncadd.s32 $0xFFFFC000  }
0x9a: {  	_ =	swait.ge [sflag:s2], $0x100  }
0x9b: {  	[sflag:s2] =	ssyncset.done $0x0  }
0x9c: {  	[sflag:s2] =	ssyncadd.s32 $0xFFFFFF00  }
0x9d: {  	[tilespmem:s29], [sflag:$0x6] =	stream.indirect.gather [hbm4b:s4+s25], $0x80, s21, s25, $0xb8;
	[tilespmem:$0x1C400] =	vst v63  }
0x9e: {  	_ = 	snop  }
0x9f: {  	[spmem:s1] =	stream.indirect.scatter.add.f32 [tilespmem:s22], [sflag:$0x7], $0x80, s6, s25, $0xb8;
	[tilespmem:$0x1C400] =	vst v63  }
0xa0: {  	_ =	swait.ge [sflag:s23], $0x4000  }
0xa1: {  	[sflag:s23] =	ssyncset.done $0x0  }
0xa2: {  	s11 =	sadd.s32 s11, s17;
	[sflag:s23] =	ssyncadd.s32 $0xFFFFC000  }
0xa3: {  	[tilespmem:s20], [sflag:$0x3] =	stream.linear.gather [hbm4b:s11+s3], $0x100, $0x38;
	[tilespmem:$0x1C400] =	vst v63  }
0xa4: {  	_ =	swait.ge [sflag:s30], $0x4000  }
0xa5: {  	[sflag:s30] =	ssyncset.done $0x0  }
0xa6: {  	[sflag:s30] =	ssyncadd.s32 $0xFFFFC000  }
0xa7: {  	_ =	swait.ge [sflag:s24], $0x100  }
0xa8: {  	[sflag:s24] =	ssyncset.done $0x0  }
0xa9: {  	[sflag:s24] =	ssyncadd.s32 $0xFFFFFF00  }
0xaa: {  	[tilespmem:s22], [sflag:$0x5] =	stream.indirect.gather [hbm4b:s4+s25], $0x80, s3, s25, $0xb8;
	[tilespmem:$0x1C400] =	vst v63  }
.Ltmp1:
0xab: {  	(pc) =	sbr.rel @p0 .LBB2_4-.Ltmp1, $4  }
0xac: {  	[spmem:s1] =	stream.indirect.scatter.add.f32 [tilespmem:s29], [sflag:$0x7], $0x80, s7, s25, $0xb8;
	[tilespmem:$0x1C400] =	vst v63  }
0xad: {  	_ =	swait.ge [sflag:s23], $0x4000  }
0xae: {  	[sflag:s23] =	ssyncset.done $0x0  }
0xaf: {  	s11 =	sadd.s32 $0xE0, s12;
	[sflag:s23] =	ssyncadd.s32 $0xFFFFC000  }
0xb0: {  	[tilespmem:s21], [sflag:$0x4] =	stream.linear.gather [hbm4b:s11+s3], $0x100, $0x38;
	[tilespmem:$0x1C400] =	vst v63  }
0xb1: {  	_ =	swait.ge [sflag:s26], $0x4000  }
0xb2: {  	[sflag:s26] =	ssyncset.done $0x0  }
0xb3: {  	[sflag:s26] =	ssyncadd.s32 $0xFFFFC000  }
0xb4: {  	_ =	swait.ge [sflag:s28], $0x100  }
0xb5: {  	[sflag:s28] =	ssyncset.done $0x0  }
0xb6: {  	[sflag:s28] =	ssyncadd.s32 $0xFFFFFF00  }
0xb7: {  	[tilespmem:s29], [sflag:$0x6] =	stream.indirect.gather [hbm4b:s4+s25], $0x80, s19, s25, $0xb8;
	[tilespmem:$0x1C400] =	vst v63  }
0xb8: {  	_ = 	snop  }
0xb9: {  	[spmem:s1] =	stream.indirect.scatter.add.f32 [tilespmem:s22], [sflag:$0x7], $0x80, s25, s25, $0xb8;
	[tilespmem:$0x1C400] =	vst v63  }
0xba: {  	_ =	swait.ge [sflag:s23], $0x4000  }
0xbb: {  	[sflag:s23] =	ssyncset.done $0x0  }
0xbc: {  	[sflag:s23] =	ssyncadd.s32 $0xFFFFC000  }
0xbd: {  	_ =	swait.ge [sflag:s30], $0x4000  }
0xbe: {  	[sflag:s30] =	ssyncset.done $0x0  }
0xbf: {  	[sflag:s30] =	ssyncadd.s32 $0xFFFFC000  }
0xc0: {  	_ =	swait.ge [sflag:s31], $0x100  }
0xc1: {  	[sflag:s31] =	ssyncset.done $0x0  }
0xc2: {  	[sflag:s31] =	ssyncadd.s32 $0xFFFFFF00  }
0xc3: {  	[tilespmem:s22], [sflag:$0x5] =	stream.indirect.gather [hbm4b:s4+s25], $0x80, s20, s25, $0xb8;
	[tilespmem:$0x1C400] =	vst v63  }
0xc4: {  	_ = 	snop  }
0xc5: {  	[spmem:s1] =	stream.indirect.scatter.add.f32 [tilespmem:s29], [sflag:$0x7], $0x80, s0, s25, $0xb8;
	[tilespmem:$0x1C400] =	vst v63  }
0xc6: {  	_ =	swait.ge [sflag:s23], $0x4000  }
0xc7: {  	[sflag:s23] =	ssyncset.done $0x0  }
0xc8: {  	[sflag:s23] =	ssyncadd.s32 $0xFFFFC000  }
0xc9: {  	_ =	swait.ge [sflag:s26], $0x4000  }
0xca: {  	[sflag:s26] =	ssyncset.done $0x0  }
0xcb: {  	[sflag:s26] =	ssyncadd.s32 $0xFFFFC000  }
0xcc: {  	_ =	swait.ge [sflag:s2], $0x100  }
0xcd: {  	[sflag:s2] =	ssyncset.done $0x0  }
0xce: {  	[sflag:s2] =	ssyncadd.s32 $0xFFFFFF00  }
0xcf: {  	[tilespmem:s29], [sflag:$0x6] =	stream.indirect.gather [hbm4b:s4+s25], $0x80, s21, s25, $0xb8;
	[tilespmem:$0x1C400] =	vst v63  }
0xd0: {  	_ = 	snop  }
0xd1: {  	[spmem:s1] =	stream.indirect.scatter.add.f32 [tilespmem:s22], [sflag:$0x7], $0x80, s6, s25, $0xb8;
	[tilespmem:$0x1C400] =	vst v63  }
0xd2: {  	_ =	swait.ge [sflag:s23], $0x4000  }
0xd3: {  	[sflag:s23] =	ssyncset.done $0x0  }
0xd4: {  	[sflag:s23] =	ssyncadd.s32 $0xFFFFC000  }
0xd5: {  	_ =	swait.ge [sflag:s30], $0x4000  }
0xd6: {  	[sflag:s30] =	ssyncset.done $0x0  }
0xd7: {  	[sflag:s30] =	ssyncadd.s32 $0xFFFFC000  }
0xd8: {  	[spmem:s1] =	stream.indirect.scatter.add.f32 [tilespmem:s29], [sflag:$0x7], $0x80, s7, s25, $0xb8;
	[tilespmem:$0x1C400] =	vst v63  }
0xd9: {  	_ =	swait.ge [sflag:s23], $0x4000  }
0xda: {  	[sflag:s23] =	ssyncset.done $0x0  }
0xdb: {  	s10 =	stileid.u32;
	[sflag:s23] =	ssyncadd.s32 $0xFFFFC000  }
0xdc: {  	s10 =	sshll.u32 s10, $0x6;
	[bflag:$0x0] =	sbarrier.arrive $0xFFFF  }
0xdd: {  	s13 =	sshrl.u32 s9, $0x3;
	s10 =	sor.u32 $0x1C07, s10;
	s12 =	rddreg [dreg:$0x6]  }
0xde: {  	[hbm:s12], [sflag:s10] =	dma.local [spmem:s13], $0x2800  }
0xdf: {  	_ =	swait.ge [sflag:s23], $0x2800  }
0xe0: {  	s8 =	sadd.s32 $0x1, s8;
	s13 =	rddreg [dreg:$0x7]  }
0xe1: {  	p0 =	sne.s32 s8, s13  }
.Ltmp2:
0xe2: {  	_ = 	snop;
	(pc) =	sbr.rel @p0 .LBB2_1-.Ltmp2, $3  }
0xe3: {  	_ =	sdelay $0x1  }
0xe4: {  	[sflag:s23] =	ssyncset.done $0x0  }
0xe5: {  	[sflag:s23] =	ssyncadd.s32 $0xFFFFD800  }
0xe6: {  	_ =	sfence.sel $0x180000  }
0xe7: {  	[bflag:$0x0] =	sbarrier.arrive $0xFFFF  }
0xe8: {  	_ =	strace $0x9000004A  }
0xe9: {  	s0 =	stileid.u32;
	[bflag:$0x2] =	sbarrier.arrive $0xFFFF  }
0xea: {  	p0 =	sne.s32 s0, $0x0;
	s0 =	rddreg [dreg:$0x2]  }
0xeb: {  	s0 =	sadd.s32 @!p0 $0x100000, s0  }
0xec: {  	[sflag:s0] =	ssyncadd.tile.s32 @!p0 $0x1;
	_ =	shalt  }
.Lfunc_end2:
_tile_overlayer_lowered:
.L_overlay_start_2:
0xed: {  	(tag) =	ssettag $0x2  }
0xee: {  	s0 =	rddreg [dreg:$0x0];
	s2 =	stileid.u32  }
0xef: {  	s1 =	rddreg [dreg:$0x1];
	p0 =	sne.s32 s2, $0x0  }
0xf0: {  	s3 =	rddreg [dreg:$0x2];
	[bflag:$0x3] =	sbarrier.arrive $0xFFFF;
	s2 =	simm.s32 @!p0 $0x1C07  }
0xf1: {  	[timem:s3], [sflag:s2] =	dma.local @!p0 [hbm:s0], s1  }
0xf2: {  	s0 =	simm.s32 @!p0 $0x7  }
0xf3: {  	_ =	swait.ge @!p0 [sflag:s0], s1  }
0xf4: {  	s1 =	ssub.s32 @!p0 $0x0, s1;
	[sflag:s0] =	ssyncset.done @!p0 $0x0  }
0xf5: {  	[sflag:s0] =	ssyncadd.s32 @!p0 s1  }
0xf6: {  	[bflag:$0x3] =	sbarrier.arrive $0xFFFF  }
0xf7: {  	_ =	shalt  }

// kernel: kernel.16.cloned.1.call-start
scs
__scs_entry_jumppad:
0x0: {  	(pc) =	sbr.rel $0x88, $3  }
0x1: {  	(tag) =	ssettag $0x0;
	lr =	simm.s32 $0x1  }
0x2: {  	[smem:$0x3F99] =	sst lr;
	_ =	strace $0xD0000000  }
0x3: {  	_ = 	snop  }
0x4: {  	_ = 	snop  }
0x5: {  	_ = 	snop  }
0x6: {  	_ = 	snop  }
0x7: {  	_ = 	snop  }
__scs_overlays_trampoline_lowered:
0x8: {  	[smem:$0x3FA8] =	sst s0  }
0x9: {  	[smem:$0x3FA9] =	sst s1  }
0xa: {  	[smem:$0x3FAA] =	sst s2  }
0xb: {  	[smem:$0x3FAB] =	sst s3  }
0xc: {  	[smem:$0x3FAC] =	sst s4  }
0xd: {  	[smem:$0x3FAD] =	sst s5  }
0xe: {  	[smem:$0x3FAE] =	sst s6  }
0xf: {  	[smem:$0x3FAF] =	sst s7  }
0x10: {  	[smem:$0x3FB0] =	sst s8  }
0x11: {  	[smem:$0x3FB1] =	sst s9;
	s0 =	simm.s32 @!p0 $0x0  }
0x12: {  	s1 =	sld [smem:$0x3F97];
	s0 =	simm.s32 @p0 $0x1  }
0x13: {  	[smem:$0x3FB2] =	sst s0;
	s0 =	simm.s32 @!p1 $0x0  }
0x14: {  	s2 =	sld [smem:$0x3F96];
	s0 =	simm.s32 @p1 $0x1  }
0x15: {  	[smem:$0x3FB3] =	sst s0;
	s0 =	simm.s32 @!p2 $0x0  }
0x16: {  	s3 =	sld [smem:$0x3FDB];
	s0 =	simm.s32 @p2 $0x1  }
0x17: {  	s4 =	simm.s32 $0x1BF5;
	[smem:$0x3FB5] =	sst s0  }
0x18: {  	s0 =	sld [smem:$0x3F98];
	_ =	swait.ge [sflag:s4], $0x0  }
0x19: {  	s7 =	sld [smem:$0x3F99]  }
0x1a: {  	s8 =	sadd.s32 $0xFFFFE003, lr  }
0x1b: {  	s9 =	sadd.s32 $0xFFFFFEF7, lr;
	s5 =	simm.s32 $0xFFFFFFFF;
	p2 =	slt.u32 s8, $0xFFFFF086  }
0x1c: {  	p1 =	slt.u32 s9, $0xF7A;
	s5 =	simm.s32 @!p2 $0x0  }
0x1d: {  	s5 =	simm.s32 @p1 $0x1;
	p0 =	seq.s32 s7, s2  }
0x1e: {  	s7 =	smul.u32 @!p0 $0xF7A, s2;
	p2 =	seq.s32 @!p0 s5, $0x0  }
0x1f: {  	s9 =	smul.u32 $0xF7A, s1;
	s8 =	simm.s32 @!p0 $0x1BF5;
	p2 =	por !p2, p0  }
0x20: {  	[sflag:s8] =	ssyncset.s32 @!p0 $0xFFFFF086;
	s6 =	sadd.s32 @!p0 s3, s7;
	s7 =	simm.s32 @!p0 $0x108  }
0x21: {  	s3 =	sadd.s32 s3, s9;
	s6 =	sadd.s32 @!p0 $0x88, s6;
	s7 =	simm.s32 @p2 $0x1082  }
0x22: {  	[simem:s7], [sflag:s8] =	dma.local @!p0 [hbm:s6], $0xF7A  }
0x23: {  	s9 =	sor.u32 $0xD0000000, s2;
	s6 =	simm.s32 $0x108;
	_ =	swait.ge @!p0 [sflag:s8], $0x0  }
0x24: {  	s3 =	sadd.s32 $0x88, s3;
	s6 =	simm.s32 @!p1 $0x1082;
	[sflag:s4] =	ssyncset.s32 $0xFFFFF086  }
0x25: {  	[simem:s6], [sflag:s4] =	dma.local [hbm:s3], $0xF7A  }
0x26: {  	[smem:$0x3F99] =	sst s1;
	(tag) =	ssettag s2;
	_ =	strace s9  }
0x27: {  	s1 =	sld [smem:$0x3FA9]  }
0x28: {  	s2 =	sld [smem:$0x3FAA]  }
0x29: {  	s4 =	sld [smem:$0x3FAC]  }
0x2a: {  	p0 =	seq.s32 s5, $0x0;
	s5 =	sld [smem:$0x3FAD]  }
0x2b: {  	s6 =	sld [smem:$0x3FAE]  }
0x2c: {  	s7 =	sld [smem:$0x3FAF]  }
0x2d: {  	s3 =	simm.s32 $0x108;
	s8 =	sld [smem:$0x3FB0]  }
0x2e: {  	s3 =	simm.s32 @!p0 $0x1082;
	s9 =	sld [smem:$0x3FB1]  }
0x2f: {  	lr =	sadd.s32 s0, s3;
	s0 =	sld [smem:$0x3FA8]  }
0x30: {  	s3 =	sld [smem:$0x3FAB]  }
0x31: {  	[smem:$0x3FB4] =	sst s10  }
0x32: {  	s10 =	sld [smem:$0x3FB2];
	_ =	sdelay $0x3  }
0x33: {  	p0 =	seq.s32 s10, $0x1;
	s10 =	sld [smem:$0x3FB4];
	_ =	sdelay $0x3  }
0x34: {  	[smem:$0x3FB4] =	sst s10  }
0x35: {  	s10 =	sld [smem:$0x3FB3];
	_ =	sdelay $0x3  }
0x36: {  	p1 =	seq.s32 s10, $0x1;
	s10 =	sld [smem:$0x3FB4];
	_ =	sdelay $0x3  }
0x37: {  	[smem:$0x3FB4] =	sst s10  }
0x38: {  	s10 =	sld [smem:$0x3FB5]  }
0x39: {  	_ = 	snop;
	(pc) =	sbr.ind lr, $3  }
0x3a: {  	_ = 	snop  }
0x3b: {  	_ = 	snop  }
0x3c: {  	p2 =	seq.s32 s10, $0x1;
	s10 =	sld [smem:$0x3FB4]  }
0x3d: {  	_ =	shalt  }
0x3e: {  	_ =	shalt  }
0x3f: {  	_ =	shalt  }
0x40: {  	_ =	shalt  }
0x41: {  	_ =	shalt  }
0x42: {  	_ =	shalt  }
0x43: {  	_ =	shalt  }
0x44: {  	_ =	shalt  }
0x45: {  	_ =	shalt  }
0x46: {  	_ =	shalt  }
0x47: {  	_ =	shalt  }
0x48: {  	_ =	shalt  }
0x49: {  	_ =	shalt  }
0x4a: {  	_ =	shalt  }
0x4b: {  	_ =	shalt  }
0x4c: {  	_ =	shalt  }
0x4d: {  	_ =	shalt  }
0x4e: {  	_ =	shalt  }
0x4f: {  	_ =	shalt  }
0x50: {  	_ =	shalt  }
0x51: {  	_ =	shalt  }
0x52: {  	_ =	shalt  }
0x53: {  	_ =	shalt  }
0x54: {  	_ =	shalt  }
0x55: {  	_ =	shalt  }
0x56: {  	_ =	shalt  }
0x57: {  	_ =	shalt  }
0x58: {  	_ =	shalt  }
0x59: {  	_ =	shalt  }
0x5a: {  	_ =	shalt  }
0x5b: {  	_ =	shalt  }
0x5c: {  	_ =	shalt  }
0x5d: {  	_ =	shalt  }
0x5e: {  	_ =	shalt  }
0x5f: {  	_ =	shalt  }
0x60: {  	_ =	shalt  }
0x61: {  	_ =	shalt  }
0x62: {  	_ =	shalt  }
0x63: {  	_ =	shalt  }
0x64: {  	_ =	shalt  }
0x65: {  	_ =	shalt  }
0x66: {  	_ =	shalt  }
0x67: {  	_ =	shalt  }
0x68: {  	_ =	shalt  }
0x69: {  	_ =	shalt  }
0x6a: {  	_ =	shalt  }
0x6b: {  	_ =	shalt  }
0x6c: {  	_ =	shalt  }
0x6d: {  	_ =	shalt  }
0x6e: {  	_ =	shalt  }
0x6f: {  	_ =	shalt  }
0x70: {  	_ =	shalt  }
0x71: {  	_ =	shalt  }
0x72: {  	_ =	shalt  }
0x73: {  	_ =	shalt  }
0x74: {  	_ =	shalt  }
0x75: {  	_ =	shalt  }
0x76: {  	_ =	shalt  }
0x77: {  	_ =	shalt  }
0x78: {  	_ =	shalt  }
0x79: {  	_ =	shalt  }
0x7a: {  	_ =	shalt  }
0x7b: {  	_ =	shalt  }
0x7c: {  	_ =	shalt  }
0x7d: {  	_ =	shalt  }
0x7e: {  	_ =	shalt  }
0x7f: {  	_ =	shalt  }
0x80: {  	_ =	shalt  }
0x81: {  	_ =	shalt  }
0x82: {  	_ =	shalt  }
0x83: {  	_ =	shalt  }
0x84: {  	_ =	shalt  }
0x85: {  	_ =	shalt  }
0x86: {  	_ =	shalt  }
0x87: {  	_ =	shalt  }
.Lfunc_end0:
.L_simem_size_0:
called_computation.2_lowered:
.L_overlay_start_0:
0x88: {  	s2 =	sld [smem:$0x3FD9]  }
0x89: {  	s3 =	sld [smem:$0x3FFE];
	_ =	sdelay $0x1  }
0x8a: {  	s1 =	srdreg.scid  }
0x8b: {  	s0 =	sand.u32 $0x1, s1  }
0x8c: {  	s16 =	sshll.u32 s0, $0xA;
	s2 =	sadd.s32 s3, s2  }
0x8d: {  	s2 =	sadd.s32 s2, s16  }
0x8e: {  	[smem:$0x3FC0] =	sst s2  }
0x8f: {  	_ = 	snop  }
0x90: {  	(tm) =	ssettm $0x1  }
0x91: {  	s17 =	sld [smem:$0x3FFB];
	_ =	sdelay $0x3  }
0x92: {  	_ =	strace s17  }
0x93: {  	s2 =	sld [smem:$0x3FFC];
	_ =	sdelay $0x3  }
0x94: {  	_ =	strace s2  }
0x95: {  	s2 =	sld [smem:$0x3FFD];
	_ =	sdelay $0x3  }
0x96: {  	_ =	strace s2  }
0x97: {  	_ =	strace $0x8FFFFFFF  }
0x98: {  	s18 =	sld [smem:$0x3FDB];
	_ =	sdelay $0x1  }
0x99: {  	s19 =	simm.s32 $_scs_section_size  }
0x9a: {  	s4 =	simm.s32 $_size__tile_overlayer_lowered;
	s5 =	simm.s32 $_tile_overlayer_lowered  }
0x9b: {  	s22 =	simm.s32 $0x1BFF;
	s21 =	sshll.u32 s5, $0x1;
	s2 =	sadd.s32 s19, s18  }
0x9c: {  	s6 =	simm.s32 $0x0;
	s20 =	sshll.u32 s4, $0x1;
	s4 =	sadd.s32 s21, s2  }
0x9d: {  	[timem:s6], [sflag:s22] =	dma.local [hbm:s4], s20  }
0x9e: {  	_ =	swait.ge [sflag:s22], s20  }
0x9f: {  	s3 =	ssub.s32 $0x0, s20;
	[sflag:s22] =	ssyncset.done $0x0  }
0xa0: {  	[sflag:s22] =	ssyncadd.s32 s3;
	_ =	sdelay $0x1  }
0xa1: {  	s23 =	simm.s32 $0x1B8B  }
0xa2: {  	_ =	swait.ge [sflag:s23], $0x1  }
0xa3: {  	[sflag:s23] =	ssyncset.done $0x0  }
0xa4: {  	s25 =	simm.s32 $0x1B8E;
	s24 =	sld [smem:$0x3FFE];
	[sflag:s23] =	ssyncadd.s32 $0xFFFFFFFF  }
0xa5: {  	s26 =	simm.s32 $execute0_lowered;
	[smem:$0x3FD2] =	sst s25  }
0xa6: {  	s4 =	sshll.u32 s26, $0x1;
	_ =	strace $0x8000004C;
	[dreg:$0x1] =	wrdreg $0xFFFFFFFF  }
0xa7: {  	s28 =	simm.s32 $_size_execute0_lowered;
	s2 =	sadd.s32 s2, s4;
	[dreg:$0x0] =	wrdreg $0x0  }
0xa8: {  	s4 =	sshll.u32 s28, $0x1;
	[dreg:$0x2] =	wrdreg s2  }
0xa9: {  	[dreg:$0x3] =	wrdreg s4  }
0xaa: {  	[dreg:$0x4] =	wrdreg $0xC0  }
0xab: {  	_ =	task [dreg:s6], $0x5FFFF  }
0xac: {  	[dreg:$0x1] =	wrdreg $0xFFFFFFFF  }
0xad: {  	[dreg:$0x0] =	wrdreg $0x60  }
0xae: {  	[dreg:$0x2] =	wrdreg s24  }
0xaf: {  	[dreg:$0x3] =	wrdreg $0x84000  }
0xb0: {  	[dreg:$0x4] =	wrdreg $0x9  }
0xb1: {  	_ =	task.clear_ibuf [dreg:s6], $0x5FFFF;
	_ =	strace $0x9000004C  }
0xb2: {  	s29 =	simm.s32 $0x9;
	_ =	strace $0x8000004E  }
0xb3: {  	_ =	swait.ge [sflag:s29], $0x1  }
0xb4: {  	[sflag:s29] =	ssyncadd.s32 $0xFFFFFFFF  }
0xb5: {  	_ =	strace $0x9000004E  }
0xb6: {  	_ =	sfence  }
0xb7: {  	s30 =	sld [smem:$0x0];
	_ =	sdelay $0x2  }
0xb8: {  	s31 =	sshll.u32 s1, $0xD;
	s1 =	sshrl.u32 s1, $0x2  }
0xb9: {  	s3 =	sand.u32 $0x4000, s31;
	s1 =	sadd.s32 s1, s30  }
0xba: {  	s0 =	sor.u32 s3, s0;
	s1 =	sshll.u32 s1, $0x11  }
0xbb: {  	s0 =	sor.u32 s1, s0  }
0xbc: {  	s0 =	sadd.s32 $0x8F2B, s0  }
0xbd: {  	[sflag:s0] =	ssyncadd.remote.s32 $0x1  }
0xbe: {  	_ =	sfence.sel $0xFFFF  }
0xbf: {  	[dreg:$0x0] =	wrdreg $0xFFFFFFFF;
	(pc) =	sbr.abs _section_cstart, $3  }
0xc0: {  	[dreg:$0x1] =	wrdreg $0xFFFFFFFF  }
0xc1: {  	_ =	task.clear_ibuf [dreg:s6], $0x2FFFF;
	_ =	strace $0x9FFFFFFF  }
0xc2: {  	(tm) =	ssettm $0x7FFFFFFF  }
0xc3: {  	_ =	shalt  }
tec
execute0_lowered:
.L_overlay_start_1:
0x0: {  	(tag) =	ssettag $0x1  }
0x1: {  	s0 =	rddreg [dreg:$0x0]  }
0x2: {  	s1 =	rddreg [dreg:$0x1]  }
0x3: {  	s2 =	srdreg.scid;
	s3 =	simm.s32 $0x0;
	s10 =	stileid.u32  }
0x4: {  	s28 =	simm.s32 $0x2;
	s29 =	simm.s32 $0x4400;
	s6 =	smul.u32 $0x14000, s10  }
0x5: {  	s30 =	simm.s32 $0x6;
	s31 =	simm.s32 $0x3;
	s9 =	smul.u32 $0x50000, s10  }
0x6: {  	s2 =	sand.u32 $0x1, s2;
	[smem:$0x7FF] =	sst s3;
	s19 =	smul.u32 $0x50, s10  }
0x7: {  	s4 =	sadd.s32 $0x18A00, s0;
	s8 =	sadd.s32 $0x4A00, s0;
	s5 =	smul.u32 $0x140000, s2  }
0x8: {  	s7 =	sshll.u32 s2, $0x4;
	_ =	strace $0x8000004D;
	s17 =	ssub.s32 $0x2, s2  }
0x9: {  	s2 =	smul.u32 $0x500, s2;
	s7 =	sor.u32 s10, s7;
	s18 =	sshrl.u32 s17, $0x1  }
0xa: {  	s9 =	sshrl.u32 s9, $0x2;
	s5 =	sadd.s32 s6, s5;
	s16 =	smul.u32 $0xA00, s7  }
0xb: {  	s7 =	ssub.s32 s17, s18;
	s9 =	sadd.s32 s9, s1;
	s2 =	sadd.s32 s19, s2  }
0xc: {  	s19 =	simm.s32 $0x100;
	s6 =	simm.s32 $0x280;
	s5 =	sshrl.u32 s5, $0x3  }
0xd: {  	s23 =	smax.u32 s7, $0x1;
	s24 =	sshll.u32 s2, $0x5;
	s25 =	sadd.s32 $0x4000, s9  }
0xe: {  	s26 =	sadd.s32 $0x8000, s9;
	s15 =	sadd.s32 $0xC000, s9;
	[dreg:$0x7] =	wrdreg s23  }
0xf: {  	s2 =	simm.s32 $0x4;
	s7 =	simm.s32 $0x380;
	[dreg:$0x8] =	wrdreg s25  }
0x10: {  	s0 =	sadd.s32 s5, s0;
	s5 =	sadd.s32 s8, s16;
	[dreg:$0x9] =	wrdreg s26  }
0x11: {  	s14 =	sadd.s32 s24, s8;
	s16 =	sadd.s32 $0x10000, s9;
	s23 =	simm.s32 $0x7  }
0x12: {  	s24 =	simm.s32 $0x1;
	s25 =	simm.s32 $0x80;
	s20 =	sadd.s32 $0x20, s5  }
0x13: {  	s26 =	simm.s32 $0x5;
	s21 =	sadd.s32 $0x40, s5;
	[dreg:$0x3] =	wrdreg s20  }
0x14: {  	s8 =	simm.s32 $0x0;
	s22 =	sadd.s32 $0x60, s5;
	[dreg:$0x4] =	wrdreg s21  }
0x15: {  	s0 =	sadd.s32 $0x66E00, s0;
	s17 =	sadd.s32 $0xC0, s14;
	[dreg:$0x5] =	wrdreg s22  }
0x16: {  	s18 =	sadd.s32 $0x80, s14;
	[dreg:$0x6] =	wrdreg s0;
	s20 =	simm.s32 $0x200  }
0x17: {  	v0 =	vimm.f32 $0.0e+00;
	s21 =	simm.s32 $0x300;
	s22 =	simm.s32 $0x400;
	s0 =	simm.s32 $0x180  }
.LBB2_1:
0x18: {  	[tilespmem:s3], [sflag:$0x1] =	stream.linear.gather [hbm4b:s5+s3], $0x100, $0x38;
	[tilespmem:$0x1C400] =	vst v63  }
0x19: {  	s10 =	rddreg [dreg:$0x3]  }
0x1a: {  	[tilespmem:s19], [sflag:$0x2] =	stream.linear.gather [hbm4b:s10+s3], $0x100, $0x38;
	[tilespmem:$0x1C400] =	vst v63  }
0x1b: {  	s12 =	rddreg [dreg:$0x4]  }
0x1c: {  	[tilespmem:s20], [sflag:$0x3] =	stream.linear.gather [hbm4b:s12+s3], $0x100, $0x38;
	[tilespmem:$0x1C400] =	vst v63  }
0x1d: {  	s13 =	rddreg [dreg:$0x5];
	s11 =	simm.s32 $0x200;
	s10 =	simm.s32 $0x0  }
0x1e: {  	[tilespmem:s21], [sflag:$0x4] =	stream.linear.gather [hbm4b:s13+s3], $0x100, $0x38;
	[tilespmem:$0x1C400] =	vst v63  }
.LBB2_2:
0x1f: {  	p0 =	sne.s32 s11, $0xFE00;
	[tilespmem:s10+$0x470] =	vst v0  }
0x20: {  	[tilespmem:s10+$0x400] =	vst v0  }
0x21: {  	[tilespmem:s10+$0x410] =	vst v0  }
.Ltmp0:
0x22: {  	[tilespmem:s10+$0x420] =	vst v0;
	(pc) =	sbr.rel @p0 .LBB2_2-.Ltmp0, $4  }
0x23: {  	[tilespmem:s10+$0x430] =	vst v0  }
0x24: {  	[tilespmem:s10+$0x440] =	vst v0  }
0x25: {  	[tilespmem:s10+$0x450] =	vst v0  }
0x26: {  	[tilespmem:s10+$0x460] =	vst v0;
	s10 =	sshra.s32 s11, $0x2;
	s11 =	sadd.s32 $0x200, s11  }
0x27: {  	[tilespmem:s10+$0x470] =	vst v0  }
0x28: {  	[tilespmem:s10+$0x400] =	vst v0  }
0x29: {  	[tilespmem:s10+$0x410] =	vst v0  }
0x2a: {  	[tilespmem:s10+$0x420] =	vst v0  }
0x2b: {  	[tilespmem:s10+$0x430] =	vst v0  }
0x2c: {  	[tilespmem:s10+$0x440] =	vst v0  }
0x2d: {  	[tilespmem:s10+$0x450] =	vst v0  }
0x2e: {  	[tilespmem:s10+$0x460] =	vst v0  }
0x2f: {  	[spmem:s9] =	stream.linear.scatter [tilespmem:s22], [sflag:$0x7], $0x4000, $0x38;
	[tilespmem:$0x1C400] =	vst v63  }
0x30: {  	_ =	swait.ge [sflag:s23], $0x4000  }
0x31: {  	[sflag:s23] =	ssyncset.done $0x0  }
0x32: {  	s11 =	rddreg [dreg:$0x8];
	[sflag:s23] =	ssyncadd.s32 $0xFFFFC000  }
0x33: {  	[spmem:s11] =	stream.linear.scatter [tilespmem:s22], [sflag:$0x7], $0x4000, $0x38;
	[tilespmem:$0x1C400] =	vst v63  }
0x34: {  	_ =	swait.ge [sflag:s23], $0x4000  }
0x35: {  	[sflag:s23] =	ssyncset.done $0x0  }
0x36: {  	s12 =	rddreg [dreg:$0x9];
	[sflag:s23] =	ssyncadd.s32 $0xFFFFC000  }
0x37: {  	[spmem:s12] =	stream.linear.scatter [tilespmem:s22], [sflag:$0x7], $0x4000, $0x38;
	[tilespmem:$0x1C400] =	vst v63  }
0x38: {  	_ =	swait.ge [sflag:s23], $0x4000  }
0x39: {  	[sflag:s23] =	ssyncset.done $0x0  }
0x3a: {  	[sflag:s23] =	ssyncadd.s32 $0xFFFFC000  }
0x3b: {  	[spmem:s15] =	stream.linear.scatter [tilespmem:s22], [sflag:$0x7], $0x4000, $0x38;
	[tilespmem:$0x1C400] =	vst v63  }
0x3c: {  	_ =	swait.ge [sflag:s23], $0x4000  }
0x3d: {  	[sflag:s23] =	ssyncset.done $0x0  }
0x3e: {  	[sflag:s23] =	ssyncadd.s32 $0xFFFFC000  }
0x3f: {  	[spmem:s16] =	stream.linear.scatter [tilespmem:s22], [sflag:$0x7], $0x4000, $0x38;
	[tilespmem:$0x1C400] =	vst v63  }
0x40: {  	_ =	swait.ge [sflag:s23], $0x4000  }
0x41: {  	[sflag:s23] =	ssyncset.done $0x0  }
0x42: {  	[sflag:s23] =	ssyncadd.s32 $0xFFFFC000  }
0x43: {  	_ =	swait.ge [sflag:s24], $0x100  }
0x44: {  	[sflag:s24] =	ssyncset.done $0x0  }
0x45: {  	s13 =	simm.s32 $0x0;
	[sflag:s24] =	ssyncadd.s32 $0xFFFFFF00  }
0x46: {  	[tilespmem:s22], [sflag:$0x5] =	stream.indirect.gather [hbm4b:s4+s25], $0x80, s13, s25, $0xb8;
	[tilespmem:$0x1C400] =	vst v63  }
0x47: {  	[bflag:$0x0] =	sbarrier.arrive $0xFFFF  }
0x48: {  	_ =	swait.ge [sflag:s26], $0x4000  }
0x49: {  	[sflag:s26] =	ssyncset.done $0x0  }
0x4a: {  	[sflag:s26] =	ssyncadd.s32 $0xFFFFC000  }
0x4b: {  	_ =	swait.ge [sflag:s28], $0x100  }
0x4c: {  	[sflag:s28] =	ssyncset.done $0x0  }
0x4d: {  	[sflag:s28] =	ssyncadd.s32 $0xFFFFFF00  }
0x4e: {  	[tilespmem:s29], [sflag:$0x6] =	stream.indirect.gather [hbm4b:s4+s25], $0x80, s19, s25, $0xb8;
	[tilespmem:$0x1C400] =	vst v63  }
0x4f: {  	_ = 	snop  }
0x50: {  	[spmem:s1] =	stream.indirect.scatter.add.f32 [tilespmem:s22], [sflag:$0x7], $0x80, s25, s25, $0xb8;
	[tilespmem:$0x1C400] =	vst v63  }
0x51: {  	_ =	swait.ge [sflag:s23], $0x4000  }
0x52: {  	[sflag:s23] =	ssyncset.done $0x0  }
0x53: {  	s11 =	sadd.s32 $0x0, s18;
	[sflag:s23] =	ssyncadd.s32 $0xFFFFC000  }
0x54: {  	[tilespmem:s3], [sflag:$0x1] =	stream.linear.gather [hbm4b:s11+s3], $0x100, $0x38;
	[tilespmem:$0x1C400] =	vst v63  }
0x55: {  	_ =	swait.ge [sflag:s30], $0x4000  }
0x56: {  	[sflag:s30] =	ssyncset.done $0x0  }
0x57: {  	[sflag:s30] =	ssyncadd.s32 $0xFFFFC000  }
0x58: {  	_ =	swait.ge [sflag:s31], $0x100  }
0x59: {  	[sflag:s31] =	ssyncset.done $0x0  }
0x5a: {  	[sflag:s31] =	ssyncadd.s32 $0xFFFFFF00  }
0x5b: {  	[tilespmem:s22], [sflag:$0x5] =	stream.indirect.gather [hbm4b:s4+s25], $0x80, s20, s25, $0xb8;
	[tilespmem:$0x1C400] =	vst v63  }
0x5c: {  	_ = 	snop  }
0x5d: {  	[spmem:s1] =	stream.indirect.scatter.add.f32 [tilespmem:s29], [sflag:$0x7], $0x80, s0, s25, $0xb8;
	[tilespmem:$0x1C400] =	vst v63  }
0x5e: {  	_ =	swait.ge [sflag:s23], $0x4000  }
0x5f: {  	s11 =	sadd.s32 $0x0, s14;
	[sflag:s23] =	ssyncset.done $0x0  }
0x60: {  	s12 =	sadd.s32 $0xA0, s11;
	[sflag:s23] =	ssyncadd.s32 $0xFFFFC000  }
0x61: {  	[tilespmem:s19], [sflag:$0x2] =	stream.linear.gather [hbm4b:s12+s3], $0x100, $0x38;
	[tilespmem:$0x1C400] =	vst v63  }
0x62: {  	_ =	swait.ge [sflag:s26], $0x4000  }
0x63: {  	[sflag:s26] =	ssyncset.done $0x0  }
0x64: {  	[sflag:s26] =	ssyncadd.s32 $0xFFFFC000  }
0x65: {  	_ =	swait.ge [sflag:s2], $0x100  }
0x66: {  	[sflag:s2] =	ssyncset.done $0x0  }
0x67: {  	[sflag:s2] =	ssyncadd.s32 $0xFFFFFF00  }
0x68: {  	[tilespmem:s29], [sflag:$0x6] =	stream.indirect.gather [hbm4b:s4+s25], $0x80, s21, s25, $0xb8;
	[tilespmem:$0x1C400] =	vst v63  }
0x69: {  	_ = 	snop  }
0x6a: {  	[spmem:s1] =	stream.indirect.scatter.add.f32 [tilespmem:s22], [sflag:$0x7], $0x80, s6, s25, $0xb8;
	[tilespmem:$0x1C400] =	vst v63  }
0x6b: {  	_ =	swait.ge [sflag:s23], $0x4000  }
0x6c: {  	[sflag:s23] =	ssyncset.done $0x0  }
0x6d: {  	s13 =	sadd.s32 $0x0, s17;
	[sflag:s23] =	ssyncadd.s32 $0xFFFFC000  }
0x6e: {  	[tilespmem:s20], [sflag:$0x3] =	stream.linear.gather [hbm4b:s13+s3], $0x100, $0x38;
	[tilespmem:$0x1C400] =	vst v63  }
0x6f: {  	_ =	swait.ge [sflag:s30], $0x4000  }
0x70: {  	[sflag:s30] =	ssyncset.done $0x0  }
0x71: {  	[sflag:s30] =	ssyncadd.s32 $0xFFFFC000  }
0x72: {  	_ =	swait.ge [sflag:s24], $0x100  }
0x73: {  	[sflag:s24] =	ssyncset.done $0x0  }
0x74: {  	[sflag:s24] =	ssyncadd.s32 $0xFFFFFF00  }
0x75: {  	[tilespmem:s22], [sflag:$0x5] =	stream.indirect.gather [hbm4b:s4+s25], $0x80, s3, s25, $0xb8;
	[tilespmem:$0x1C400] =	vst v63  }
0x76: {  	_ = 	snop  }
0x77: {  	[spmem:s1] =	stream.indirect.scatter.add.f32 [tilespmem:s29], [sflag:$0x7], $0x80, s7, s25, $0xb8;
	[tilespmem:$0x1C400] =	vst v63  }
0x78: {  	_ =	swait.ge [sflag:s23], $0x4000  }
0x79: {  	[sflag:s23] =	ssyncset.done $0x0  }
0x7a: {  	s10 =	simm.s32 $0x80;
	s11 =	sadd.s32 $0xE0, s11;
	[sflag:s23] =	ssyncadd.s32 $0xFFFFC000  }
.LBB2_4:
0x7b: {  	[tilespmem:s21], [sflag:$0x4] =	stream.linear.gather [hbm4b:s11+s3], $0x100, $0x38;
	[tilespmem:$0x1C400] =	vst v63  }
0x7c: {  	s11 =	smov.u32 s10  }
0x7d: {  	p0 =	sne.s32 s10, $0x900;
	s10 =	sadd.s32 $0x80, s10;
	_ =	swait.ge [sflag:s26], $0x4000  }
0x7e: {  	[sflag:s26] =	ssyncset.done $0x0  }
0x7f: {  	[sflag:s26] =	ssyncadd.s32 $0xFFFFC000  }
0x80: {  	_ =	swait.ge [sflag:s28], $0x100  }
0x81: {  	[sflag:s28] =	ssyncset.done $0x0  }
0x82: {  	[sflag:s28] =	ssyncadd.s32 $0xFFFFFF00  }
0x83: {  	[tilespmem:s29], [sflag:$0x6] =	stream.indirect.gather [hbm4b:s4+s25], $0x80, s19, s25, $0xb8;
	[tilespmem:$0x1C400] =	vst v63  }
0x84: {  	_ = 	snop  }
0x85: {  	[spmem:s1] =	stream.indirect.scatter.add.f32 [tilespmem:s22], [sflag:$0x7], $0x80, s25, s25, $0xb8;
	[tilespmem:$0x1C400] =	vst v63  }
0x86: {  	_ =	swait.ge [sflag:s23], $0x4000  }
0x87: {  	[sflag:s23] =	ssyncset.done $0x0  }
0x88: {  	s12 =	sadd.s32 s11, s18;
	[sflag:s23] =	ssyncadd.s32 $0xFFFFC000  }
0x89: {  	[tilespmem:s3], [sflag:$0x1] =	stream.linear.gather [hbm4b:s12+s3], $0x100, $0x38;
	[tilespmem:$0x1C400] =	vst v63  }
0x8a: {  	_ =	swait.ge [sflag:s30], $0x4000  }
0x8b: {  	[sflag:s30] =	ssyncset.done $0x0  }
0x8c: {  	[sflag:s30] =	ssyncadd.s32 $0xFFFFC000  }
0x8d: {  	_ =	swait.ge [sflag:s31], $0x100  }
0x8e: {  	[sflag:s31] =	ssyncset.done $0x0  }
0x8f: {  	[sflag:s31] =	ssyncadd.s32 $0xFFFFFF00  }
0x90: {  	[tilespmem:s22], [sflag:$0x5] =	stream.indirect.gather [hbm4b:s4+s25], $0x80, s20, s25, $0xb8;
	[tilespmem:$0x1C400] =	vst v63  }
0x91: {  	_ = 	snop  }
0x92: {  	[spmem:s1] =	stream.indirect.scatter.add.f32 [tilespmem:s29], [sflag:$0x7], $0x80, s0, s25, $0xb8;
	[tilespmem:$0x1C400] =	vst v63  }
0x93: {  	_ =	swait.ge [sflag:s23], $0x4000  }
0x94: {  	s12 =	sadd.s32 s11, s14;
	[sflag:s23] =	ssyncset.done $0x0  }
0x95: {  	s13 =	sadd.s32 $0xA0, s12;
	[sflag:s23] =	ssyncadd.s32 $0xFFFFC000  }
0x96: {  	[tilespmem:s19], [sflag:$0x2] =	stream.linear.gather [hbm4b:s13+s3], $0x100, $0x38;
	[tilespmem:$0x1C400] =	vst v63  }
0x97: {  	_ =	swait.ge [sflag:s26], $0x4000  }
0x98: {  	[sflag:s26] =	ssyncset.done $0x0  }
0x99: {  	[sflag:s26] =	ssyncadd.s32 $0xFFFFC000  }
0x9a: {  	_ =	swait.ge [sflag:s2], $0x100  }
0x9b: {  	[sflag:s2] =	ssyncset.done $0x0  }
0x9c: {  	[sflag:s2] =	ssyncadd.s32 $0xFFFFFF00  }
0x9d: {  	[tilespmem:s29], [sflag:$0x6] =	stream.indirect.gather [hbm4b:s4+s25], $0x80, s21, s25, $0xb8;
	[tilespmem:$0x1C400] =	vst v63  }
0x9e: {  	_ = 	snop  }
0x9f: {  	[spmem:s1] =	stream.indirect.scatter.add.f32 [tilespmem:s22], [sflag:$0x7], $0x80, s6, s25, $0xb8;
	[tilespmem:$0x1C400] =	vst v63  }
0xa0: {  	_ =	swait.ge [sflag:s23], $0x4000  }
0xa1: {  	[sflag:s23] =	ssyncset.done $0x0  }
0xa2: {  	s11 =	sadd.s32 s11, s17;
	[sflag:s23] =	ssyncadd.s32 $0xFFFFC000  }
0xa3: {  	[tilespmem:s20], [sflag:$0x3] =	stream.linear.gather [hbm4b:s11+s3], $0x100, $0x38;
	[tilespmem:$0x1C400] =	vst v63  }
0xa4: {  	_ =	swait.ge [sflag:s30], $0x4000  }
0xa5: {  	[sflag:s30] =	ssyncset.done $0x0  }
0xa6: {  	[sflag:s30] =	ssyncadd.s32 $0xFFFFC000  }
0xa7: {  	_ =	swait.ge [sflag:s24], $0x100  }
0xa8: {  	[sflag:s24] =	ssyncset.done $0x0  }
0xa9: {  	[sflag:s24] =	ssyncadd.s32 $0xFFFFFF00  }
0xaa: {  	[tilespmem:s22], [sflag:$0x5] =	stream.indirect.gather [hbm4b:s4+s25], $0x80, s3, s25, $0xb8;
	[tilespmem:$0x1C400] =	vst v63  }
.Ltmp1:
0xab: {  	(pc) =	sbr.rel @p0 .LBB2_4-.Ltmp1, $4  }
0xac: {  	[spmem:s1] =	stream.indirect.scatter.add.f32 [tilespmem:s29], [sflag:$0x7], $0x80, s7, s25, $0xb8;
	[tilespmem:$0x1C400] =	vst v63  }
0xad: {  	_ =	swait.ge [sflag:s23], $0x4000  }
0xae: {  	[sflag:s23] =	ssyncset.done $0x0  }
0xaf: {  	s11 =	sadd.s32 $0xE0, s12;
	[sflag:s23] =	ssyncadd.s32 $0xFFFFC000  }
0xb0: {  	[tilespmem:s21], [sflag:$0x4] =	stream.linear.gather [hbm4b:s11+s3], $0x100, $0x38;
	[tilespmem:$0x1C400] =	vst v63  }
0xb1: {  	_ =	swait.ge [sflag:s26], $0x4000  }
0xb2: {  	[sflag:s26] =	ssyncset.done $0x0  }
0xb3: {  	[sflag:s26] =	ssyncadd.s32 $0xFFFFC000  }
0xb4: {  	_ =	swait.ge [sflag:s28], $0x100  }
0xb5: {  	[sflag:s28] =	ssyncset.done $0x0  }
0xb6: {  	[sflag:s28] =	ssyncadd.s32 $0xFFFFFF00  }
0xb7: {  	[tilespmem:s29], [sflag:$0x6] =	stream.indirect.gather [hbm4b:s4+s25], $0x80, s19, s25, $0xb8;
	[tilespmem:$0x1C400] =	vst v63  }
0xb8: {  	_ = 	snop  }
0xb9: {  	[spmem:s1] =	stream.indirect.scatter.add.f32 [tilespmem:s22], [sflag:$0x7], $0x80, s25, s25, $0xb8;
	[tilespmem:$0x1C400] =	vst v63  }
0xba: {  	_ =	swait.ge [sflag:s23], $0x4000  }
0xbb: {  	[sflag:s23] =	ssyncset.done $0x0  }
0xbc: {  	[sflag:s23] =	ssyncadd.s32 $0xFFFFC000  }
0xbd: {  	_ =	swait.ge [sflag:s30], $0x4000  }
0xbe: {  	[sflag:s30] =	ssyncset.done $0x0  }
0xbf: {  	[sflag:s30] =	ssyncadd.s32 $0xFFFFC000  }
0xc0: {  	_ =	swait.ge [sflag:s31], $0x100  }
0xc1: {  	[sflag:s31] =	ssyncset.done $0x0  }
0xc2: {  	[sflag:s31] =	ssyncadd.s32 $0xFFFFFF00  }
0xc3: {  	[tilespmem:s22], [sflag:$0x5] =	stream.indirect.gather [hbm4b:s4+s25], $0x80, s20, s25, $0xb8;
	[tilespmem:$0x1C400] =	vst v63  }
0xc4: {  	_ = 	snop  }
0xc5: {  	[spmem:s1] =	stream.indirect.scatter.add.f32 [tilespmem:s29], [sflag:$0x7], $0x80, s0, s25, $0xb8;
	[tilespmem:$0x1C400] =	vst v63  }
0xc6: {  	_ =	swait.ge [sflag:s23], $0x4000  }
0xc7: {  	[sflag:s23] =	ssyncset.done $0x0  }
0xc8: {  	[sflag:s23] =	ssyncadd.s32 $0xFFFFC000  }
0xc9: {  	_ =	swait.ge [sflag:s26], $0x4000  }
0xca: {  	[sflag:s26] =	ssyncset.done $0x0  }
0xcb: {  	[sflag:s26] =	ssyncadd.s32 $0xFFFFC000  }
0xcc: {  	_ =	swait.ge [sflag:s2], $0x100  }
0xcd: {  	[sflag:s2] =	ssyncset.done $0x0  }
0xce: {  	[sflag:s2] =	ssyncadd.s32 $0xFFFFFF00  }
0xcf: {  	[tilespmem:s29], [sflag:$0x6] =	stream.indirect.gather [hbm4b:s4+s25], $0x80, s21, s25, $0xb8;
	[tilespmem:$0x1C400] =	vst v63  }
0xd0: {  	_ = 	snop  }
0xd1: {  	[spmem:s1] =	stream.indirect.scatter.add.f32 [tilespmem:s22], [sflag:$0x7], $0x80, s6, s25, $0xb8;
	[tilespmem:$0x1C400] =	vst v63  }
0xd2: {  	_ =	swait.ge [sflag:s23], $0x4000  }
0xd3: {  	[sflag:s23] =	ssyncset.done $0x0  }
0xd4: {  	[sflag:s23] =	ssyncadd.s32 $0xFFFFC000  }
0xd5: {  	_ =	swait.ge [sflag:s30], $0x4000  }
0xd6: {  	[sflag:s30] =	ssyncset.done $0x0  }
0xd7: {  	[sflag:s30] =	ssyncadd.s32 $0xFFFFC000  }
0xd8: {  	[spmem:s1] =	stream.indirect.scatter.add.f32 [tilespmem:s29], [sflag:$0x7], $0x80, s7, s25, $0xb8;
	[tilespmem:$0x1C400] =	vst v63  }
0xd9: {  	_ =	swait.ge [sflag:s23], $0x4000  }
0xda: {  	[sflag:s23] =	ssyncset.done $0x0  }
0xdb: {  	s10 =	stileid.u32;
	[sflag:s23] =	ssyncadd.s32 $0xFFFFC000  }
0xdc: {  	s10 =	sshll.u32 s10, $0x6;
	[bflag:$0x0] =	sbarrier.arrive $0xFFFF  }
0xdd: {  	s13 =	sshrl.u32 s9, $0x3;
	s10 =	sor.u32 $0x1C07, s10;
	s12 =	rddreg [dreg:$0x6]  }
0xde: {  	[hbm:s12], [sflag:s10] =	dma.local [spmem:s13], $0x2800  }
0xdf: {  	_ =	swait.ge [sflag:s23], $0x2800  }
0xe0: {  	s8 =	sadd.s32 $0x1, s8;
	s13 =	rddreg [dreg:$0x7]  }
0xe1: {  	p0 =	sne.s32 s8, s13  }
.Ltmp2:
0xe2: {  	_ = 	snop;
	(pc) =	sbr.rel @p0 .LBB2_1-.Ltmp2, $3  }
0xe3: {  	_ =	sdelay $0x1  }
0xe4: {  	[sflag:s23] =	ssyncset.done $0x0  }
0xe5: {  	[sflag:s23] =	ssyncadd.s32 $0xFFFFD800  }
0xe6: {  	_ =	sfence.sel $0x180000  }
0xe7: {  	[bflag:$0x0] =	sbarrier.arrive $0xFFFF  }
0xe8: {  	_ =	strace $0x9000004D  }
0xe9: {  	s0 =	stileid.u32;
	[bflag:$0x2] =	sbarrier.arrive $0xFFFF  }
0xea: {  	p0 =	sne.s32 s0, $0x0;
	s0 =	rddreg [dreg:$0x2]  }
0xeb: {  	s0 =	sadd.s32 @!p0 $0x100000, s0  }
0xec: {  	[sflag:s0] =	ssyncadd.tile.s32 @!p0 $0x1;
	_ =	shalt  }
.Lfunc_end2:
_tile_overlayer_lowered:
.L_overlay_start_2:
0xed: {  	(tag) =	ssettag $0x2  }
0xee: {  	s0 =	rddreg [dreg:$0x0];
	s2 =	stileid.u32  }
0xef: {  	s1 =	rddreg [dreg:$0x1];
	p0 =	sne.s32 s2, $0x0  }
0xf0: {  	s3 =	rddreg [dreg:$0x2];
	[bflag:$0x3] =	sbarrier.arrive $0xFFFF;
	s2 =	simm.s32 @!p0 $0x1C07  }
0xf1: {  	[timem:s3], [sflag:s2] =	dma.local @!p0 [hbm:s0], s1  }
0xf2: {  	s0 =	simm.s32 @!p0 $0x7  }
0xf3: {  	_ =	swait.ge @!p0 [sflag:s0], s1  }
0xf4: {  	s1 =	ssub.s32 @!p0 $0x0, s1;
	[sflag:s0] =	ssyncset.done @!p0 $0x0  }
0xf5: {  	[sflag:s0] =	ssyncadd.s32 @!p0 s1  }
0xf6: {  	[bflag:$0x3] =	sbarrier.arrive $0xFFFF  }
0xf7: {  	_ =	shalt  }

// kernel: kernel.19.cloned.1.call-start
scs
__scs_entry_jumppad:
0x0: {  	(pc) =	sbr.rel $0x88, $3  }
0x1: {  	(tag) =	ssettag $0x0;
	lr =	simm.s32 $0x1  }
0x2: {  	[smem:$0x3F99] =	sst lr;
	_ =	strace $0xD0000000  }
0x3: {  	_ = 	snop  }
0x4: {  	_ = 	snop  }
0x5: {  	_ = 	snop  }
0x6: {  	_ = 	snop  }
0x7: {  	_ = 	snop  }
__scs_overlays_trampoline_lowered:
0x8: {  	[smem:$0x3FA8] =	sst s0  }
0x9: {  	[smem:$0x3FA9] =	sst s1  }
0xa: {  	[smem:$0x3FAA] =	sst s2  }
0xb: {  	[smem:$0x3FAB] =	sst s3  }
0xc: {  	[smem:$0x3FAC] =	sst s4  }
0xd: {  	[smem:$0x3FAD] =	sst s5  }
0xe: {  	[smem:$0x3FAE] =	sst s6  }
0xf: {  	[smem:$0x3FAF] =	sst s7  }
0x10: {  	[smem:$0x3FB0] =	sst s8  }
0x11: {  	[smem:$0x3FB1] =	sst s9;
	s0 =	simm.s32 @!p0 $0x0  }
0x12: {  	s1 =	sld [smem:$0x3F97];
	s0 =	simm.s32 @p0 $0x1  }
0x13: {  	[smem:$0x3FB2] =	sst s0;
	s0 =	simm.s32 @!p1 $0x0  }
0x14: {  	s2 =	sld [smem:$0x3F96];
	s0 =	simm.s32 @p1 $0x1  }
0x15: {  	[smem:$0x3FB3] =	sst s0;
	s0 =	simm.s32 @!p2 $0x0  }
0x16: {  	s3 =	sld [smem:$0x3FDB];
	s0 =	simm.s32 @p2 $0x1  }
0x17: {  	s4 =	simm.s32 $0x1BF5;
	[smem:$0x3FB5] =	sst s0  }
0x18: {  	s0 =	sld [smem:$0x3F98];
	_ =	swait.ge [sflag:s4], $0x0  }
0x19: {  	s7 =	sld [smem:$0x3F99]  }
0x1a: {  	s8 =	sadd.s32 $0xFFFFE003, lr  }
0x1b: {  	s9 =	sadd.s32 $0xFFFFFEF7, lr;
	s5 =	simm.s32 $0xFFFFFFFF;
	p2 =	slt.u32 s8, $0xFFFFF086  }
0x1c: {  	p1 =	slt.u32 s9, $0xF7A;
	s5 =	simm.s32 @!p2 $0x0  }
0x1d: {  	s5 =	simm.s32 @p1 $0x1;
	p0 =	seq.s32 s7, s2  }
0x1e: {  	s7 =	smul.u32 @!p0 $0xF7A, s2;
	p2 =	seq.s32 @!p0 s5, $0x0  }
0x1f: {  	s9 =	smul.u32 $0xF7A, s1;
	s8 =	simm.s32 @!p0 $0x1BF5;
	p2 =	por !p2, p0  }
0x20: {  	[sflag:s8] =	ssyncset.s32 @!p0 $0xFFFFF086;
	s6 =	sadd.s32 @!p0 s3, s7;
	s7 =	simm.s32 @!p0 $0x108  }
0x21: {  	s3 =	sadd.s32 s3, s9;
	s6 =	sadd.s32 @!p0 $0x88, s6;
	s7 =	simm.s32 @p2 $0x1082  }
0x22: {  	[simem:s7], [sflag:s8] =	dma.local @!p0 [hbm:s6], $0xF7A  }
0x23: {  	s9 =	sor.u32 $0xD0000000, s2;
	s6 =	simm.s32 $0x108;
	_ =	swait.ge @!p0 [sflag:s8], $0x0  }
0x24: {  	s3 =	sadd.s32 $0x88, s3;
	s6 =	simm.s32 @!p1 $0x1082;
	[sflag:s4] =	ssyncset.s32 $0xFFFFF086  }
0x25: {  	[simem:s6], [sflag:s4] =	dma.local [hbm:s3], $0xF7A  }
0x26: {  	[smem:$0x3F99] =	sst s1;
	(tag) =	ssettag s2;
	_ =	strace s9  }
0x27: {  	s1 =	sld [smem:$0x3FA9]  }
0x28: {  	s2 =	sld [smem:$0x3FAA]  }
0x29: {  	s4 =	sld [smem:$0x3FAC]  }
0x2a: {  	p0 =	seq.s32 s5, $0x0;
	s5 =	sld [smem:$0x3FAD]  }
0x2b: {  	s6 =	sld [smem:$0x3FAE]  }
0x2c: {  	s7 =	sld [smem:$0x3FAF]  }
0x2d: {  	s3 =	simm.s32 $0x108;
	s8 =	sld [smem:$0x3FB0]  }
0x2e: {  	s3 =	simm.s32 @!p0 $0x1082;
	s9 =	sld [smem:$0x3FB1]  }
0x2f: {  	lr =	sadd.s32 s0, s3;
	s0 =	sld [smem:$0x3FA8]  }
0x30: {  	s3 =	sld [smem:$0x3FAB]  }
0x31: {  	[smem:$0x3FB4] =	sst s10  }
0x32: {  	s10 =	sld [smem:$0x3FB2];
	_ =	sdelay $0x3  }
0x33: {  	p0 =	seq.s32 s10, $0x1;
	s10 =	sld [smem:$0x3FB4];
	_ =	sdelay $0x3  }
0x34: {  	[smem:$0x3FB4] =	sst s10  }
0x35: {  	s10 =	sld [smem:$0x3FB3];
	_ =	sdelay $0x3  }
0x36: {  	p1 =	seq.s32 s10, $0x1;
	s10 =	sld [smem:$0x3FB4];
	_ =	sdelay $0x3  }
0x37: {  	[smem:$0x3FB4] =	sst s10  }
0x38: {  	s10 =	sld [smem:$0x3FB5]  }
0x39: {  	_ = 	snop;
	(pc) =	sbr.ind lr, $3  }
0x3a: {  	_ = 	snop  }
0x3b: {  	_ = 	snop  }
0x3c: {  	p2 =	seq.s32 s10, $0x1;
	s10 =	sld [smem:$0x3FB4]  }
0x3d: {  	_ =	shalt  }
0x3e: {  	_ =	shalt  }
0x3f: {  	_ =	shalt  }
0x40: {  	_ =	shalt  }
0x41: {  	_ =	shalt  }
0x42: {  	_ =	shalt  }
0x43: {  	_ =	shalt  }
0x44: {  	_ =	shalt  }
0x45: {  	_ =	shalt  }
0x46: {  	_ =	shalt  }
0x47: {  	_ =	shalt  }
0x48: {  	_ =	shalt  }
0x49: {  	_ =	shalt  }
0x4a: {  	_ =	shalt  }
0x4b: {  	_ =	shalt  }
0x4c: {  	_ =	shalt  }
0x4d: {  	_ =	shalt  }
0x4e: {  	_ =	shalt  }
0x4f: {  	_ =	shalt  }
0x50: {  	_ =	shalt  }
0x51: {  	_ =	shalt  }
0x52: {  	_ =	shalt  }
0x53: {  	_ =	shalt  }
0x54: {  	_ =	shalt  }
0x55: {  	_ =	shalt  }
0x56: {  	_ =	shalt  }
0x57: {  	_ =	shalt  }
0x58: {  	_ =	shalt  }
0x59: {  	_ =	shalt  }
0x5a: {  	_ =	shalt  }
0x5b: {  	_ =	shalt  }
0x5c: {  	_ =	shalt  }
0x5d: {  	_ =	shalt  }
0x5e: {  	_ =	shalt  }
0x5f: {  	_ =	shalt  }
0x60: {  	_ =	shalt  }
0x61: {  	_ =	shalt  }
0x62: {  	_ =	shalt  }
0x63: {  	_ =	shalt  }
0x64: {  	_ =	shalt  }
0x65: {  	_ =	shalt  }
0x66: {  	_ =	shalt  }
0x67: {  	_ =	shalt  }
0x68: {  	_ =	shalt  }
0x69: {  	_ =	shalt  }
0x6a: {  	_ =	shalt  }
0x6b: {  	_ =	shalt  }
0x6c: {  	_ =	shalt  }
0x6d: {  	_ =	shalt  }
0x6e: {  	_ =	shalt  }
0x6f: {  	_ =	shalt  }
0x70: {  	_ =	shalt  }
0x71: {  	_ =	shalt  }
0x72: {  	_ =	shalt  }
0x73: {  	_ =	shalt  }
0x74: {  	_ =	shalt  }
0x75: {  	_ =	shalt  }
0x76: {  	_ =	shalt  }
0x77: {  	_ =	shalt  }
0x78: {  	_ =	shalt  }
0x79: {  	_ =	shalt  }
0x7a: {  	_ =	shalt  }
0x7b: {  	_ =	shalt  }
0x7c: {  	_ =	shalt  }
0x7d: {  	_ =	shalt  }
0x7e: {  	_ =	shalt  }
0x7f: {  	_ =	shalt  }
0x80: {  	_ =	shalt  }
0x81: {  	_ =	shalt  }
0x82: {  	_ =	shalt  }
0x83: {  	_ =	shalt  }
0x84: {  	_ =	shalt  }
0x85: {  	_ =	shalt  }
0x86: {  	_ =	shalt  }
0x87: {  	_ =	shalt  }
.Lfunc_end0:
.L_simem_size_0:
called_computation.3_lowered:
.L_overlay_start_0:
0x88: {  	s2 =	sld [smem:$0x3FD9]  }
0x89: {  	s3 =	sld [smem:$0x3FFE];
	_ =	sdelay $0x1  }
0x8a: {  	s1 =	srdreg.scid  }
0x8b: {  	s0 =	sand.u32 $0x1, s1  }
0x8c: {  	s16 =	sshll.u32 s0, $0xA;
	s2 =	sadd.s32 s3, s2  }
0x8d: {  	s2 =	sadd.s32 s2, s16  }
0x8e: {  	[smem:$0x3FC0] =	sst s2  }
0x8f: {  	_ = 	snop  }
0x90: {  	(tm) =	ssettm $0x1  }
0x91: {  	s17 =	sld [smem:$0x3FFB];
	_ =	sdelay $0x3  }
0x92: {  	_ =	strace s17  }
0x93: {  	s2 =	sld [smem:$0x3FFC];
	_ =	sdelay $0x3  }
0x94: {  	_ =	strace s2  }
0x95: {  	s2 =	sld [smem:$0x3FFD];
	_ =	sdelay $0x3  }
0x96: {  	_ =	strace s2  }
0x97: {  	_ =	strace $0x8FFFFFFF  }
0x98: {  	s18 =	sld [smem:$0x3FDB];
	_ =	sdelay $0x1  }
0x99: {  	s19 =	simm.s32 $_scs_section_size  }
0x9a: {  	s4 =	simm.s32 $_size__tile_overlayer_lowered;
	s5 =	simm.s32 $_tile_overlayer_lowered  }
0x9b: {  	s22 =	simm.s32 $0x1BFF;
	s21 =	sshll.u32 s5, $0x1;
	s2 =	sadd.s32 s19, s18  }
0x9c: {  	s6 =	simm.s32 $0x0;
	s20 =	sshll.u32 s4, $0x1;
	s4 =	sadd.s32 s21, s2  }
0x9d: {  	[timem:s6], [sflag:s22] =	dma.local [hbm:s4], s20  }
0x9e: {  	_ =	swait.ge [sflag:s22], s20  }
0x9f: {  	s3 =	ssub.s32 $0x0, s20;
	[sflag:s22] =	ssyncset.done $0x0  }
0xa0: {  	[sflag:s22] =	ssyncadd.s32 s3;
	_ =	sdelay $0x1  }
0xa1: {  	s23 =	simm.s32 $0x1B8B  }
0xa2: {  	_ =	swait.ge [sflag:s23], $0x1  }
0xa3: {  	[sflag:s23] =	ssyncset.done $0x0  }
0xa4: {  	s25 =	simm.s32 $0x1B8E;
	s24 =	sld [smem:$0x3FFE];
	[sflag:s23] =	ssyncadd.s32 $0xFFFFFFFF  }
0xa5: {  	s26 =	simm.s32 $execute0_lowered;
	[smem:$0x3FD2] =	sst s25  }
0xa6: {  	s4 =	sshll.u32 s26, $0x1;
	_ =	strace $0x8000004F;
	[dreg:$0x1] =	wrdreg $0xFFFFFFFF  }
0xa7: {  	s28 =	simm.s32 $_size_execute0_lowered;
	s2 =	sadd.s32 s2, s4;
	[dreg:$0x0] =	wrdreg $0x0  }
0xa8: {  	s4 =	sshll.u32 s28, $0x1;
	[dreg:$0x2] =	wrdreg s2  }
0xa9: {  	[dreg:$0x3] =	wrdreg s4  }
0xaa: {  	[dreg:$0x4] =	wrdreg $0xC0  }
0xab: {  	_ =	task [dreg:s6], $0x5FFFF  }
0xac: {  	[dreg:$0x1] =	wrdreg $0xFFFFFFFF  }
0xad: {  	[dreg:$0x0] =	wrdreg $0x60  }
0xae: {  	[dreg:$0x2] =	wrdreg s24  }
0xaf: {  	[dreg:$0x3] =	wrdreg $0x84000  }
0xb0: {  	[dreg:$0x4] =	wrdreg $0x9  }
0xb1: {  	_ =	task.clear_ibuf [dreg:s6], $0x5FFFF;
	_ =	strace $0x9000004F  }
0xb2: {  	s29 =	simm.s32 $0x9;
	_ =	strace $0x80000051  }
0xb3: {  	_ =	swait.ge [sflag:s29], $0x1  }
0xb4: {  	[sflag:s29] =	ssyncadd.s32 $0xFFFFFFFF  }
0xb5: {  	_ =	strace $0x90000051  }
0xb6: {  	_ =	sfence  }
0xb7: {  	s30 =	sld [smem:$0x0];
	_ =	sdelay $0x2  }
0xb8: {  	s31 =	sshll.u32 s1, $0xD;
	s1 =	sshrl.u32 s1, $0x2  }
0xb9: {  	s3 =	sand.u32 $0x4000, s31;
	s1 =	sadd.s32 s1, s30  }
0xba: {  	s0 =	sor.u32 s3, s0;
	s1 =	sshll.u32 s1, $0x11  }
0xbb: {  	s0 =	sor.u32 s1, s0  }
0xbc: {  	s0 =	sadd.s32 $0x8F2B, s0  }
0xbd: {  	[sflag:s0] =	ssyncadd.remote.s32 $0x1  }
0xbe: {  	_ =	sfence.sel $0xFFFF  }
0xbf: {  	[dreg:$0x0] =	wrdreg $0xFFFFFFFF;
	(pc) =	sbr.abs _section_cstart, $3  }
0xc0: {  	[dreg:$0x1] =	wrdreg $0xFFFFFFFF  }
0xc1: {  	_ =	task.clear_ibuf [dreg:s6], $0x2FFFF;
	_ =	strace $0x9FFFFFFF  }
0xc2: {  	(tm) =	ssettm $0x7FFFFFFF  }
0xc3: {  	_ =	shalt  }
tec
execute0_lowered:
.L_overlay_start_1:
0x0: {  	(tag) =	ssettag $0x1  }
0x1: {  	s0 =	rddreg [dreg:$0x0]  }
0x2: {  	s1 =	rddreg [dreg:$0x1]  }
0x3: {  	s2 =	srdreg.scid;
	s3 =	simm.s32 $0x0;
	s10 =	stileid.u32  }
0x4: {  	s28 =	simm.s32 $0x2;
	s29 =	simm.s32 $0x4400;
	s6 =	smul.u32 $0x14000, s10  }
0x5: {  	s30 =	simm.s32 $0x6;
	s31 =	simm.s32 $0x3;
	s9 =	smul.u32 $0x50000, s10  }
0x6: {  	s2 =	sand.u32 $0x1, s2;
	[smem:$0x7FF] =	sst s3;
	s19 =	smul.u32 $0x50, s10  }
0x7: {  	s4 =	sadd.s32 $0x18A00, s0;
	s8 =	sadd.s32 $0x4A00, s0;
	s5 =	smul.u32 $0x140000, s2  }
0x8: {  	s7 =	sshll.u32 s2, $0x4;
	_ =	strace $0x80000050;
	s17 =	ssub.s32 $0x2, s2  }
0x9: {  	s2 =	smul.u32 $0x500, s2;
	s7 =	sor.u32 s10, s7;
	s18 =	sshrl.u32 s17, $0x1  }
0xa: {  	s9 =	sshrl.u32 s9, $0x2;
	s5 =	sadd.s32 s6, s5;
	s16 =	smul.u32 $0xA00, s7  }
0xb: {  	s7 =	ssub.s32 s17, s18;
	s9 =	sadd.s32 s9, s1;
	s2 =	sadd.s32 s19, s2  }
0xc: {  	s19 =	simm.s32 $0x100;
	s6 =	simm.s32 $0x280;
	s5 =	sshrl.u32 s5, $0x3  }
0xd: {  	s23 =	smax.u32 s7, $0x1;
	s24 =	sshll.u32 s2, $0x5;
	s25 =	sadd.s32 $0x4000, s9  }
0xe: {  	s26 =	sadd.s32 $0x8000, s9;
	s15 =	sadd.s32 $0xC000, s9;
	[dreg:$0x7] =	wrdreg s23  }
0xf: {  	s2 =	simm.s32 $0x4;
	s7 =	simm.s32 $0x380;
	[dreg:$0x8] =	wrdreg s25  }
0x10: {  	s0 =	sadd.s32 s5, s0;
	s5 =	sadd.s32 s8, s16;
	[dreg:$0x9] =	wrdreg s26  }
0x11: {  	s14 =	sadd.s32 s24, s8;
	s16 =	sadd.s32 $0x10000, s9;
	s23 =	simm.s32 $0x7  }
0x12: {  	s24 =	simm.s32 $0x1;
	s25 =	simm.s32 $0x80;
	s20 =	sadd.s32 $0x20, s5  }
0x13: {  	s26 =	simm.s32 $0x5;
	s21 =	sadd.s32 $0x40, s5;
	[dreg:$0x3] =	wrdreg s20  }
0x14: {  	s8 =	simm.s32 $0x0;
	s22 =	sadd.s32 $0x60, s5;
	[dreg:$0x4] =	wrdreg s21  }
0x15: {  	s0 =	sadd.s32 $0x3FC00, s0;
	s17 =	sadd.s32 $0xC0, s14;
	[dreg:$0x5] =	wrdreg s22  }
0x16: {  	s18 =	sadd.s32 $0x80, s14;
	[dreg:$0x6] =	wrdreg s0;
	s20 =	simm.s32 $0x200  }
0x17: {  	v0 =	vimm.f32 $0.0e+00;
	s21 =	simm.s32 $0x300;
	s22 =	simm.s32 $0x400;
	s0 =	simm.s32 $0x180  }
.LBB2_1:
0x18: {  	[tilespmem:s3], [sflag:$0x1] =	stream.linear.gather [hbm4b:s5+s3], $0x100, $0x38;
	[tilespmem:$0x1C400] =	vst v63  }
0x19: {  	s10 =	rddreg [dreg:$0x3]  }
0x1a: {  	[tilespmem:s19], [sflag:$0x2] =	stream.linear.gather [hbm4b:s10+s3], $0x100, $0x38;
	[tilespmem:$0x1C400] =	vst v63  }
0x1b: {  	s12 =	rddreg [dreg:$0x4]  }
0x1c: {  	[tilespmem:s20], [sflag:$0x3] =	stream.linear.gather [hbm4b:s12+s3], $0x100, $0x38;
	[tilespmem:$0x1C400] =	vst v63  }
0x1d: {  	s13 =	rddreg [dreg:$0x5];
	s11 =	simm.s32 $0x200;
	s10 =	simm.s32 $0x0  }
0x1e: {  	[tilespmem:s21], [sflag:$0x4] =	stream.linear.gather [hbm4b:s13+s3], $0x100, $0x38;
	[tilespmem:$0x1C400] =	vst v63  }
.LBB2_2:
0x1f: {  	p0 =	sne.s32 s11, $0xFE00;
	[tilespmem:s10+$0x470] =	vst v0  }
0x20: {  	[tilespmem:s10+$0x400] =	vst v0  }
0x21: {  	[tilespmem:s10+$0x410] =	vst v0  }
.Ltmp0:
0x22: {  	[tilespmem:s10+$0x420] =	vst v0;
	(pc) =	sbr.rel @p0 .LBB2_2-.Ltmp0, $4  }
0x23: {  	[tilespmem:s10+$0x430] =	vst v0  }
0x24: {  	[tilespmem:s10+$0x440] =	vst v0  }
0x25: {  	[tilespmem:s10+$0x450] =	vst v0  }
0x26: {  	[tilespmem:s10+$0x460] =	vst v0;
	s10 =	sshra.s32 s11, $0x2;
	s11 =	sadd.s32 $0x200, s11  }
0x27: {  	[tilespmem:s10+$0x470] =	vst v0  }
0x28: {  	[tilespmem:s10+$0x400] =	vst v0  }
0x29: {  	[tilespmem:s10+$0x410] =	vst v0  }
0x2a: {  	[tilespmem:s10+$0x420] =	vst v0  }
0x2b: {  	[tilespmem:s10+$0x430] =	vst v0  }
0x2c: {  	[tilespmem:s10+$0x440] =	vst v0  }
0x2d: {  	[tilespmem:s10+$0x450] =	vst v0  }
0x2e: {  	[tilespmem:s10+$0x460] =	vst v0  }
0x2f: {  	[spmem:s9] =	stream.linear.scatter [tilespmem:s22], [sflag:$0x7], $0x4000, $0x38;
	[tilespmem:$0x1C400] =	vst v63  }
0x30: {  	_ =	swait.ge [sflag:s23], $0x4000  }
0x31: {  	[sflag:s23] =	ssyncset.done $0x0  }
0x32: {  	s11 =	rddreg [dreg:$0x8];
	[sflag:s23] =	ssyncadd.s32 $0xFFFFC000  }
0x33: {  	[spmem:s11] =	stream.linear.scatter [tilespmem:s22], [sflag:$0x7], $0x4000, $0x38;
	[tilespmem:$0x1C400] =	vst v63  }
0x34: {  	_ =	swait.ge [sflag:s23], $0x4000  }
0x35: {  	[sflag:s23] =	ssyncset.done $0x0  }
0x36: {  	s12 =	rddreg [dreg:$0x9];
	[sflag:s23] =	ssyncadd.s32 $0xFFFFC000  }
0x37: {  	[spmem:s12] =	stream.linear.scatter [tilespmem:s22], [sflag:$0x7], $0x4000, $0x38;
	[tilespmem:$0x1C400] =	vst v63  }
0x38: {  	_ =	swait.ge [sflag:s23], $0x4000  }
0x39: {  	[sflag:s23] =	ssyncset.done $0x0  }
0x3a: {  	[sflag:s23] =	ssyncadd.s32 $0xFFFFC000  }
0x3b: {  	[spmem:s15] =	stream.linear.scatter [tilespmem:s22], [sflag:$0x7], $0x4000, $0x38;
	[tilespmem:$0x1C400] =	vst v63  }
0x3c: {  	_ =	swait.ge [sflag:s23], $0x4000  }
0x3d: {  	[sflag:s23] =	ssyncset.done $0x0  }
0x3e: {  	[sflag:s23] =	ssyncadd.s32 $0xFFFFC000  }
0x3f: {  	[spmem:s16] =	stream.linear.scatter [tilespmem:s22], [sflag:$0x7], $0x4000, $0x38;
	[tilespmem:$0x1C400] =	vst v63  }
0x40: {  	_ =	swait.ge [sflag:s23], $0x4000  }
0x41: {  	[sflag:s23] =	ssyncset.done $0x0  }
0x42: {  	[sflag:s23] =	ssyncadd.s32 $0xFFFFC000  }
0x43: {  	_ =	swait.ge [sflag:s24], $0x100  }
0x44: {  	[sflag:s24] =	ssyncset.done $0x0  }
0x45: {  	s13 =	simm.s32 $0x0;
	[sflag:s24] =	ssyncadd.s32 $0xFFFFFF00  }
0x46: {  	[tilespmem:s22], [sflag:$0x5] =	stream.indirect.gather [hbm4b:s4+s25], $0x80, s13, s25, $0xb8;
	[tilespmem:$0x1C400] =	vst v63  }
0x47: {  	[bflag:$0x0] =	sbarrier.arrive $0xFFFF  }
0x48: {  	_ =	swait.ge [sflag:s26], $0x4000  }
0x49: {  	[sflag:s26] =	ssyncset.done $0x0  }
0x4a: {  	[sflag:s26] =	ssyncadd.s32 $0xFFFFC000  }
0x4b: {  	_ =	swait.ge [sflag:s28], $0x100  }
0x4c: {  	[sflag:s28] =	ssyncset.done $0x0  }
0x4d: {  	[sflag:s28] =	ssyncadd.s32 $0xFFFFFF00  }
0x4e: {  	[tilespmem:s29], [sflag:$0x6] =	stream.indirect.gather [hbm4b:s4+s25], $0x80, s19, s25, $0xb8;
	[tilespmem:$0x1C400] =	vst v63  }
0x4f: {  	_ = 	snop  }
0x50: {  	[spmem:s1] =	stream.indirect.scatter.add.f32 [tilespmem:s22], [sflag:$0x7], $0x80, s25, s25, $0xb8;
	[tilespmem:$0x1C400] =	vst v63  }
0x51: {  	_ =	swait.ge [sflag:s23], $0x4000  }
0x52: {  	[sflag:s23] =	ssyncset.done $0x0  }
0x53: {  	s11 =	sadd.s32 $0x0, s18;
	[sflag:s23] =	ssyncadd.s32 $0xFFFFC000  }
0x54: {  	[tilespmem:s3], [sflag:$0x1] =	stream.linear.gather [hbm4b:s11+s3], $0x100, $0x38;
	[tilespmem:$0x1C400] =	vst v63  }
0x55: {  	_ =	swait.ge [sflag:s30], $0x4000  }
0x56: {  	[sflag:s30] =	ssyncset.done $0x0  }
0x57: {  	[sflag:s30] =	ssyncadd.s32 $0xFFFFC000  }
0x58: {  	_ =	swait.ge [sflag:s31], $0x100  }
0x59: {  	[sflag:s31] =	ssyncset.done $0x0  }
0x5a: {  	[sflag:s31] =	ssyncadd.s32 $0xFFFFFF00  }
0x5b: {  	[tilespmem:s22], [sflag:$0x5] =	stream.indirect.gather [hbm4b:s4+s25], $0x80, s20, s25, $0xb8;
	[tilespmem:$0x1C400] =	vst v63  }
0x5c: {  	_ = 	snop  }
0x5d: {  	[spmem:s1] =	stream.indirect.scatter.add.f32 [tilespmem:s29], [sflag:$0x7], $0x80, s0, s25, $0xb8;
	[tilespmem:$0x1C400] =	vst v63  }
0x5e: {  	_ =	swait.ge [sflag:s23], $0x4000  }
0x5f: {  	s11 =	sadd.s32 $0x0, s14;
	[sflag:s23] =	ssyncset.done $0x0  }
0x60: {  	s12 =	sadd.s32 $0xA0, s11;
	[sflag:s23] =	ssyncadd.s32 $0xFFFFC000  }
0x61: {  	[tilespmem:s19], [sflag:$0x2] =	stream.linear.gather [hbm4b:s12+s3], $0x100, $0x38;
	[tilespmem:$0x1C400] =	vst v63  }
0x62: {  	_ =	swait.ge [sflag:s26], $0x4000  }
0x63: {  	[sflag:s26] =	ssyncset.done $0x0  }
0x64: {  	[sflag:s26] =	ssyncadd.s32 $0xFFFFC000  }
0x65: {  	_ =	swait.ge [sflag:s2], $0x100  }
0x66: {  	[sflag:s2] =	ssyncset.done $0x0  }
0x67: {  	[sflag:s2] =	ssyncadd.s32 $0xFFFFFF00  }
0x68: {  	[tilespmem:s29], [sflag:$0x6] =	stream.indirect.gather [hbm4b:s4+s25], $0x80, s21, s25, $0xb8;
	[tilespmem:$0x1C400] =	vst v63  }
0x69: {  	_ = 	snop  }
0x6a: {  	[spmem:s1] =	stream.indirect.scatter.add.f32 [tilespmem:s22], [sflag:$0x7], $0x80, s6, s25, $0xb8;
	[tilespmem:$0x1C400] =	vst v63  }
0x6b: {  	_ =	swait.ge [sflag:s23], $0x4000  }
0x6c: {  	[sflag:s23] =	ssyncset.done $0x0  }
0x6d: {  	s13 =	sadd.s32 $0x0, s17;
	[sflag:s23] =	ssyncadd.s32 $0xFFFFC000  }
0x6e: {  	[tilespmem:s20], [sflag:$0x3] =	stream.linear.gather [hbm4b:s13+s3], $0x100, $0x38;
	[tilespmem:$0x1C400] =	vst v63  }
0x6f: {  	_ =	swait.ge [sflag:s30], $0x4000  }
0x70: {  	[sflag:s30] =	ssyncset.done $0x0  }
0x71: {  	[sflag:s30] =	ssyncadd.s32 $0xFFFFC000  }
0x72: {  	_ =	swait.ge [sflag:s24], $0x100  }
0x73: {  	[sflag:s24] =	ssyncset.done $0x0  }
0x74: {  	[sflag:s24] =	ssyncadd.s32 $0xFFFFFF00  }
0x75: {  	[tilespmem:s22], [sflag:$0x5] =	stream.indirect.gather [hbm4b:s4+s25], $0x80, s3, s25, $0xb8;
	[tilespmem:$0x1C400] =	vst v63  }
0x76: {  	_ = 	snop  }
0x77: {  	[spmem:s1] =	stream.indirect.scatter.add.f32 [tilespmem:s29], [sflag:$0x7], $0x80, s7, s25, $0xb8;
	[tilespmem:$0x1C400] =	vst v63  }
0x78: {  	_ =	swait.ge [sflag:s23], $0x4000  }
0x79: {  	[sflag:s23] =	ssyncset.done $0x0  }
0x7a: {  	s10 =	simm.s32 $0x80;
	s11 =	sadd.s32 $0xE0, s11;
	[sflag:s23] =	ssyncadd.s32 $0xFFFFC000  }
.LBB2_4:
0x7b: {  	[tilespmem:s21], [sflag:$0x4] =	stream.linear.gather [hbm4b:s11+s3], $0x100, $0x38;
	[tilespmem:$0x1C400] =	vst v63  }
0x7c: {  	s11 =	smov.u32 s10  }
0x7d: {  	p0 =	sne.s32 s10, $0x900;
	s10 =	sadd.s32 $0x80, s10;
	_ =	swait.ge [sflag:s26], $0x4000  }
0x7e: {  	[sflag:s26] =	ssyncset.done $0x0  }
0x7f: {  	[sflag:s26] =	ssyncadd.s32 $0xFFFFC000  }
0x80: {  	_ =	swait.ge [sflag:s28], $0x100  }
0x81: {  	[sflag:s28] =	ssyncset.done $0x0  }
0x82: {  	[sflag:s28] =	ssyncadd.s32 $0xFFFFFF00  }
0x83: {  	[tilespmem:s29], [sflag:$0x6] =	stream.indirect.gather [hbm4b:s4+s25], $0x80, s19, s25, $0xb8;
	[tilespmem:$0x1C400] =	vst v63  }
0x84: {  	_ = 	snop  }
0x85: {  	[spmem:s1] =	stream.indirect.scatter.add.f32 [tilespmem:s22], [sflag:$0x7], $0x80, s25, s25, $0xb8;
	[tilespmem:$0x1C400] =	vst v63  }
0x86: {  	_ =	swait.ge [sflag:s23], $0x4000  }
0x87: {  	[sflag:s23] =	ssyncset.done $0x0  }
0x88: {  	s12 =	sadd.s32 s11, s18;
	[sflag:s23] =	ssyncadd.s32 $0xFFFFC000  }
0x89: {  	[tilespmem:s3], [sflag:$0x1] =	stream.linear.gather [hbm4b:s12+s3], $0x100, $0x38;
	[tilespmem:$0x1C400] =	vst v63  }
0x8a: {  	_ =	swait.ge [sflag:s30], $0x4000  }
0x8b: {  	[sflag:s30] =	ssyncset.done $0x0  }
0x8c: {  	[sflag:s30] =	ssyncadd.s32 $0xFFFFC000  }
0x8d: {  	_ =	swait.ge [sflag:s31], $0x100  }
0x8e: {  	[sflag:s31] =	ssyncset.done $0x0  }
0x8f: {  	[sflag:s31] =	ssyncadd.s32 $0xFFFFFF00  }
0x90: {  	[tilespmem:s22], [sflag:$0x5] =	stream.indirect.gather [hbm4b:s4+s25], $0x80, s20, s25, $0xb8;
	[tilespmem:$0x1C400] =	vst v63  }
0x91: {  	_ = 	snop  }
0x92: {  	[spmem:s1] =	stream.indirect.scatter.add.f32 [tilespmem:s29], [sflag:$0x7], $0x80, s0, s25, $0xb8;
	[tilespmem:$0x1C400] =	vst v63  }
0x93: {  	_ =	swait.ge [sflag:s23], $0x4000  }
0x94: {  	s12 =	sadd.s32 s11, s14;
	[sflag:s23] =	ssyncset.done $0x0  }
0x95: {  	s13 =	sadd.s32 $0xA0, s12;
	[sflag:s23] =	ssyncadd.s32 $0xFFFFC000  }
0x96: {  	[tilespmem:s19], [sflag:$0x2] =	stream.linear.gather [hbm4b:s13+s3], $0x100, $0x38;
	[tilespmem:$0x1C400] =	vst v63  }
0x97: {  	_ =	swait.ge [sflag:s26], $0x4000  }
0x98: {  	[sflag:s26] =	ssyncset.done $0x0  }
0x99: {  	[sflag:s26] =	ssyncadd.s32 $0xFFFFC000  }
0x9a: {  	_ =	swait.ge [sflag:s2], $0x100  }
0x9b: {  	[sflag:s2] =	ssyncset.done $0x0  }
0x9c: {  	[sflag:s2] =	ssyncadd.s32 $0xFFFFFF00  }
0x9d: {  	[tilespmem:s29], [sflag:$0x6] =	stream.indirect.gather [hbm4b:s4+s25], $0x80, s21, s25, $0xb8;
	[tilespmem:$0x1C400] =	vst v63  }
0x9e: {  	_ = 	snop  }
0x9f: {  	[spmem:s1] =	stream.indirect.scatter.add.f32 [tilespmem:s22], [sflag:$0x7], $0x80, s6, s25, $0xb8;
	[tilespmem:$0x1C400] =	vst v63  }
0xa0: {  	_ =	swait.ge [sflag:s23], $0x4000  }
0xa1: {  	[sflag:s23] =	ssyncset.done $0x0  }
0xa2: {  	s11 =	sadd.s32 s11, s17;
	[sflag:s23] =	ssyncadd.s32 $0xFFFFC000  }
0xa3: {  	[tilespmem:s20], [sflag:$0x3] =	stream.linear.gather [hbm4b:s11+s3], $0x100, $0x38;
	[tilespmem:$0x1C400] =	vst v63  }
0xa4: {  	_ =	swait.ge [sflag:s30], $0x4000  }
0xa5: {  	[sflag:s30] =	ssyncset.done $0x0  }
0xa6: {  	[sflag:s30] =	ssyncadd.s32 $0xFFFFC000  }
0xa7: {  	_ =	swait.ge [sflag:s24], $0x100  }
0xa8: {  	[sflag:s24] =	ssyncset.done $0x0  }
0xa9: {  	[sflag:s24] =	ssyncadd.s32 $0xFFFFFF00  }
0xaa: {  	[tilespmem:s22], [sflag:$0x5] =	stream.indirect.gather [hbm4b:s4+s25], $0x80, s3, s25, $0xb8;
	[tilespmem:$0x1C400] =	vst v63  }
.Ltmp1:
0xab: {  	(pc) =	sbr.rel @p0 .LBB2_4-.Ltmp1, $4  }
0xac: {  	[spmem:s1] =	stream.indirect.scatter.add.f32 [tilespmem:s29], [sflag:$0x7], $0x80, s7, s25, $0xb8;
	[tilespmem:$0x1C400] =	vst v63  }
0xad: {  	_ =	swait.ge [sflag:s23], $0x4000  }
0xae: {  	[sflag:s23] =	ssyncset.done $0x0  }
0xaf: {  	s11 =	sadd.s32 $0xE0, s12;
	[sflag:s23] =	ssyncadd.s32 $0xFFFFC000  }
0xb0: {  	[tilespmem:s21], [sflag:$0x4] =	stream.linear.gather [hbm4b:s11+s3], $0x100, $0x38;
	[tilespmem:$0x1C400] =	vst v63  }
0xb1: {  	_ =	swait.ge [sflag:s26], $0x4000  }
0xb2: {  	[sflag:s26] =	ssyncset.done $0x0  }
0xb3: {  	[sflag:s26] =	ssyncadd.s32 $0xFFFFC000  }
0xb4: {  	_ =	swait.ge [sflag:s28], $0x100  }
0xb5: {  	[sflag:s28] =	ssyncset.done $0x0  }
0xb6: {  	[sflag:s28] =	ssyncadd.s32 $0xFFFFFF00  }
0xb7: {  	[tilespmem:s29], [sflag:$0x6] =	stream.indirect.gather [hbm4b:s4+s25], $0x80, s19, s25, $0xb8;
	[tilespmem:$0x1C400] =	vst v63  }
0xb8: {  	_ = 	snop  }
0xb9: {  	[spmem:s1] =	stream.indirect.scatter.add.f32 [tilespmem:s22], [sflag:$0x7], $0x80, s25, s25, $0xb8;
	[tilespmem:$0x1C400] =	vst v63  }
0xba: {  	_ =	swait.ge [sflag:s23], $0x4000  }
0xbb: {  	[sflag:s23] =	ssyncset.done $0x0  }
0xbc: {  	[sflag:s23] =	ssyncadd.s32 $0xFFFFC000  }
0xbd: {  	_ =	swait.ge [sflag:s30], $0x4000  }
0xbe: {  	[sflag:s30] =	ssyncset.done $0x0  }
0xbf: {  	[sflag:s30] =	ssyncadd.s32 $0xFFFFC000  }
0xc0: {  	_ =	swait.ge [sflag:s31], $0x100  }
0xc1: {  	[sflag:s31] =	ssyncset.done $0x0  }
0xc2: {  	[sflag:s31] =	ssyncadd.s32 $0xFFFFFF00  }
0xc3: {  	[tilespmem:s22], [sflag:$0x5] =	stream.indirect.gather [hbm4b:s4+s25], $0x80, s20, s25, $0xb8;
	[tilespmem:$0x1C400] =	vst v63  }
0xc4: {  	_ = 	snop  }
0xc5: {  	[spmem:s1] =	stream.indirect.scatter.add.f32 [tilespmem:s29], [sflag:$0x7], $0x80, s0, s25, $0xb8;
	[tilespmem:$0x1C400] =	vst v63  }
0xc6: {  	_ =	swait.ge [sflag:s23], $0x4000  }
0xc7: {  	[sflag:s23] =	ssyncset.done $0x0  }
0xc8: {  	[sflag:s23] =	ssyncadd.s32 $0xFFFFC000  }
0xc9: {  	_ =	swait.ge [sflag:s26], $0x4000  }
0xca: {  	[sflag:s26] =	ssyncset.done $0x0  }
0xcb: {  	[sflag:s26] =	ssyncadd.s32 $0xFFFFC000  }
0xcc: {  	_ =	swait.ge [sflag:s2], $0x100  }
0xcd: {  	[sflag:s2] =	ssyncset.done $0x0  }
0xce: {  	[sflag:s2] =	ssyncadd.s32 $0xFFFFFF00  }
0xcf: {  	[tilespmem:s29], [sflag:$0x6] =	stream.indirect.gather [hbm4b:s4+s25], $0x80, s21, s25, $0xb8;
	[tilespmem:$0x1C400] =	vst v63  }
0xd0: {  	_ = 	snop  }
0xd1: {  	[spmem:s1] =	stream.indirect.scatter.add.f32 [tilespmem:s22], [sflag:$0x7], $0x80, s6, s25, $0xb8;
	[tilespmem:$0x1C400] =	vst v63  }
0xd2: {  	_ =	swait.ge [sflag:s23], $0x4000  }
0xd3: {  	[sflag:s23] =	ssyncset.done $0x0  }
0xd4: {  	[sflag:s23] =	ssyncadd.s32 $0xFFFFC000  }
0xd5: {  	_ =	swait.ge [sflag:s30], $0x4000  }
0xd6: {  	[sflag:s30] =	ssyncset.done $0x0  }
0xd7: {  	[sflag:s30] =	ssyncadd.s32 $0xFFFFC000  }
0xd8: {  	[spmem:s1] =	stream.indirect.scatter.add.f32 [tilespmem:s29], [sflag:$0x7], $0x80, s7, s25, $0xb8;
	[tilespmem:$0x1C400] =	vst v63  }
0xd9: {  	_ =	swait.ge [sflag:s23], $0x4000  }
0xda: {  	[sflag:s23] =	ssyncset.done $0x0  }
0xdb: {  	s10 =	stileid.u32;
	[sflag:s23] =	ssyncadd.s32 $0xFFFFC000  }
0xdc: {  	s10 =	sshll.u32 s10, $0x6;
	[bflag:$0x0] =	sbarrier.arrive $0xFFFF  }
0xdd: {  	s13 =	sshrl.u32 s9, $0x3;
	s10 =	sor.u32 $0x1C07, s10;
	s12 =	rddreg [dreg:$0x6]  }
0xde: {  	[hbm:s12], [sflag:s10] =	dma.local [spmem:s13], $0x2800  }
0xdf: {  	_ =	swait.ge [sflag:s23], $0x2800  }
0xe0: {  	s8 =	sadd.s32 $0x1, s8;
	s13 =	rddreg [dreg:$0x7]  }
0xe1: {  	p0 =	sne.s32 s8, s13  }
.Ltmp2:
0xe2: {  	_ = 	snop;
	(pc) =	sbr.rel @p0 .LBB2_1-.Ltmp2, $3  }
0xe3: {  	_ =	sdelay $0x1  }
0xe4: {  	[sflag:s23] =	ssyncset.done $0x0  }
0xe5: {  	[sflag:s23] =	ssyncadd.s32 $0xFFFFD800  }
0xe6: {  	_ =	sfence.sel $0x180000  }
0xe7: {  	[bflag:$0x0] =	sbarrier.arrive $0xFFFF  }
0xe8: {  	_ =	strace $0x90000050  }
0xe9: {  	s0 =	stileid.u32;
	[bflag:$0x2] =	sbarrier.arrive $0xFFFF  }
0xea: {  	p0 =	sne.s32 s0, $0x0;
	s0 =	rddreg [dreg:$0x2]  }
0xeb: {  	s0 =	sadd.s32 @!p0 $0x100000, s0  }
0xec: {  	[sflag:s0] =	ssyncadd.tile.s32 @!p0 $0x1;
	_ =	shalt  }
.Lfunc_end2:
_tile_overlayer_lowered:
.L_overlay_start_2:
0xed: {  	(tag) =	ssettag $0x2  }
0xee: {  	s0 =	rddreg [dreg:$0x0];
	s2 =	stileid.u32  }
0xef: {  	s1 =	rddreg [dreg:$0x1];
	p0 =	sne.s32 s2, $0x0  }
0xf0: {  	s3 =	rddreg [dreg:$0x2];
	[bflag:$0x3] =	sbarrier.arrive $0xFFFF;
	s2 =	simm.s32 @!p0 $0x1C07  }
0xf1: {  	[timem:s3], [sflag:s2] =	dma.local @!p0 [hbm:s0], s1  }
0xf2: {  	s0 =	simm.s32 @!p0 $0x7  }
0xf3: {  	_ =	swait.ge @!p0 [sflag:s0], s1  }
0xf4: {  	s1 =	ssub.s32 @!p0 $0x0, s1;
	[sflag:s0] =	ssyncset.done @!p0 $0x0  }
0xf5: {  	[sflag:s0] =	ssyncadd.s32 @!p0 s1  }
0xf6: {  	[bflag:$0x3] =	sbarrier.arrive $0xFFFF  }
0xf7: {  	_ =	shalt  }

</sc_bundles>
